<compile_context>
chip_gen: v7x
topology: tpu7x:2x2x1
jax: 0.10.2.dev20260603
libtpu: 0.0.44.dev20260713+nightly
codegen_flags: <defaults>
</compile_context>

<pallas_src>
import functools

import jax
import jax.numpy as jnp
from jax import lax
from jax.experimental import pallas as pl
from jax.experimental.pallas import tpu as pltpu
from jax.experimental.pallas import tpu_sc as plsc

_B, _Q, _C, _L = 16, 20000, 91, 20
_LPAD = 32
_CPAD = 112
_CHQ = 2000
_SL = 8


def _tc_body(x_ref, mx_ref, ix_ref):
    qi = pl.program_id(1)

    sub = lax.broadcasted_iota(jnp.int32, (_SL, _C), 0)

    acc_m = x_ref[0, pl.ds(0, _SL), :]
    acc_i = jnp.zeros((_SL, _C), jnp.int32)
    for j in range(1, _CHQ // _SL):
        v = x_ref[0, pl.ds(j * _SL, _SL), :]
        gt = v > acc_m
        acc_m = jnp.where(gt, v, acc_m)
        acc_i = jnp.where(gt, j, acc_i)

    rows = acc_i * _SL + sub + qi * _CHQ
    m = jnp.max(acc_m, axis=0)
    idx = jnp.min(jnp.where(acc_m == m[None, :], rows, _B * _Q), axis=0)

    mpad = jnp.concatenate(
        [m, jnp.full((_CPAD - _C,), -jnp.inf, jnp.float32)])
    ipad = jnp.concatenate([idx, jnp.zeros((_CPAD - _C,), jnp.int32)])

    @pl.when(qi == 0)
    def _init():
        mx_ref[0, 0, :] = mpad
        ix_ref[0, 0, :] = ipad

    @pl.when(qi > 0)
    def _merge():
        old_m = mx_ref[0, 0, :]
        old_i = ix_ref[0, 0, :]
        better = mpad > old_m
        mx_ref[0, 0, :] = jnp.where(better, mpad, old_m)
        ix_ref[0, 0, :] = jnp.where(better, ipad, old_i)


_tc_reduce = pl.pallas_call(
    _tc_body,
    grid=(_B, _Q // _CHQ),
    in_specs=[pl.BlockSpec((1, _CHQ, _C), lambda b, q: (b, q, 0))],
    out_specs=[
        pl.BlockSpec((1, 1, _CPAD), lambda b, q: (b, 0, 0)),
        pl.BlockSpec((1, 1, _CPAD), lambda b, q: (b, 0, 0)),
    ],
    out_shape=[
        jax.ShapeDtypeStruct((_B, 1, _CPAD), jnp.float32),
        jax.ShapeDtypeStruct((_B, 1, _CPAD), jnp.int32),
    ],
)


@functools.partial(
    pl.kernel,
    out_type=[
        jax.ShapeDtypeStruct((_B, _LPAD), jnp.float32),
        jax.ShapeDtypeStruct((_B, 128), jnp.float32),
    ],
    mesh=plsc.VectorSubcoreMesh(core_axis_name="c", subcore_axis_name="s"),
    scratch_types=[
        pltpu.VMEM((_CPAD,), jnp.float32),
        pltpu.VMEM((_CPAD,), jnp.int32),
        pltpu.VMEM((_LPAD,), jnp.int32),
        pltpu.VMEM((_LPAD,), jnp.float32),
        pltpu.VMEM((_L * 128 + 16,), jnp.float32),
        pltpu.VMEM((128,), jnp.float32),
        pltpu.SemaphoreType.DMA,
    ],
)
def _sc_finish(mx_hbm, ix_hbm, bx_hbm, lab_hbm, sc_out, bx_out,
               maxb, idxb, labb, scb, boxg, boxb, sem_g):
    c = lax.axis_index("c")
    s = lax.axis_index("s")

    @pl.when(c == 0)
    def _work():
        b = s
        pltpu.sync_copy(mx_hbm.at[b], maxb)
        pltpu.sync_copy(ix_hbm.at[b], idxb)
        pltpu.sync_copy(lab_hbm.at[b], labb)
        lanes = lax.iota(jnp.int32, 16)
        n_words = _B * _Q * 4
        sc_acc = [jnp.zeros((16,), jnp.float32) for _ in range(2)]
        box_cps, box_offs = [], []
        for t in range(_L):
            t0 = 16 if t >= 16 else 0
            lab = labb[pl.ds(t0, 16)][t - t0]
            mv = maxb[pl.ds(lab, 16)][0]
            iv = idxb[pl.ds(lab, 16)][0]
            m = lanes == (t % 16)
            sc_acc[t // 16] = jnp.where(m, mv, sc_acc[t // 16])
            a4 = (iv + b * _Q) * 4
            start = pl.multiple_of(jnp.minimum(a4 - a4 % 8, n_words - 128), 8)
            box_offs.append(a4 - start)
            box_cps.append(pltpu.async_copy(
                bx_hbm.at[pl.ds(start, 128)],
                boxg.at[pl.ds(t * 128, 128)],
                sem_g,
            ))
        for t in range(_LPAD // 16):
            scb[pl.ds(16 * t, 16)] = 1.0 / (1.0 + jnp.exp(-sc_acc[t]))
        pltpu.sync_copy(scb, sc_out.at[b])
        box_acc = [jnp.zeros((16,), jnp.float32) for _ in range(8)]
        for t in range(_L):
            box_cps[t].wait()
            r = (t % 4) * 4
            v = boxg[pl.ds(t * 128 + box_offs[t] - r, 16)]
            m4 = (lanes >= r) & (lanes < r + 4)
            box_acc[t // 4] = jnp.where(m4, v, box_acc[t // 4])
        for w in range(8):
            boxb[pl.ds(16 * w, 16)] = box_acc[w]
        pltpu.sync_copy(boxb, bx_out.at[b])


def kernel(pred_logits, pred_boxes, target_sizes, target_labels):
    del target_sizes
    mx, ix = _tc_reduce(pred_logits)
    bx = pred_boxes.reshape(_B * _Q * 4)
    lab = jnp.pad(target_labels, ((0, 0), (0, _LPAD - _L)))
    scores, boxes = _sc_finish(mx.reshape(_B, _CPAD), ix.reshape(_B, _CPAD),
                               bx, lab)
    return scores[:, :_L], target_labels, boxes.reshape(_B, 32, 4)[:, :_L]

# --- scband reference (transcript-rebuilt; emitter-appended) ---
"""Pipeline reference for scband-post-process-13262859010612 (READ-ONLY COPY).

The authoritative reference and input builder live on the scoring server;
editing this copy changes nothing except your own understanding.
"""

import jax, jax.numpy as jnp
import numpy as np

B, Q, C, L = 16, 20000, 91, 20

def setup_inputs(seed: int = 0):
    key = jax.random.key(seed)
    k1, k2, k3, k4 = jax.random.split(key, 4)
    pred_logits = jax.random.normal(k1, (B, Q, C), dtype=jnp.float32)
    pred_boxes = jax.random.uniform(k2, (B, Q, 4), dtype=jnp.float32)
    target_sizes = jax.random.randint(k3, (B, 2), 0, 1333, dtype=jnp.int32)
    target_labels = jnp.sort(jax.random.randint(k4, (B, L), 0, C, dtype=jnp.int32), axis=1)
    return {"pred_logits": pred_logits, "pred_boxes": pred_boxes, "target_sizes": target_sizes, "target_labels": target_labels}

def reference(pred_logits, pred_boxes, target_sizes, target_labels):
    # prob = out_logits.sigmoid()
    prob = jax.nn.sigmoid(pred_logits)
    # top_values, top_indexes = torch.max(prob, dim=1)  -> per-class best query
    top_values = jnp.max(prob, axis=1)              # [B, C]
    top_indexes = jnp.argmax(prob, axis=1)          # [B, C]
    # top_boxes = gather(out_bbox, 1, top_indexes.unsqueeze(-1).repeat(1,1,4))
    top_boxes = jnp.take_along_axis(pred_boxes, top_indexes[:, :, None], axis=1)  # [B, C, 4]
    # per-image selection of the classes present in targets[ii]['labels'],
    # iterated in ascending class order == gather at sorted label ids
    scores = jnp.take_along_axis(top_values, target_labels, axis=1)                 # [B, L]
    boxes = jnp.take_along_axis(top_boxes, target_labels[:, :, None], axis=1)       # [B, L, 4]
    labels = target_labels                                                           # [B, L]
    return (scores, labels, boxes)

if __name__ == "__main__":
    import jax
    _d = setup_inputs()
    print(jax.jit(kernel)(*tuple(_d.values())))

</pallas_src>

<mosaic_0001>
#map = affine_map<(d0, d1) -> (0, 0)>
#map1 = affine_map<(d0, d1) -> (0)>
module attributes {stable_mosaic.version = 14 : i64} {
  func.func @_sc_finish(%arg0: i32, %arg1: i32, %arg2: memref<16x112xf32, #tpu.memory_space<hbm>>, %arg3: memref<16x112xi32, #tpu.memory_space<hbm>>, %arg4: memref<1280000xf32, #tpu.memory_space<hbm>>, %arg5: memref<16x32xi32, #tpu.memory_space<hbm>>, %arg6: memref<16x32xf32, #tpu.memory_space<hbm>>, %arg7: memref<16x128xf32, #tpu.memory_space<hbm>>, %arg8: memref<112xf32, #tpu.memory_space<vmem>>, %arg9: memref<112xi32, #tpu.memory_space<vmem>>, %arg10: memref<32xi32, #tpu.memory_space<vmem>>, %arg11: memref<32xf32, #tpu.memory_space<vmem>>, %arg12: memref<2576xf32, #tpu.memory_space<vmem>>, %arg13: memref<128xf32, #tpu.memory_space<vmem>>, %arg14: memref<!tpu.dma_semaphore, #tpu.memory_space<semaphore_mem>>) attributes {dimension_semantics = [#tpu.dimension_semantics<core_parallel>, #tpu.dimension_semantics<subcore_parallel>], iteration_bounds = array<i64: 2, 16>, scalar_prefetch = 0 : i64, scratch_operands = 7 : i64, tpu.core_type = #tpu.core_type<sc_vector_subcore>, window_params = [{transform_indices = #map}, {transform_indices = #map}, {transform_indices = #map1}, {transform_indices = #map}, {transform_indices = #map}, {transform_indices = #map}]} {
    %eq3A = arith.constant 0 : i32
    %eq3A_0 = arith.cmpi eq, %arg0, %eq3A : i32
    %convert_element_type3A = arith.extui %eq3A_0 : i1 to i32
    %cond3A = arith.constant 0 : i32
    %cond3A_1 = arith.cmpi ne, %convert_element_type3A, %cond3A : i32
    scf.if %cond3A_1 {
      "tpu.region"() ({
        %run_scoped3A = tpu.sem_alloc : memref<!tpu.dma_semaphore, #tpu.memory_space<semaphore_mem>>
        %dma_start3A_1520 = arith.constant 0 : i32
        %dma_start3A_1521 = tpu.memref_slice %arg2[%arg1, %dma_start3A_1520] : memref<16x112xf32, #tpu.memory_space<hbm>> -> memref<1x112xf32, #tpu.memory_space<hbm>>
        %dma_start3A_1522 = tpu.memref_squeeze %dma_start3A_1521 : memref<1x112xf32, #tpu.memory_space<hbm>> -> memref<112xf32, #tpu.memory_space<hbm>>
        %dma_start3A_1523 = arith.constant 0 : i32
        %dma_start3A_1524 = tpu.memref_slice %arg2[%arg1, %dma_start3A_1523] : memref<16x112xf32, #tpu.memory_space<hbm>> -> memref<1x112xf32, #tpu.memory_space<hbm>>
        %dma_start3A_1525 = tpu.memref_squeeze %dma_start3A_1524 : memref<1x112xf32, #tpu.memory_space<hbm>> -> memref<112xf32, #tpu.memory_space<hbm>>
        tpu.enqueue_dma source(%dma_start3A_1525 : memref<112xf32, #tpu.memory_space<hbm>>) target(%arg8 : memref<112xf32, #tpu.memory_space<vmem>>) target_semaphore(%run_scoped3A : memref<!tpu.dma_semaphore, #tpu.memory_space<semaphore_mem>>)
        %dma_wait3A_1526 = arith.constant 0 : i32
        %dma_wait3A_1527 = tpu.memref_slice %arg2[%arg1, %dma_wait3A_1526] : memref<16x112xf32, #tpu.memory_space<hbm>> -> memref<1x112xf32, #tpu.memory_space<hbm>>
        %dma_wait3A_1528 = tpu.memref_squeeze %dma_wait3A_1527 : memref<1x112xf32, #tpu.memory_space<hbm>> -> memref<112xf32, #tpu.memory_space<hbm>>
        %dma_wait3A_1529 = arith.constant 0 : i32
        %dma_wait3A_1530 = tpu.memref_slice %arg2[%arg1, %dma_wait3A_1529] : memref<16x112xf32, #tpu.memory_space<hbm>> -> memref<1x112xf32, #tpu.memory_space<hbm>>
        %dma_wait3A_1531 = tpu.memref_squeeze %dma_wait3A_1530 : memref<1x112xf32, #tpu.memory_space<hbm>> -> memref<112xf32, #tpu.memory_space<hbm>>
        tpu.wait_dma2 semaphore(%run_scoped3A : memref<!tpu.dma_semaphore, #tpu.memory_space<semaphore_mem>>) src(%dma_wait3A_1531 : memref<112xf32, #tpu.memory_space<hbm>>) dst(%arg8 : memref<112xf32, #tpu.memory_space<vmem>>)
        tpu.yield
      }) : () -> ()
      "tpu.region"() ({
        %run_scoped3A = tpu.sem_alloc : memref<!tpu.dma_semaphore, #tpu.memory_space<semaphore_mem>>
        %dma_start3A_1520 = arith.constant 0 : i32
        %dma_start3A_1521 = tpu.memref_slice %arg3[%arg1, %dma_start3A_1520] : memref<16x112xi32, #tpu.memory_space<hbm>> -> memref<1x112xi32, #tpu.memory_space<hbm>>
        %dma_start3A_1522 = tpu.memref_squeeze %dma_start3A_1521 : memref<1x112xi32, #tpu.memory_space<hbm>> -> memref<112xi32, #tpu.memory_space<hbm>>
        %dma_start3A_1523 = arith.constant 0 : i32
        %dma_start3A_1524 = tpu.memref_slice %arg3[%arg1, %dma_start3A_1523] : memref<16x112xi32, #tpu.memory_space<hbm>> -> memref<1x112xi32, #tpu.memory_space<hbm>>
        %dma_start3A_1525 = tpu.memref_squeeze %dma_start3A_1524 : memref<1x112xi32, #tpu.memory_space<hbm>> -> memref<112xi32, #tpu.memory_space<hbm>>
        tpu.enqueue_dma source(%dma_start3A_1525 : memref<112xi32, #tpu.memory_space<hbm>>) target(%arg9 : memref<112xi32, #tpu.memory_space<vmem>>) target_semaphore(%run_scoped3A : memref<!tpu.dma_semaphore, #tpu.memory_space<semaphore_mem>>)
        %dma_wait3A_1526 = arith.constant 0 : i32
        %dma_wait3A_1527 = tpu.memref_slice %arg3[%arg1, %dma_wait3A_1526] : memref<16x112xi32, #tpu.memory_space<hbm>> -> memref<1x112xi32, #tpu.memory_space<hbm>>
        %dma_wait3A_1528 = tpu.memref_squeeze %dma_wait3A_1527 : memref<1x112xi32, #tpu.memory_space<hbm>> -> memref<112xi32, #tpu.memory_space<hbm>>
        %dma_wait3A_1529 = arith.constant 0 : i32
        %dma_wait3A_1530 = tpu.memref_slice %arg3[%arg1, %dma_wait3A_1529] : memref<16x112xi32, #tpu.memory_space<hbm>> -> memref<1x112xi32, #tpu.memory_space<hbm>>
        %dma_wait3A_1531 = tpu.memref_squeeze %dma_wait3A_1530 : memref<1x112xi32, #tpu.memory_space<hbm>> -> memref<112xi32, #tpu.memory_space<hbm>>
        tpu.wait_dma2 semaphore(%run_scoped3A : memref<!tpu.dma_semaphore, #tpu.memory_space<semaphore_mem>>) src(%dma_wait3A_1531 : memref<112xi32, #tpu.memory_space<hbm>>) dst(%arg9 : memref<112xi32, #tpu.memory_space<vmem>>)
        tpu.yield
      }) : () -> ()
      "tpu.region"() ({
        %run_scoped3A = tpu.sem_alloc : memref<!tpu.dma_semaphore, #tpu.memory_space<semaphore_mem>>
        %dma_start3A_1520 = arith.constant 0 : i32
        %dma_start3A_1521 = tpu.memref_slice %arg5[%arg1, %dma_start3A_1520] : memref<16x32xi32, #tpu.memory_space<hbm>> -> memref<1x32xi32, #tpu.memory_space<hbm>>
        %dma_start3A_1522 = tpu.memref_squeeze %dma_start3A_1521 : memref<1x32xi32, #tpu.memory_space<hbm>> -> memref<32xi32, #tpu.memory_space<hbm>>
        %dma_start3A_1523 = arith.constant 0 : i32
        %dma_start3A_1524 = tpu.memref_slice %arg5[%arg1, %dma_start3A_1523] : memref<16x32xi32, #tpu.memory_space<hbm>> -> memref<1x32xi32, #tpu.memory_space<hbm>>
        %dma_start3A_1525 = tpu.memref_squeeze %dma_start3A_1524 : memref<1x32xi32, #tpu.memory_space<hbm>> -> memref<32xi32, #tpu.memory_space<hbm>>
        tpu.enqueue_dma source(%dma_start3A_1525 : memref<32xi32, #tpu.memory_space<hbm>>) target(%arg10 : memref<32xi32, #tpu.memory_space<vmem>>) target_semaphore(%run_scoped3A : memref<!tpu.dma_semaphore, #tpu.memory_space<semaphore_mem>>)
        %dma_wait3A_1526 = arith.constant 0 : i32
        %dma_wait3A_1527 = tpu.memref_slice %arg5[%arg1, %dma_wait3A_1526] : memref<16x32xi32, #tpu.memory_space<hbm>> -> memref<1x32xi32, #tpu.memory_space<hbm>>
        %dma_wait3A_1528 = tpu.memref_squeeze %dma_wait3A_1527 : memref<1x32xi32, #tpu.memory_space<hbm>> -> memref<32xi32, #tpu.memory_space<hbm>>
        %dma_wait3A_1529 = arith.constant 0 : i32
        %dma_wait3A_1530 = tpu.memref_slice %arg5[%arg1, %dma_wait3A_1529] : memref<16x32xi32, #tpu.memory_space<hbm>> -> memref<1x32xi32, #tpu.memory_space<hbm>>
        %dma_wait3A_1531 = tpu.memref_squeeze %dma_wait3A_1530 : memref<1x32xi32, #tpu.memory_space<hbm>> -> memref<32xi32, #tpu.memory_space<hbm>>
        tpu.wait_dma2 semaphore(%run_scoped3A : memref<!tpu.dma_semaphore, #tpu.memory_space<semaphore_mem>>) src(%dma_wait3A_1531 : memref<32xi32, #tpu.memory_space<hbm>>) dst(%arg10 : memref<32xi32, #tpu.memory_space<vmem>>)
        tpu.yield
      }) : () -> ()
      %iota3A = tpu.iota {dimensions = array<i32: 0>} : vector<16xi32>
      %broadcast_in_dim3A = arith.constant 0.000000e+00 : f32
      %broadcast_in_dim3A_2 = vector.broadcast %broadcast_in_dim3A : f32 to vector<16xf32>
      %broadcast_in_dim3A_3 = arith.constant 0.000000e+00 : f32
      %broadcast_in_dim3A_4 = vector.broadcast %broadcast_in_dim3A_3 : f32 to vector<16xf32>
      %get3A = arith.constant 0 : index
      %get3A_5 = tpu.vector_load %arg10[%get3A] {strides = array<i32>} : memref<32xi32, #tpu.memory_space<vmem>>, vector<16xi32>,
      %get3A_6 = vector.shape_cast %get3A_5 : vector<16xi32> to vector<16xi32>
      %slice3A = vector.extract_strided_slice %get3A_6 {offsets = [0], sizes = [1], strides = [1]} : vector<16xi32> to vector<1xi32>
      %squeeze3A = vector.extract %slice3A[0] : i32 from vector<1xi32>
      %get3A_7 = arith.index_cast %squeeze3A : i32 to index
      %get3A_8 = tpu.vector_load %arg8[%get3A_7] {strides = array<i32>} : memref<112xf32, #tpu.memory_space<vmem>>, vector<16xf32>,
      %get3A_9 = vector.shape_cast %get3A_8 : vector<16xf32> to vector<16xf32>
      %slice3A_10 = vector.extract_strided_slice %get3A_9 {offsets = [0], sizes = [1], strides = [1]} : vector<16xf32> to vector<1xf32>
      %squeeze3A_11 = vector.extract %slice3A_10[0] : f32 from vector<1xf32>
      %get3A_12 = arith.index_cast %squeeze3A : i32 to index
      %get3A_13 = tpu.vector_load %arg9[%get3A_12] {strides = array<i32>} : memref<112xi32, #tpu.memory_space<vmem>>, vector<16xi32>,
      %get3A_14 = vector.shape_cast %get3A_13 : vector<16xi32> to vector<16xi32>
      %slice3A_15 = vector.extract_strided_slice %get3A_14 {offsets = [0], sizes = [1], strides = [1]} : vector<16xi32> to vector<1xi32>
      %squeeze3A_16 = vector.extract %slice3A_15[0] : i32 from vector<1xi32>
      %eq3A_17 = arith.constant 0 : i32
      %eq3A_18 = vector.broadcast %eq3A_17 : i32 to vector<16xi32>
      %eq3A_19 = arith.cmpi eq, %iota3A, %eq3A_18 : vector<16xi32>
      %broadcast_in_dim3A_20 = vector.broadcast %squeeze3A_11 : f32 to vector<16xf32>
      %select_n3A = arith.select %eq3A_19, %broadcast_in_dim3A_20, %broadcast_in_dim3A_2 : vector<16xi1>, vector<16xf32>
      %mul3A = arith.constant 20000 : i32
      %mul3A_21 = arith.muli %arg1, %mul3A : i32
      %add3A = arith.addi %squeeze3A_16, %mul3A_21 : i32
      %mul3A_22 = arith.constant 4 : i32
      %mul3A_23 = arith.muli %add3A, %mul3A_22 : i32
      %jit3A = arith.constant 8 : i32
      %eq3A_24 = arith.constant 0 : i32
      %eq3A_25 = arith.cmpi eq, %jit3A, %eq3A_24 : i32
      %jit3A_26 = arith.constant 1 : i32
      %select_n3A_27 = arith.select %eq3A_25, %jit3A_26, %jit3A : i32
      %rem3A = arith.remsi %mul3A_23, %select_n3A_27 : i32
      %ne3A = arith.constant 0 : i32
      %ne3A_28 = arith.cmpi ne, %rem3A, %ne3A : i32
      %lt3A = arith.constant 0 : i32
      %lt3A_29 = arith.cmpi slt, %rem3A, %lt3A : i32
      %lt3A_30 = arith.constant 0 : i32
      %lt3A_31 = arith.cmpi slt, %select_n3A_27, %lt3A_30 : i32
      %ne3A_32 = arith.xori %lt3A_29, %lt3A_31 : i1
      %and3A = arith.andi %ne3A_32, %ne3A_28 : i1
      %add3A_33 = arith.addi %rem3A, %select_n3A_27 : i32
      %select_n3A_34 = arith.select %and3A, %add3A_33, %rem3A : i32
      %sub3A = arith.subi %mul3A_23, %select_n3A_34 : i32
      %min3A = arith.constant 1279872 : i32
      %min3A_35 = arith.minsi %sub3A, %min3A : i32
      %multiple_of3A = tpu.assume_multiple %min3A_35, 8 : i32
      %sub3A_36 = arith.subi %mul3A_23, %multiple_of3A : i32
      %dma_start3A = arith.constant 0 : i32
      %dma_start3A_37 = tpu.memref_slice %arg12[%dma_start3A] : memref<2576xf32, #tpu.memory_space<vmem>> -> memref<128xf32, #tpu.memory_space<vmem>>
      %dma_start3A_38 = tpu.memref_slice %arg4[%multiple_of3A] : memref<1280000xf32, #tpu.memory_space<hbm>> -> memref<128xf32, #tpu.memory_space<hbm>>
      %dma_start3A_39 = arith.constant 0 : i32
      %dma_start3A_40 = tpu.memref_slice %arg12[%dma_start3A_39] : memref<2576xf32, #tpu.memory_space<vmem>> -> memref<128xf32, #tpu.memory_space<vmem>>
      %dma_start3A_41 = tpu.memref_slice %arg4[%multiple_of3A] : memref<1280000xf32, #tpu.memory_space<hbm>> -> memref<128xf32, #tpu.memory_space<hbm>>
      tpu.enqueue_dma source(%dma_start3A_41 : memref<128xf32, #tpu.memory_space<hbm>>) target(%dma_start3A_40 : memref<128xf32, #tpu.memory_space<vmem>>) target_semaphore(%arg14 : memref<!tpu.dma_semaphore, #tpu.memory_space<semaphore_mem>>)
      %get3A_42 = arith.constant 0 : index
      %get3A_43 = tpu.vector_load %arg10[%get3A_42] {strides = array<i32>} : memref<32xi32, #tpu.memory_space<vmem>>, vector<16xi32>,
      %get3A_44 = vector.shape_cast %get3A_43 : vector<16xi32> to vector<16xi32>
      %slice3A_45 = vector.extract_strided_slice %get3A_44 {offsets = [1], sizes = [1], strides = [1]} : vector<16xi32> to vector<1xi32>
      %squeeze3A_46 = vector.extract %slice3A_45[0] : i32 from vector<1xi32>
      %get3A_47 = arith.index_cast %squeeze3A_46 : i32 to index
      %get3A_48 = tpu.vector_load %arg8[%get3A_47] {strides = array<i32>} : memref<112xf32, #tpu.memory_space<vmem>>, vector<16xf32>,
      %get3A_49 = vector.shape_cast %get3A_48 : vector<16xf32> to vector<16xf32>
      %slice3A_50 = vector.extract_strided_slice %get3A_49 {offsets = [0], sizes = [1], strides = [1]} : vector<16xf32> to vector<1xf32>
      %squeeze3A_51 = vector.extract %slice3A_50[0] : f32 from vector<1xf32>
      %get3A_52 = arith.index_cast %squeeze3A_46 : i32 to index
      %get3A_53 = tpu.vector_load %arg9[%get3A_52] {strides = array<i32>} : memref<112xi32, #tpu.memory_space<vmem>>, vector<16xi32>,
      %get3A_54 = vector.shape_cast %get3A_53 : vector<16xi32> to vector<16xi32>
      %slice3A_55 = vector.extract_strided_slice %get3A_54 {offsets = [0], sizes = [1], strides = [1]} : vector<16xi32> to vector<1xi32>
      %squeeze3A_56 = vector.extract %slice3A_55[0] : i32 from vector<1xi32>
      %eq3A_57 = arith.constant 1 : i32
      %eq3A_58 = vector.broadcast %eq3A_57 : i32 to vector<16xi32>
      %eq3A_59 = arith.cmpi eq, %iota3A, %eq3A_58 : vector<16xi32>
      %broadcast_in_dim3A_60 = vector.broadcast %squeeze3A_51 : f32 to vector<16xf32>
      %select_n3A_61 = arith.select %eq3A_59, %broadcast_in_dim3A_60, %select_n3A : vector<16xi1>, vector<16xf32>
      %mul3A_62 = arith.constant 20000 : i32
      %mul3A_63 = arith.muli %arg1, %mul3A_62 : i32
      %add3A_64 = arith.addi %squeeze3A_56, %mul3A_63 : i32
      %mul3A_65 = arith.constant 4 : i32
      %mul3A_66 = arith.muli %add3A_64, %mul3A_65 : i32
      %jit3A_67 = arith.constant 8 : i32
      %eq3A_68 = arith.constant 0 : i32
      %eq3A_69 = arith.cmpi eq, %jit3A_67, %eq3A_68 : i32
      %jit3A_70 = arith.constant 1 : i32
      %select_n3A_71 = arith.select %eq3A_69, %jit3A_70, %jit3A_67 : i32
      %rem3A_72 = arith.remsi %mul3A_66, %select_n3A_71 : i32
      %ne3A_73 = arith.constant 0 : i32
      %ne3A_74 = arith.cmpi ne, %rem3A_72, %ne3A_73 : i32
      %lt3A_75 = arith.constant 0 : i32
      %lt3A_76 = arith.cmpi slt, %rem3A_72, %lt3A_75 : i32
      %lt3A_77 = arith.constant 0 : i32
      %lt3A_78 = arith.cmpi slt, %select_n3A_71, %lt3A_77 : i32
      %ne3A_79 = arith.xori %lt3A_76, %lt3A_78 : i1
      %and3A_80 = arith.andi %ne3A_79, %ne3A_74 : i1
      %add3A_81 = arith.addi %rem3A_72, %select_n3A_71 : i32
      %select_n3A_82 = arith.select %and3A_80, %add3A_81, %rem3A_72 : i32
      %sub3A_83 = arith.subi %mul3A_66, %select_n3A_82 : i32
      %min3A_84 = arith.constant 1279872 : i32
      %min3A_85 = arith.minsi %sub3A_83, %min3A_84 : i32
      %multiple_of3A_86 = tpu.assume_multiple %min3A_85, 8 : i32
      %sub3A_87 = arith.subi %mul3A_66, %multiple_of3A_86 : i32
      %dma_start3A_88 = arith.constant 128 : i32
      %dma_start3A_89 = tpu.memref_slice %arg12[%dma_start3A_88] : memref<2576xf32, #tpu.memory_space<vmem>> -> memref<128xf32, #tpu.memory_space<vmem>>
      %dma_start3A_90 = tpu.memref_slice %arg4[%multiple_of3A_86] : memref<1280000xf32, #tpu.memory_space<hbm>> -> memref<128xf32, #tpu.memory_space<hbm>>
      %dma_start3A_91 = arith.constant 128 : i32
      %dma_start3A_92 = tpu.memref_slice %arg12[%dma_start3A_91] : memref<2576xf32, #tpu.memory_space<vmem>> -> memref<128xf32, #tpu.memory_space<vmem>>
      %dma_start3A_93 = tpu.memref_slice %arg4[%multiple_of3A_86] : memref<1280000xf32, #tpu.memory_space<hbm>> -> memref<128xf32, #tpu.memory_space<hbm>>
      tpu.enqueue_dma source(%dma_start3A_93 : memref<128xf32, #tpu.memory_space<hbm>>) target(%dma_start3A_92 : memref<128xf32, #tpu.memory_space<vmem>>) target_semaphore(%arg14 : memref<!tpu.dma_semaphore, #tpu.memory_space<semaphore_mem>>)
      %get3A_94 = arith.constant 0 : index
      %get3A_95 = tpu.vector_load %arg10[%get3A_94] {strides = array<i32>} : memref<32xi32, #tpu.memory_space<vmem>>, vector<16xi32>,
      %get3A_96 = vector.shape_cast %get3A_95 : vector<16xi32> to vector<16xi32>
      %slice3A_97 = vector.extract_strided_slice %get3A_96 {offsets = [2], sizes = [1], strides = [1]} : vector<16xi32> to vector<1xi32>
      %squeeze3A_98 = vector.extract %slice3A_97[0] : i32 from vector<1xi32>
      %get3A_99 = arith.index_cast %squeeze3A_98 : i32 to index
      %get3A_100 = tpu.vector_load %arg8[%get3A_99] {strides = array<i32>} : memref<112xf32, #tpu.memory_space<vmem>>, vector<16xf32>,
      %get3A_101 = vector.shape_cast %get3A_100 : vector<16xf32> to vector<16xf32>
      %slice3A_102 = vector.extract_strided_slice %get3A_101 {offsets = [0], sizes = [1], strides = [1]} : vector<16xf32> to vector<1xf32>
      %squeeze3A_103 = vector.extract %slice3A_102[0] : f32 from vector<1xf32>
      %get3A_104 = arith.index_cast %squeeze3A_98 : i32 to index
      %get3A_105 = tpu.vector_load %arg9[%get3A_104] {strides = array<i32>} : memref<112xi32, #tpu.memory_space<vmem>>, vector<16xi32>,
      %get3A_106 = vector.shape_cast %get3A_105 : vector<16xi32> to vector<16xi32>
      %slice3A_107 = vector.extract_strided_slice %get3A_106 {offsets = [0], sizes = [1], strides = [1]} : vector<16xi32> to vector<1xi32>
      %squeeze3A_108 = vector.extract %slice3A_107[0] : i32 from vector<1xi32>
      %eq3A_109 = arith.constant 2 : i32
      %eq3A_110 = vector.broadcast %eq3A_109 : i32 to vector<16xi32>
      %eq3A_111 = arith.cmpi eq, %iota3A, %eq3A_110 : vector<16xi32>
      %broadcast_in_dim3A_112 = vector.broadcast %squeeze3A_103 : f32 to vector<16xf32>
      %select_n3A_113 = arith.select %eq3A_111, %broadcast_in_dim3A_112, %select_n3A_61 : vector<16xi1>, vector<16xf32>
      %mul3A_114 = arith.constant 20000 : i32
      %mul3A_115 = arith.muli %arg1, %mul3A_114 : i32
      %add3A_116 = arith.addi %squeeze3A_108, %mul3A_115 : i32
      %mul3A_117 = arith.constant 4 : i32
      %mul3A_118 = arith.muli %add3A_116, %mul3A_117 : i32
      %jit3A_119 = arith.constant 8 : i32
      %eq3A_120 = arith.constant 0 : i32
      %eq3A_121 = arith.cmpi eq, %jit3A_119, %eq3A_120 : i32
      %jit3A_122 = arith.constant 1 : i32
      %select_n3A_123 = arith.select %eq3A_121, %jit3A_122, %jit3A_119 : i32
      %rem3A_124 = arith.remsi %mul3A_118, %select_n3A_123 : i32
      %ne3A_125 = arith.constant 0 : i32
      %ne3A_126 = arith.cmpi ne, %rem3A_124, %ne3A_125 : i32
      %lt3A_127 = arith.constant 0 : i32
      %lt3A_128 = arith.cmpi slt, %rem3A_124, %lt3A_127 : i32
      %lt3A_129 = arith.constant 0 : i32
      %lt3A_130 = arith.cmpi slt, %select_n3A_123, %lt3A_129 : i32
      %ne3A_131 = arith.xori %lt3A_128, %lt3A_130 : i1
      %and3A_132 = arith.andi %ne3A_131, %ne3A_126 : i1
      %add3A_133 = arith.addi %rem3A_124, %select_n3A_123 : i32
      %select_n3A_134 = arith.select %and3A_132, %add3A_133, %rem3A_124 : i32
      %sub3A_135 = arith.subi %mul3A_118, %select_n3A_134 : i32
      %min3A_136 = arith.constant 1279872 : i32
      %min3A_137 = arith.minsi %sub3A_135, %min3A_136 : i32
      %multiple_of3A_138 = tpu.assume_multiple %min3A_137, 8 : i32
      %sub3A_139 = arith.subi %mul3A_118, %multiple_of3A_138 : i32
      %dma_start3A_140 = arith.constant 256 : i32
      %dma_start3A_141 = tpu.memref_slice %arg12[%dma_start3A_140] : memref<2576xf32, #tpu.memory_space<vmem>> -> memref<128xf32, #tpu.memory_space<vmem>>
      %dma_start3A_142 = tpu.memref_slice %arg4[%multiple_of3A_138] : memref<1280000xf32, #tpu.memory_space<hbm>> -> memref<128xf32, #tpu.memory_space<hbm>>
      %dma_start3A_143 = arith.constant 256 : i32
      %dma_start3A_144 = tpu.memref_slice %arg12[%dma_start3A_143] : memref<2576xf32, #tpu.memory_space<vmem>> -> memref<128xf32, #tpu.memory_space<vmem>>
      %dma_start3A_145 = tpu.memref_slice %arg4[%multiple_of3A_138] : memref<1280000xf32, #tpu.memory_space<hbm>> -> memref<128xf32, #tpu.memory_space<hbm>>
      tpu.enqueue_dma source(%dma_start3A_145 : memref<128xf32, #tpu.memory_space<hbm>>) target(%dma_start3A_144 : memref<128xf32, #tpu.memory_space<vmem>>) target_semaphore(%arg14 : memref<!tpu.dma_semaphore, #tpu.memory_space<semaphore_mem>>)
      %get3A_146 = arith.constant 0 : index
      %get3A_147 = tpu.vector_load %arg10[%get3A_146] {strides = array<i32>} : memref<32xi32, #tpu.memory_space<vmem>>, vector<16xi32>,
      %get3A_148 = vector.shape_cast %get3A_147 : vector<16xi32> to vector<16xi32>
      %slice3A_149 = vector.extract_strided_slice %get3A_148 {offsets = [3], sizes = [1], strides = [1]} : vector<16xi32> to vector<1xi32>
      %squeeze3A_150 = vector.extract %slice3A_149[0] : i32 from vector<1xi32>
      %get3A_151 = arith.index_cast %squeeze3A_150 : i32 to index
      %get3A_152 = tpu.vector_load %arg8[%get3A_151] {strides = array<i32>} : memref<112xf32, #tpu.memory_space<vmem>>, vector<16xf32>,
      %get3A_153 = vector.shape_cast %get3A_152 : vector<16xf32> to vector<16xf32>
      %slice3A_154 = vector.extract_strided_slice %get3A_153 {offsets = [0], sizes = [1], strides = [1]} : vector<16xf32> to vector<1xf32>
      %squeeze3A_155 = vector.extract %slice3A_154[0] : f32 from vector<1xf32>
      %get3A_156 = arith.index_cast %squeeze3A_150 : i32 to index
      %get3A_157 = tpu.vector_load %arg9[%get3A_156] {strides = array<i32>} : memref<112xi32, #tpu.memory_space<vmem>>, vector<16xi32>,
      %get3A_158 = vector.shape_cast %get3A_157 : vector<16xi32> to vector<16xi32>
      %slice3A_159 = vector.extract_strided_slice %get3A_158 {offsets = [0], sizes = [1], strides = [1]} : vector<16xi32> to vector<1xi32>
      %squeeze3A_160 = vector.extract %slice3A_159[0] : i32 from vector<1xi32>
      %eq3A_161 = arith.constant 3 : i32
      %eq3A_162 = vector.broadcast %eq3A_161 : i32 to vector<16xi32>
      %eq3A_163 = arith.cmpi eq, %iota3A, %eq3A_162 : vector<16xi32>
      %broadcast_in_dim3A_164 = vector.broadcast %squeeze3A_155 : f32 to vector<16xf32>
      %select_n3A_165 = arith.select %eq3A_163, %broadcast_in_dim3A_164, %select_n3A_113 : vector<16xi1>, vector<16xf32>
      %mul3A_166 = arith.constant 20000 : i32
      %mul3A_167 = arith.muli %arg1, %mul3A_166 : i32
      %add3A_168 = arith.addi %squeeze3A_160, %mul3A_167 : i32
      %mul3A_169 = arith.constant 4 : i32
      %mul3A_170 = arith.muli %add3A_168, %mul3A_169 : i32
      %jit3A_171 = arith.constant 8 : i32
      %eq3A_172 = arith.constant 0 : i32
      %eq3A_173 = arith.cmpi eq, %jit3A_171, %eq3A_172 : i32
      %jit3A_174 = arith.constant 1 : i32
      %select_n3A_175 = arith.select %eq3A_173, %jit3A_174, %jit3A_171 : i32
      %rem3A_176 = arith.remsi %mul3A_170, %select_n3A_175 : i32
      %ne3A_177 = arith.constant 0 : i32
      %ne3A_178 = arith.cmpi ne, %rem3A_176, %ne3A_177 : i32
      %lt3A_179 = arith.constant 0 : i32
      %lt3A_180 = arith.cmpi slt, %rem3A_176, %lt3A_179 : i32
      %lt3A_181 = arith.constant 0 : i32
      %lt3A_182 = arith.cmpi slt, %select_n3A_175, %lt3A_181 : i32
      %ne3A_183 = arith.xori %lt3A_180, %lt3A_182 : i1
      %and3A_184 = arith.andi %ne3A_183, %ne3A_178 : i1
      %add3A_185 = arith.addi %rem3A_176, %select_n3A_175 : i32
      %select_n3A_186 = arith.select %and3A_184, %add3A_185, %rem3A_176 : i32
      %sub3A_187 = arith.subi %mul3A_170, %select_n3A_186 : i32
      %min3A_188 = arith.constant 1279872 : i32
      %min3A_189 = arith.minsi %sub3A_187, %min3A_188 : i32
      %multiple_of3A_190 = tpu.assume_multiple %min3A_189, 8 : i32
      %sub3A_191 = arith.subi %mul3A_170, %multiple_of3A_190 : i32
      %dma_start3A_192 = arith.constant 384 : i32
      %dma_start3A_193 = tpu.memref_slice %arg12[%dma_start3A_192] : memref<2576xf32, #tpu.memory_space<vmem>> -> memref<128xf32, #tpu.memory_space<vmem>>
      %dma_start3A_194 = tpu.memref_slice %arg4[%multiple_of3A_190] : memref<1280000xf32, #tpu.memory_space<hbm>> -> memref<128xf32, #tpu.memory_space<hbm>>
      %dma_start3A_195 = arith.constant 384 : i32
      %dma_start3A_196 = tpu.memref_slice %arg12[%dma_start3A_195] : memref<2576xf32, #tpu.memory_space<vmem>> -> memref<128xf32, #tpu.memory_space<vmem>>
      %dma_start3A_197 = tpu.memref_slice %arg4[%multiple_of3A_190] : memref<1280000xf32, #tpu.memory_space<hbm>> -> memref<128xf32, #tpu.memory_space<hbm>>
      tpu.enqueue_dma source(%dma_start3A_197 : memref<128xf32, #tpu.memory_space<hbm>>) target(%dma_start3A_196 : memref<128xf32, #tpu.memory_space<vmem>>) target_semaphore(%arg14 : memref<!tpu.dma_semaphore, #tpu.memory_space<semaphore_mem>>)
      %get3A_198 = arith.constant 0 : index
      %get3A_199 = tpu.vector_load %arg10[%get3A_198] {strides = array<i32>} : memref<32xi32, #tpu.memory_space<vmem>>, vector<16xi32>,
      %get3A_200 = vector.shape_cast %get3A_199 : vector<16xi32> to vector<16xi32>
      %slice3A_201 = vector.extract_strided_slice %get3A_200 {offsets = [4], sizes = [1], strides = [1]} : vector<16xi32> to vector<1xi32>
      %squeeze3A_202 = vector.extract %slice3A_201[0] : i32 from vector<1xi32>
      %get3A_203 = arith.index_cast %squeeze3A_202 : i32 to index
      %get3A_204 = tpu.vector_load %arg8[%get3A_203] {strides = array<i32>} : memref<112xf32, #tpu.memory_space<vmem>>, vector<16xf32>,
      %get3A_205 = vector.shape_cast %get3A_204 : vector<16xf32> to vector<16xf32>
      %slice3A_206 = vector.extract_strided_slice %get3A_205 {offsets = [0], sizes = [1], strides = [1]} : vector<16xf32> to vector<1xf32>
      %squeeze3A_207 = vector.extract %slice3A_206[0] : f32 from vector<1xf32>
      %get3A_208 = arith.index_cast %squeeze3A_202 : i32 to index
      %get3A_209 = tpu.vector_load %arg9[%get3A_208] {strides = array<i32>} : memref<112xi32, #tpu.memory_space<vmem>>, vector<16xi32>,
      %get3A_210 = vector.shape_cast %get3A_209 : vector<16xi32> to vector<16xi32>
      %slice3A_211 = vector.extract_strided_slice %get3A_210 {offsets = [0], sizes = [1], strides = [1]} : vector<16xi32> to vector<1xi32>
      %squeeze3A_212 = vector.extract %slice3A_211[0] : i32 from vector<1xi32>
      %eq3A_213 = arith.constant 4 : i32
      %eq3A_214 = vector.broadcast %eq3A_213 : i32 to vector<16xi32>
      %eq3A_215 = arith.cmpi eq, %iota3A, %eq3A_214 : vector<16xi32>
      %broadcast_in_dim3A_216 = vector.broadcast %squeeze3A_207 : f32 to vector<16xf32>
      %select_n3A_217 = arith.select %eq3A_215, %broadcast_in_dim3A_216, %select_n3A_165 : vector<16xi1>, vector<16xf32>
      %mul3A_218 = arith.constant 20000 : i32
      %mul3A_219 = arith.muli %arg1, %mul3A_218 : i32
      %add3A_220 = arith.addi %squeeze3A_212, %mul3A_219 : i32
      %mul3A_221 = arith.constant 4 : i32
      %mul3A_222 = arith.muli %add3A_220, %mul3A_221 : i32
      %jit3A_223 = arith.constant 8 : i32
      %eq3A_224 = arith.constant 0 : i32
      %eq3A_225 = arith.cmpi eq, %jit3A_223, %eq3A_224 : i32
      %jit3A_226 = arith.constant 1 : i32
      %select_n3A_227 = arith.select %eq3A_225, %jit3A_226, %jit3A_223 : i32
      %rem3A_228 = arith.remsi %mul3A_222, %select_n3A_227 : i32
      %ne3A_229 = arith.constant 0 : i32
      %ne3A_230 = arith.cmpi ne, %rem3A_228, %ne3A_229 : i32
      %lt3A_231 = arith.constant 0 : i32
      %lt3A_232 = arith.cmpi slt, %rem3A_228, %lt3A_231 : i32
      %lt3A_233 = arith.constant 0 : i32
      %lt3A_234 = arith.cmpi slt, %select_n3A_227, %lt3A_233 : i32
      %ne3A_235 = arith.xori %lt3A_232, %lt3A_234 : i1
      %and3A_236 = arith.andi %ne3A_235, %ne3A_230 : i1
      %add3A_237 = arith.addi %rem3A_228, %select_n3A_227 : i32
      %select_n3A_238 = arith.select %and3A_236, %add3A_237, %rem3A_228 : i32
      %sub3A_239 = arith.subi %mul3A_222, %select_n3A_238 : i32
      %min3A_240 = arith.constant 1279872 : i32
      %min3A_241 = arith.minsi %sub3A_239, %min3A_240 : i32
      %multiple_of3A_242 = tpu.assume_multiple %min3A_241, 8 : i32
      %sub3A_243 = arith.subi %mul3A_222, %multiple_of3A_242 : i32
      %dma_start3A_244 = arith.constant 512 : i32
      %dma_start3A_245 = tpu.memref_slice %arg12[%dma_start3A_244] : memref<2576xf32, #tpu.memory_space<vmem>> -> memref<128xf32, #tpu.memory_space<vmem>>
      %dma_start3A_246 = tpu.memref_slice %arg4[%multiple_of3A_242] : memref<1280000xf32, #tpu.memory_space<hbm>> -> memref<128xf32, #tpu.memory_space<hbm>>
      %dma_start3A_247 = arith.constant 512 : i32
      %dma_start3A_248 = tpu.memref_slice %arg12[%dma_start3A_247] : memref<2576xf32, #tpu.memory_space<vmem>> -> memref<128xf32, #tpu.memory_space<vmem>>
      %dma_start3A_249 = tpu.memref_slice %arg4[%multiple_of3A_242] : memref<1280000xf32, #tpu.memory_space<hbm>> -> memref<128xf32, #tpu.memory_space<hbm>>
      tpu.enqueue_dma source(%dma_start3A_249 : memref<128xf32, #tpu.memory_space<hbm>>) target(%dma_start3A_248 : memref<128xf32, #tpu.memory_space<vmem>>) target_semaphore(%arg14 : memref<!tpu.dma_semaphore, #tpu.memory_space<semaphore_mem>>)
      %get3A_250 = arith.constant 0 : index
      %get3A_251 = tpu.vector_load %arg10[%get3A_250] {strides = array<i32>} : memref<32xi32, #tpu.memory_space<vmem>>, vector<16xi32>,
      %get3A_252 = vector.shape_cast %get3A_251 : vector<16xi32> to vector<16xi32>
      %slice3A_253 = vector.extract_strided_slice %get3A_252 {offsets = [5], sizes = [1], strides = [1]} : vector<16xi32> to vector<1xi32>
      %squeeze3A_254 = vector.extract %slice3A_253[0] : i32 from vector<1xi32>
      %get3A_255 = arith.index_cast %squeeze3A_254 : i32 to index
      %get3A_256 = tpu.vector_load %arg8[%get3A_255] {strides = array<i32>} : memref<112xf32, #tpu.memory_space<vmem>>, vector<16xf32>,
      %get3A_257 = vector.shape_cast %get3A_256 : vector<16xf32> to vector<16xf32>
      %slice3A_258 = vector.extract_strided_slice %get3A_257 {offsets = [0], sizes = [1], strides = [1]} : vector<16xf32> to vector<1xf32>
      %squeeze3A_259 = vector.extract %slice3A_258[0] : f32 from vector<1xf32>
      %get3A_260 = arith.index_cast %squeeze3A_254 : i32 to index
      %get3A_261 = tpu.vector_load %arg9[%get3A_260] {strides = array<i32>} : memref<112xi32, #tpu.memory_space<vmem>>, vector<16xi32>,
      %get3A_262 = vector.shape_cast %get3A_261 : vector<16xi32> to vector<16xi32>
      %slice3A_263 = vector.extract_strided_slice %get3A_262 {offsets = [0], sizes = [1], strides = [1]} : vector<16xi32> to vector<1xi32>
      %squeeze3A_264 = vector.extract %slice3A_263[0] : i32 from vector<1xi32>
      %eq3A_265 = arith.constant 5 : i32
      %eq3A_266 = vector.broadcast %eq3A_265 : i32 to vector<16xi32>
      %eq3A_267 = arith.cmpi eq, %iota3A, %eq3A_266 : vector<16xi32>
      %broadcast_in_dim3A_268 = vector.broadcast %squeeze3A_259 : f32 to vector<16xf32>
      %select_n3A_269 = arith.select %eq3A_267, %broadcast_in_dim3A_268, %select_n3A_217 : vector<16xi1>, vector<16xf32>
      %mul3A_270 = arith.constant 20000 : i32
      %mul3A_271 = arith.muli %arg1, %mul3A_270 : i32
      %add3A_272 = arith.addi %squeeze3A_264, %mul3A_271 : i32
      %mul3A_273 = arith.constant 4 : i32
      %mul3A_274 = arith.muli %add3A_272, %mul3A_273 : i32
      %jit3A_275 = arith.constant 8 : i32
      %eq3A_276 = arith.constant 0 : i32
      %eq3A_277 = arith.cmpi eq, %jit3A_275, %eq3A_276 : i32
      %jit3A_278 = arith.constant 1 : i32
      %select_n3A_279 = arith.select %eq3A_277, %jit3A_278, %jit3A_275 : i32
      %rem3A_280 = arith.remsi %mul3A_274, %select_n3A_279 : i32
      %ne3A_281 = arith.constant 0 : i32
      %ne3A_282 = arith.cmpi ne, %rem3A_280, %ne3A_281 : i32
      %lt3A_283 = arith.constant 0 : i32
      %lt3A_284 = arith.cmpi slt, %rem3A_280, %lt3A_283 : i32
      %lt3A_285 = arith.constant 0 : i32
      %lt3A_286 = arith.cmpi slt, %select_n3A_279, %lt3A_285 : i32
      %ne3A_287 = arith.xori %lt3A_284, %lt3A_286 : i1
      %and3A_288 = arith.andi %ne3A_287, %ne3A_282 : i1
      %add3A_289 = arith.addi %rem3A_280, %select_n3A_279 : i32
      %select_n3A_290 = arith.select %and3A_288, %add3A_289, %rem3A_280 : i32
      %sub3A_291 = arith.subi %mul3A_274, %select_n3A_290 : i32
      %min3A_292 = arith.constant 1279872 : i32
      %min3A_293 = arith.minsi %sub3A_291, %min3A_292 : i32
      %multiple_of3A_294 = tpu.assume_multiple %min3A_293, 8 : i32
      %sub3A_295 = arith.subi %mul3A_274, %multiple_of3A_294 : i32
      %dma_start3A_296 = arith.constant 640 : i32
      %dma_start3A_297 = tpu.memref_slice %arg12[%dma_start3A_296] : memref<2576xf32, #tpu.memory_space<vmem>> -> memref<128xf32, #tpu.memory_space<vmem>>
      %dma_start3A_298 = tpu.memref_slice %arg4[%multiple_of3A_294] : memref<1280000xf32, #tpu.memory_space<hbm>> -> memref<128xf32, #tpu.memory_space<hbm>>
      %dma_start3A_299 = arith.constant 640 : i32
      %dma_start3A_300 = tpu.memref_slice %arg12[%dma_start3A_299] : memref<2576xf32, #tpu.memory_space<vmem>> -> memref<128xf32, #tpu.memory_space<vmem>>
      %dma_start3A_301 = tpu.memref_slice %arg4[%multiple_of3A_294] : memref<1280000xf32, #tpu.memory_space<hbm>> -> memref<128xf32, #tpu.memory_space<hbm>>
      tpu.enqueue_dma source(%dma_start3A_301 : memref<128xf32, #tpu.memory_space<hbm>>) target(%dma_start3A_300 : memref<128xf32, #tpu.memory_space<vmem>>) target_semaphore(%arg14 : memref<!tpu.dma_semaphore, #tpu.memory_space<semaphore_mem>>)
      %get3A_302 = arith.constant 0 : index
      %get3A_303 = tpu.vector_load %arg10[%get3A_302] {strides = array<i32>} : memref<32xi32, #tpu.memory_space<vmem>>, vector<16xi32>,
      %get3A_304 = vector.shape_cast %get3A_303 : vector<16xi32> to vector<16xi32>
      %slice3A_305 = vector.extract_strided_slice %get3A_304 {offsets = [6], sizes = [1], strides = [1]} : vector<16xi32> to vector<1xi32>
      %squeeze3A_306 = vector.extract %slice3A_305[0] : i32 from vector<1xi32>
      %get3A_307 = arith.index_cast %squeeze3A_306 : i32 to index
      %get3A_308 = tpu.vector_load %arg8[%get3A_307] {strides = array<i32>} : memref<112xf32, #tpu.memory_space<vmem>>, vector<16xf32>,
      %get3A_309 = vector.shape_cast %get3A_308 : vector<16xf32> to vector<16xf32>
      %slice3A_310 = vector.extract_strided_slice %get3A_309 {offsets = [0], sizes = [1], strides = [1]} : vector<16xf32> to vector<1xf32>
      %squeeze3A_311 = vector.extract %slice3A_310[0] : f32 from vector<1xf32>
      %get3A_312 = arith.index_cast %squeeze3A_306 : i32 to index
      %get3A_313 = tpu.vector_load %arg9[%get3A_312] {strides = array<i32>} : memref<112xi32, #tpu.memory_space<vmem>>, vector<16xi32>,
      %get3A_314 = vector.shape_cast %get3A_313 : vector<16xi32> to vector<16xi32>
      %slice3A_315 = vector.extract_strided_slice %get3A_314 {offsets = [0], sizes = [1], strides = [1]} : vector<16xi32> to vector<1xi32>
      %squeeze3A_316 = vector.extract %slice3A_315[0] : i32 from vector<1xi32>
      %eq3A_317 = arith.constant 6 : i32
      %eq3A_318 = vector.broadcast %eq3A_317 : i32 to vector<16xi32>
      %eq3A_319 = arith.cmpi eq, %iota3A, %eq3A_318 : vector<16xi32>
      %broadcast_in_dim3A_320 = vector.broadcast %squeeze3A_311 : f32 to vector<16xf32>
      %select_n3A_321 = arith.select %eq3A_319, %broadcast_in_dim3A_320, %select_n3A_269 : vector<16xi1>, vector<16xf32>
      %mul3A_322 = arith.constant 20000 : i32
      %mul3A_323 = arith.muli %arg1, %mul3A_322 : i32
      %add3A_324 = arith.addi %squeeze3A_316, %mul3A_323 : i32
      %mul3A_325 = arith.constant 4 : i32
      %mul3A_326 = arith.muli %add3A_324, %mul3A_325 : i32
      %jit3A_327 = arith.constant 8 : i32
      %eq3A_328 = arith.constant 0 : i32
      %eq3A_329 = arith.cmpi eq, %jit3A_327, %eq3A_328 : i32
      %jit3A_330 = arith.constant 1 : i32
      %select_n3A_331 = arith.select %eq3A_329, %jit3A_330, %jit3A_327 : i32
      %rem3A_332 = arith.remsi %mul3A_326, %select_n3A_331 : i32
      %ne3A_333 = arith.constant 0 : i32
      %ne3A_334 = arith.cmpi ne, %rem3A_332, %ne3A_333 : i32
      %lt3A_335 = arith.constant 0 : i32
      %lt3A_336 = arith.cmpi slt, %rem3A_332, %lt3A_335 : i32
      %lt3A_337 = arith.constant 0 : i32
      %lt3A_338 = arith.cmpi slt, %select_n3A_331, %lt3A_337 : i32
      %ne3A_339 = arith.xori %lt3A_336, %lt3A_338 : i1
      %and3A_340 = arith.andi %ne3A_339, %ne3A_334 : i1
      %add3A_341 = arith.addi %rem3A_332, %select_n3A_331 : i32
      %select_n3A_342 = arith.select %and3A_340, %add3A_341, %rem3A_332 : i32
      %sub3A_343 = arith.subi %mul3A_326, %select_n3A_342 : i32
      %min3A_344 = arith.constant 1279872 : i32
      %min3A_345 = arith.minsi %sub3A_343, %min3A_344 : i32
      %multiple_of3A_346 = tpu.assume_multiple %min3A_345, 8 : i32
      %sub3A_347 = arith.subi %mul3A_326, %multiple_of3A_346 : i32
      %dma_start3A_348 = arith.constant 768 : i32
      %dma_start3A_349 = tpu.memref_slice %arg12[%dma_start3A_348] : memref<2576xf32, #tpu.memory_space<vmem>> -> memref<128xf32, #tpu.memory_space<vmem>>
      %dma_start3A_350 = tpu.memref_slice %arg4[%multiple_of3A_346] : memref<1280000xf32, #tpu.memory_space<hbm>> -> memref<128xf32, #tpu.memory_space<hbm>>
      %dma_start3A_351 = arith.constant 768 : i32
      %dma_start3A_352 = tpu.memref_slice %arg12[%dma_start3A_351] : memref<2576xf32, #tpu.memory_space<vmem>> -> memref<128xf32, #tpu.memory_space<vmem>>
      %dma_start3A_353 = tpu.memref_slice %arg4[%multiple_of3A_346] : memref<1280000xf32, #tpu.memory_space<hbm>> -> memref<128xf32, #tpu.memory_space<hbm>>
      tpu.enqueue_dma source(%dma_start3A_353 : memref<128xf32, #tpu.memory_space<hbm>>) target(%dma_start3A_352 : memref<128xf32, #tpu.memory_space<vmem>>) target_semaphore(%arg14 : memref<!tpu.dma_semaphore, #tpu.memory_space<semaphore_mem>>)
      %get3A_354 = arith.constant 0 : index
      %get3A_355 = tpu.vector_load %arg10[%get3A_354] {strides = array<i32>} : memref<32xi32, #tpu.memory_space<vmem>>, vector<16xi32>,
      %get3A_356 = vector.shape_cast %get3A_355 : vector<16xi32> to vector<16xi32>
      %slice3A_357 = vector.extract_strided_slice %get3A_356 {offsets = [7], sizes = [1], strides = [1]} : vector<16xi32> to vector<1xi32>
      %squeeze3A_358 = vector.extract %slice3A_357[0] : i32 from vector<1xi32>
      %get3A_359 = arith.index_cast %squeeze3A_358 : i32 to index
      %get3A_360 = tpu.vector_load %arg8[%get3A_359] {strides = array<i32>} : memref<112xf32, #tpu.memory_space<vmem>>, vector<16xf32>,
      %get3A_361 = vector.shape_cast %get3A_360 : vector<16xf32> to vector<16xf32>
      %slice3A_362 = vector.extract_strided_slice %get3A_361 {offsets = [0], sizes = [1], strides = [1]} : vector<16xf32> to vector<1xf32>
      %squeeze3A_363 = vector.extract %slice3A_362[0] : f32 from vector<1xf32>
      %get3A_364 = arith.index_cast %squeeze3A_358 : i32 to index
      %get3A_365 = tpu.vector_load %arg9[%get3A_364] {strides = array<i32>} : memref<112xi32, #tpu.memory_space<vmem>>, vector<16xi32>,
      %get3A_366 = vector.shape_cast %get3A_365 : vector<16xi32> to vector<16xi32>
      %slice3A_367 = vector.extract_strided_slice %get3A_366 {offsets = [0], sizes = [1], strides = [1]} : vector<16xi32> to vector<1xi32>
      %squeeze3A_368 = vector.extract %slice3A_367[0] : i32 from vector<1xi32>
      %eq3A_369 = arith.constant 7 : i32
      %eq3A_370 = vector.broadcast %eq3A_369 : i32 to vector<16xi32>
      %eq3A_371 = arith.cmpi eq, %iota3A, %eq3A_370 : vector<16xi32>
      %broadcast_in_dim3A_372 = vector.broadcast %squeeze3A_363 : f32 to vector<16xf32>
      %select_n3A_373 = arith.select %eq3A_371, %broadcast_in_dim3A_372, %select_n3A_321 : vector<16xi1>, vector<16xf32>
      %mul3A_374 = arith.constant 20000 : i32
      %mul3A_375 = arith.muli %arg1, %mul3A_374 : i32
      %add3A_376 = arith.addi %squeeze3A_368, %mul3A_375 : i32
      %mul3A_377 = arith.constant 4 : i32
      %mul3A_378 = arith.muli %add3A_376, %mul3A_377 : i32
      %jit3A_379 = arith.constant 8 : i32
      %eq3A_380 = arith.constant 0 : i32
      %eq3A_381 = arith.cmpi eq, %jit3A_379, %eq3A_380 : i32
      %jit3A_382 = arith.constant 1 : i32
      %select_n3A_383 = arith.select %eq3A_381, %jit3A_382, %jit3A_379 : i32
      %rem3A_384 = arith.remsi %mul3A_378, %select_n3A_383 : i32
      %ne3A_385 = arith.constant 0 : i32
      %ne3A_386 = arith.cmpi ne, %rem3A_384, %ne3A_385 : i32
      %lt3A_387 = arith.constant 0 : i32
      %lt3A_388 = arith.cmpi slt, %rem3A_384, %lt3A_387 : i32
      %lt3A_389 = arith.constant 0 : i32
      %lt3A_390 = arith.cmpi slt, %select_n3A_383, %lt3A_389 : i32
      %ne3A_391 = arith.xori %lt3A_388, %lt3A_390 : i1
      %and3A_392 = arith.andi %ne3A_391, %ne3A_386 : i1
      %add3A_393 = arith.addi %rem3A_384, %select_n3A_383 : i32
      %select_n3A_394 = arith.select %and3A_392, %add3A_393, %rem3A_384 : i32
      %sub3A_395 = arith.subi %mul3A_378, %select_n3A_394 : i32
      %min3A_396 = arith.constant 1279872 : i32
      %min3A_397 = arith.minsi %sub3A_395, %min3A_396 : i32
      %multiple_of3A_398 = tpu.assume_multiple %min3A_397, 8 : i32
      %sub3A_399 = arith.subi %mul3A_378, %multiple_of3A_398 : i32
      %dma_start3A_400 = arith.constant 896 : i32
      %dma_start3A_401 = tpu.memref_slice %arg12[%dma_start3A_400] : memref<2576xf32, #tpu.memory_space<vmem>> -> memref<128xf32, #tpu.memory_space<vmem>>
      %dma_start3A_402 = tpu.memref_slice %arg4[%multiple_of3A_398] : memref<1280000xf32, #tpu.memory_space<hbm>> -> memref<128xf32, #tpu.memory_space<hbm>>
      %dma_start3A_403 = arith.constant 896 : i32
      %dma_start3A_404 = tpu.memref_slice %arg12[%dma_start3A_403] : memref<2576xf32, #tpu.memory_space<vmem>> -> memref<128xf32, #tpu.memory_space<vmem>>
      %dma_start3A_405 = tpu.memref_slice %arg4[%multiple_of3A_398] : memref<1280000xf32, #tpu.memory_space<hbm>> -> memref<128xf32, #tpu.memory_space<hbm>>
      tpu.enqueue_dma source(%dma_start3A_405 : memref<128xf32, #tpu.memory_space<hbm>>) target(%dma_start3A_404 : memref<128xf32, #tpu.memory_space<vmem>>) target_semaphore(%arg14 : memref<!tpu.dma_semaphore, #tpu.memory_space<semaphore_mem>>)
      %get3A_406 = arith.constant 0 : index
      %get3A_407 = tpu.vector_load %arg10[%get3A_406] {strides = array<i32>} : memref<32xi32, #tpu.memory_space<vmem>>, vector<16xi32>,
      %get3A_408 = vector.shape_cast %get3A_407 : vector<16xi32> to vector<16xi32>
      %slice3A_409 = vector.extract_strided_slice %get3A_408 {offsets = [8], sizes = [1], strides = [1]} : vector<16xi32> to vector<1xi32>
      %squeeze3A_410 = vector.extract %slice3A_409[0] : i32 from vector<1xi32>
      %get3A_411 = arith.index_cast %squeeze3A_410 : i32 to index
      %get3A_412 = tpu.vector_load %arg8[%get3A_411] {strides = array<i32>} : memref<112xf32, #tpu.memory_space<vmem>>, vector<16xf32>,
      %get3A_413 = vector.shape_cast %get3A_412 : vector<16xf32> to vector<16xf32>
      %slice3A_414 = vector.extract_strided_slice %get3A_413 {offsets = [0], sizes = [1], strides = [1]} : vector<16xf32> to vector<1xf32>
      %squeeze3A_415 = vector.extract %slice3A_414[0] : f32 from vector<1xf32>
      %get3A_416 = arith.index_cast %squeeze3A_410 : i32 to index
      %get3A_417 = tpu.vector_load %arg9[%get3A_416] {strides = array<i32>} : memref<112xi32, #tpu.memory_space<vmem>>, vector<16xi32>,
      %get3A_418 = vector.shape_cast %get3A_417 : vector<16xi32> to vector<16xi32>
      %slice3A_419 = vector.extract_strided_slice %get3A_418 {offsets = [0], sizes = [1], strides = [1]} : vector<16xi32> to vector<1xi32>
      %squeeze3A_420 = vector.extract %slice3A_419[0] : i32 from vector<1xi32>
      %eq3A_421 = arith.constant 8 : i32
      %eq3A_422 = vector.broadcast %eq3A_421 : i32 to vector<16xi32>
      %eq3A_423 = arith.cmpi eq, %iota3A, %eq3A_422 : vector<16xi32>
      %broadcast_in_dim3A_424 = vector.broadcast %squeeze3A_415 : f32 to vector<16xf32>
      %select_n3A_425 = arith.select %eq3A_423, %broadcast_in_dim3A_424, %select_n3A_373 : vector<16xi1>, vector<16xf32>
      %mul3A_426 = arith.constant 20000 : i32
      %mul3A_427 = arith.muli %arg1, %mul3A_426 : i32
      %add3A_428 = arith.addi %squeeze3A_420, %mul3A_427 : i32
      %mul3A_429 = arith.constant 4 : i32
      %mul3A_430 = arith.muli %add3A_428, %mul3A_429 : i32
      %jit3A_431 = arith.constant 8 : i32
      %eq3A_432 = arith.constant 0 : i32
      %eq3A_433 = arith.cmpi eq, %jit3A_431, %eq3A_432 : i32
      %jit3A_434 = arith.constant 1 : i32
      %select_n3A_435 = arith.select %eq3A_433, %jit3A_434, %jit3A_431 : i32
      %rem3A_436 = arith.remsi %mul3A_430, %select_n3A_435 : i32
      %ne3A_437 = arith.constant 0 : i32
      %ne3A_438 = arith.cmpi ne, %rem3A_436, %ne3A_437 : i32
      %lt3A_439 = arith.constant 0 : i32
      %lt3A_440 = arith.cmpi slt, %rem3A_436, %lt3A_439 : i32
      %lt3A_441 = arith.constant 0 : i32
      %lt3A_442 = arith.cmpi slt, %select_n3A_435, %lt3A_441 : i32
      %ne3A_443 = arith.xori %lt3A_440, %lt3A_442 : i1
      %and3A_444 = arith.andi %ne3A_443, %ne3A_438 : i1
      %add3A_445 = arith.addi %rem3A_436, %select_n3A_435 : i32
      %select_n3A_446 = arith.select %and3A_444, %add3A_445, %rem3A_436 : i32
      %sub3A_447 = arith.subi %mul3A_430, %select_n3A_446 : i32
      %min3A_448 = arith.constant 1279872 : i32
      %min3A_449 = arith.minsi %sub3A_447, %min3A_448 : i32
      %multiple_of3A_450 = tpu.assume_multiple %min3A_449, 8 : i32
      %sub3A_451 = arith.subi %mul3A_430, %multiple_of3A_450 : i32
      %dma_start3A_452 = arith.constant 1024 : i32
      %dma_start3A_453 = tpu.memref_slice %arg12[%dma_start3A_452] : memref<2576xf32, #tpu.memory_space<vmem>> -> memref<128xf32, #tpu.memory_space<vmem>>
      %dma_start3A_454 = tpu.memref_slice %arg4[%multiple_of3A_450] : memref<1280000xf32, #tpu.memory_space<hbm>> -> memref<128xf32, #tpu.memory_space<hbm>>
      %dma_start3A_455 = arith.constant 1024 : i32
      %dma_start3A_456 = tpu.memref_slice %arg12[%dma_start3A_455] : memref<2576xf32, #tpu.memory_space<vmem>> -> memref<128xf32, #tpu.memory_space<vmem>>
      %dma_start3A_457 = tpu.memref_slice %arg4[%multiple_of3A_450] : memref<1280000xf32, #tpu.memory_space<hbm>> -> memref<128xf32, #tpu.memory_space<hbm>>
      tpu.enqueue_dma source(%dma_start3A_457 : memref<128xf32, #tpu.memory_space<hbm>>) target(%dma_start3A_456 : memref<128xf32, #tpu.memory_space<vmem>>) target_semaphore(%arg14 : memref<!tpu.dma_semaphore, #tpu.memory_space<semaphore_mem>>)
      %get3A_458 = arith.constant 0 : index
      %get3A_459 = tpu.vector_load %arg10[%get3A_458] {strides = array<i32>} : memref<32xi32, #tpu.memory_space<vmem>>, vector<16xi32>,
      %get3A_460 = vector.shape_cast %get3A_459 : vector<16xi32> to vector<16xi32>
      %slice3A_461 = vector.extract_strided_slice %get3A_460 {offsets = [9], sizes = [1], strides = [1]} : vector<16xi32> to vector<1xi32>
      %squeeze3A_462 = vector.extract %slice3A_461[0] : i32 from vector<1xi32>
      %get3A_463 = arith.index_cast %squeeze3A_462 : i32 to index
      %get3A_464 = tpu.vector_load %arg8[%get3A_463] {strides = array<i32>} : memref<112xf32, #tpu.memory_space<vmem>>, vector<16xf32>,
      %get3A_465 = vector.shape_cast %get3A_464 : vector<16xf32> to vector<16xf32>
      %slice3A_466 = vector.extract_strided_slice %get3A_465 {offsets = [0], sizes = [1], strides = [1]} : vector<16xf32> to vector<1xf32>
      %squeeze3A_467 = vector.extract %slice3A_466[0] : f32 from vector<1xf32>
      %get3A_468 = arith.index_cast %squeeze3A_462 : i32 to index
      %get3A_469 = tpu.vector_load %arg9[%get3A_468] {strides = array<i32>} : memref<112xi32, #tpu.memory_space<vmem>>, vector<16xi32>,
      %get3A_470 = vector.shape_cast %get3A_469 : vector<16xi32> to vector<16xi32>
      %slice3A_471 = vector.extract_strided_slice %get3A_470 {offsets = [0], sizes = [1], strides = [1]} : vector<16xi32> to vector<1xi32>
      %squeeze3A_472 = vector.extract %slice3A_471[0] : i32 from vector<1xi32>
      %eq3A_473 = arith.constant 9 : i32
      %eq3A_474 = vector.broadcast %eq3A_473 : i32 to vector<16xi32>
      %eq3A_475 = arith.cmpi eq, %iota3A, %eq3A_474 : vector<16xi32>
      %broadcast_in_dim3A_476 = vector.broadcast %squeeze3A_467 : f32 to vector<16xf32>
      %select_n3A_477 = arith.select %eq3A_475, %broadcast_in_dim3A_476, %select_n3A_425 : vector<16xi1>, vector<16xf32>
      %mul3A_478 = arith.constant 20000 : i32
      %mul3A_479 = arith.muli %arg1, %mul3A_478 : i32
      %add3A_480 = arith.addi %squeeze3A_472, %mul3A_479 : i32
      %mul3A_481 = arith.constant 4 : i32
      %mul3A_482 = arith.muli %add3A_480, %mul3A_481 : i32
      %jit3A_483 = arith.constant 8 : i32
      %eq3A_484 = arith.constant 0 : i32
      %eq3A_485 = arith.cmpi eq, %jit3A_483, %eq3A_484 : i32
      %jit3A_486 = arith.constant 1 : i32
      %select_n3A_487 = arith.select %eq3A_485, %jit3A_486, %jit3A_483 : i32
      %rem3A_488 = arith.remsi %mul3A_482, %select_n3A_487 : i32
      %ne3A_489 = arith.constant 0 : i32
      %ne3A_490 = arith.cmpi ne, %rem3A_488, %ne3A_489 : i32
      %lt3A_491 = arith.constant 0 : i32
      %lt3A_492 = arith.cmpi slt, %rem3A_488, %lt3A_491 : i32
      %lt3A_493 = arith.constant 0 : i32
      %lt3A_494 = arith.cmpi slt, %select_n3A_487, %lt3A_493 : i32
      %ne3A_495 = arith.xori %lt3A_492, %lt3A_494 : i1
      %and3A_496 = arith.andi %ne3A_495, %ne3A_490 : i1
      %add3A_497 = arith.addi %rem3A_488, %select_n3A_487 : i32
      %select_n3A_498 = arith.select %and3A_496, %add3A_497, %rem3A_488 : i32
      %sub3A_499 = arith.subi %mul3A_482, %select_n3A_498 : i32
      %min3A_500 = arith.constant 1279872 : i32
      %min3A_501 = arith.minsi %sub3A_499, %min3A_500 : i32
      %multiple_of3A_502 = tpu.assume_multiple %min3A_501, 8 : i32
      %sub3A_503 = arith.subi %mul3A_482, %multiple_of3A_502 : i32
      %dma_start3A_504 = arith.constant 1152 : i32
      %dma_start3A_505 = tpu.memref_slice %arg12[%dma_start3A_504] : memref<2576xf32, #tpu.memory_space<vmem>> -> memref<128xf32, #tpu.memory_space<vmem>>
      %dma_start3A_506 = tpu.memref_slice %arg4[%multiple_of3A_502] : memref<1280000xf32, #tpu.memory_space<hbm>> -> memref<128xf32, #tpu.memory_space<hbm>>
      %dma_start3A_507 = arith.constant 1152 : i32
      %dma_start3A_508 = tpu.memref_slice %arg12[%dma_start3A_507] : memref<2576xf32, #tpu.memory_space<vmem>> -> memref<128xf32, #tpu.memory_space<vmem>>
      %dma_start3A_509 = tpu.memref_slice %arg4[%multiple_of3A_502] : memref<1280000xf32, #tpu.memory_space<hbm>> -> memref<128xf32, #tpu.memory_space<hbm>>
      tpu.enqueue_dma source(%dma_start3A_509 : memref<128xf32, #tpu.memory_space<hbm>>) target(%dma_start3A_508 : memref<128xf32, #tpu.memory_space<vmem>>) target_semaphore(%arg14 : memref<!tpu.dma_semaphore, #tpu.memory_space<semaphore_mem>>)
      %get3A_510 = arith.constant 0 : index
      %get3A_511 = tpu.vector_load %arg10[%get3A_510] {strides = array<i32>} : memref<32xi32, #tpu.memory_space<vmem>>, vector<16xi32>,
      %get3A_512 = vector.shape_cast %get3A_511 : vector<16xi32> to vector<16xi32>
      %slice3A_513 = vector.extract_strided_slice %get3A_512 {offsets = [10], sizes = [1], strides = [1]} : vector<16xi32> to vector<1xi32>
      %squeeze3A_514 = vector.extract %slice3A_513[0] : i32 from vector<1xi32>
      %get3A_515 = arith.index_cast %squeeze3A_514 : i32 to index
      %get3A_516 = tpu.vector_load %arg8[%get3A_515] {strides = array<i32>} : memref<112xf32, #tpu.memory_space<vmem>>, vector<16xf32>,
      %get3A_517 = vector.shape_cast %get3A_516 : vector<16xf32> to vector<16xf32>
      %slice3A_518 = vector.extract_strided_slice %get3A_517 {offsets = [0], sizes = [1], strides = [1]} : vector<16xf32> to vector<1xf32>
      %squeeze3A_519 = vector.extract %slice3A_518[0] : f32 from vector<1xf32>
      %get3A_520 = arith.index_cast %squeeze3A_514 : i32 to index
      %get3A_521 = tpu.vector_load %arg9[%get3A_520] {strides = array<i32>} : memref<112xi32, #tpu.memory_space<vmem>>, vector<16xi32>,
      %get3A_522 = vector.shape_cast %get3A_521 : vector<16xi32> to vector<16xi32>
      %slice3A_523 = vector.extract_strided_slice %get3A_522 {offsets = [0], sizes = [1], strides = [1]} : vector<16xi32> to vector<1xi32>
      %squeeze3A_524 = vector.extract %slice3A_523[0] : i32 from vector<1xi32>
      %eq3A_525 = arith.constant 10 : i32
      %eq3A_526 = vector.broadcast %eq3A_525 : i32 to vector<16xi32>
      %eq3A_527 = arith.cmpi eq, %iota3A, %eq3A_526 : vector<16xi32>
      %broadcast_in_dim3A_528 = vector.broadcast %squeeze3A_519 : f32 to vector<16xf32>
      %select_n3A_529 = arith.select %eq3A_527, %broadcast_in_dim3A_528, %select_n3A_477 : vector<16xi1>, vector<16xf32>
      %mul3A_530 = arith.constant 20000 : i32
      %mul3A_531 = arith.muli %arg1, %mul3A_530 : i32
      %add3A_532 = arith.addi %squeeze3A_524, %mul3A_531 : i32
      %mul3A_533 = arith.constant 4 : i32
      %mul3A_534 = arith.muli %add3A_532, %mul3A_533 : i32
      %jit3A_535 = arith.constant 8 : i32
      %eq3A_536 = arith.constant 0 : i32
      %eq3A_537 = arith.cmpi eq, %jit3A_535, %eq3A_536 : i32
      %jit3A_538 = arith.constant 1 : i32
      %select_n3A_539 = arith.select %eq3A_537, %jit3A_538, %jit3A_535 : i32
      %rem3A_540 = arith.remsi %mul3A_534, %select_n3A_539 : i32
      %ne3A_541 = arith.constant 0 : i32
      %ne3A_542 = arith.cmpi ne, %rem3A_540, %ne3A_541 : i32
      %lt3A_543 = arith.constant 0 : i32
      %lt3A_544 = arith.cmpi slt, %rem3A_540, %lt3A_543 : i32
      %lt3A_545 = arith.constant 0 : i32
      %lt3A_546 = arith.cmpi slt, %select_n3A_539, %lt3A_545 : i32
      %ne3A_547 = arith.xori %lt3A_544, %lt3A_546 : i1
      %and3A_548 = arith.andi %ne3A_547, %ne3A_542 : i1
      %add3A_549 = arith.addi %rem3A_540, %select_n3A_539 : i32
      %select_n3A_550 = arith.select %and3A_548, %add3A_549, %rem3A_540 : i32
      %sub3A_551 = arith.subi %mul3A_534, %select_n3A_550 : i32
      %min3A_552 = arith.constant 1279872 : i32
      %min3A_553 = arith.minsi %sub3A_551, %min3A_552 : i32
      %multiple_of3A_554 = tpu.assume_multiple %min3A_553, 8 : i32
      %sub3A_555 = arith.subi %mul3A_534, %multiple_of3A_554 : i32
      %dma_start3A_556 = arith.constant 1280 : i32
      %dma_start3A_557 = tpu.memref_slice %arg12[%dma_start3A_556] : memref<2576xf32, #tpu.memory_space<vmem>> -> memref<128xf32, #tpu.memory_space<vmem>>
      %dma_start3A_558 = tpu.memref_slice %arg4[%multiple_of3A_554] : memref<1280000xf32, #tpu.memory_space<hbm>> -> memref<128xf32, #tpu.memory_space<hbm>>
      %dma_start3A_559 = arith.constant 1280 : i32
      %dma_start3A_560 = tpu.memref_slice %arg12[%dma_start3A_559] : memref<2576xf32, #tpu.memory_space<vmem>> -> memref<128xf32, #tpu.memory_space<vmem>>
      %dma_start3A_561 = tpu.memref_slice %arg4[%multiple_of3A_554] : memref<1280000xf32, #tpu.memory_space<hbm>> -> memref<128xf32, #tpu.memory_space<hbm>>
      tpu.enqueue_dma source(%dma_start3A_561 : memref<128xf32, #tpu.memory_space<hbm>>) target(%dma_start3A_560 : memref<128xf32, #tpu.memory_space<vmem>>) target_semaphore(%arg14 : memref<!tpu.dma_semaphore, #tpu.memory_space<semaphore_mem>>)
      %get3A_562 = arith.constant 0 : index
      %get3A_563 = tpu.vector_load %arg10[%get3A_562] {strides = array<i32>} : memref<32xi32, #tpu.memory_space<vmem>>, vector<16xi32>,
      %get3A_564 = vector.shape_cast %get3A_563 : vector<16xi32> to vector<16xi32>
      %slice3A_565 = vector.extract_strided_slice %get3A_564 {offsets = [11], sizes = [1], strides = [1]} : vector<16xi32> to vector<1xi32>
      %squeeze3A_566 = vector.extract %slice3A_565[0] : i32 from vector<1xi32>
      %get3A_567 = arith.index_cast %squeeze3A_566 : i32 to index
      %get3A_568 = tpu.vector_load %arg8[%get3A_567] {strides = array<i32>} : memref<112xf32, #tpu.memory_space<vmem>>, vector<16xf32>,
      %get3A_569 = vector.shape_cast %get3A_568 : vector<16xf32> to vector<16xf32>
      %slice3A_570 = vector.extract_strided_slice %get3A_569 {offsets = [0], sizes = [1], strides = [1]} : vector<16xf32> to vector<1xf32>
      %squeeze3A_571 = vector.extract %slice3A_570[0] : f32 from vector<1xf32>
      %get3A_572 = arith.index_cast %squeeze3A_566 : i32 to index
      %get3A_573 = tpu.vector_load %arg9[%get3A_572] {strides = array<i32>} : memref<112xi32, #tpu.memory_space<vmem>>, vector<16xi32>,
      %get3A_574 = vector.shape_cast %get3A_573 : vector<16xi32> to vector<16xi32>
      %slice3A_575 = vector.extract_strided_slice %get3A_574 {offsets = [0], sizes = [1], strides = [1]} : vector<16xi32> to vector<1xi32>
      %squeeze3A_576 = vector.extract %slice3A_575[0] : i32 from vector<1xi32>
      %eq3A_577 = arith.constant 11 : i32
      %eq3A_578 = vector.broadcast %eq3A_577 : i32 to vector<16xi32>
      %eq3A_579 = arith.cmpi eq, %iota3A, %eq3A_578 : vector<16xi32>
      %broadcast_in_dim3A_580 = vector.broadcast %squeeze3A_571 : f32 to vector<16xf32>
      %select_n3A_581 = arith.select %eq3A_579, %broadcast_in_dim3A_580, %select_n3A_529 : vector<16xi1>, vector<16xf32>
      %mul3A_582 = arith.constant 20000 : i32
      %mul3A_583 = arith.muli %arg1, %mul3A_582 : i32
      %add3A_584 = arith.addi %squeeze3A_576, %mul3A_583 : i32
      %mul3A_585 = arith.constant 4 : i32
      %mul3A_586 = arith.muli %add3A_584, %mul3A_585 : i32
      %jit3A_587 = arith.constant 8 : i32
      %eq3A_588 = arith.constant 0 : i32
      %eq3A_589 = arith.cmpi eq, %jit3A_587, %eq3A_588 : i32
      %jit3A_590 = arith.constant 1 : i32
      %select_n3A_591 = arith.select %eq3A_589, %jit3A_590, %jit3A_587 : i32
      %rem3A_592 = arith.remsi %mul3A_586, %select_n3A_591 : i32
      %ne3A_593 = arith.constant 0 : i32
      %ne3A_594 = arith.cmpi ne, %rem3A_592, %ne3A_593 : i32
      %lt3A_595 = arith.constant 0 : i32
      %lt3A_596 = arith.cmpi slt, %rem3A_592, %lt3A_595 : i32
      %lt3A_597 = arith.constant 0 : i32
      %lt3A_598 = arith.cmpi slt, %select_n3A_591, %lt3A_597 : i32
      %ne3A_599 = arith.xori %lt3A_596, %lt3A_598 : i1
      %and3A_600 = arith.andi %ne3A_599, %ne3A_594 : i1
      %add3A_601 = arith.addi %rem3A_592, %select_n3A_591 : i32
      %select_n3A_602 = arith.select %and3A_600, %add3A_601, %rem3A_592 : i32
      %sub3A_603 = arith.subi %mul3A_586, %select_n3A_602 : i32
      %min3A_604 = arith.constant 1279872 : i32
      %min3A_605 = arith.minsi %sub3A_603, %min3A_604 : i32
      %multiple_of3A_606 = tpu.assume_multiple %min3A_605, 8 : i32
      %sub3A_607 = arith.subi %mul3A_586, %multiple_of3A_606 : i32
      %dma_start3A_608 = arith.constant 1408 : i32
      %dma_start3A_609 = tpu.memref_slice %arg12[%dma_start3A_608] : memref<2576xf32, #tpu.memory_space<vmem>> -> memref<128xf32, #tpu.memory_space<vmem>>
      %dma_start3A_610 = tpu.memref_slice %arg4[%multiple_of3A_606] : memref<1280000xf32, #tpu.memory_space<hbm>> -> memref<128xf32, #tpu.memory_space<hbm>>
      %dma_start3A_611 = arith.constant 1408 : i32
      %dma_start3A_612 = tpu.memref_slice %arg12[%dma_start3A_611] : memref<2576xf32, #tpu.memory_space<vmem>> -> memref<128xf32, #tpu.memory_space<vmem>>
      %dma_start3A_613 = tpu.memref_slice %arg4[%multiple_of3A_606] : memref<1280000xf32, #tpu.memory_space<hbm>> -> memref<128xf32, #tpu.memory_space<hbm>>
      tpu.enqueue_dma source(%dma_start3A_613 : memref<128xf32, #tpu.memory_space<hbm>>) target(%dma_start3A_612 : memref<128xf32, #tpu.memory_space<vmem>>) target_semaphore(%arg14 : memref<!tpu.dma_semaphore, #tpu.memory_space<semaphore_mem>>)
      %get3A_614 = arith.constant 0 : index
      %get3A_615 = tpu.vector_load %arg10[%get3A_614] {strides = array<i32>} : memref<32xi32, #tpu.memory_space<vmem>>, vector<16xi32>,
      %get3A_616 = vector.shape_cast %get3A_615 : vector<16xi32> to vector<16xi32>
      %slice3A_617 = vector.extract_strided_slice %get3A_616 {offsets = [12], sizes = [1], strides = [1]} : vector<16xi32> to vector<1xi32>
      %squeeze3A_618 = vector.extract %slice3A_617[0] : i32 from vector<1xi32>
      %get3A_619 = arith.index_cast %squeeze3A_618 : i32 to index
      %get3A_620 = tpu.vector_load %arg8[%get3A_619] {strides = array<i32>} : memref<112xf32, #tpu.memory_space<vmem>>, vector<16xf32>,
      %get3A_621 = vector.shape_cast %get3A_620 : vector<16xf32> to vector<16xf32>
      %slice3A_622 = vector.extract_strided_slice %get3A_621 {offsets = [0], sizes = [1], strides = [1]} : vector<16xf32> to vector<1xf32>
      %squeeze3A_623 = vector.extract %slice3A_622[0] : f32 from vector<1xf32>
      %get3A_624 = arith.index_cast %squeeze3A_618 : i32 to index
      %get3A_625 = tpu.vector_load %arg9[%get3A_624] {strides = array<i32>} : memref<112xi32, #tpu.memory_space<vmem>>, vector<16xi32>,
      %get3A_626 = vector.shape_cast %get3A_625 : vector<16xi32> to vector<16xi32>
      %slice3A_627 = vector.extract_strided_slice %get3A_626 {offsets = [0], sizes = [1], strides = [1]} : vector<16xi32> to vector<1xi32>
      %squeeze3A_628 = vector.extract %slice3A_627[0] : i32 from vector<1xi32>
      %eq3A_629 = arith.constant 12 : i32
      %eq3A_630 = vector.broadcast %eq3A_629 : i32 to vector<16xi32>
      %eq3A_631 = arith.cmpi eq, %iota3A, %eq3A_630 : vector<16xi32>
      %broadcast_in_dim3A_632 = vector.broadcast %squeeze3A_623 : f32 to vector<16xf32>
      %select_n3A_633 = arith.select %eq3A_631, %broadcast_in_dim3A_632, %select_n3A_581 : vector<16xi1>, vector<16xf32>
      %mul3A_634 = arith.constant 20000 : i32
      %mul3A_635 = arith.muli %arg1, %mul3A_634 : i32
      %add3A_636 = arith.addi %squeeze3A_628, %mul3A_635 : i32
      %mul3A_637 = arith.constant 4 : i32
      %mul3A_638 = arith.muli %add3A_636, %mul3A_637 : i32
      %jit3A_639 = arith.constant 8 : i32
      %eq3A_640 = arith.constant 0 : i32
      %eq3A_641 = arith.cmpi eq, %jit3A_639, %eq3A_640 : i32
      %jit3A_642 = arith.constant 1 : i32
      %select_n3A_643 = arith.select %eq3A_641, %jit3A_642, %jit3A_639 : i32
      %rem3A_644 = arith.remsi %mul3A_638, %select_n3A_643 : i32
      %ne3A_645 = arith.constant 0 : i32
      %ne3A_646 = arith.cmpi ne, %rem3A_644, %ne3A_645 : i32
      %lt3A_647 = arith.constant 0 : i32
      %lt3A_648 = arith.cmpi slt, %rem3A_644, %lt3A_647 : i32
      %lt3A_649 = arith.constant 0 : i32
      %lt3A_650 = arith.cmpi slt, %select_n3A_643, %lt3A_649 : i32
      %ne3A_651 = arith.xori %lt3A_648, %lt3A_650 : i1
      %and3A_652 = arith.andi %ne3A_651, %ne3A_646 : i1
      %add3A_653 = arith.addi %rem3A_644, %select_n3A_643 : i32
      %select_n3A_654 = arith.select %and3A_652, %add3A_653, %rem3A_644 : i32
      %sub3A_655 = arith.subi %mul3A_638, %select_n3A_654 : i32
      %min3A_656 = arith.constant 1279872 : i32
      %min3A_657 = arith.minsi %sub3A_655, %min3A_656 : i32
      %multiple_of3A_658 = tpu.assume_multiple %min3A_657, 8 : i32
      %sub3A_659 = arith.subi %mul3A_638, %multiple_of3A_658 : i32
      %dma_start3A_660 = arith.constant 1536 : i32
      %dma_start3A_661 = tpu.memref_slice %arg12[%dma_start3A_660] : memref<2576xf32, #tpu.memory_space<vmem>> -> memref<128xf32, #tpu.memory_space<vmem>>
      %dma_start3A_662 = tpu.memref_slice %arg4[%multiple_of3A_658] : memref<1280000xf32, #tpu.memory_space<hbm>> -> memref<128xf32, #tpu.memory_space<hbm>>
      %dma_start3A_663 = arith.constant 1536 : i32
      %dma_start3A_664 = tpu.memref_slice %arg12[%dma_start3A_663] : memref<2576xf32, #tpu.memory_space<vmem>> -> memref<128xf32, #tpu.memory_space<vmem>>
      %dma_start3A_665 = tpu.memref_slice %arg4[%multiple_of3A_658] : memref<1280000xf32, #tpu.memory_space<hbm>> -> memref<128xf32, #tpu.memory_space<hbm>>
      tpu.enqueue_dma source(%dma_start3A_665 : memref<128xf32, #tpu.memory_space<hbm>>) target(%dma_start3A_664 : memref<128xf32, #tpu.memory_space<vmem>>) target_semaphore(%arg14 : memref<!tpu.dma_semaphore, #tpu.memory_space<semaphore_mem>>)
      %get3A_666 = arith.constant 0 : index
      %get3A_667 = tpu.vector_load %arg10[%get3A_666] {strides = array<i32>} : memref<32xi32, #tpu.memory_space<vmem>>, vector<16xi32>,
      %get3A_668 = vector.shape_cast %get3A_667 : vector<16xi32> to vector<16xi32>
      %slice3A_669 = vector.extract_strided_slice %get3A_668 {offsets = [13], sizes = [1], strides = [1]} : vector<16xi32> to vector<1xi32>
      %squeeze3A_670 = vector.extract %slice3A_669[0] : i32 from vector<1xi32>
      %get3A_671 = arith.index_cast %squeeze3A_670 : i32 to index
      %get3A_672 = tpu.vector_load %arg8[%get3A_671] {strides = array<i32>} : memref<112xf32, #tpu.memory_space<vmem>>, vector<16xf32>,
      %get3A_673 = vector.shape_cast %get3A_672 : vector<16xf32> to vector<16xf32>
      %slice3A_674 = vector.extract_strided_slice %get3A_673 {offsets = [0], sizes = [1], strides = [1]} : vector<16xf32> to vector<1xf32>
      %squeeze3A_675 = vector.extract %slice3A_674[0] : f32 from vector<1xf32>
      %get3A_676 = arith.index_cast %squeeze3A_670 : i32 to index
      %get3A_677 = tpu.vector_load %arg9[%get3A_676] {strides = array<i32>} : memref<112xi32, #tpu.memory_space<vmem>>, vector<16xi32>,
      %get3A_678 = vector.shape_cast %get3A_677 : vector<16xi32> to vector<16xi32>
      %slice3A_679 = vector.extract_strided_slice %get3A_678 {offsets = [0], sizes = [1], strides = [1]} : vector<16xi32> to vector<1xi32>
      %squeeze3A_680 = vector.extract %slice3A_679[0] : i32 from vector<1xi32>
      %eq3A_681 = arith.constant 13 : i32
      %eq3A_682 = vector.broadcast %eq3A_681 : i32 to vector<16xi32>
      %eq3A_683 = arith.cmpi eq, %iota3A, %eq3A_682 : vector<16xi32>
      %broadcast_in_dim3A_684 = vector.broadcast %squeeze3A_675 : f32 to vector<16xf32>
      %select_n3A_685 = arith.select %eq3A_683, %broadcast_in_dim3A_684, %select_n3A_633 : vector<16xi1>, vector<16xf32>
      %mul3A_686 = arith.constant 20000 : i32
      %mul3A_687 = arith.muli %arg1, %mul3A_686 : i32
      %add3A_688 = arith.addi %squeeze3A_680, %mul3A_687 : i32
      %mul3A_689 = arith.constant 4 : i32
      %mul3A_690 = arith.muli %add3A_688, %mul3A_689 : i32
      %jit3A_691 = arith.constant 8 : i32
      %eq3A_692 = arith.constant 0 : i32
      %eq3A_693 = arith.cmpi eq, %jit3A_691, %eq3A_692 : i32
      %jit3A_694 = arith.constant 1 : i32
      %select_n3A_695 = arith.select %eq3A_693, %jit3A_694, %jit3A_691 : i32
      %rem3A_696 = arith.remsi %mul3A_690, %select_n3A_695 : i32
      %ne3A_697 = arith.constant 0 : i32
      %ne3A_698 = arith.cmpi ne, %rem3A_696, %ne3A_697 : i32
      %lt3A_699 = arith.constant 0 : i32
      %lt3A_700 = arith.cmpi slt, %rem3A_696, %lt3A_699 : i32
      %lt3A_701 = arith.constant 0 : i32
      %lt3A_702 = arith.cmpi slt, %select_n3A_695, %lt3A_701 : i32
      %ne3A_703 = arith.xori %lt3A_700, %lt3A_702 : i1
      %and3A_704 = arith.andi %ne3A_703, %ne3A_698 : i1
      %add3A_705 = arith.addi %rem3A_696, %select_n3A_695 : i32
      %select_n3A_706 = arith.select %and3A_704, %add3A_705, %rem3A_696 : i32
      %sub3A_707 = arith.subi %mul3A_690, %select_n3A_706 : i32
      %min3A_708 = arith.constant 1279872 : i32
      %min3A_709 = arith.minsi %sub3A_707, %min3A_708 : i32
      %multiple_of3A_710 = tpu.assume_multiple %min3A_709, 8 : i32
      %sub3A_711 = arith.subi %mul3A_690, %multiple_of3A_710 : i32
      %dma_start3A_712 = arith.constant 1664 : i32
      %dma_start3A_713 = tpu.memref_slice %arg12[%dma_start3A_712] : memref<2576xf32, #tpu.memory_space<vmem>> -> memref<128xf32, #tpu.memory_space<vmem>>
      %dma_start3A_714 = tpu.memref_slice %arg4[%multiple_of3A_710] : memref<1280000xf32, #tpu.memory_space<hbm>> -> memref<128xf32, #tpu.memory_space<hbm>>
      %dma_start3A_715 = arith.constant 1664 : i32
      %dma_start3A_716 = tpu.memref_slice %arg12[%dma_start3A_715] : memref<2576xf32, #tpu.memory_space<vmem>> -> memref<128xf32, #tpu.memory_space<vmem>>
      %dma_start3A_717 = tpu.memref_slice %arg4[%multiple_of3A_710] : memref<1280000xf32, #tpu.memory_space<hbm>> -> memref<128xf32, #tpu.memory_space<hbm>>
      tpu.enqueue_dma source(%dma_start3A_717 : memref<128xf32, #tpu.memory_space<hbm>>) target(%dma_start3A_716 : memref<128xf32, #tpu.memory_space<vmem>>) target_semaphore(%arg14 : memref<!tpu.dma_semaphore, #tpu.memory_space<semaphore_mem>>)
      %get3A_718 = arith.constant 0 : index
      %get3A_719 = tpu.vector_load %arg10[%get3A_718] {strides = array<i32>} : memref<32xi32, #tpu.memory_space<vmem>>, vector<16xi32>,
      %get3A_720 = vector.shape_cast %get3A_719 : vector<16xi32> to vector<16xi32>
      %slice3A_721 = vector.extract_strided_slice %get3A_720 {offsets = [14], sizes = [1], strides = [1]} : vector<16xi32> to vector<1xi32>
      %squeeze3A_722 = vector.extract %slice3A_721[0] : i32 from vector<1xi32>
      %get3A_723 = arith.index_cast %squeeze3A_722 : i32 to index
      %get3A_724 = tpu.vector_load %arg8[%get3A_723] {strides = array<i32>} : memref<112xf32, #tpu.memory_space<vmem>>, vector<16xf32>,
      %get3A_725 = vector.shape_cast %get3A_724 : vector<16xf32> to vector<16xf32>
      %slice3A_726 = vector.extract_strided_slice %get3A_725 {offsets = [0], sizes = [1], strides = [1]} : vector<16xf32> to vector<1xf32>
      %squeeze3A_727 = vector.extract %slice3A_726[0] : f32 from vector<1xf32>
      %get3A_728 = arith.index_cast %squeeze3A_722 : i32 to index
      %get3A_729 = tpu.vector_load %arg9[%get3A_728] {strides = array<i32>} : memref<112xi32, #tpu.memory_space<vmem>>, vector<16xi32>,
      %get3A_730 = vector.shape_cast %get3A_729 : vector<16xi32> to vector<16xi32>
      %slice3A_731 = vector.extract_strided_slice %get3A_730 {offsets = [0], sizes = [1], strides = [1]} : vector<16xi32> to vector<1xi32>
      %squeeze3A_732 = vector.extract %slice3A_731[0] : i32 from vector<1xi32>
      %eq3A_733 = arith.constant 14 : i32
      %eq3A_734 = vector.broadcast %eq3A_733 : i32 to vector<16xi32>
      %eq3A_735 = arith.cmpi eq, %iota3A, %eq3A_734 : vector<16xi32>
      %broadcast_in_dim3A_736 = vector.broadcast %squeeze3A_727 : f32 to vector<16xf32>
      %select_n3A_737 = arith.select %eq3A_735, %broadcast_in_dim3A_736, %select_n3A_685 : vector<16xi1>, vector<16xf32>
      %mul3A_738 = arith.constant 20000 : i32
      %mul3A_739 = arith.muli %arg1, %mul3A_738 : i32
      %add3A_740 = arith.addi %squeeze3A_732, %mul3A_739 : i32
      %mul3A_741 = arith.constant 4 : i32
      %mul3A_742 = arith.muli %add3A_740, %mul3A_741 : i32
      %jit3A_743 = arith.constant 8 : i32
      %eq3A_744 = arith.constant 0 : i32
      %eq3A_745 = arith.cmpi eq, %jit3A_743, %eq3A_744 : i32
      %jit3A_746 = arith.constant 1 : i32
      %select_n3A_747 = arith.select %eq3A_745, %jit3A_746, %jit3A_743 : i32
      %rem3A_748 = arith.remsi %mul3A_742, %select_n3A_747 : i32
      %ne3A_749 = arith.constant 0 : i32
      %ne3A_750 = arith.cmpi ne, %rem3A_748, %ne3A_749 : i32
      %lt3A_751 = arith.constant 0 : i32
      %lt3A_752 = arith.cmpi slt, %rem3A_748, %lt3A_751 : i32
      %lt3A_753 = arith.constant 0 : i32
      %lt3A_754 = arith.cmpi slt, %select_n3A_747, %lt3A_753 : i32
      %ne3A_755 = arith.xori %lt3A_752, %lt3A_754 : i1
      %and3A_756 = arith.andi %ne3A_755, %ne3A_750 : i1
      %add3A_757 = arith.addi %rem3A_748, %select_n3A_747 : i32
      %select_n3A_758 = arith.select %and3A_756, %add3A_757, %rem3A_748 : i32
      %sub3A_759 = arith.subi %mul3A_742, %select_n3A_758 : i32
      %min3A_760 = arith.constant 1279872 : i32
      %min3A_761 = arith.minsi %sub3A_759, %min3A_760 : i32
      %multiple_of3A_762 = tpu.assume_multiple %min3A_761, 8 : i32
      %sub3A_763 = arith.subi %mul3A_742, %multiple_of3A_762 : i32
      %dma_start3A_764 = arith.constant 1792 : i32
      %dma_start3A_765 = tpu.memref_slice %arg12[%dma_start3A_764] : memref<2576xf32, #tpu.memory_space<vmem>> -> memref<128xf32, #tpu.memory_space<vmem>>
      %dma_start3A_766 = tpu.memref_slice %arg4[%multiple_of3A_762] : memref<1280000xf32, #tpu.memory_space<hbm>> -> memref<128xf32, #tpu.memory_space<hbm>>
      %dma_start3A_767 = arith.constant 1792 : i32
      %dma_start3A_768 = tpu.memref_slice %arg12[%dma_start3A_767] : memref<2576xf32, #tpu.memory_space<vmem>> -> memref<128xf32, #tpu.memory_space<vmem>>
      %dma_start3A_769 = tpu.memref_slice %arg4[%multiple_of3A_762] : memref<1280000xf32, #tpu.memory_space<hbm>> -> memref<128xf32, #tpu.memory_space<hbm>>
      tpu.enqueue_dma source(%dma_start3A_769 : memref<128xf32, #tpu.memory_space<hbm>>) target(%dma_start3A_768 : memref<128xf32, #tpu.memory_space<vmem>>) target_semaphore(%arg14 : memref<!tpu.dma_semaphore, #tpu.memory_space<semaphore_mem>>)
      %get3A_770 = arith.constant 0 : index
      %get3A_771 = tpu.vector_load %arg10[%get3A_770] {strides = array<i32>} : memref<32xi32, #tpu.memory_space<vmem>>, vector<16xi32>,
      %get3A_772 = vector.shape_cast %get3A_771 : vector<16xi32> to vector<16xi32>
      %slice3A_773 = vector.extract_strided_slice %get3A_772 {offsets = [15], sizes = [1], strides = [1]} : vector<16xi32> to vector<1xi32>
      %squeeze3A_774 = vector.extract %slice3A_773[0] : i32 from vector<1xi32>
      %get3A_775 = arith.index_cast %squeeze3A_774 : i32 to index
      %get3A_776 = tpu.vector_load %arg8[%get3A_775] {strides = array<i32>} : memref<112xf32, #tpu.memory_space<vmem>>, vector<16xf32>,
      %get3A_777 = vector.shape_cast %get3A_776 : vector<16xf32> to vector<16xf32>
      %slice3A_778 = vector.extract_strided_slice %get3A_777 {offsets = [0], sizes = [1], strides = [1]} : vector<16xf32> to vector<1xf32>
      %squeeze3A_779 = vector.extract %slice3A_778[0] : f32 from vector<1xf32>
      %get3A_780 = arith.index_cast %squeeze3A_774 : i32 to index
      %get3A_781 = tpu.vector_load %arg9[%get3A_780] {strides = array<i32>} : memref<112xi32, #tpu.memory_space<vmem>>, vector<16xi32>,
      %get3A_782 = vector.shape_cast %get3A_781 : vector<16xi32> to vector<16xi32>
      %slice3A_783 = vector.extract_strided_slice %get3A_782 {offsets = [0], sizes = [1], strides = [1]} : vector<16xi32> to vector<1xi32>
      %squeeze3A_784 = vector.extract %slice3A_783[0] : i32 from vector<1xi32>
      %eq3A_785 = arith.constant 15 : i32
      %eq3A_786 = vector.broadcast %eq3A_785 : i32 to vector<16xi32>
      %eq3A_787 = arith.cmpi eq, %iota3A, %eq3A_786 : vector<16xi32>
      %broadcast_in_dim3A_788 = vector.broadcast %squeeze3A_779 : f32 to vector<16xf32>
      %select_n3A_789 = arith.select %eq3A_787, %broadcast_in_dim3A_788, %select_n3A_737 : vector<16xi1>, vector<16xf32>
      %mul3A_790 = arith.constant 20000 : i32
      %mul3A_791 = arith.muli %arg1, %mul3A_790 : i32
      %add3A_792 = arith.addi %squeeze3A_784, %mul3A_791 : i32
      %mul3A_793 = arith.constant 4 : i32
      %mul3A_794 = arith.muli %add3A_792, %mul3A_793 : i32
      %jit3A_795 = arith.constant 8 : i32
      %eq3A_796 = arith.constant 0 : i32
      %eq3A_797 = arith.cmpi eq, %jit3A_795, %eq3A_796 : i32
      %jit3A_798 = arith.constant 1 : i32
      %select_n3A_799 = arith.select %eq3A_797, %jit3A_798, %jit3A_795 : i32
      %rem3A_800 = arith.remsi %mul3A_794, %select_n3A_799 : i32
      %ne3A_801 = arith.constant 0 : i32
      %ne3A_802 = arith.cmpi ne, %rem3A_800, %ne3A_801 : i32
      %lt3A_803 = arith.constant 0 : i32
      %lt3A_804 = arith.cmpi slt, %rem3A_800, %lt3A_803 : i32
      %lt3A_805 = arith.constant 0 : i32
      %lt3A_806 = arith.cmpi slt, %select_n3A_799, %lt3A_805 : i32
      %ne3A_807 = arith.xori %lt3A_804, %lt3A_806 : i1
      %and3A_808 = arith.andi %ne3A_807, %ne3A_802 : i1
      %add3A_809 = arith.addi %rem3A_800, %select_n3A_799 : i32
      %select_n3A_810 = arith.select %and3A_808, %add3A_809, %rem3A_800 : i32
      %sub3A_811 = arith.subi %mul3A_794, %select_n3A_810 : i32
      %min3A_812 = arith.constant 1279872 : i32
      %min3A_813 = arith.minsi %sub3A_811, %min3A_812 : i32
      %multiple_of3A_814 = tpu.assume_multiple %min3A_813, 8 : i32
      %sub3A_815 = arith.subi %mul3A_794, %multiple_of3A_814 : i32
      %dma_start3A_816 = arith.constant 1920 : i32
      %dma_start3A_817 = tpu.memref_slice %arg12[%dma_start3A_816] : memref<2576xf32, #tpu.memory_space<vmem>> -> memref<128xf32, #tpu.memory_space<vmem>>
      %dma_start3A_818 = tpu.memref_slice %arg4[%multiple_of3A_814] : memref<1280000xf32, #tpu.memory_space<hbm>> -> memref<128xf32, #tpu.memory_space<hbm>>
      %dma_start3A_819 = arith.constant 1920 : i32
      %dma_start3A_820 = tpu.memref_slice %arg12[%dma_start3A_819] : memref<2576xf32, #tpu.memory_space<vmem>> -> memref<128xf32, #tpu.memory_space<vmem>>
      %dma_start3A_821 = tpu.memref_slice %arg4[%multiple_of3A_814] : memref<1280000xf32, #tpu.memory_space<hbm>> -> memref<128xf32, #tpu.memory_space<hbm>>
      tpu.enqueue_dma source(%dma_start3A_821 : memref<128xf32, #tpu.memory_space<hbm>>) target(%dma_start3A_820 : memref<128xf32, #tpu.memory_space<vmem>>) target_semaphore(%arg14 : memref<!tpu.dma_semaphore, #tpu.memory_space<semaphore_mem>>)
      %get3A_822 = arith.constant 16 : index
      %get3A_823 = tpu.vector_load %arg10[%get3A_822] {strides = array<i32>} : memref<32xi32, #tpu.memory_space<vmem>>, vector<16xi32>,
      %get3A_824 = vector.shape_cast %get3A_823 : vector<16xi32> to vector<16xi32>
      %slice3A_825 = vector.extract_strided_slice %get3A_824 {offsets = [0], sizes = [1], strides = [1]} : vector<16xi32> to vector<1xi32>
      %squeeze3A_826 = vector.extract %slice3A_825[0] : i32 from vector<1xi32>
      %get3A_827 = arith.index_cast %squeeze3A_826 : i32 to index
      %get3A_828 = tpu.vector_load %arg8[%get3A_827] {strides = array<i32>} : memref<112xf32, #tpu.memory_space<vmem>>, vector<16xf32>,
      %get3A_829 = vector.shape_cast %get3A_828 : vector<16xf32> to vector<16xf32>
      %slice3A_830 = vector.extract_strided_slice %get3A_829 {offsets = [0], sizes = [1], strides = [1]} : vector<16xf32> to vector<1xf32>
      %squeeze3A_831 = vector.extract %slice3A_830[0] : f32 from vector<1xf32>
      %get3A_832 = arith.index_cast %squeeze3A_826 : i32 to index
      %get3A_833 = tpu.vector_load %arg9[%get3A_832] {strides = array<i32>} : memref<112xi32, #tpu.memory_space<vmem>>, vector<16xi32>,
      %get3A_834 = vector.shape_cast %get3A_833 : vector<16xi32> to vector<16xi32>
      %slice3A_835 = vector.extract_strided_slice %get3A_834 {offsets = [0], sizes = [1], strides = [1]} : vector<16xi32> to vector<1xi32>
      %squeeze3A_836 = vector.extract %slice3A_835[0] : i32 from vector<1xi32>
      %eq3A_837 = arith.constant 0 : i32
      %eq3A_838 = vector.broadcast %eq3A_837 : i32 to vector<16xi32>
      %eq3A_839 = arith.cmpi eq, %iota3A, %eq3A_838 : vector<16xi32>
      %broadcast_in_dim3A_840 = vector.broadcast %squeeze3A_831 : f32 to vector<16xf32>
      %select_n3A_841 = arith.select %eq3A_839, %broadcast_in_dim3A_840, %broadcast_in_dim3A_4 : vector<16xi1>, vector<16xf32>
      %mul3A_842 = arith.constant 20000 : i32
      %mul3A_843 = arith.muli %arg1, %mul3A_842 : i32
      %add3A_844 = arith.addi %squeeze3A_836, %mul3A_843 : i32
      %mul3A_845 = arith.constant 4 : i32
      %mul3A_846 = arith.muli %add3A_844, %mul3A_845 : i32
      %jit3A_847 = arith.constant 8 : i32
      %eq3A_848 = arith.constant 0 : i32
      %eq3A_849 = arith.cmpi eq, %jit3A_847, %eq3A_848 : i32
      %jit3A_850 = arith.constant 1 : i32
      %select_n3A_851 = arith.select %eq3A_849, %jit3A_850, %jit3A_847 : i32
      %rem3A_852 = arith.remsi %mul3A_846, %select_n3A_851 : i32
      %ne3A_853 = arith.constant 0 : i32
      %ne3A_854 = arith.cmpi ne, %rem3A_852, %ne3A_853 : i32
      %lt3A_855 = arith.constant 0 : i32
      %lt3A_856 = arith.cmpi slt, %rem3A_852, %lt3A_855 : i32
      %lt3A_857 = arith.constant 0 : i32
      %lt3A_858 = arith.cmpi slt, %select_n3A_851, %lt3A_857 : i32
      %ne3A_859 = arith.xori %lt3A_856, %lt3A_858 : i1
      %and3A_860 = arith.andi %ne3A_859, %ne3A_854 : i1
      %add3A_861 = arith.addi %rem3A_852, %select_n3A_851 : i32
      %select_n3A_862 = arith.select %and3A_860, %add3A_861, %rem3A_852 : i32
      %sub3A_863 = arith.subi %mul3A_846, %select_n3A_862 : i32
      %min3A_864 = arith.constant 1279872 : i32
      %min3A_865 = arith.minsi %sub3A_863, %min3A_864 : i32
      %multiple_of3A_866 = tpu.assume_multiple %min3A_865, 8 : i32
      %sub3A_867 = arith.subi %mul3A_846, %multiple_of3A_866 : i32
      %dma_start3A_868 = arith.constant 2048 : i32
      %dma_start3A_869 = tpu.memref_slice %arg12[%dma_start3A_868] : memref<2576xf32, #tpu.memory_space<vmem>> -> memref<128xf32, #tpu.memory_space<vmem>>
      %dma_start3A_870 = tpu.memref_slice %arg4[%multiple_of3A_866] : memref<1280000xf32, #tpu.memory_space<hbm>> -> memref<128xf32, #tpu.memory_space<hbm>>
      %dma_start3A_871 = arith.constant 2048 : i32
      %dma_start3A_872 = tpu.memref_slice %arg12[%dma_start3A_871] : memref<2576xf32, #tpu.memory_space<vmem>> -> memref<128xf32, #tpu.memory_space<vmem>>
      %dma_start3A_873 = tpu.memref_slice %arg4[%multiple_of3A_866] : memref<1280000xf32, #tpu.memory_space<hbm>> -> memref<128xf32, #tpu.memory_space<hbm>>
      tpu.enqueue_dma source(%dma_start3A_873 : memref<128xf32, #tpu.memory_space<hbm>>) target(%dma_start3A_872 : memref<128xf32, #tpu.memory_space<vmem>>) target_semaphore(%arg14 : memref<!tpu.dma_semaphore, #tpu.memory_space<semaphore_mem>>)
      %get3A_874 = arith.constant 16 : index
      %get3A_875 = tpu.vector_load %arg10[%get3A_874] {strides = array<i32>} : memref<32xi32, #tpu.memory_space<vmem>>, vector<16xi32>,
      %get3A_876 = vector.shape_cast %get3A_875 : vector<16xi32> to vector<16xi32>
      %slice3A_877 = vector.extract_strided_slice %get3A_876 {offsets = [1], sizes = [1], strides = [1]} : vector<16xi32> to vector<1xi32>
      %squeeze3A_878 = vector.extract %slice3A_877[0] : i32 from vector<1xi32>
      %get3A_879 = arith.index_cast %squeeze3A_878 : i32 to index
      %get3A_880 = tpu.vector_load %arg8[%get3A_879] {strides = array<i32>} : memref<112xf32, #tpu.memory_space<vmem>>, vector<16xf32>,
      %get3A_881 = vector.shape_cast %get3A_880 : vector<16xf32> to vector<16xf32>
      %slice3A_882 = vector.extract_strided_slice %get3A_881 {offsets = [0], sizes = [1], strides = [1]} : vector<16xf32> to vector<1xf32>
      %squeeze3A_883 = vector.extract %slice3A_882[0] : f32 from vector<1xf32>
      %get3A_884 = arith.index_cast %squeeze3A_878 : i32 to index
      %get3A_885 = tpu.vector_load %arg9[%get3A_884] {strides = array<i32>} : memref<112xi32, #tpu.memory_space<vmem>>, vector<16xi32>,
      %get3A_886 = vector.shape_cast %get3A_885 : vector<16xi32> to vector<16xi32>
      %slice3A_887 = vector.extract_strided_slice %get3A_886 {offsets = [0], sizes = [1], strides = [1]} : vector<16xi32> to vector<1xi32>
      %squeeze3A_888 = vector.extract %slice3A_887[0] : i32 from vector<1xi32>
      %eq3A_889 = arith.constant 1 : i32
      %eq3A_890 = vector.broadcast %eq3A_889 : i32 to vector<16xi32>
      %eq3A_891 = arith.cmpi eq, %iota3A, %eq3A_890 : vector<16xi32>
      %broadcast_in_dim3A_892 = vector.broadcast %squeeze3A_883 : f32 to vector<16xf32>
      %select_n3A_893 = arith.select %eq3A_891, %broadcast_in_dim3A_892, %select_n3A_841 : vector<16xi1>, vector<16xf32>
      %mul3A_894 = arith.constant 20000 : i32
      %mul3A_895 = arith.muli %arg1, %mul3A_894 : i32
      %add3A_896 = arith.addi %squeeze3A_888, %mul3A_895 : i32
      %mul3A_897 = arith.constant 4 : i32
      %mul3A_898 = arith.muli %add3A_896, %mul3A_897 : i32
      %jit3A_899 = arith.constant 8 : i32
      %eq3A_900 = arith.constant 0 : i32
      %eq3A_901 = arith.cmpi eq, %jit3A_899, %eq3A_900 : i32
      %jit3A_902 = arith.constant 1 : i32
      %select_n3A_903 = arith.select %eq3A_901, %jit3A_902, %jit3A_899 : i32
      %rem3A_904 = arith.remsi %mul3A_898, %select_n3A_903 : i32
      %ne3A_905 = arith.constant 0 : i32
      %ne3A_906 = arith.cmpi ne, %rem3A_904, %ne3A_905 : i32
      %lt3A_907 = arith.constant 0 : i32
      %lt3A_908 = arith.cmpi slt, %rem3A_904, %lt3A_907 : i32
      %lt3A_909 = arith.constant 0 : i32
      %lt3A_910 = arith.cmpi slt, %select_n3A_903, %lt3A_909 : i32
      %ne3A_911 = arith.xori %lt3A_908, %lt3A_910 : i1
      %and3A_912 = arith.andi %ne3A_911, %ne3A_906 : i1
      %add3A_913 = arith.addi %rem3A_904, %select_n3A_903 : i32
      %select_n3A_914 = arith.select %and3A_912, %add3A_913, %rem3A_904 : i32
      %sub3A_915 = arith.subi %mul3A_898, %select_n3A_914 : i32
      %min3A_916 = arith.constant 1279872 : i32
      %min3A_917 = arith.minsi %sub3A_915, %min3A_916 : i32
      %multiple_of3A_918 = tpu.assume_multiple %min3A_917, 8 : i32
      %sub3A_919 = arith.subi %mul3A_898, %multiple_of3A_918 : i32
      %dma_start3A_920 = arith.constant 2176 : i32
      %dma_start3A_921 = tpu.memref_slice %arg12[%dma_start3A_920] : memref<2576xf32, #tpu.memory_space<vmem>> -> memref<128xf32, #tpu.memory_space<vmem>>
      %dma_start3A_922 = tpu.memref_slice %arg4[%multiple_of3A_918] : memref<1280000xf32, #tpu.memory_space<hbm>> -> memref<128xf32, #tpu.memory_space<hbm>>
      %dma_start3A_923 = arith.constant 2176 : i32
      %dma_start3A_924 = tpu.memref_slice %arg12[%dma_start3A_923] : memref<2576xf32, #tpu.memory_space<vmem>> -> memref<128xf32, #tpu.memory_space<vmem>>
      %dma_start3A_925 = tpu.memref_slice %arg4[%multiple_of3A_918] : memref<1280000xf32, #tpu.memory_space<hbm>> -> memref<128xf32, #tpu.memory_space<hbm>>
      tpu.enqueue_dma source(%dma_start3A_925 : memref<128xf32, #tpu.memory_space<hbm>>) target(%dma_start3A_924 : memref<128xf32, #tpu.memory_space<vmem>>) target_semaphore(%arg14 : memref<!tpu.dma_semaphore, #tpu.memory_space<semaphore_mem>>)
      %get3A_926 = arith.constant 16 : index
      %get3A_927 = tpu.vector_load %arg10[%get3A_926] {strides = array<i32>} : memref<32xi32, #tpu.memory_space<vmem>>, vector<16xi32>,
      %get3A_928 = vector.shape_cast %get3A_927 : vector<16xi32> to vector<16xi32>
      %slice3A_929 = vector.extract_strided_slice %get3A_928 {offsets = [2], sizes = [1], strides = [1]} : vector<16xi32> to vector<1xi32>
      %squeeze3A_930 = vector.extract %slice3A_929[0] : i32 from vector<1xi32>
      %get3A_931 = arith.index_cast %squeeze3A_930 : i32 to index
      %get3A_932 = tpu.vector_load %arg8[%get3A_931] {strides = array<i32>} : memref<112xf32, #tpu.memory_space<vmem>>, vector<16xf32>,
      %get3A_933 = vector.shape_cast %get3A_932 : vector<16xf32> to vector<16xf32>
      %slice3A_934 = vector.extract_strided_slice %get3A_933 {offsets = [0], sizes = [1], strides = [1]} : vector<16xf32> to vector<1xf32>
      %squeeze3A_935 = vector.extract %slice3A_934[0] : f32 from vector<1xf32>
      %get3A_936 = arith.index_cast %squeeze3A_930 : i32 to index
      %get3A_937 = tpu.vector_load %arg9[%get3A_936] {strides = array<i32>} : memref<112xi32, #tpu.memory_space<vmem>>, vector<16xi32>,
      %get3A_938 = vector.shape_cast %get3A_937 : vector<16xi32> to vector<16xi32>
      %slice3A_939 = vector.extract_strided_slice %get3A_938 {offsets = [0], sizes = [1], strides = [1]} : vector<16xi32> to vector<1xi32>
      %squeeze3A_940 = vector.extract %slice3A_939[0] : i32 from vector<1xi32>
      %eq3A_941 = arith.constant 2 : i32
      %eq3A_942 = vector.broadcast %eq3A_941 : i32 to vector<16xi32>
      %eq3A_943 = arith.cmpi eq, %iota3A, %eq3A_942 : vector<16xi32>
      %broadcast_in_dim3A_944 = vector.broadcast %squeeze3A_935 : f32 to vector<16xf32>
      %select_n3A_945 = arith.select %eq3A_943, %broadcast_in_dim3A_944, %select_n3A_893 : vector<16xi1>, vector<16xf32>
      %mul3A_946 = arith.constant 20000 : i32
      %mul3A_947 = arith.muli %arg1, %mul3A_946 : i32
      %add3A_948 = arith.addi %squeeze3A_940, %mul3A_947 : i32
      %mul3A_949 = arith.constant 4 : i32
      %mul3A_950 = arith.muli %add3A_948, %mul3A_949 : i32
      %jit3A_951 = arith.constant 8 : i32
      %eq3A_952 = arith.constant 0 : i32
      %eq3A_953 = arith.cmpi eq, %jit3A_951, %eq3A_952 : i32
      %jit3A_954 = arith.constant 1 : i32
      %select_n3A_955 = arith.select %eq3A_953, %jit3A_954, %jit3A_951 : i32
      %rem3A_956 = arith.remsi %mul3A_950, %select_n3A_955 : i32
      %ne3A_957 = arith.constant 0 : i32
      %ne3A_958 = arith.cmpi ne, %rem3A_956, %ne3A_957 : i32
      %lt3A_959 = arith.constant 0 : i32
      %lt3A_960 = arith.cmpi slt, %rem3A_956, %lt3A_959 : i32
      %lt3A_961 = arith.constant 0 : i32
      %lt3A_962 = arith.cmpi slt, %select_n3A_955, %lt3A_961 : i32
      %ne3A_963 = arith.xori %lt3A_960, %lt3A_962 : i1
      %and3A_964 = arith.andi %ne3A_963, %ne3A_958 : i1
      %add3A_965 = arith.addi %rem3A_956, %select_n3A_955 : i32
      %select_n3A_966 = arith.select %and3A_964, %add3A_965, %rem3A_956 : i32
      %sub3A_967 = arith.subi %mul3A_950, %select_n3A_966 : i32
      %min3A_968 = arith.constant 1279872 : i32
      %min3A_969 = arith.minsi %sub3A_967, %min3A_968 : i32
      %multiple_of3A_970 = tpu.assume_multiple %min3A_969, 8 : i32
      %sub3A_971 = arith.subi %mul3A_950, %multiple_of3A_970 : i32
      %dma_start3A_972 = arith.constant 2304 : i32
      %dma_start3A_973 = tpu.memref_slice %arg12[%dma_start3A_972] : memref<2576xf32, #tpu.memory_space<vmem>> -> memref<128xf32, #tpu.memory_space<vmem>>
      %dma_start3A_974 = tpu.memref_slice %arg4[%multiple_of3A_970] : memref<1280000xf32, #tpu.memory_space<hbm>> -> memref<128xf32, #tpu.memory_space<hbm>>
      %dma_start3A_975 = arith.constant 2304 : i32
      %dma_start3A_976 = tpu.memref_slice %arg12[%dma_start3A_975] : memref<2576xf32, #tpu.memory_space<vmem>> -> memref<128xf32, #tpu.memory_space<vmem>>
      %dma_start3A_977 = tpu.memref_slice %arg4[%multiple_of3A_970] : memref<1280000xf32, #tpu.memory_space<hbm>> -> memref<128xf32, #tpu.memory_space<hbm>>
      tpu.enqueue_dma source(%dma_start3A_977 : memref<128xf32, #tpu.memory_space<hbm>>) target(%dma_start3A_976 : memref<128xf32, #tpu.memory_space<vmem>>) target_semaphore(%arg14 : memref<!tpu.dma_semaphore, #tpu.memory_space<semaphore_mem>>)
      %get3A_978 = arith.constant 16 : index
      %get3A_979 = tpu.vector_load %arg10[%get3A_978] {strides = array<i32>} : memref<32xi32, #tpu.memory_space<vmem>>, vector<16xi32>,
      %get3A_980 = vector.shape_cast %get3A_979 : vector<16xi32> to vector<16xi32>
      %slice3A_981 = vector.extract_strided_slice %get3A_980 {offsets = [3], sizes = [1], strides = [1]} : vector<16xi32> to vector<1xi32>
      %squeeze3A_982 = vector.extract %slice3A_981[0] : i32 from vector<1xi32>
      %get3A_983 = arith.index_cast %squeeze3A_982 : i32 to index
      %get3A_984 = tpu.vector_load %arg8[%get3A_983] {strides = array<i32>} : memref<112xf32, #tpu.memory_space<vmem>>, vector<16xf32>,
      %get3A_985 = vector.shape_cast %get3A_984 : vector<16xf32> to vector<16xf32>
      %slice3A_986 = vector.extract_strided_slice %get3A_985 {offsets = [0], sizes = [1], strides = [1]} : vector<16xf32> to vector<1xf32>
      %squeeze3A_987 = vector.extract %slice3A_986[0] : f32 from vector<1xf32>
      %get3A_988 = arith.index_cast %squeeze3A_982 : i32 to index
      %get3A_989 = tpu.vector_load %arg9[%get3A_988] {strides = array<i32>} : memref<112xi32, #tpu.memory_space<vmem>>, vector<16xi32>,
      %get3A_990 = vector.shape_cast %get3A_989 : vector<16xi32> to vector<16xi32>
      %slice3A_991 = vector.extract_strided_slice %get3A_990 {offsets = [0], sizes = [1], strides = [1]} : vector<16xi32> to vector<1xi32>
      %squeeze3A_992 = vector.extract %slice3A_991[0] : i32 from vector<1xi32>
      %eq3A_993 = arith.constant 3 : i32
      %eq3A_994 = vector.broadcast %eq3A_993 : i32 to vector<16xi32>
      %eq3A_995 = arith.cmpi eq, %iota3A, %eq3A_994 : vector<16xi32>
      %broadcast_in_dim3A_996 = vector.broadcast %squeeze3A_987 : f32 to vector<16xf32>
      %select_n3A_997 = arith.select %eq3A_995, %broadcast_in_dim3A_996, %select_n3A_945 : vector<16xi1>, vector<16xf32>
      %mul3A_998 = arith.constant 20000 : i32
      %mul3A_999 = arith.muli %arg1, %mul3A_998 : i32
      %add3A_1000 = arith.addi %squeeze3A_992, %mul3A_999 : i32
      %mul3A_1001 = arith.constant 4 : i32
      %mul3A_1002 = arith.muli %add3A_1000, %mul3A_1001 : i32
      %jit3A_1003 = arith.constant 8 : i32
      %eq3A_1004 = arith.constant 0 : i32
      %eq3A_1005 = arith.cmpi eq, %jit3A_1003, %eq3A_1004 : i32
      %jit3A_1006 = arith.constant 1 : i32
      %select_n3A_1007 = arith.select %eq3A_1005, %jit3A_1006, %jit3A_1003 : i32
      %rem3A_1008 = arith.remsi %mul3A_1002, %select_n3A_1007 : i32
      %ne3A_1009 = arith.constant 0 : i32
      %ne3A_1010 = arith.cmpi ne, %rem3A_1008, %ne3A_1009 : i32
      %lt3A_1011 = arith.constant 0 : i32
      %lt3A_1012 = arith.cmpi slt, %rem3A_1008, %lt3A_1011 : i32
      %lt3A_1013 = arith.constant 0 : i32
      %lt3A_1014 = arith.cmpi slt, %select_n3A_1007, %lt3A_1013 : i32
      %ne3A_1015 = arith.xori %lt3A_1012, %lt3A_1014 : i1
      %and3A_1016 = arith.andi %ne3A_1015, %ne3A_1010 : i1
      %add3A_1017 = arith.addi %rem3A_1008, %select_n3A_1007 : i32
      %select_n3A_1018 = arith.select %and3A_1016, %add3A_1017, %rem3A_1008 : i32
      %sub3A_1019 = arith.subi %mul3A_1002, %select_n3A_1018 : i32
      %min3A_1020 = arith.constant 1279872 : i32
      %min3A_1021 = arith.minsi %sub3A_1019, %min3A_1020 : i32
      %multiple_of3A_1022 = tpu.assume_multiple %min3A_1021, 8 : i32
      %sub3A_1023 = arith.subi %mul3A_1002, %multiple_of3A_1022 : i32
      %dma_start3A_1024 = arith.constant 2432 : i32
      %dma_start3A_1025 = tpu.memref_slice %arg12[%dma_start3A_1024] : memref<2576xf32, #tpu.memory_space<vmem>> -> memref<128xf32, #tpu.memory_space<vmem>>
      %dma_start3A_1026 = tpu.memref_slice %arg4[%multiple_of3A_1022] : memref<1280000xf32, #tpu.memory_space<hbm>> -> memref<128xf32, #tpu.memory_space<hbm>>
      %dma_start3A_1027 = arith.constant 2432 : i32
      %dma_start3A_1028 = tpu.memref_slice %arg12[%dma_start3A_1027] : memref<2576xf32, #tpu.memory_space<vmem>> -> memref<128xf32, #tpu.memory_space<vmem>>
      %dma_start3A_1029 = tpu.memref_slice %arg4[%multiple_of3A_1022] : memref<1280000xf32, #tpu.memory_space<hbm>> -> memref<128xf32, #tpu.memory_space<hbm>>
      tpu.enqueue_dma source(%dma_start3A_1029 : memref<128xf32, #tpu.memory_space<hbm>>) target(%dma_start3A_1028 : memref<128xf32, #tpu.memory_space<vmem>>) target_semaphore(%arg14 : memref<!tpu.dma_semaphore, #tpu.memory_space<semaphore_mem>>)
      %neg3A = arith.constant 0.000000e+00 : f32
      %neg3A_1030 = vector.broadcast %neg3A : f32 to vector<16xf32>
      %neg3A_1031 = arith.subf %neg3A_1030, %select_n3A_789 : vector<16xf32>
      %exp3A = math.exp %neg3A_1031 : vector<16xf32>
      %add3A_1032 = arith.constant 1.000000e+00 : f32
      %add3A_1033 = vector.broadcast %add3A_1032 : f32 to vector<16xf32>
      %add3A_1034 = arith.addf %add3A_1033, %exp3A : vector<16xf32>
      %div3A = arith.constant 1.000000e+00 : f32
      %div3A_1035 = vector.broadcast %div3A : f32 to vector<16xf32>
      %div3A_1036 = arith.divf %div3A_1035, %add3A_1034 : vector<16xf32>
      %swap3A = arith.constant 0 : index
      %swap3A_1037 = tpu.vector_load %arg11[%swap3A] {strides = array<i32>} : memref<32xf32, #tpu.memory_space<vmem>>, vector<16xf32>,
      %swap3A_1038 = vector.shape_cast %swap3A_1037 : vector<16xf32> to vector<16xf32>
      %swap3A_1039 = vector.shape_cast %div3A_1036 : vector<16xf32> to vector<16xf32>
      tpu.vector_store %arg11[%swap3A], %swap3A_1039 {strides = array<i32>} : memref<32xf32, #tpu.memory_space<vmem>>, vector<16xf32>,
      %neg3A_1040 = arith.constant 0.000000e+00 : f32
      %neg3A_1041 = vector.broadcast %neg3A_1040 : f32 to vector<16xf32>
      %neg3A_1042 = arith.subf %neg3A_1041, %select_n3A_997 : vector<16xf32>
      %exp3A_1043 = math.exp %neg3A_1042 : vector<16xf32>
      %add3A_1044 = arith.constant 1.000000e+00 : f32
      %add3A_1045 = vector.broadcast %add3A_1044 : f32 to vector<16xf32>
      %add3A_1046 = arith.addf %add3A_1045, %exp3A_1043 : vector<16xf32>
      %div3A_1047 = arith.constant 1.000000e+00 : f32
      %div3A_1048 = vector.broadcast %div3A_1047 : f32 to vector<16xf32>
      %div3A_1049 = arith.divf %div3A_1048, %add3A_1046 : vector<16xf32>
      %swap3A_1050 = arith.constant 16 : index
      %swap3A_1051 = tpu.vector_load %arg11[%swap3A_1050] {strides = array<i32>} : memref<32xf32, #tpu.memory_space<vmem>>, vector<16xf32>,
      %swap3A_1052 = vector.shape_cast %swap3A_1051 : vector<16xf32> to vector<16xf32>
      %swap3A_1053 = vector.shape_cast %div3A_1049 : vector<16xf32> to vector<16xf32>
      tpu.vector_store %arg11[%swap3A_1050], %swap3A_1053 {strides = array<i32>} : memref<32xf32, #tpu.memory_space<vmem>>, vector<16xf32>,
      "tpu.region"() ({
        %run_scoped3A = tpu.sem_alloc : memref<!tpu.dma_semaphore, #tpu.memory_space<semaphore_mem>>
        %dma_start3A_1520 = arith.constant 0 : i32
        %dma_start3A_1521 = tpu.memref_slice %arg6[%arg1, %dma_start3A_1520] : memref<16x32xf32, #tpu.memory_space<hbm>> -> memref<1x32xf32, #tpu.memory_space<hbm>>
        %dma_start3A_1522 = tpu.memref_squeeze %dma_start3A_1521 : memref<1x32xf32, #tpu.memory_space<hbm>> -> memref<32xf32, #tpu.memory_space<hbm>>
        %dma_start3A_1523 = arith.constant 0 : i32
        %dma_start3A_1524 = tpu.memref_slice %arg6[%arg1, %dma_start3A_1523] : memref<16x32xf32, #tpu.memory_space<hbm>> -> memref<1x32xf32, #tpu.memory_space<hbm>>
        %dma_start3A_1525 = tpu.memref_squeeze %dma_start3A_1524 : memref<1x32xf32, #tpu.memory_space<hbm>> -> memref<32xf32, #tpu.memory_space<hbm>>
        tpu.enqueue_dma source(%arg11 : memref<32xf32, #tpu.memory_space<vmem>>) target(%dma_start3A_1525 : memref<32xf32, #tpu.memory_space<hbm>>) target_semaphore(%run_scoped3A : memref<!tpu.dma_semaphore, #tpu.memory_space<semaphore_mem>>)
        %dma_wait3A_1526 = arith.constant 0 : i32
        %dma_wait3A_1527 = tpu.memref_slice %arg6[%arg1, %dma_wait3A_1526] : memref<16x32xf32, #tpu.memory_space<hbm>> -> memref<1x32xf32, #tpu.memory_space<hbm>>
        %dma_wait3A_1528 = tpu.memref_squeeze %dma_wait3A_1527 : memref<1x32xf32, #tpu.memory_space<hbm>> -> memref<32xf32, #tpu.memory_space<hbm>>
        %dma_wait3A_1529 = arith.constant 0 : i32
        %dma_wait3A_1530 = tpu.memref_slice %arg6[%arg1, %dma_wait3A_1529] : memref<16x32xf32, #tpu.memory_space<hbm>> -> memref<1x32xf32, #tpu.memory_space<hbm>>
        %dma_wait3A_1531 = tpu.memref_squeeze %dma_wait3A_1530 : memref<1x32xf32, #tpu.memory_space<hbm>> -> memref<32xf32, #tpu.memory_space<hbm>>
        tpu.wait_dma2 semaphore(%run_scoped3A : memref<!tpu.dma_semaphore, #tpu.memory_space<semaphore_mem>>) src(%arg11 : memref<32xf32, #tpu.memory_space<vmem>>) dst(%dma_wait3A_1531 : memref<32xf32, #tpu.memory_space<hbm>>)
        tpu.yield
      }) : () -> ()
      %broadcast_in_dim3A_1054 = arith.constant 0.000000e+00 : f32
      %broadcast_in_dim3A_1055 = vector.broadcast %broadcast_in_dim3A_1054 : f32 to vector<16xf32>
      %broadcast_in_dim3A_1056 = arith.constant 0.000000e+00 : f32
      %broadcast_in_dim3A_1057 = vector.broadcast %broadcast_in_dim3A_1056 : f32 to vector<16xf32>
      %broadcast_in_dim3A_1058 = arith.constant 0.000000e+00 : f32
      %broadcast_in_dim3A_1059 = vector.broadcast %broadcast_in_dim3A_1058 : f32 to vector<16xf32>
      %broadcast_in_dim3A_1060 = arith.constant 0.000000e+00 : f32
      %broadcast_in_dim3A_1061 = vector.broadcast %broadcast_in_dim3A_1060 : f32 to vector<16xf32>
      %broadcast_in_dim3A_1062 = arith.constant 0.000000e+00 : f32
      %broadcast_in_dim3A_1063 = vector.broadcast %broadcast_in_dim3A_1062 : f32 to vector<16xf32>
      %broadcast_in_dim3A_1064 = arith.constant 0.000000e+00 : f32
      %broadcast_in_dim3A_1065 = vector.broadcast %broadcast_in_dim3A_1064 : f32 to vector<16xf32>
      %broadcast_in_dim3A_1066 = arith.constant 0.000000e+00 : f32
      %broadcast_in_dim3A_1067 = vector.broadcast %broadcast_in_dim3A_1066 : f32 to vector<16xf32>
      %broadcast_in_dim3A_1068 = arith.constant 0.000000e+00 : f32
      %broadcast_in_dim3A_1069 = vector.broadcast %broadcast_in_dim3A_1068 : f32 to vector<16xf32>
      %dma_wait3A = arith.constant 0 : i32
      %dma_wait3A_1070 = tpu.memref_slice %arg12[%dma_wait3A] : memref<2576xf32, #tpu.memory_space<vmem>> -> memref<128xf32, #tpu.memory_space<vmem>>
      %dma_wait3A_1071 = tpu.memref_slice %arg4[%multiple_of3A] : memref<1280000xf32, #tpu.memory_space<hbm>> -> memref<128xf32, #tpu.memory_space<hbm>>
      %dma_wait3A_1072 = arith.constant 0 : i32
      %dma_wait3A_1073 = tpu.memref_slice %arg12[%dma_wait3A_1072] : memref<2576xf32, #tpu.memory_space<vmem>> -> memref<128xf32, #tpu.memory_space<vmem>>
      %dma_wait3A_1074 = tpu.memref_slice %arg4[%multiple_of3A] : memref<1280000xf32, #tpu.memory_space<hbm>> -> memref<128xf32, #tpu.memory_space<hbm>>
      tpu.wait_dma2 semaphore(%arg14 : memref<!tpu.dma_semaphore, #tpu.memory_space<semaphore_mem>>) src(%dma_wait3A_1074 : memref<128xf32, #tpu.memory_space<hbm>>) dst(%dma_wait3A_1073 : memref<128xf32, #tpu.memory_space<vmem>>)
      %add3A_1075 = arith.constant 0 : i32
      %add3A_1076 = arith.addi %add3A_1075, %sub3A_36 : i32
      %sub3A_1077 = arith.constant 0 : i32
      %sub3A_1078 = arith.subi %add3A_1076, %sub3A_1077 : i32
      %get3A_1079 = arith.index_cast %sub3A_1078 : i32 to index
      %get3A_1080 = tpu.vector_load %arg12[%get3A_1079] {strides = array<i32>} : memref<2576xf32, #tpu.memory_space<vmem>>, vector<16xf32>,
      %get3A_1081 = vector.shape_cast %get3A_1080 : vector<16xf32> to vector<16xf32>
      %ge3A = arith.constant 0 : i32
      %ge3A_1082 = vector.broadcast %ge3A : i32 to vector<16xi32>
      %ge3A_1083 = arith.cmpi sge, %iota3A, %ge3A_1082 : vector<16xi32>
      %lt3A_1084 = arith.constant 4 : i32
      %lt3A_1085 = vector.broadcast %lt3A_1084 : i32 to vector<16xi32>
      %lt3A_1086 = arith.cmpi slt, %iota3A, %lt3A_1085 : vector<16xi32>
      %and3A_1087 = arith.andi %ge3A_1083, %lt3A_1086 : vector<16xi1>
      %select_n3A_1088 = arith.select %and3A_1087, %get3A_1081, %broadcast_in_dim3A_1055 : vector<16xi1>, vector<16xf32>
      %dma_wait3A_1089 = arith.constant 128 : i32
      %dma_wait3A_1090 = tpu.memref_slice %arg12[%dma_wait3A_1089] : memref<2576xf32, #tpu.memory_space<vmem>> -> memref<128xf32, #tpu.memory_space<vmem>>
      %dma_wait3A_1091 = tpu.memref_slice %arg4[%multiple_of3A_86] : memref<1280000xf32, #tpu.memory_space<hbm>> -> memref<128xf32, #tpu.memory_space<hbm>>
      %dma_wait3A_1092 = arith.constant 128 : i32
      %dma_wait3A_1093 = tpu.memref_slice %arg12[%dma_wait3A_1092] : memref<2576xf32, #tpu.memory_space<vmem>> -> memref<128xf32, #tpu.memory_space<vmem>>
      %dma_wait3A_1094 = tpu.memref_slice %arg4[%multiple_of3A_86] : memref<1280000xf32, #tpu.memory_space<hbm>> -> memref<128xf32, #tpu.memory_space<hbm>>
      tpu.wait_dma2 semaphore(%arg14 : memref<!tpu.dma_semaphore, #tpu.memory_space<semaphore_mem>>) src(%dma_wait3A_1094 : memref<128xf32, #tpu.memory_space<hbm>>) dst(%dma_wait3A_1093 : memref<128xf32, #tpu.memory_space<vmem>>)
      %add3A_1095 = arith.constant 128 : i32
      %add3A_1096 = arith.addi %add3A_1095, %sub3A_87 : i32
      %sub3A_1097 = arith.constant 4 : i32
      %sub3A_1098 = arith.subi %add3A_1096, %sub3A_1097 : i32
      %get3A_1099 = arith.index_cast %sub3A_1098 : i32 to index
      %get3A_1100 = tpu.vector_load %arg12[%get3A_1099] {strides = array<i32>} : memref<2576xf32, #tpu.memory_space<vmem>>, vector<16xf32>,
      %get3A_1101 = vector.shape_cast %get3A_1100 : vector<16xf32> to vector<16xf32>
      %ge3A_1102 = arith.constant 4 : i32
      %ge3A_1103 = vector.broadcast %ge3A_1102 : i32 to vector<16xi32>
      %ge3A_1104 = arith.cmpi sge, %iota3A, %ge3A_1103 : vector<16xi32>
      %lt3A_1105 = arith.constant 8 : i32
      %lt3A_1106 = vector.broadcast %lt3A_1105 : i32 to vector<16xi32>
      %lt3A_1107 = arith.cmpi slt, %iota3A, %lt3A_1106 : vector<16xi32>
      %and3A_1108 = arith.andi %ge3A_1104, %lt3A_1107 : vector<16xi1>
      %select_n3A_1109 = arith.select %and3A_1108, %get3A_1101, %select_n3A_1088 : vector<16xi1>, vector<16xf32>
      %dma_wait3A_1110 = arith.constant 256 : i32
      %dma_wait3A_1111 = tpu.memref_slice %arg12[%dma_wait3A_1110] : memref<2576xf32, #tpu.memory_space<vmem>> -> memref<128xf32, #tpu.memory_space<vmem>>
      %dma_wait3A_1112 = tpu.memref_slice %arg4[%multiple_of3A_138] : memref<1280000xf32, #tpu.memory_space<hbm>> -> memref<128xf32, #tpu.memory_space<hbm>>
      %dma_wait3A_1113 = arith.constant 256 : i32
      %dma_wait3A_1114 = tpu.memref_slice %arg12[%dma_wait3A_1113] : memref<2576xf32, #tpu.memory_space<vmem>> -> memref<128xf32, #tpu.memory_space<vmem>>
      %dma_wait3A_1115 = tpu.memref_slice %arg4[%multiple_of3A_138] : memref<1280000xf32, #tpu.memory_space<hbm>> -> memref<128xf32, #tpu.memory_space<hbm>>
      tpu.wait_dma2 semaphore(%arg14 : memref<!tpu.dma_semaphore, #tpu.memory_space<semaphore_mem>>) src(%dma_wait3A_1115 : memref<128xf32, #tpu.memory_space<hbm>>) dst(%dma_wait3A_1114 : memref<128xf32, #tpu.memory_space<vmem>>)
      %add3A_1116 = arith.constant 256 : i32
      %add3A_1117 = arith.addi %add3A_1116, %sub3A_139 : i32
      %sub3A_1118 = arith.constant 8 : i32
      %sub3A_1119 = arith.subi %add3A_1117, %sub3A_1118 : i32
      %get3A_1120 = arith.index_cast %sub3A_1119 : i32 to index
      %get3A_1121 = tpu.vector_load %arg12[%get3A_1120] {strides = array<i32>} : memref<2576xf32, #tpu.memory_space<vmem>>, vector<16xf32>,
      %get3A_1122 = vector.shape_cast %get3A_1121 : vector<16xf32> to vector<16xf32>
      %ge3A_1123 = arith.constant 8 : i32
      %ge3A_1124 = vector.broadcast %ge3A_1123 : i32 to vector<16xi32>
      %ge3A_1125 = arith.cmpi sge, %iota3A, %ge3A_1124 : vector<16xi32>
      %lt3A_1126 = arith.constant 12 : i32
      %lt3A_1127 = vector.broadcast %lt3A_1126 : i32 to vector<16xi32>
      %lt3A_1128 = arith.cmpi slt, %iota3A, %lt3A_1127 : vector<16xi32>
      %and3A_1129 = arith.andi %ge3A_1125, %lt3A_1128 : vector<16xi1>
      %select_n3A_1130 = arith.select %and3A_1129, %get3A_1122, %select_n3A_1109 : vector<16xi1>, vector<16xf32>
      %dma_wait3A_1131 = arith.constant 384 : i32
      %dma_wait3A_1132 = tpu.memref_slice %arg12[%dma_wait3A_1131] : memref<2576xf32, #tpu.memory_space<vmem>> -> memref<128xf32, #tpu.memory_space<vmem>>
      %dma_wait3A_1133 = tpu.memref_slice %arg4[%multiple_of3A_190] : memref<1280000xf32, #tpu.memory_space<hbm>> -> memref<128xf32, #tpu.memory_space<hbm>>
      %dma_wait3A_1134 = arith.constant 384 : i32
      %dma_wait3A_1135 = tpu.memref_slice %arg12[%dma_wait3A_1134] : memref<2576xf32, #tpu.memory_space<vmem>> -> memref<128xf32, #tpu.memory_space<vmem>>
      %dma_wait3A_1136 = tpu.memref_slice %arg4[%multiple_of3A_190] : memref<1280000xf32, #tpu.memory_space<hbm>> -> memref<128xf32, #tpu.memory_space<hbm>>
      tpu.wait_dma2 semaphore(%arg14 : memref<!tpu.dma_semaphore, #tpu.memory_space<semaphore_mem>>) src(%dma_wait3A_1136 : memref<128xf32, #tpu.memory_space<hbm>>) dst(%dma_wait3A_1135 : memref<128xf32, #tpu.memory_space<vmem>>)
      %add3A_1137 = arith.constant 384 : i32
      %add3A_1138 = arith.addi %add3A_1137, %sub3A_191 : i32
      %sub3A_1139 = arith.constant 12 : i32
      %sub3A_1140 = arith.subi %add3A_1138, %sub3A_1139 : i32
      %get3A_1141 = arith.index_cast %sub3A_1140 : i32 to index
      %get3A_1142 = tpu.vector_load %arg12[%get3A_1141] {strides = array<i32>} : memref<2576xf32, #tpu.memory_space<vmem>>, vector<16xf32>,
      %get3A_1143 = vector.shape_cast %get3A_1142 : vector<16xf32> to vector<16xf32>
      %ge3A_1144 = arith.constant 12 : i32
      %ge3A_1145 = vector.broadcast %ge3A_1144 : i32 to vector<16xi32>
      %ge3A_1146 = arith.cmpi sge, %iota3A, %ge3A_1145 : vector<16xi32>
      %lt3A_1147 = arith.constant 16 : i32
      %lt3A_1148 = vector.broadcast %lt3A_1147 : i32 to vector<16xi32>
      %lt3A_1149 = arith.cmpi slt, %iota3A, %lt3A_1148 : vector<16xi32>
      %and3A_1150 = arith.andi %ge3A_1146, %lt3A_1149 : vector<16xi1>
      %select_n3A_1151 = arith.select %and3A_1150, %get3A_1143, %select_n3A_1130 : vector<16xi1>, vector<16xf32>
      %dma_wait3A_1152 = arith.constant 512 : i32
      %dma_wait3A_1153 = tpu.memref_slice %arg12[%dma_wait3A_1152] : memref<2576xf32, #tpu.memory_space<vmem>> -> memref<128xf32, #tpu.memory_space<vmem>>
      %dma_wait3A_1154 = tpu.memref_slice %arg4[%multiple_of3A_242] : memref<1280000xf32, #tpu.memory_space<hbm>> -> memref<128xf32, #tpu.memory_space<hbm>>
      %dma_wait3A_1155 = arith.constant 512 : i32
      %dma_wait3A_1156 = tpu.memref_slice %arg12[%dma_wait3A_1155] : memref<2576xf32, #tpu.memory_space<vmem>> -> memref<128xf32, #tpu.memory_space<vmem>>
      %dma_wait3A_1157 = tpu.memref_slice %arg4[%multiple_of3A_242] : memref<1280000xf32, #tpu.memory_space<hbm>> -> memref<128xf32, #tpu.memory_space<hbm>>
      tpu.wait_dma2 semaphore(%arg14 : memref<!tpu.dma_semaphore, #tpu.memory_space<semaphore_mem>>) src(%dma_wait3A_1157 : memref<128xf32, #tpu.memory_space<hbm>>) dst(%dma_wait3A_1156 : memref<128xf32, #tpu.memory_space<vmem>>)
      %add3A_1158 = arith.constant 512 : i32
      %add3A_1159 = arith.addi %add3A_1158, %sub3A_243 : i32
      %sub3A_1160 = arith.constant 0 : i32
      %sub3A_1161 = arith.subi %add3A_1159, %sub3A_1160 : i32
      %get3A_1162 = arith.index_cast %sub3A_1161 : i32 to index
      %get3A_1163 = tpu.vector_load %arg12[%get3A_1162] {strides = array<i32>} : memref<2576xf32, #tpu.memory_space<vmem>>, vector<16xf32>,
      %get3A_1164 = vector.shape_cast %get3A_1163 : vector<16xf32> to vector<16xf32>
      %ge3A_1165 = arith.constant 0 : i32
      %ge3A_1166 = vector.broadcast %ge3A_1165 : i32 to vector<16xi32>
      %ge3A_1167 = arith.cmpi sge, %iota3A, %ge3A_1166 : vector<16xi32>
      %lt3A_1168 = arith.constant 4 : i32
      %lt3A_1169 = vector.broadcast %lt3A_1168 : i32 to vector<16xi32>
      %lt3A_1170 = arith.cmpi slt, %iota3A, %lt3A_1169 : vector<16xi32>
      %and3A_1171 = arith.andi %ge3A_1167, %lt3A_1170 : vector<16xi1>
      %select_n3A_1172 = arith.select %and3A_1171, %get3A_1164, %broadcast_in_dim3A_1057 : vector<16xi1>, vector<16xf32>
      %dma_wait3A_1173 = arith.constant 640 : i32
      %dma_wait3A_1174 = tpu.memref_slice %arg12[%dma_wait3A_1173] : memref<2576xf32, #tpu.memory_space<vmem>> -> memref<128xf32, #tpu.memory_space<vmem>>
      %dma_wait3A_1175 = tpu.memref_slice %arg4[%multiple_of3A_294] : memref<1280000xf32, #tpu.memory_space<hbm>> -> memref<128xf32, #tpu.memory_space<hbm>>
      %dma_wait3A_1176 = arith.constant 640 : i32
      %dma_wait3A_1177 = tpu.memref_slice %arg12[%dma_wait3A_1176] : memref<2576xf32, #tpu.memory_space<vmem>> -> memref<128xf32, #tpu.memory_space<vmem>>
      %dma_wait3A_1178 = tpu.memref_slice %arg4[%multiple_of3A_294] : memref<1280000xf32, #tpu.memory_space<hbm>> -> memref<128xf32, #tpu.memory_space<hbm>>
      tpu.wait_dma2 semaphore(%arg14 : memref<!tpu.dma_semaphore, #tpu.memory_space<semaphore_mem>>) src(%dma_wait3A_1178 : memref<128xf32, #tpu.memory_space<hbm>>) dst(%dma_wait3A_1177 : memref<128xf32, #tpu.memory_space<vmem>>)
      %add3A_1179 = arith.constant 640 : i32
      %add3A_1180 = arith.addi %add3A_1179, %sub3A_295 : i32
      %sub3A_1181 = arith.constant 4 : i32
      %sub3A_1182 = arith.subi %add3A_1180, %sub3A_1181 : i32
      %get3A_1183 = arith.index_cast %sub3A_1182 : i32 to index
      %get3A_1184 = tpu.vector_load %arg12[%get3A_1183] {strides = array<i32>} : memref<2576xf32, #tpu.memory_space<vmem>>, vector<16xf32>,
      %get3A_1185 = vector.shape_cast %get3A_1184 : vector<16xf32> to vector<16xf32>
      %ge3A_1186 = arith.constant 4 : i32
      %ge3A_1187 = vector.broadcast %ge3A_1186 : i32 to vector<16xi32>
      %ge3A_1188 = arith.cmpi sge, %iota3A, %ge3A_1187 : vector<16xi32>
      %lt3A_1189 = arith.constant 8 : i32
      %lt3A_1190 = vector.broadcast %lt3A_1189 : i32 to vector<16xi32>
      %lt3A_1191 = arith.cmpi slt, %iota3A, %lt3A_1190 : vector<16xi32>
      %and3A_1192 = arith.andi %ge3A_1188, %lt3A_1191 : vector<16xi1>
      %select_n3A_1193 = arith.select %and3A_1192, %get3A_1185, %select_n3A_1172 : vector<16xi1>, vector<16xf32>
      %dma_wait3A_1194 = arith.constant 768 : i32
      %dma_wait3A_1195 = tpu.memref_slice %arg12[%dma_wait3A_1194] : memref<2576xf32, #tpu.memory_space<vmem>> -> memref<128xf32, #tpu.memory_space<vmem>>
      %dma_wait3A_1196 = tpu.memref_slice %arg4[%multiple_of3A_346] : memref<1280000xf32, #tpu.memory_space<hbm>> -> memref<128xf32, #tpu.memory_space<hbm>>
      %dma_wait3A_1197 = arith.constant 768 : i32
      %dma_wait3A_1198 = tpu.memref_slice %arg12[%dma_wait3A_1197] : memref<2576xf32, #tpu.memory_space<vmem>> -> memref<128xf32, #tpu.memory_space<vmem>>
      %dma_wait3A_1199 = tpu.memref_slice %arg4[%multiple_of3A_346] : memref<1280000xf32, #tpu.memory_space<hbm>> -> memref<128xf32, #tpu.memory_space<hbm>>
      tpu.wait_dma2 semaphore(%arg14 : memref<!tpu.dma_semaphore, #tpu.memory_space<semaphore_mem>>) src(%dma_wait3A_1199 : memref<128xf32, #tpu.memory_space<hbm>>) dst(%dma_wait3A_1198 : memref<128xf32, #tpu.memory_space<vmem>>)
      %add3A_1200 = arith.constant 768 : i32
      %add3A_1201 = arith.addi %add3A_1200, %sub3A_347 : i32
      %sub3A_1202 = arith.constant 8 : i32
      %sub3A_1203 = arith.subi %add3A_1201, %sub3A_1202 : i32
      %get3A_1204 = arith.index_cast %sub3A_1203 : i32 to index
      %get3A_1205 = tpu.vector_load %arg12[%get3A_1204] {strides = array<i32>} : memref<2576xf32, #tpu.memory_space<vmem>>, vector<16xf32>,
      %get3A_1206 = vector.shape_cast %get3A_1205 : vector<16xf32> to vector<16xf32>
      %ge3A_1207 = arith.constant 8 : i32
      %ge3A_1208 = vector.broadcast %ge3A_1207 : i32 to vector<16xi32>
      %ge3A_1209 = arith.cmpi sge, %iota3A, %ge3A_1208 : vector<16xi32>
      %lt3A_1210 = arith.constant 12 : i32
      %lt3A_1211 = vector.broadcast %lt3A_1210 : i32 to vector<16xi32>
      %lt3A_1212 = arith.cmpi slt, %iota3A, %lt3A_1211 : vector<16xi32>
      %and3A_1213 = arith.andi %ge3A_1209, %lt3A_1212 : vector<16xi1>
      %select_n3A_1214 = arith.select %and3A_1213, %get3A_1206, %select_n3A_1193 : vector<16xi1>, vector<16xf32>
      %dma_wait3A_1215 = arith.constant 896 : i32
      %dma_wait3A_1216 = tpu.memref_slice %arg12[%dma_wait3A_1215] : memref<2576xf32, #tpu.memory_space<vmem>> -> memref<128xf32, #tpu.memory_space<vmem>>
      %dma_wait3A_1217 = tpu.memref_slice %arg4[%multiple_of3A_398] : memref<1280000xf32, #tpu.memory_space<hbm>> -> memref<128xf32, #tpu.memory_space<hbm>>
      %dma_wait3A_1218 = arith.constant 896 : i32
      %dma_wait3A_1219 = tpu.memref_slice %arg12[%dma_wait3A_1218] : memref<2576xf32, #tpu.memory_space<vmem>> -> memref<128xf32, #tpu.memory_space<vmem>>
      %dma_wait3A_1220 = tpu.memref_slice %arg4[%multiple_of3A_398] : memref<1280000xf32, #tpu.memory_space<hbm>> -> memref<128xf32, #tpu.memory_space<hbm>>
      tpu.wait_dma2 semaphore(%arg14 : memref<!tpu.dma_semaphore, #tpu.memory_space<semaphore_mem>>) src(%dma_wait3A_1220 : memref<128xf32, #tpu.memory_space<hbm>>) dst(%dma_wait3A_1219 : memref<128xf32, #tpu.memory_space<vmem>>)
      %add3A_1221 = arith.constant 896 : i32
      %add3A_1222 = arith.addi %add3A_1221, %sub3A_399 : i32
      %sub3A_1223 = arith.constant 12 : i32
      %sub3A_1224 = arith.subi %add3A_1222, %sub3A_1223 : i32
      %get3A_1225 = arith.index_cast %sub3A_1224 : i32 to index
      %get3A_1226 = tpu.vector_load %arg12[%get3A_1225] {strides = array<i32>} : memref<2576xf32, #tpu.memory_space<vmem>>, vector<16xf32>,
      %get3A_1227 = vector.shape_cast %get3A_1226 : vector<16xf32> to vector<16xf32>
      %ge3A_1228 = arith.constant 12 : i32
      %ge3A_1229 = vector.broadcast %ge3A_1228 : i32 to vector<16xi32>
      %ge3A_1230 = arith.cmpi sge, %iota3A, %ge3A_1229 : vector<16xi32>
      %lt3A_1231 = arith.constant 16 : i32
      %lt3A_1232 = vector.broadcast %lt3A_1231 : i32 to vector<16xi32>
      %lt3A_1233 = arith.cmpi slt, %iota3A, %lt3A_1232 : vector<16xi32>
      %and3A_1234 = arith.andi %ge3A_1230, %lt3A_1233 : vector<16xi1>
      %select_n3A_1235 = arith.select %and3A_1234, %get3A_1227, %select_n3A_1214 : vector<16xi1>, vector<16xf32>
      %dma_wait3A_1236 = arith.constant 1024 : i32
      %dma_wait3A_1237 = tpu.memref_slice %arg12[%dma_wait3A_1236] : memref<2576xf32, #tpu.memory_space<vmem>> -> memref<128xf32, #tpu.memory_space<vmem>>
      %dma_wait3A_1238 = tpu.memref_slice %arg4[%multiple_of3A_450] : memref<1280000xf32, #tpu.memory_space<hbm>> -> memref<128xf32, #tpu.memory_space<hbm>>
      %dma_wait3A_1239 = arith.constant 1024 : i32
      %dma_wait3A_1240 = tpu.memref_slice %arg12[%dma_wait3A_1239] : memref<2576xf32, #tpu.memory_space<vmem>> -> memref<128xf32, #tpu.memory_space<vmem>>
      %dma_wait3A_1241 = tpu.memref_slice %arg4[%multiple_of3A_450] : memref<1280000xf32, #tpu.memory_space<hbm>> -> memref<128xf32, #tpu.memory_space<hbm>>
      tpu.wait_dma2 semaphore(%arg14 : memref<!tpu.dma_semaphore, #tpu.memory_space<semaphore_mem>>) src(%dma_wait3A_1241 : memref<128xf32, #tpu.memory_space<hbm>>) dst(%dma_wait3A_1240 : memref<128xf32, #tpu.memory_space<vmem>>)
      %add3A_1242 = arith.constant 1024 : i32
      %add3A_1243 = arith.addi %add3A_1242, %sub3A_451 : i32
      %sub3A_1244 = arith.constant 0 : i32
      %sub3A_1245 = arith.subi %add3A_1243, %sub3A_1244 : i32
      %get3A_1246 = arith.index_cast %sub3A_1245 : i32 to index
      %get3A_1247 = tpu.vector_load %arg12[%get3A_1246] {strides = array<i32>} : memref<2576xf32, #tpu.memory_space<vmem>>, vector<16xf32>,
      %get3A_1248 = vector.shape_cast %get3A_1247 : vector<16xf32> to vector<16xf32>
      %ge3A_1249 = arith.constant 0 : i32
      %ge3A_1250 = vector.broadcast %ge3A_1249 : i32 to vector<16xi32>
      %ge3A_1251 = arith.cmpi sge, %iota3A, %ge3A_1250 : vector<16xi32>
      %lt3A_1252 = arith.constant 4 : i32
      %lt3A_1253 = vector.broadcast %lt3A_1252 : i32 to vector<16xi32>
      %lt3A_1254 = arith.cmpi slt, %iota3A, %lt3A_1253 : vector<16xi32>
      %and3A_1255 = arith.andi %ge3A_1251, %lt3A_1254 : vector<16xi1>
      %select_n3A_1256 = arith.select %and3A_1255, %get3A_1248, %broadcast_in_dim3A_1059 : vector<16xi1>, vector<16xf32>
      %dma_wait3A_1257 = arith.constant 1152 : i32
      %dma_wait3A_1258 = tpu.memref_slice %arg12[%dma_wait3A_1257] : memref<2576xf32, #tpu.memory_space<vmem>> -> memref<128xf32, #tpu.memory_space<vmem>>
      %dma_wait3A_1259 = tpu.memref_slice %arg4[%multiple_of3A_502] : memref<1280000xf32, #tpu.memory_space<hbm>> -> memref<128xf32, #tpu.memory_space<hbm>>
      %dma_wait3A_1260 = arith.constant 1152 : i32
      %dma_wait3A_1261 = tpu.memref_slice %arg12[%dma_wait3A_1260] : memref<2576xf32, #tpu.memory_space<vmem>> -> memref<128xf32, #tpu.memory_space<vmem>>
      %dma_wait3A_1262 = tpu.memref_slice %arg4[%multiple_of3A_502] : memref<1280000xf32, #tpu.memory_space<hbm>> -> memref<128xf32, #tpu.memory_space<hbm>>
      tpu.wait_dma2 semaphore(%arg14 : memref<!tpu.dma_semaphore, #tpu.memory_space<semaphore_mem>>) src(%dma_wait3A_1262 : memref<128xf32, #tpu.memory_space<hbm>>) dst(%dma_wait3A_1261 : memref<128xf32, #tpu.memory_space<vmem>>)
      %add3A_1263 = arith.constant 1152 : i32
      %add3A_1264 = arith.addi %add3A_1263, %sub3A_503 : i32
      %sub3A_1265 = arith.constant 4 : i32
      %sub3A_1266 = arith.subi %add3A_1264, %sub3A_1265 : i32
      %get3A_1267 = arith.index_cast %sub3A_1266 : i32 to index
      %get3A_1268 = tpu.vector_load %arg12[%get3A_1267] {strides = array<i32>} : memref<2576xf32, #tpu.memory_space<vmem>>, vector<16xf32>,
      %get3A_1269 = vector.shape_cast %get3A_1268 : vector<16xf32> to vector<16xf32>
      %ge3A_1270 = arith.constant 4 : i32
      %ge3A_1271 = vector.broadcast %ge3A_1270 : i32 to vector<16xi32>
      %ge3A_1272 = arith.cmpi sge, %iota3A, %ge3A_1271 : vector<16xi32>
      %lt3A_1273 = arith.constant 8 : i32
      %lt3A_1274 = vector.broadcast %lt3A_1273 : i32 to vector<16xi32>
      %lt3A_1275 = arith.cmpi slt, %iota3A, %lt3A_1274 : vector<16xi32>
      %and3A_1276 = arith.andi %ge3A_1272, %lt3A_1275 : vector<16xi1>
      %select_n3A_1277 = arith.select %and3A_1276, %get3A_1269, %select_n3A_1256 : vector<16xi1>, vector<16xf32>
      %dma_wait3A_1278 = arith.constant 1280 : i32
      %dma_wait3A_1279 = tpu.memref_slice %arg12[%dma_wait3A_1278] : memref<2576xf32, #tpu.memory_space<vmem>> -> memref<128xf32, #tpu.memory_space<vmem>>
      %dma_wait3A_1280 = tpu.memref_slice %arg4[%multiple_of3A_554] : memref<1280000xf32, #tpu.memory_space<hbm>> -> memref<128xf32, #tpu.memory_space<hbm>>
      %dma_wait3A_1281 = arith.constant 1280 : i32
      %dma_wait3A_1282 = tpu.memref_slice %arg12[%dma_wait3A_1281] : memref<2576xf32, #tpu.memory_space<vmem>> -> memref<128xf32, #tpu.memory_space<vmem>>
      %dma_wait3A_1283 = tpu.memref_slice %arg4[%multiple_of3A_554] : memref<1280000xf32, #tpu.memory_space<hbm>> -> memref<128xf32, #tpu.memory_space<hbm>>
      tpu.wait_dma2 semaphore(%arg14 : memref<!tpu.dma_semaphore, #tpu.memory_space<semaphore_mem>>) src(%dma_wait3A_1283 : memref<128xf32, #tpu.memory_space<hbm>>) dst(%dma_wait3A_1282 : memref<128xf32, #tpu.memory_space<vmem>>)
      %add3A_1284 = arith.constant 1280 : i32
      %add3A_1285 = arith.addi %add3A_1284, %sub3A_555 : i32
      %sub3A_1286 = arith.constant 8 : i32
      %sub3A_1287 = arith.subi %add3A_1285, %sub3A_1286 : i32
      %get3A_1288 = arith.index_cast %sub3A_1287 : i32 to index
      %get3A_1289 = tpu.vector_load %arg12[%get3A_1288] {strides = array<i32>} : memref<2576xf32, #tpu.memory_space<vmem>>, vector<16xf32>,
      %get3A_1290 = vector.shape_cast %get3A_1289 : vector<16xf32> to vector<16xf32>
      %ge3A_1291 = arith.constant 8 : i32
      %ge3A_1292 = vector.broadcast %ge3A_1291 : i32 to vector<16xi32>
      %ge3A_1293 = arith.cmpi sge, %iota3A, %ge3A_1292 : vector<16xi32>
      %lt3A_1294 = arith.constant 12 : i32
      %lt3A_1295 = vector.broadcast %lt3A_1294 : i32 to vector<16xi32>
      %lt3A_1296 = arith.cmpi slt, %iota3A, %lt3A_1295 : vector<16xi32>
      %and3A_1297 = arith.andi %ge3A_1293, %lt3A_1296 : vector<16xi1>
      %select_n3A_1298 = arith.select %and3A_1297, %get3A_1290, %select_n3A_1277 : vector<16xi1>, vector<16xf32>
      %dma_wait3A_1299 = arith.constant 1408 : i32
      %dma_wait3A_1300 = tpu.memref_slice %arg12[%dma_wait3A_1299] : memref<2576xf32, #tpu.memory_space<vmem>> -> memref<128xf32, #tpu.memory_space<vmem>>
      %dma_wait3A_1301 = tpu.memref_slice %arg4[%multiple_of3A_606] : memref<1280000xf32, #tpu.memory_space<hbm>> -> memref<128xf32, #tpu.memory_space<hbm>>
      %dma_wait3A_1302 = arith.constant 1408 : i32
      %dma_wait3A_1303 = tpu.memref_slice %arg12[%dma_wait3A_1302] : memref<2576xf32, #tpu.memory_space<vmem>> -> memref<128xf32, #tpu.memory_space<vmem>>
      %dma_wait3A_1304 = tpu.memref_slice %arg4[%multiple_of3A_606] : memref<1280000xf32, #tpu.memory_space<hbm>> -> memref<128xf32, #tpu.memory_space<hbm>>
      tpu.wait_dma2 semaphore(%arg14 : memref<!tpu.dma_semaphore, #tpu.memory_space<semaphore_mem>>) src(%dma_wait3A_1304 : memref<128xf32, #tpu.memory_space<hbm>>) dst(%dma_wait3A_1303 : memref<128xf32, #tpu.memory_space<vmem>>)
      %add3A_1305 = arith.constant 1408 : i32
      %add3A_1306 = arith.addi %add3A_1305, %sub3A_607 : i32
      %sub3A_1307 = arith.constant 12 : i32
      %sub3A_1308 = arith.subi %add3A_1306, %sub3A_1307 : i32
      %get3A_1309 = arith.index_cast %sub3A_1308 : i32 to index
      %get3A_1310 = tpu.vector_load %arg12[%get3A_1309] {strides = array<i32>} : memref<2576xf32, #tpu.memory_space<vmem>>, vector<16xf32>,
      %get3A_1311 = vector.shape_cast %get3A_1310 : vector<16xf32> to vector<16xf32>
      %ge3A_1312 = arith.constant 12 : i32
      %ge3A_1313 = vector.broadcast %ge3A_1312 : i32 to vector<16xi32>
      %ge3A_1314 = arith.cmpi sge, %iota3A, %ge3A_1313 : vector<16xi32>
      %lt3A_1315 = arith.constant 16 : i32
      %lt3A_1316 = vector.broadcast %lt3A_1315 : i32 to vector<16xi32>
      %lt3A_1317 = arith.cmpi slt, %iota3A, %lt3A_1316 : vector<16xi32>
      %and3A_1318 = arith.andi %ge3A_1314, %lt3A_1317 : vector<16xi1>
      %select_n3A_1319 = arith.select %and3A_1318, %get3A_1311, %select_n3A_1298 : vector<16xi1>, vector<16xf32>
      %dma_wait3A_1320 = arith.constant 1536 : i32
      %dma_wait3A_1321 = tpu.memref_slice %arg12[%dma_wait3A_1320] : memref<2576xf32, #tpu.memory_space<vmem>> -> memref<128xf32, #tpu.memory_space<vmem>>
      %dma_wait3A_1322 = tpu.memref_slice %arg4[%multiple_of3A_658] : memref<1280000xf32, #tpu.memory_space<hbm>> -> memref<128xf32, #tpu.memory_space<hbm>>
      %dma_wait3A_1323 = arith.constant 1536 : i32
      %dma_wait3A_1324 = tpu.memref_slice %arg12[%dma_wait3A_1323] : memref<2576xf32, #tpu.memory_space<vmem>> -> memref<128xf32, #tpu.memory_space<vmem>>
      %dma_wait3A_1325 = tpu.memref_slice %arg4[%multiple_of3A_658] : memref<1280000xf32, #tpu.memory_space<hbm>> -> memref<128xf32, #tpu.memory_space<hbm>>
      tpu.wait_dma2 semaphore(%arg14 : memref<!tpu.dma_semaphore, #tpu.memory_space<semaphore_mem>>) src(%dma_wait3A_1325 : memref<128xf32, #tpu.memory_space<hbm>>) dst(%dma_wait3A_1324 : memref<128xf32, #tpu.memory_space<vmem>>)
      %add3A_1326 = arith.constant 1536 : i32
      %add3A_1327 = arith.addi %add3A_1326, %sub3A_659 : i32
      %sub3A_1328 = arith.constant 0 : i32
      %sub3A_1329 = arith.subi %add3A_1327, %sub3A_1328 : i32
      %get3A_1330 = arith.index_cast %sub3A_1329 : i32 to index
      %get3A_1331 = tpu.vector_load %arg12[%get3A_1330] {strides = array<i32>} : memref<2576xf32, #tpu.memory_space<vmem>>, vector<16xf32>,
      %get3A_1332 = vector.shape_cast %get3A_1331 : vector<16xf32> to vector<16xf32>
      %ge3A_1333 = arith.constant 0 : i32
      %ge3A_1334 = vector.broadcast %ge3A_1333 : i32 to vector<16xi32>
      %ge3A_1335 = arith.cmpi sge, %iota3A, %ge3A_1334 : vector<16xi32>
      %lt3A_1336 = arith.constant 4 : i32
      %lt3A_1337 = vector.broadcast %lt3A_1336 : i32 to vector<16xi32>
      %lt3A_1338 = arith.cmpi slt, %iota3A, %lt3A_1337 : vector<16xi32>
      %and3A_1339 = arith.andi %ge3A_1335, %lt3A_1338 : vector<16xi1>
      %select_n3A_1340 = arith.select %and3A_1339, %get3A_1332, %broadcast_in_dim3A_1061 : vector<16xi1>, vector<16xf32>
      %dma_wait3A_1341 = arith.constant 1664 : i32
      %dma_wait3A_1342 = tpu.memref_slice %arg12[%dma_wait3A_1341] : memref<2576xf32, #tpu.memory_space<vmem>> -> memref<128xf32, #tpu.memory_space<vmem>>
      %dma_wait3A_1343 = tpu.memref_slice %arg4[%multiple_of3A_710] : memref<1280000xf32, #tpu.memory_space<hbm>> -> memref<128xf32, #tpu.memory_space<hbm>>
      %dma_wait3A_1344 = arith.constant 1664 : i32
      %dma_wait3A_1345 = tpu.memref_slice %arg12[%dma_wait3A_1344] : memref<2576xf32, #tpu.memory_space<vmem>> -> memref<128xf32, #tpu.memory_space<vmem>>
      %dma_wait3A_1346 = tpu.memref_slice %arg4[%multiple_of3A_710] : memref<1280000xf32, #tpu.memory_space<hbm>> -> memref<128xf32, #tpu.memory_space<hbm>>
      tpu.wait_dma2 semaphore(%arg14 : memref<!tpu.dma_semaphore, #tpu.memory_space<semaphore_mem>>) src(%dma_wait3A_1346 : memref<128xf32, #tpu.memory_space<hbm>>) dst(%dma_wait3A_1345 : memref<128xf32, #tpu.memory_space<vmem>>)
      %add3A_1347 = arith.constant 1664 : i32
      %add3A_1348 = arith.addi %add3A_1347, %sub3A_711 : i32
      %sub3A_1349 = arith.constant 4 : i32
      %sub3A_1350 = arith.subi %add3A_1348, %sub3A_1349 : i32
      %get3A_1351 = arith.index_cast %sub3A_1350 : i32 to index
      %get3A_1352 = tpu.vector_load %arg12[%get3A_1351] {strides = array<i32>} : memref<2576xf32, #tpu.memory_space<vmem>>, vector<16xf32>,
      %get3A_1353 = vector.shape_cast %get3A_1352 : vector<16xf32> to vector<16xf32>
      %ge3A_1354 = arith.constant 4 : i32
      %ge3A_1355 = vector.broadcast %ge3A_1354 : i32 to vector<16xi32>
      %ge3A_1356 = arith.cmpi sge, %iota3A, %ge3A_1355 : vector<16xi32>
      %lt3A_1357 = arith.constant 8 : i32
      %lt3A_1358 = vector.broadcast %lt3A_1357 : i32 to vector<16xi32>
      %lt3A_1359 = arith.cmpi slt, %iota3A, %lt3A_1358 : vector<16xi32>
      %and3A_1360 = arith.andi %ge3A_1356, %lt3A_1359 : vector<16xi1>
      %select_n3A_1361 = arith.select %and3A_1360, %get3A_1353, %select_n3A_1340 : vector<16xi1>, vector<16xf32>
      %dma_wait3A_1362 = arith.constant 1792 : i32
      %dma_wait3A_1363 = tpu.memref_slice %arg12[%dma_wait3A_1362] : memref<2576xf32, #tpu.memory_space<vmem>> -> memref<128xf32, #tpu.memory_space<vmem>>
      %dma_wait3A_1364 = tpu.memref_slice %arg4[%multiple_of3A_762] : memref<1280000xf32, #tpu.memory_space<hbm>> -> memref<128xf32, #tpu.memory_space<hbm>>
      %dma_wait3A_1365 = arith.constant 1792 : i32
      %dma_wait3A_1366 = tpu.memref_slice %arg12[%dma_wait3A_1365] : memref<2576xf32, #tpu.memory_space<vmem>> -> memref<128xf32, #tpu.memory_space<vmem>>
      %dma_wait3A_1367 = tpu.memref_slice %arg4[%multiple_of3A_762] : memref<1280000xf32, #tpu.memory_space<hbm>> -> memref<128xf32, #tpu.memory_space<hbm>>
      tpu.wait_dma2 semaphore(%arg14 : memref<!tpu.dma_semaphore, #tpu.memory_space<semaphore_mem>>) src(%dma_wait3A_1367 : memref<128xf32, #tpu.memory_space<hbm>>) dst(%dma_wait3A_1366 : memref<128xf32, #tpu.memory_space<vmem>>)
      %add3A_1368 = arith.constant 1792 : i32
      %add3A_1369 = arith.addi %add3A_1368, %sub3A_763 : i32
      %sub3A_1370 = arith.constant 8 : i32
      %sub3A_1371 = arith.subi %add3A_1369, %sub3A_1370 : i32
      %get3A_1372 = arith.index_cast %sub3A_1371 : i32 to index
      %get3A_1373 = tpu.vector_load %arg12[%get3A_1372] {strides = array<i32>} : memref<2576xf32, #tpu.memory_space<vmem>>, vector<16xf32>,
      %get3A_1374 = vector.shape_cast %get3A_1373 : vector<16xf32> to vector<16xf32>
      %ge3A_1375 = arith.constant 8 : i32
      %ge3A_1376 = vector.broadcast %ge3A_1375 : i32 to vector<16xi32>
      %ge3A_1377 = arith.cmpi sge, %iota3A, %ge3A_1376 : vector<16xi32>
      %lt3A_1378 = arith.constant 12 : i32
      %lt3A_1379 = vector.broadcast %lt3A_1378 : i32 to vector<16xi32>
      %lt3A_1380 = arith.cmpi slt, %iota3A, %lt3A_1379 : vector<16xi32>
      %and3A_1381 = arith.andi %ge3A_1377, %lt3A_1380 : vector<16xi1>
      %select_n3A_1382 = arith.select %and3A_1381, %get3A_1374, %select_n3A_1361 : vector<16xi1>, vector<16xf32>
      %dma_wait3A_1383 = arith.constant 1920 : i32
      %dma_wait3A_1384 = tpu.memref_slice %arg12[%dma_wait3A_1383] : memref<2576xf32, #tpu.memory_space<vmem>> -> memref<128xf32, #tpu.memory_space<vmem>>
      %dma_wait3A_1385 = tpu.memref_slice %arg4[%multiple_of3A_814] : memref<1280000xf32, #tpu.memory_space<hbm>> -> memref<128xf32, #tpu.memory_space<hbm>>
      %dma_wait3A_1386 = arith.constant 1920 : i32
      %dma_wait3A_1387 = tpu.memref_slice %arg12[%dma_wait3A_1386] : memref<2576xf32, #tpu.memory_space<vmem>> -> memref<128xf32, #tpu.memory_space<vmem>>
      %dma_wait3A_1388 = tpu.memref_slice %arg4[%multiple_of3A_814] : memref<1280000xf32, #tpu.memory_space<hbm>> -> memref<128xf32, #tpu.memory_space<hbm>>
      tpu.wait_dma2 semaphore(%arg14 : memref<!tpu.dma_semaphore, #tpu.memory_space<semaphore_mem>>) src(%dma_wait3A_1388 : memref<128xf32, #tpu.memory_space<hbm>>) dst(%dma_wait3A_1387 : memref<128xf32, #tpu.memory_space<vmem>>)
      %add3A_1389 = arith.constant 1920 : i32
      %add3A_1390 = arith.addi %add3A_1389, %sub3A_815 : i32
      %sub3A_1391 = arith.constant 12 : i32
      %sub3A_1392 = arith.subi %add3A_1390, %sub3A_1391 : i32
      %get3A_1393 = arith.index_cast %sub3A_1392 : i32 to index
      %get3A_1394 = tpu.vector_load %arg12[%get3A_1393] {strides = array<i32>} : memref<2576xf32, #tpu.memory_space<vmem>>, vector<16xf32>,
      %get3A_1395 = vector.shape_cast %get3A_1394 : vector<16xf32> to vector<16xf32>
      %ge3A_1396 = arith.constant 12 : i32
      %ge3A_1397 = vector.broadcast %ge3A_1396 : i32 to vector<16xi32>
      %ge3A_1398 = arith.cmpi sge, %iota3A, %ge3A_1397 : vector<16xi32>
      %lt3A_1399 = arith.constant 16 : i32
      %lt3A_1400 = vector.broadcast %lt3A_1399 : i32 to vector<16xi32>
      %lt3A_1401 = arith.cmpi slt, %iota3A, %lt3A_1400 : vector<16xi32>
      %and3A_1402 = arith.andi %ge3A_1398, %lt3A_1401 : vector<16xi1>
      %select_n3A_1403 = arith.select %and3A_1402, %get3A_1395, %select_n3A_1382 : vector<16xi1>, vector<16xf32>
      %dma_wait3A_1404 = arith.constant 2048 : i32
      %dma_wait3A_1405 = tpu.memref_slice %arg12[%dma_wait3A_1404] : memref<2576xf32, #tpu.memory_space<vmem>> -> memref<128xf32, #tpu.memory_space<vmem>>
      %dma_wait3A_1406 = tpu.memref_slice %arg4[%multiple_of3A_866] : memref<1280000xf32, #tpu.memory_space<hbm>> -> memref<128xf32, #tpu.memory_space<hbm>>
      %dma_wait3A_1407 = arith.constant 2048 : i32
      %dma_wait3A_1408 = tpu.memref_slice %arg12[%dma_wait3A_1407] : memref<2576xf32, #tpu.memory_space<vmem>> -> memref<128xf32, #tpu.memory_space<vmem>>
      %dma_wait3A_1409 = tpu.memref_slice %arg4[%multiple_of3A_866] : memref<1280000xf32, #tpu.memory_space<hbm>> -> memref<128xf32, #tpu.memory_space<hbm>>
      tpu.wait_dma2 semaphore(%arg14 : memref<!tpu.dma_semaphore, #tpu.memory_space<semaphore_mem>>) src(%dma_wait3A_1409 : memref<128xf32, #tpu.memory_space<hbm>>) dst(%dma_wait3A_1408 : memref<128xf32, #tpu.memory_space<vmem>>)
      %add3A_1410 = arith.constant 2048 : i32
      %add3A_1411 = arith.addi %add3A_1410, %sub3A_867 : i32
      %sub3A_1412 = arith.constant 0 : i32
      %sub3A_1413 = arith.subi %add3A_1411, %sub3A_1412 : i32
      %get3A_1414 = arith.index_cast %sub3A_1413 : i32 to index
      %get3A_1415 = tpu.vector_load %arg12[%get3A_1414] {strides = array<i32>} : memref<2576xf32, #tpu.memory_space<vmem>>, vector<16xf32>,
      %get3A_1416 = vector.shape_cast %get3A_1415 : vector<16xf32> to vector<16xf32>
      %ge3A_1417 = arith.constant 0 : i32
      %ge3A_1418 = vector.broadcast %ge3A_1417 : i32 to vector<16xi32>
      %ge3A_1419 = arith.cmpi sge, %iota3A, %ge3A_1418 : vector<16xi32>
      %lt3A_1420 = arith.constant 4 : i32
      %lt3A_1421 = vector.broadcast %lt3A_1420 : i32 to vector<16xi32>
      %lt3A_1422 = arith.cmpi slt, %iota3A, %lt3A_1421 : vector<16xi32>
      %and3A_1423 = arith.andi %ge3A_1419, %lt3A_1422 : vector<16xi1>
      %select_n3A_1424 = arith.select %and3A_1423, %get3A_1416, %broadcast_in_dim3A_1063 : vector<16xi1>, vector<16xf32>
      %dma_wait3A_1425 = arith.constant 2176 : i32
      %dma_wait3A_1426 = tpu.memref_slice %arg12[%dma_wait3A_1425] : memref<2576xf32, #tpu.memory_space<vmem>> -> memref<128xf32, #tpu.memory_space<vmem>>
      %dma_wait3A_1427 = tpu.memref_slice %arg4[%multiple_of3A_918] : memref<1280000xf32, #tpu.memory_space<hbm>> -> memref<128xf32, #tpu.memory_space<hbm>>
      %dma_wait3A_1428 = arith.constant 2176 : i32
      %dma_wait3A_1429 = tpu.memref_slice %arg12[%dma_wait3A_1428] : memref<2576xf32, #tpu.memory_space<vmem>> -> memref<128xf32, #tpu.memory_space<vmem>>
      %dma_wait3A_1430 = tpu.memref_slice %arg4[%multiple_of3A_918] : memref<1280000xf32, #tpu.memory_space<hbm>> -> memref<128xf32, #tpu.memory_space<hbm>>
      tpu.wait_dma2 semaphore(%arg14 : memref<!tpu.dma_semaphore, #tpu.memory_space<semaphore_mem>>) src(%dma_wait3A_1430 : memref<128xf32, #tpu.memory_space<hbm>>) dst(%dma_wait3A_1429 : memref<128xf32, #tpu.memory_space<vmem>>)
      %add3A_1431 = arith.constant 2176 : i32
      %add3A_1432 = arith.addi %add3A_1431, %sub3A_919 : i32
      %sub3A_1433 = arith.constant 4 : i32
      %sub3A_1434 = arith.subi %add3A_1432, %sub3A_1433 : i32
      %get3A_1435 = arith.index_cast %sub3A_1434 : i32 to index
      %get3A_1436 = tpu.vector_load %arg12[%get3A_1435] {strides = array<i32>} : memref<2576xf32, #tpu.memory_space<vmem>>, vector<16xf32>,
      %get3A_1437 = vector.shape_cast %get3A_1436 : vector<16xf32> to vector<16xf32>
      %ge3A_1438 = arith.constant 4 : i32
      %ge3A_1439 = vector.broadcast %ge3A_1438 : i32 to vector<16xi32>
      %ge3A_1440 = arith.cmpi sge, %iota3A, %ge3A_1439 : vector<16xi32>
      %lt3A_1441 = arith.constant 8 : i32
      %lt3A_1442 = vector.broadcast %lt3A_1441 : i32 to vector<16xi32>
      %lt3A_1443 = arith.cmpi slt, %iota3A, %lt3A_1442 : vector<16xi32>
      %and3A_1444 = arith.andi %ge3A_1440, %lt3A_1443 : vector<16xi1>
      %select_n3A_1445 = arith.select %and3A_1444, %get3A_1437, %select_n3A_1424 : vector<16xi1>, vector<16xf32>
      %dma_wait3A_1446 = arith.constant 2304 : i32
      %dma_wait3A_1447 = tpu.memref_slice %arg12[%dma_wait3A_1446] : memref<2576xf32, #tpu.memory_space<vmem>> -> memref<128xf32, #tpu.memory_space<vmem>>
      %dma_wait3A_1448 = tpu.memref_slice %arg4[%multiple_of3A_970] : memref<1280000xf32, #tpu.memory_space<hbm>> -> memref<128xf32, #tpu.memory_space<hbm>>
      %dma_wait3A_1449 = arith.constant 2304 : i32
      %dma_wait3A_1450 = tpu.memref_slice %arg12[%dma_wait3A_1449] : memref<2576xf32, #tpu.memory_space<vmem>> -> memref<128xf32, #tpu.memory_space<vmem>>
      %dma_wait3A_1451 = tpu.memref_slice %arg4[%multiple_of3A_970] : memref<1280000xf32, #tpu.memory_space<hbm>> -> memref<128xf32, #tpu.memory_space<hbm>>
      tpu.wait_dma2 semaphore(%arg14 : memref<!tpu.dma_semaphore, #tpu.memory_space<semaphore_mem>>) src(%dma_wait3A_1451 : memref<128xf32, #tpu.memory_space<hbm>>) dst(%dma_wait3A_1450 : memref<128xf32, #tpu.memory_space<vmem>>)
      %add3A_1452 = arith.constant 2304 : i32
      %add3A_1453 = arith.addi %add3A_1452, %sub3A_971 : i32
      %sub3A_1454 = arith.constant 8 : i32
      %sub3A_1455 = arith.subi %add3A_1453, %sub3A_1454 : i32
      %get3A_1456 = arith.index_cast %sub3A_1455 : i32 to index
      %get3A_1457 = tpu.vector_load %arg12[%get3A_1456] {strides = array<i32>} : memref<2576xf32, #tpu.memory_space<vmem>>, vector<16xf32>,
      %get3A_1458 = vector.shape_cast %get3A_1457 : vector<16xf32> to vector<16xf32>
      %ge3A_1459 = arith.constant 8 : i32
      %ge3A_1460 = vector.broadcast %ge3A_1459 : i32 to vector<16xi32>
      %ge3A_1461 = arith.cmpi sge, %iota3A, %ge3A_1460 : vector<16xi32>
      %lt3A_1462 = arith.constant 12 : i32
      %lt3A_1463 = vector.broadcast %lt3A_1462 : i32 to vector<16xi32>
      %lt3A_1464 = arith.cmpi slt, %iota3A, %lt3A_1463 : vector<16xi32>
      %and3A_1465 = arith.andi %ge3A_1461, %lt3A_1464 : vector<16xi1>
      %select_n3A_1466 = arith.select %and3A_1465, %get3A_1458, %select_n3A_1445 : vector<16xi1>, vector<16xf32>
      %dma_wait3A_1467 = arith.constant 2432 : i32
      %dma_wait3A_1468 = tpu.memref_slice %arg12[%dma_wait3A_1467] : memref<2576xf32, #tpu.memory_space<vmem>> -> memref<128xf32, #tpu.memory_space<vmem>>
      %dma_wait3A_1469 = tpu.memref_slice %arg4[%multiple_of3A_1022] : memref<1280000xf32, #tpu.memory_space<hbm>> -> memref<128xf32, #tpu.memory_space<hbm>>
      %dma_wait3A_1470 = arith.constant 2432 : i32
      %dma_wait3A_1471 = tpu.memref_slice %arg12[%dma_wait3A_1470] : memref<2576xf32, #tpu.memory_space<vmem>> -> memref<128xf32, #tpu.memory_space<vmem>>
      %dma_wait3A_1472 = tpu.memref_slice %arg4[%multiple_of3A_1022] : memref<1280000xf32, #tpu.memory_space<hbm>> -> memref<128xf32, #tpu.memory_space<hbm>>
      tpu.wait_dma2 semaphore(%arg14 : memref<!tpu.dma_semaphore, #tpu.memory_space<semaphore_mem>>) src(%dma_wait3A_1472 : memref<128xf32, #tpu.memory_space<hbm>>) dst(%dma_wait3A_1471 : memref<128xf32, #tpu.memory_space<vmem>>)
      %add3A_1473 = arith.constant 2432 : i32
      %add3A_1474 = arith.addi %add3A_1473, %sub3A_1023 : i32
      %sub3A_1475 = arith.constant 12 : i32
      %sub3A_1476 = arith.subi %add3A_1474, %sub3A_1475 : i32
      %get3A_1477 = arith.index_cast %sub3A_1476 : i32 to index
      %get3A_1478 = tpu.vector_load %arg12[%get3A_1477] {strides = array<i32>} : memref<2576xf32, #tpu.memory_space<vmem>>, vector<16xf32>,
      %get3A_1479 = vector.shape_cast %get3A_1478 : vector<16xf32> to vector<16xf32>
      %ge3A_1480 = arith.constant 12 : i32
      %ge3A_1481 = vector.broadcast %ge3A_1480 : i32 to vector<16xi32>
      %ge3A_1482 = arith.cmpi sge, %iota3A, %ge3A_1481 : vector<16xi32>
      %lt3A_1483 = arith.constant 16 : i32
      %lt3A_1484 = vector.broadcast %lt3A_1483 : i32 to vector<16xi32>
      %lt3A_1485 = arith.cmpi slt, %iota3A, %lt3A_1484 : vector<16xi32>
      %and3A_1486 = arith.andi %ge3A_1482, %lt3A_1485 : vector<16xi1>
      %select_n3A_1487 = arith.select %and3A_1486, %get3A_1479, %select_n3A_1466 : vector<16xi1>, vector<16xf32>
      %swap3A_1488 = arith.constant 0 : index
      %swap3A_1489 = tpu.vector_load %arg13[%swap3A_1488] {strides = array<i32>} : memref<128xf32, #tpu.memory_space<vmem>>, vector<16xf32>,
      %swap3A_1490 = vector.shape_cast %swap3A_1489 : vector<16xf32> to vector<16xf32>
      %swap3A_1491 = vector.shape_cast %select_n3A_1151 : vector<16xf32> to vector<16xf32>
      tpu.vector_store %arg13[%swap3A_1488], %swap3A_1491 {strides = array<i32>} : memref<128xf32, #tpu.memory_space<vmem>>, vector<16xf32>,
      %swap3A_1492 = arith.constant 16 : index
      %swap3A_1493 = tpu.vector_load %arg13[%swap3A_1492] {strides = array<i32>} : memref<128xf32, #tpu.memory_space<vmem>>, vector<16xf32>,
      %swap3A_1494 = vector.shape_cast %swap3A_1493 : vector<16xf32> to vector<16xf32>
      %swap3A_1495 = vector.shape_cast %select_n3A_1235 : vector<16xf32> to vector<16xf32>
      tpu.vector_store %arg13[%swap3A_1492], %swap3A_1495 {strides = array<i32>} : memref<128xf32, #tpu.memory_space<vmem>>, vector<16xf32>,
      %swap3A_1496 = arith.constant 32 : index
      %swap3A_1497 = tpu.vector_load %arg13[%swap3A_1496] {strides = array<i32>} : memref<128xf32, #tpu.memory_space<vmem>>, vector<16xf32>,
      %swap3A_1498 = vector.shape_cast %swap3A_1497 : vector<16xf32> to vector<16xf32>
      %swap3A_1499 = vector.shape_cast %select_n3A_1319 : vector<16xf32> to vector<16xf32>
      tpu.vector_store %arg13[%swap3A_1496], %swap3A_1499 {strides = array<i32>} : memref<128xf32, #tpu.memory_space<vmem>>, vector<16xf32>,
      %swap3A_1500 = arith.constant 48 : index
      %swap3A_1501 = tpu.vector_load %arg13[%swap3A_1500] {strides = array<i32>} : memref<128xf32, #tpu.memory_space<vmem>>, vector<16xf32>,
      %swap3A_1502 = vector.shape_cast %swap3A_1501 : vector<16xf32> to vector<16xf32>
      %swap3A_1503 = vector.shape_cast %select_n3A_1403 : vector<16xf32> to vector<16xf32>
      tpu.vector_store %arg13[%swap3A_1500], %swap3A_1503 {strides = array<i32>} : memref<128xf32, #tpu.memory_space<vmem>>, vector<16xf32>,
      %swap3A_1504 = arith.constant 64 : index
      %swap3A_1505 = tpu.vector_load %arg13[%swap3A_1504] {strides = array<i32>} : memref<128xf32, #tpu.memory_space<vmem>>, vector<16xf32>,
      %swap3A_1506 = vector.shape_cast %swap3A_1505 : vector<16xf32> to vector<16xf32>
      %swap3A_1507 = vector.shape_cast %select_n3A_1487 : vector<16xf32> to vector<16xf32>
      tpu.vector_store %arg13[%swap3A_1504], %swap3A_1507 {strides = array<i32>} : memref<128xf32, #tpu.memory_space<vmem>>, vector<16xf32>,
      %swap3A_1508 = arith.constant 80 : index
      %swap3A_1509 = tpu.vector_load %arg13[%swap3A_1508] {strides = array<i32>} : memref<128xf32, #tpu.memory_space<vmem>>, vector<16xf32>,
      %swap3A_1510 = vector.shape_cast %swap3A_1509 : vector<16xf32> to vector<16xf32>
      %swap3A_1511 = vector.shape_cast %broadcast_in_dim3A_1065 : vector<16xf32> to vector<16xf32>
      tpu.vector_store %arg13[%swap3A_1508], %swap3A_1511 {strides = array<i32>} : memref<128xf32, #tpu.memory_space<vmem>>, vector<16xf32>,
      %swap3A_1512 = arith.constant 96 : index
      %swap3A_1513 = tpu.vector_load %arg13[%swap3A_1512] {strides = array<i32>} : memref<128xf32, #tpu.memory_space<vmem>>, vector<16xf32>,
      %swap3A_1514 = vector.shape_cast %swap3A_1513 : vector<16xf32> to vector<16xf32>
      %swap3A_1515 = vector.shape_cast %broadcast_in_dim3A_1067 : vector<16xf32> to vector<16xf32>
      tpu.vector_store %arg13[%swap3A_1512], %swap3A_1515 {strides = array<i32>} : memref<128xf32, #tpu.memory_space<vmem>>, vector<16xf32>,
      %swap3A_1516 = arith.constant 112 : index
      %swap3A_1517 = tpu.vector_load %arg13[%swap3A_1516] {strides = array<i32>} : memref<128xf32, #tpu.memory_space<vmem>>, vector<16xf32>,
      %swap3A_1518 = vector.shape_cast %swap3A_1517 : vector<16xf32> to vector<16xf32>
      %swap3A_1519 = vector.shape_cast %broadcast_in_dim3A_1069 : vector<16xf32> to vector<16xf32>
      tpu.vector_store %arg13[%swap3A_1516], %swap3A_1519 {strides = array<i32>} : memref<128xf32, #tpu.memory_space<vmem>>, vector<16xf32>,
      "tpu.region"() ({
        %run_scoped3A = tpu.sem_alloc : memref<!tpu.dma_semaphore, #tpu.memory_space<semaphore_mem>>
        %dma_start3A_1520 = arith.constant 0 : i32
        %dma_start3A_1521 = tpu.memref_slice %arg7[%arg1, %dma_start3A_1520] : memref<16x128xf32, #tpu.memory_space<hbm>> -> memref<1x128xf32, #tpu.memory_space<hbm>>
        %dma_start3A_1522 = tpu.memref_squeeze %dma_start3A_1521 : memref<1x128xf32, #tpu.memory_space<hbm>> -> memref<128xf32, #tpu.memory_space<hbm>>
        %dma_start3A_1523 = arith.constant 0 : i32
        %dma_start3A_1524 = tpu.memref_slice %arg7[%arg1, %dma_start3A_1523] : memref<16x128xf32, #tpu.memory_space<hbm>> -> memref<1x128xf32, #tpu.memory_space<hbm>>
        %dma_start3A_1525 = tpu.memref_squeeze %dma_start3A_1524 : memref<1x128xf32, #tpu.memory_space<hbm>> -> memref<128xf32, #tpu.memory_space<hbm>>
        tpu.enqueue_dma source(%arg13 : memref<128xf32, #tpu.memory_space<vmem>>) target(%dma_start3A_1525 : memref<128xf32, #tpu.memory_space<hbm>>) target_semaphore(%run_scoped3A : memref<!tpu.dma_semaphore, #tpu.memory_space<semaphore_mem>>)
        %dma_wait3A_1526 = arith.constant 0 : i32
        %dma_wait3A_1527 = tpu.memref_slice %arg7[%arg1, %dma_wait3A_1526] : memref<16x128xf32, #tpu.memory_space<hbm>> -> memref<1x128xf32, #tpu.memory_space<hbm>>
        %dma_wait3A_1528 = tpu.memref_squeeze %dma_wait3A_1527 : memref<1x128xf32, #tpu.memory_space<hbm>> -> memref<128xf32, #tpu.memory_space<hbm>>
        %dma_wait3A_1529 = arith.constant 0 : i32
        %dma_wait3A_1530 = tpu.memref_slice %arg7[%arg1, %dma_wait3A_1529] : memref<16x128xf32, #tpu.memory_space<hbm>> -> memref<1x128xf32, #tpu.memory_space<hbm>>
        %dma_wait3A_1531 = tpu.memref_squeeze %dma_wait3A_1530 : memref<1x128xf32, #tpu.memory_space<hbm>> -> memref<128xf32, #tpu.memory_space<hbm>>
        tpu.wait_dma2 semaphore(%run_scoped3A : memref<!tpu.dma_semaphore, #tpu.memory_space<semaphore_mem>>) src(%arg13 : memref<128xf32, #tpu.memory_space<vmem>>) dst(%dma_wait3A_1531 : memref<128xf32, #tpu.memory_space<hbm>>)
        tpu.yield
      }) : () -> ()
    } else {
    }
    return
  }
}

module attributes {stable_mosaic.version = 14 : i64} {
  func.func @_tc_body(%arg0: i32, %arg1: i32, %arg2: memref<1x2000x91xf32, #tpu.memory_space<vmem>>, %arg3: memref<1x1x112xf32, #tpu.memory_space<vmem>>, %arg4: memref<1x1x112xi32, #tpu.memory_space<vmem>>) attributes {dimension_semantics = [#tpu.dimension_semantics<arbitrary>, #tpu.dimension_semantics<arbitrary>], iteration_bounds = array<i64: 16, 10>, scalar_prefetch = 0 : i64, scratch_operands = 0 : i64, tpu.core_type = #tpu.core_type<tc>, window_params = [{transform_indices = @transform_0, window_bounds = array<i64: 1, 2000, 91>}, {transform_indices = @transform_1, window_bounds = array<i64: 1, 1, 112>}, {transform_indices = @transform_2, window_bounds = array<i64: 1, 1, 112>}]} {
    %iota3A = tpu.iota {dimensions = array<i32: 0>} : vector<8x91xi32>
    %get3A = arith.constant 0 : index
    %get3A_0 = arith.constant 0 : index
    %get3A_1 = arith.constant 0 : index
    %get3A_2 = vector.load %arg2[%get3A, %get3A_0, %get3A_1] : memref<1x2000x91xf32, #tpu.memory_space<vmem>>, vector<1x8x91xf32>
    %get3A_3 = vector.shape_cast %get3A_2 : vector<1x8x91xf32> to vector<8x91xf32>
    %broadcast_in_dim3A = arith.constant 0 : i32
    %broadcast_in_dim3A_4 = vector.broadcast %broadcast_in_dim3A : i32 to vector<8x91xi32>
    %get3A_5 = arith.constant 0 : index
    %get3A_6 = arith.constant 8 : index
    %get3A_7 = arith.constant 0 : index
    %get3A_8 = vector.load %arg2[%get3A_5, %get3A_6, %get3A_7] : memref<1x2000x91xf32, #tpu.memory_space<vmem>>, vector<1x8x91xf32>
    %get3A_9 = vector.shape_cast %get3A_8 : vector<1x8x91xf32> to vector<8x91xf32>
    %gt3A = arith.cmpf ogt, %get3A_9, %get3A_3 : vector<8x91xf32>
    %select_n3A = arith.select %gt3A, %get3A_9, %get3A_3 : vector<8x91xi1>, vector<8x91xf32>
    %jit3A = arith.constant 1 : i32
    %broadcast_in_dim3A_10 = vector.broadcast %jit3A : i32 to vector<8x91xi32>
    %select_n3A_11 = arith.select %gt3A, %broadcast_in_dim3A_10, %broadcast_in_dim3A_4 : vector<8x91xi1>, vector<8x91xi32>
    %get3A_12 = arith.constant 0 : index
    %get3A_13 = arith.constant 16 : index
    %get3A_14 = arith.constant 0 : index
    %get3A_15 = vector.load %arg2[%get3A_12, %get3A_13, %get3A_14] : memref<1x2000x91xf32, #tpu.memory_space<vmem>>, vector<1x8x91xf32>
    %get3A_16 = vector.shape_cast %get3A_15 : vector<1x8x91xf32> to vector<8x91xf32>
    %gt3A_17 = arith.cmpf ogt, %get3A_16, %select_n3A : vector<8x91xf32>
    %select_n3A_18 = arith.select %gt3A_17, %get3A_16, %select_n3A : vector<8x91xi1>, vector<8x91xf32>
    %jit3A_19 = arith.constant 2 : i32
    %broadcast_in_dim3A_20 = vector.broadcast %jit3A_19 : i32 to vector<8x91xi32>
    %select_n3A_21 = arith.select %gt3A_17, %broadcast_in_dim3A_20, %select_n3A_11 : vector<8x91xi1>, vector<8x91xi32>
    %get3A_22 = arith.constant 0 : index
    %get3A_23 = arith.constant 24 : index
    %get3A_24 = arith.constant 0 : index
    %get3A_25 = vector.load %arg2[%get3A_22, %get3A_23, %get3A_24] : memref<1x2000x91xf32, #tpu.memory_space<vmem>>, vector<1x8x91xf32>
    %get3A_26 = vector.shape_cast %get3A_25 : vector<1x8x91xf32> to vector<8x91xf32>
    %gt3A_27 = arith.cmpf ogt, %get3A_26, %select_n3A_18 : vector<8x91xf32>
    %select_n3A_28 = arith.select %gt3A_27, %get3A_26, %select_n3A_18 : vector<8x91xi1>, vector<8x91xf32>
    %jit3A_29 = arith.constant 3 : i32
    %broadcast_in_dim3A_30 = vector.broadcast %jit3A_29 : i32 to vector<8x91xi32>
    %select_n3A_31 = arith.select %gt3A_27, %broadcast_in_dim3A_30, %select_n3A_21 : vector<8x91xi1>, vector<8x91xi32>
    %get3A_32 = arith.constant 0 : index
    %get3A_33 = arith.constant 32 : index
    %get3A_34 = arith.constant 0 : index
    %get3A_35 = vector.load %arg2[%get3A_32, %get3A_33, %get3A_34] : memref<1x2000x91xf32, #tpu.memory_space<vmem>>, vector<1x8x91xf32>
    %get3A_36 = vector.shape_cast %get3A_35 : vector<1x8x91xf32> to vector<8x91xf32>
    %gt3A_37 = arith.cmpf ogt, %get3A_36, %select_n3A_28 : vector<8x91xf32>
    %select_n3A_38 = arith.select %gt3A_37, %get3A_36, %select_n3A_28 : vector<8x91xi1>, vector<8x91xf32>
    %jit3A_39 = arith.constant 4 : i32
    %broadcast_in_dim3A_40 = vector.broadcast %jit3A_39 : i32 to vector<8x91xi32>
    %select_n3A_41 = arith.select %gt3A_37, %broadcast_in_dim3A_40, %select_n3A_31 : vector<8x91xi1>, vector<8x91xi32>
    %get3A_42 = arith.constant 0 : index
    %get3A_43 = arith.constant 40 : index
    %get3A_44 = arith.constant 0 : index
    %get3A_45 = vector.load %arg2[%get3A_42, %get3A_43, %get3A_44] : memref<1x2000x91xf32, #tpu.memory_space<vmem>>, vector<1x8x91xf32>
    %get3A_46 = vector.shape_cast %get3A_45 : vector<1x8x91xf32> to vector<8x91xf32>
    %gt3A_47 = arith.cmpf ogt, %get3A_46, %select_n3A_38 : vector<8x91xf32>
    %select_n3A_48 = arith.select %gt3A_47, %get3A_46, %select_n3A_38 : vector<8x91xi1>, vector<8x91xf32>
    %jit3A_49 = arith.constant 5 : i32
    %broadcast_in_dim3A_50 = vector.broadcast %jit3A_49 : i32 to vector<8x91xi32>
    %select_n3A_51 = arith.select %gt3A_47, %broadcast_in_dim3A_50, %select_n3A_41 : vector<8x91xi1>, vector<8x91xi32>
    %get3A_52 = arith.constant 0 : index
    %get3A_53 = arith.constant 48 : index
    %get3A_54 = arith.constant 0 : index
    %get3A_55 = vector.load %arg2[%get3A_52, %get3A_53, %get3A_54] : memref<1x2000x91xf32, #tpu.memory_space<vmem>>, vector<1x8x91xf32>
    %get3A_56 = vector.shape_cast %get3A_55 : vector<1x8x91xf32> to vector<8x91xf32>
    %gt3A_57 = arith.cmpf ogt, %get3A_56, %select_n3A_48 : vector<8x91xf32>
    %select_n3A_58 = arith.select %gt3A_57, %get3A_56, %select_n3A_48 : vector<8x91xi1>, vector<8x91xf32>
    %jit3A_59 = arith.constant 6 : i32
    %broadcast_in_dim3A_60 = vector.broadcast %jit3A_59 : i32 to vector<8x91xi32>
    %select_n3A_61 = arith.select %gt3A_57, %broadcast_in_dim3A_60, %select_n3A_51 : vector<8x91xi1>, vector<8x91xi32>
    %get3A_62 = arith.constant 0 : index
    %get3A_63 = arith.constant 56 : index
    %get3A_64 = arith.constant 0 : index
    %get3A_65 = vector.load %arg2[%get3A_62, %get3A_63, %get3A_64] : memref<1x2000x91xf32, #tpu.memory_space<vmem>>, vector<1x8x91xf32>
    %get3A_66 = vector.shape_cast %get3A_65 : vector<1x8x91xf32> to vector<8x91xf32>
    %gt3A_67 = arith.cmpf ogt, %get3A_66, %select_n3A_58 : vector<8x91xf32>
    %select_n3A_68 = arith.select %gt3A_67, %get3A_66, %select_n3A_58 : vector<8x91xi1>, vector<8x91xf32>
    %jit3A_69 = arith.constant 7 : i32
    %broadcast_in_dim3A_70 = vector.broadcast %jit3A_69 : i32 to vector<8x91xi32>
    %select_n3A_71 = arith.select %gt3A_67, %broadcast_in_dim3A_70, %select_n3A_61 : vector<8x91xi1>, vector<8x91xi32>
    %get3A_72 = arith.constant 0 : index
    %get3A_73 = arith.constant 64 : index
    %get3A_74 = arith.constant 0 : index
    %get3A_75 = vector.load %arg2[%get3A_72, %get3A_73, %get3A_74] : memref<1x2000x91xf32, #tpu.memory_space<vmem>>, vector<1x8x91xf32>
    %get3A_76 = vector.shape_cast %get3A_75 : vector<1x8x91xf32> to vector<8x91xf32>
    %gt3A_77 = arith.cmpf ogt, %get3A_76, %select_n3A_68 : vector<8x91xf32>
    %select_n3A_78 = arith.select %gt3A_77, %get3A_76, %select_n3A_68 : vector<8x91xi1>, vector<8x91xf32>
    %jit3A_79 = arith.constant 8 : i32
    %broadcast_in_dim3A_80 = vector.broadcast %jit3A_79 : i32 to vector<8x91xi32>
    %select_n3A_81 = arith.select %gt3A_77, %broadcast_in_dim3A_80, %select_n3A_71 : vector<8x91xi1>, vector<8x91xi32>
    %get3A_82 = arith.constant 0 : index
    %get3A_83 = arith.constant 72 : index
    %get3A_84 = arith.constant 0 : index
    %get3A_85 = vector.load %arg2[%get3A_82, %get3A_83, %get3A_84] : memref<1x2000x91xf32, #tpu.memory_space<vmem>>, vector<1x8x91xf32>
    %get3A_86 = vector.shape_cast %get3A_85 : vector<1x8x91xf32> to vector<8x91xf32>
    %gt3A_87 = arith.cmpf ogt, %get3A_86, %select_n3A_78 : vector<8x91xf32>
    %select_n3A_88 = arith.select %gt3A_87, %get3A_86, %select_n3A_78 : vector<8x91xi1>, vector<8x91xf32>
    %jit3A_89 = arith.constant 9 : i32
    %broadcast_in_dim3A_90 = vector.broadcast %jit3A_89 : i32 to vector<8x91xi32>
    %select_n3A_91 = arith.select %gt3A_87, %broadcast_in_dim3A_90, %select_n3A_81 : vector<8x91xi1>, vector<8x91xi32>
    %get3A_92 = arith.constant 0 : index
    %get3A_93 = arith.constant 80 : index
    %get3A_94 = arith.constant 0 : index
    %get3A_95 = vector.load %arg2[%get3A_92, %get3A_93, %get3A_94] : memref<1x2000x91xf32, #tpu.memory_space<vmem>>, vector<1x8x91xf32>
    %get3A_96 = vector.shape_cast %get3A_95 : vector<1x8x91xf32> to vector<8x91xf32>
    %gt3A_97 = arith.cmpf ogt, %get3A_96, %select_n3A_88 : vector<8x91xf32>
    %select_n3A_98 = arith.select %gt3A_97, %get3A_96, %select_n3A_88 : vector<8x91xi1>, vector<8x91xf32>
    %jit3A_99 = arith.constant 10 : i32
    %broadcast_in_dim3A_100 = vector.broadcast %jit3A_99 : i32 to vector<8x91xi32>
    %select_n3A_101 = arith.select %gt3A_97, %broadcast_in_dim3A_100, %select_n3A_91 : vector<8x91xi1>, vector<8x91xi32>
    %get3A_102 = arith.constant 0 : index
    %get3A_103 = arith.constant 88 : index
    %get3A_104 = arith.constant 0 : index
    %get3A_105 = vector.load %arg2[%get3A_102, %get3A_103, %get3A_104] : memref<1x2000x91xf32, #tpu.memory_space<vmem>>, vector<1x8x91xf32>
    %get3A_106 = vector.shape_cast %get3A_105 : vector<1x8x91xf32> to vector<8x91xf32>
    %gt3A_107 = arith.cmpf ogt, %get3A_106, %select_n3A_98 : vector<8x91xf32>
    %select_n3A_108 = arith.select %gt3A_107, %get3A_106, %select_n3A_98 : vector<8x91xi1>, vector<8x91xf32>
    %jit3A_109 = arith.constant 11 : i32
    %broadcast_in_dim3A_110 = vector.broadcast %jit3A_109 : i32 to vector<8x91xi32>
    %select_n3A_111 = arith.select %gt3A_107, %broadcast_in_dim3A_110, %select_n3A_101 : vector<8x91xi1>, vector<8x91xi32>
    %get3A_112 = arith.constant 0 : index
    %get3A_113 = arith.constant 96 : index
    %get3A_114 = arith.constant 0 : index
    %get3A_115 = vector.load %arg2[%get3A_112, %get3A_113, %get3A_114] : memref<1x2000x91xf32, #tpu.memory_space<vmem>>, vector<1x8x91xf32>
    %get3A_116 = vector.shape_cast %get3A_115 : vector<1x8x91xf32> to vector<8x91xf32>
    %gt3A_117 = arith.cmpf ogt, %get3A_116, %select_n3A_108 : vector<8x91xf32>
    %select_n3A_118 = arith.select %gt3A_117, %get3A_116, %select_n3A_108 : vector<8x91xi1>, vector<8x91xf32>
    %jit3A_119 = arith.constant 12 : i32
    %broadcast_in_dim3A_120 = vector.broadcast %jit3A_119 : i32 to vector<8x91xi32>
    %select_n3A_121 = arith.select %gt3A_117, %broadcast_in_dim3A_120, %select_n3A_111 : vector<8x91xi1>, vector<8x91xi32>
    %get3A_122 = arith.constant 0 : index
    %get3A_123 = arith.constant 104 : index
    %get3A_124 = arith.constant 0 : index
    %get3A_125 = vector.load %arg2[%get3A_122, %get3A_123, %get3A_124] : memref<1x2000x91xf32, #tpu.memory_space<vmem>>, vector<1x8x91xf32>
    %get3A_126 = vector.shape_cast %get3A_125 : vector<1x8x91xf32> to vector<8x91xf32>
    %gt3A_127 = arith.cmpf ogt, %get3A_126, %select_n3A_118 : vector<8x91xf32>
    %select_n3A_128 = arith.select %gt3A_127, %get3A_126, %select_n3A_118 : vector<8x91xi1>, vector<8x91xf32>
    %jit3A_129 = arith.constant 13 : i32
    %broadcast_in_dim3A_130 = vector.broadcast %jit3A_129 : i32 to vector<8x91xi32>
    %select_n3A_131 = arith.select %gt3A_127, %broadcast_in_dim3A_130, %select_n3A_121 : vector<8x91xi1>, vector<8x91xi32>
    %get3A_132 = arith.constant 0 : index
    %get3A_133 = arith.constant 112 : index
    %get3A_134 = arith.constant 0 : index
    %get3A_135 = vector.load %arg2[%get3A_132, %get3A_133, %get3A_134] : memref<1x2000x91xf32, #tpu.memory_space<vmem>>, vector<1x8x91xf32>
    %get3A_136 = vector.shape_cast %get3A_135 : vector<1x8x91xf32> to vector<8x91xf32>
    %gt3A_137 = arith.cmpf ogt, %get3A_136, %select_n3A_128 : vector<8x91xf32>
    %select_n3A_138 = arith.select %gt3A_137, %get3A_136, %select_n3A_128 : vector<8x91xi1>, vector<8x91xf32>
    %jit3A_139 = arith.constant 14 : i32
    %broadcast_in_dim3A_140 = vector.broadcast %jit3A_139 : i32 to vector<8x91xi32>
    %select_n3A_141 = arith.select %gt3A_137, %broadcast_in_dim3A_140, %select_n3A_131 : vector<8x91xi1>, vector<8x91xi32>
    %get3A_142 = arith.constant 0 : index
    %get3A_143 = arith.constant 120 : index
    %get3A_144 = arith.constant 0 : index
    %get3A_145 = vector.load %arg2[%get3A_142, %get3A_143, %get3A_144] : memref<1x2000x91xf32, #tpu.memory_space<vmem>>, vector<1x8x91xf32>
    %get3A_146 = vector.shape_cast %get3A_145 : vector<1x8x91xf32> to vector<8x91xf32>
    %gt3A_147 = arith.cmpf ogt, %get3A_146, %select_n3A_138 : vector<8x91xf32>
    %select_n3A_148 = arith.select %gt3A_147, %get3A_146, %select_n3A_138 : vector<8x91xi1>, vector<8x91xf32>
    %jit3A_149 = arith.constant 15 : i32
    %broadcast_in_dim3A_150 = vector.broadcast %jit3A_149 : i32 to vector<8x91xi32>
    %select_n3A_151 = arith.select %gt3A_147, %broadcast_in_dim3A_150, %select_n3A_141 : vector<8x91xi1>, vector<8x91xi32>
    %get3A_152 = arith.constant 0 : index
    %get3A_153 = arith.constant 128 : index
    %get3A_154 = arith.constant 0 : index
    %get3A_155 = vector.load %arg2[%get3A_152, %get3A_153, %get3A_154] : memref<1x2000x91xf32, #tpu.memory_space<vmem>>, vector<1x8x91xf32>
    %get3A_156 = vector.shape_cast %get3A_155 : vector<1x8x91xf32> to vector<8x91xf32>
    %gt3A_157 = arith.cmpf ogt, %get3A_156, %select_n3A_148 : vector<8x91xf32>
    %select_n3A_158 = arith.select %gt3A_157, %get3A_156, %select_n3A_148 : vector<8x91xi1>, vector<8x91xf32>
    %jit3A_159 = arith.constant 16 : i32
    %broadcast_in_dim3A_160 = vector.broadcast %jit3A_159 : i32 to vector<8x91xi32>
    %select_n3A_161 = arith.select %gt3A_157, %broadcast_in_dim3A_160, %select_n3A_151 : vector<8x91xi1>, vector<8x91xi32>
    %get3A_162 = arith.constant 0 : index
    %get3A_163 = arith.constant 136 : index
    %get3A_164 = arith.constant 0 : index
    %get3A_165 = vector.load %arg2[%get3A_162, %get3A_163, %get3A_164] : memref<1x2000x91xf32, #tpu.memory_space<vmem>>, vector<1x8x91xf32>
    %get3A_166 = vector.shape_cast %get3A_165 : vector<1x8x91xf32> to vector<8x91xf32>
    %gt3A_167 = arith.cmpf ogt, %get3A_166, %select_n3A_158 : vector<8x91xf32>
    %select_n3A_168 = arith.select %gt3A_167, %get3A_166, %select_n3A_158 : vector<8x91xi1>, vector<8x91xf32>
    %jit3A_169 = arith.constant 17 : i32
    %broadcast_in_dim3A_170 = vector.broadcast %jit3A_169 : i32 to vector<8x91xi32>
    %select_n3A_171 = arith.select %gt3A_167, %broadcast_in_dim3A_170, %select_n3A_161 : vector<8x91xi1>, vector<8x91xi32>
    %get3A_172 = arith.constant 0 : index
    %get3A_173 = arith.constant 144 : index
    %get3A_174 = arith.constant 0 : index
    %get3A_175 = vector.load %arg2[%get3A_172, %get3A_173, %get3A_174] : memref<1x2000x91xf32, #tpu.memory_space<vmem>>, vector<1x8x91xf32>
    %get3A_176 = vector.shape_cast %get3A_175 : vector<1x8x91xf32> to vector<8x91xf32>
    %gt3A_177 = arith.cmpf ogt, %get3A_176, %select_n3A_168 : vector<8x91xf32>
    %select_n3A_178 = arith.select %gt3A_177, %get3A_176, %select_n3A_168 : vector<8x91xi1>, vector<8x91xf32>
    %jit3A_179 = arith.constant 18 : i32
    %broadcast_in_dim3A_180 = vector.broadcast %jit3A_179 : i32 to vector<8x91xi32>
    %select_n3A_181 = arith.select %gt3A_177, %broadcast_in_dim3A_180, %select_n3A_171 : vector<8x91xi1>, vector<8x91xi32>
    %get3A_182 = arith.constant 0 : index
    %get3A_183 = arith.constant 152 : index
    %get3A_184 = arith.constant 0 : index
    %get3A_185 = vector.load %arg2[%get3A_182, %get3A_183, %get3A_184] : memref<1x2000x91xf32, #tpu.memory_space<vmem>>, vector<1x8x91xf32>
    %get3A_186 = vector.shape_cast %get3A_185 : vector<1x8x91xf32> to vector<8x91xf32>
    %gt3A_187 = arith.cmpf ogt, %get3A_186, %select_n3A_178 : vector<8x91xf32>
    %select_n3A_188 = arith.select %gt3A_187, %get3A_186, %select_n3A_178 : vector<8x91xi1>, vector<8x91xf32>
    %jit3A_189 = arith.constant 19 : i32
    %broadcast_in_dim3A_190 = vector.broadcast %jit3A_189 : i32 to vector<8x91xi32>
    %select_n3A_191 = arith.select %gt3A_187, %broadcast_in_dim3A_190, %select_n3A_181 : vector<8x91xi1>, vector<8x91xi32>
    %get3A_192 = arith.constant 0 : index
    %get3A_193 = arith.constant 160 : index
    %get3A_194 = arith.constant 0 : index
    %get3A_195 = vector.load %arg2[%get3A_192, %get3A_193, %get3A_194] : memref<1x2000x91xf32, #tpu.memory_space<vmem>>, vector<1x8x91xf32>
    %get3A_196 = vector.shape_cast %get3A_195 : vector<1x8x91xf32> to vector<8x91xf32>
    %gt3A_197 = arith.cmpf ogt, %get3A_196, %select_n3A_188 : vector<8x91xf32>
    %select_n3A_198 = arith.select %gt3A_197, %get3A_196, %select_n3A_188 : vector<8x91xi1>, vector<8x91xf32>
    %jit3A_199 = arith.constant 20 : i32
    %broadcast_in_dim3A_200 = vector.broadcast %jit3A_199 : i32 to vector<8x91xi32>
    %select_n3A_201 = arith.select %gt3A_197, %broadcast_in_dim3A_200, %select_n3A_191 : vector<8x91xi1>, vector<8x91xi32>
    %get3A_202 = arith.constant 0 : index
    %get3A_203 = arith.constant 168 : index
    %get3A_204 = arith.constant 0 : index
    %get3A_205 = vector.load %arg2[%get3A_202, %get3A_203, %get3A_204] : memref<1x2000x91xf32, #tpu.memory_space<vmem>>, vector<1x8x91xf32>
    %get3A_206 = vector.shape_cast %get3A_205 : vector<1x8x91xf32> to vector<8x91xf32>
    %gt3A_207 = arith.cmpf ogt, %get3A_206, %select_n3A_198 : vector<8x91xf32>
    %select_n3A_208 = arith.select %gt3A_207, %get3A_206, %select_n3A_198 : vector<8x91xi1>, vector<8x91xf32>
    %jit3A_209 = arith.constant 21 : i32
    %broadcast_in_dim3A_210 = vector.broadcast %jit3A_209 : i32 to vector<8x91xi32>
    %select_n3A_211 = arith.select %gt3A_207, %broadcast_in_dim3A_210, %select_n3A_201 : vector<8x91xi1>, vector<8x91xi32>
    %get3A_212 = arith.constant 0 : index
    %get3A_213 = arith.constant 176 : index
    %get3A_214 = arith.constant 0 : index
    %get3A_215 = vector.load %arg2[%get3A_212, %get3A_213, %get3A_214] : memref<1x2000x91xf32, #tpu.memory_space<vmem>>, vector<1x8x91xf32>
    %get3A_216 = vector.shape_cast %get3A_215 : vector<1x8x91xf32> to vector<8x91xf32>
    %gt3A_217 = arith.cmpf ogt, %get3A_216, %select_n3A_208 : vector<8x91xf32>
    %select_n3A_218 = arith.select %gt3A_217, %get3A_216, %select_n3A_208 : vector<8x91xi1>, vector<8x91xf32>
    %jit3A_219 = arith.constant 22 : i32
    %broadcast_in_dim3A_220 = vector.broadcast %jit3A_219 : i32 to vector<8x91xi32>
    %select_n3A_221 = arith.select %gt3A_217, %broadcast_in_dim3A_220, %select_n3A_211 : vector<8x91xi1>, vector<8x91xi32>
    %get3A_222 = arith.constant 0 : index
    %get3A_223 = arith.constant 184 : index
    %get3A_224 = arith.constant 0 : index
    %get3A_225 = vector.load %arg2[%get3A_222, %get3A_223, %get3A_224] : memref<1x2000x91xf32, #tpu.memory_space<vmem>>, vector<1x8x91xf32>
    %get3A_226 = vector.shape_cast %get3A_225 : vector<1x8x91xf32> to vector<8x91xf32>
    %gt3A_227 = arith.cmpf ogt, %get3A_226, %select_n3A_218 : vector<8x91xf32>
    %select_n3A_228 = arith.select %gt3A_227, %get3A_226, %select_n3A_218 : vector<8x91xi1>, vector<8x91xf32>
    %jit3A_229 = arith.constant 23 : i32
    %broadcast_in_dim3A_230 = vector.broadcast %jit3A_229 : i32 to vector<8x91xi32>
    %select_n3A_231 = arith.select %gt3A_227, %broadcast_in_dim3A_230, %select_n3A_221 : vector<8x91xi1>, vector<8x91xi32>
    %get3A_232 = arith.constant 0 : index
    %get3A_233 = arith.constant 192 : index
    %get3A_234 = arith.constant 0 : index
    %get3A_235 = vector.load %arg2[%get3A_232, %get3A_233, %get3A_234] : memref<1x2000x91xf32, #tpu.memory_space<vmem>>, vector<1x8x91xf32>
    %get3A_236 = vector.shape_cast %get3A_235 : vector<1x8x91xf32> to vector<8x91xf32>
    %gt3A_237 = arith.cmpf ogt, %get3A_236, %select_n3A_228 : vector<8x91xf32>
    %select_n3A_238 = arith.select %gt3A_237, %get3A_236, %select_n3A_228 : vector<8x91xi1>, vector<8x91xf32>
    %jit3A_239 = arith.constant 24 : i32
    %broadcast_in_dim3A_240 = vector.broadcast %jit3A_239 : i32 to vector<8x91xi32>
    %select_n3A_241 = arith.select %gt3A_237, %broadcast_in_dim3A_240, %select_n3A_231 : vector<8x91xi1>, vector<8x91xi32>
    %get3A_242 = arith.constant 0 : index
    %get3A_243 = arith.constant 200 : index
    %get3A_244 = arith.constant 0 : index
    %get3A_245 = vector.load %arg2[%get3A_242, %get3A_243, %get3A_244] : memref<1x2000x91xf32, #tpu.memory_space<vmem>>, vector<1x8x91xf32>
    %get3A_246 = vector.shape_cast %get3A_245 : vector<1x8x91xf32> to vector<8x91xf32>
    %gt3A_247 = arith.cmpf ogt, %get3A_246, %select_n3A_238 : vector<8x91xf32>
    %select_n3A_248 = arith.select %gt3A_247, %get3A_246, %select_n3A_238 : vector<8x91xi1>, vector<8x91xf32>
    %jit3A_249 = arith.constant 25 : i32
    %broadcast_in_dim3A_250 = vector.broadcast %jit3A_249 : i32 to vector<8x91xi32>
    %select_n3A_251 = arith.select %gt3A_247, %broadcast_in_dim3A_250, %select_n3A_241 : vector<8x91xi1>, vector<8x91xi32>
    %get3A_252 = arith.constant 0 : index
    %get3A_253 = arith.constant 208 : index
    %get3A_254 = arith.constant 0 : index
    %get3A_255 = vector.load %arg2[%get3A_252, %get3A_253, %get3A_254] : memref<1x2000x91xf32, #tpu.memory_space<vmem>>, vector<1x8x91xf32>
    %get3A_256 = vector.shape_cast %get3A_255 : vector<1x8x91xf32> to vector<8x91xf32>
    %gt3A_257 = arith.cmpf ogt, %get3A_256, %select_n3A_248 : vector<8x91xf32>
    %select_n3A_258 = arith.select %gt3A_257, %get3A_256, %select_n3A_248 : vector<8x91xi1>, vector<8x91xf32>
    %jit3A_259 = arith.constant 26 : i32
    %broadcast_in_dim3A_260 = vector.broadcast %jit3A_259 : i32 to vector<8x91xi32>
    %select_n3A_261 = arith.select %gt3A_257, %broadcast_in_dim3A_260, %select_n3A_251 : vector<8x91xi1>, vector<8x91xi32>
    %get3A_262 = arith.constant 0 : index
    %get3A_263 = arith.constant 216 : index
    %get3A_264 = arith.constant 0 : index
    %get3A_265 = vector.load %arg2[%get3A_262, %get3A_263, %get3A_264] : memref<1x2000x91xf32, #tpu.memory_space<vmem>>, vector<1x8x91xf32>
    %get3A_266 = vector.shape_cast %get3A_265 : vector<1x8x91xf32> to vector<8x91xf32>
    %gt3A_267 = arith.cmpf ogt, %get3A_266, %select_n3A_258 : vector<8x91xf32>
    %select_n3A_268 = arith.select %gt3A_267, %get3A_266, %select_n3A_258 : vector<8x91xi1>, vector<8x91xf32>
    %jit3A_269 = arith.constant 27 : i32
    %broadcast_in_dim3A_270 = vector.broadcast %jit3A_269 : i32 to vector<8x91xi32>
    %select_n3A_271 = arith.select %gt3A_267, %broadcast_in_dim3A_270, %select_n3A_261 : vector<8x91xi1>, vector<8x91xi32>
    %get3A_272 = arith.constant 0 : index
    %get3A_273 = arith.constant 224 : index
    %get3A_274 = arith.constant 0 : index
    %get3A_275 = vector.load %arg2[%get3A_272, %get3A_273, %get3A_274] : memref<1x2000x91xf32, #tpu.memory_space<vmem>>, vector<1x8x91xf32>
    %get3A_276 = vector.shape_cast %get3A_275 : vector<1x8x91xf32> to vector<8x91xf32>
    %gt3A_277 = arith.cmpf ogt, %get3A_276, %select_n3A_268 : vector<8x91xf32>
    %select_n3A_278 = arith.select %gt3A_277, %get3A_276, %select_n3A_268 : vector<8x91xi1>, vector<8x91xf32>
    %jit3A_279 = arith.constant 28 : i32
    %broadcast_in_dim3A_280 = vector.broadcast %jit3A_279 : i32 to vector<8x91xi32>
    %select_n3A_281 = arith.select %gt3A_277, %broadcast_in_dim3A_280, %select_n3A_271 : vector<8x91xi1>, vector<8x91xi32>
    %get3A_282 = arith.constant 0 : index
    %get3A_283 = arith.constant 232 : index
    %get3A_284 = arith.constant 0 : index
    %get3A_285 = vector.load %arg2[%get3A_282, %get3A_283, %get3A_284] : memref<1x2000x91xf32, #tpu.memory_space<vmem>>, vector<1x8x91xf32>
    %get3A_286 = vector.shape_cast %get3A_285 : vector<1x8x91xf32> to vector<8x91xf32>
    %gt3A_287 = arith.cmpf ogt, %get3A_286, %select_n3A_278 : vector<8x91xf32>
    %select_n3A_288 = arith.select %gt3A_287, %get3A_286, %select_n3A_278 : vector<8x91xi1>, vector<8x91xf32>
    %jit3A_289 = arith.constant 29 : i32
    %broadcast_in_dim3A_290 = vector.broadcast %jit3A_289 : i32 to vector<8x91xi32>
    %select_n3A_291 = arith.select %gt3A_287, %broadcast_in_dim3A_290, %select_n3A_281 : vector<8x91xi1>, vector<8x91xi32>
    %get3A_292 = arith.constant 0 : index
    %get3A_293 = arith.constant 240 : index
    %get3A_294 = arith.constant 0 : index
    %get3A_295 = vector.load %arg2[%get3A_292, %get3A_293, %get3A_294] : memref<1x2000x91xf32, #tpu.memory_space<vmem>>, vector<1x8x91xf32>
    %get3A_296 = vector.shape_cast %get3A_295 : vector<1x8x91xf32> to vector<8x91xf32>
    %gt3A_297 = arith.cmpf ogt, %get3A_296, %select_n3A_288 : vector<8x91xf32>
    %select_n3A_298 = arith.select %gt3A_297, %get3A_296, %select_n3A_288 : vector<8x91xi1>, vector<8x91xf32>
    %jit3A_299 = arith.constant 30 : i32
    %broadcast_in_dim3A_300 = vector.broadcast %jit3A_299 : i32 to vector<8x91xi32>
    %select_n3A_301 = arith.select %gt3A_297, %broadcast_in_dim3A_300, %select_n3A_291 : vector<8x91xi1>, vector<8x91xi32>
    %get3A_302 = arith.constant 0 : index
    %get3A_303 = arith.constant 248 : index
    %get3A_304 = arith.constant 0 : index
    %get3A_305 = vector.load %arg2[%get3A_302, %get3A_303, %get3A_304] : memref<1x2000x91xf32, #tpu.memory_space<vmem>>, vector<1x8x91xf32>
    %get3A_306 = vector.shape_cast %get3A_305 : vector<1x8x91xf32> to vector<8x91xf32>
    %gt3A_307 = arith.cmpf ogt, %get3A_306, %select_n3A_298 : vector<8x91xf32>
    %select_n3A_308 = arith.select %gt3A_307, %get3A_306, %select_n3A_298 : vector<8x91xi1>, vector<8x91xf32>
    %jit3A_309 = arith.constant 31 : i32
    %broadcast_in_dim3A_310 = vector.broadcast %jit3A_309 : i32 to vector<8x91xi32>
    %select_n3A_311 = arith.select %gt3A_307, %broadcast_in_dim3A_310, %select_n3A_301 : vector<8x91xi1>, vector<8x91xi32>
    %get3A_312 = arith.constant 0 : index
    %get3A_313 = arith.constant 256 : index
    %get3A_314 = arith.constant 0 : index
    %get3A_315 = vector.load %arg2[%get3A_312, %get3A_313, %get3A_314] : memref<1x2000x91xf32, #tpu.memory_space<vmem>>, vector<1x8x91xf32>
    %get3A_316 = vector.shape_cast %get3A_315 : vector<1x8x91xf32> to vector<8x91xf32>
    %gt3A_317 = arith.cmpf ogt, %get3A_316, %select_n3A_308 : vector<8x91xf32>
    %select_n3A_318 = arith.select %gt3A_317, %get3A_316, %select_n3A_308 : vector<8x91xi1>, vector<8x91xf32>
    %jit3A_319 = arith.constant 32 : i32
    %broadcast_in_dim3A_320 = vector.broadcast %jit3A_319 : i32 to vector<8x91xi32>
    %select_n3A_321 = arith.select %gt3A_317, %broadcast_in_dim3A_320, %select_n3A_311 : vector<8x91xi1>, vector<8x91xi32>
    %get3A_322 = arith.constant 0 : index
    %get3A_323 = arith.constant 264 : index
    %get3A_324 = arith.constant 0 : index
    %get3A_325 = vector.load %arg2[%get3A_322, %get3A_323, %get3A_324] : memref<1x2000x91xf32, #tpu.memory_space<vmem>>, vector<1x8x91xf32>
    %get3A_326 = vector.shape_cast %get3A_325 : vector<1x8x91xf32> to vector<8x91xf32>
    %gt3A_327 = arith.cmpf ogt, %get3A_326, %select_n3A_318 : vector<8x91xf32>
    %select_n3A_328 = arith.select %gt3A_327, %get3A_326, %select_n3A_318 : vector<8x91xi1>, vector<8x91xf32>
    %jit3A_329 = arith.constant 33 : i32
    %broadcast_in_dim3A_330 = vector.broadcast %jit3A_329 : i32 to vector<8x91xi32>
    %select_n3A_331 = arith.select %gt3A_327, %broadcast_in_dim3A_330, %select_n3A_321 : vector<8x91xi1>, vector<8x91xi32>
    %get3A_332 = arith.constant 0 : index
    %get3A_333 = arith.constant 272 : index
    %get3A_334 = arith.constant 0 : index
    %get3A_335 = vector.load %arg2[%get3A_332, %get3A_333, %get3A_334] : memref<1x2000x91xf32, #tpu.memory_space<vmem>>, vector<1x8x91xf32>
    %get3A_336 = vector.shape_cast %get3A_335 : vector<1x8x91xf32> to vector<8x91xf32>
    %gt3A_337 = arith.cmpf ogt, %get3A_336, %select_n3A_328 : vector<8x91xf32>
    %select_n3A_338 = arith.select %gt3A_337, %get3A_336, %select_n3A_328 : vector<8x91xi1>, vector<8x91xf32>
    %jit3A_339 = arith.constant 34 : i32
    %broadcast_in_dim3A_340 = vector.broadcast %jit3A_339 : i32 to vector<8x91xi32>
    %select_n3A_341 = arith.select %gt3A_337, %broadcast_in_dim3A_340, %select_n3A_331 : vector<8x91xi1>, vector<8x91xi32>
    %get3A_342 = arith.constant 0 : index
    %get3A_343 = arith.constant 280 : index
    %get3A_344 = arith.constant 0 : index
    %get3A_345 = vector.load %arg2[%get3A_342, %get3A_343, %get3A_344] : memref<1x2000x91xf32, #tpu.memory_space<vmem>>, vector<1x8x91xf32>
    %get3A_346 = vector.shape_cast %get3A_345 : vector<1x8x91xf32> to vector<8x91xf32>
    %gt3A_347 = arith.cmpf ogt, %get3A_346, %select_n3A_338 : vector<8x91xf32>
    %select_n3A_348 = arith.select %gt3A_347, %get3A_346, %select_n3A_338 : vector<8x91xi1>, vector<8x91xf32>
    %jit3A_349 = arith.constant 35 : i32
    %broadcast_in_dim3A_350 = vector.broadcast %jit3A_349 : i32 to vector<8x91xi32>
    %select_n3A_351 = arith.select %gt3A_347, %broadcast_in_dim3A_350, %select_n3A_341 : vector<8x91xi1>, vector<8x91xi32>
    %get3A_352 = arith.constant 0 : index
    %get3A_353 = arith.constant 288 : index
    %get3A_354 = arith.constant 0 : index
    %get3A_355 = vector.load %arg2[%get3A_352, %get3A_353, %get3A_354] : memref<1x2000x91xf32, #tpu.memory_space<vmem>>, vector<1x8x91xf32>
    %get3A_356 = vector.shape_cast %get3A_355 : vector<1x8x91xf32> to vector<8x91xf32>
    %gt3A_357 = arith.cmpf ogt, %get3A_356, %select_n3A_348 : vector<8x91xf32>
    %select_n3A_358 = arith.select %gt3A_357, %get3A_356, %select_n3A_348 : vector<8x91xi1>, vector<8x91xf32>
    %jit3A_359 = arith.constant 36 : i32
    %broadcast_in_dim3A_360 = vector.broadcast %jit3A_359 : i32 to vector<8x91xi32>
    %select_n3A_361 = arith.select %gt3A_357, %broadcast_in_dim3A_360, %select_n3A_351 : vector<8x91xi1>, vector<8x91xi32>
    %get3A_362 = arith.constant 0 : index
    %get3A_363 = arith.constant 296 : index
    %get3A_364 = arith.constant 0 : index
    %get3A_365 = vector.load %arg2[%get3A_362, %get3A_363, %get3A_364] : memref<1x2000x91xf32, #tpu.memory_space<vmem>>, vector<1x8x91xf32>
    %get3A_366 = vector.shape_cast %get3A_365 : vector<1x8x91xf32> to vector<8x91xf32>
    %gt3A_367 = arith.cmpf ogt, %get3A_366, %select_n3A_358 : vector<8x91xf32>
    %select_n3A_368 = arith.select %gt3A_367, %get3A_366, %select_n3A_358 : vector<8x91xi1>, vector<8x91xf32>
    %jit3A_369 = arith.constant 37 : i32
    %broadcast_in_dim3A_370 = vector.broadcast %jit3A_369 : i32 to vector<8x91xi32>
    %select_n3A_371 = arith.select %gt3A_367, %broadcast_in_dim3A_370, %select_n3A_361 : vector<8x91xi1>, vector<8x91xi32>
    %get3A_372 = arith.constant 0 : index
    %get3A_373 = arith.constant 304 : index
    %get3A_374 = arith.constant 0 : index
    %get3A_375 = vector.load %arg2[%get3A_372, %get3A_373, %get3A_374] : memref<1x2000x91xf32, #tpu.memory_space<vmem>>, vector<1x8x91xf32>
    %get3A_376 = vector.shape_cast %get3A_375 : vector<1x8x91xf32> to vector<8x91xf32>
    %gt3A_377 = arith.cmpf ogt, %get3A_376, %select_n3A_368 : vector<8x91xf32>
    %select_n3A_378 = arith.select %gt3A_377, %get3A_376, %select_n3A_368 : vector<8x91xi1>, vector<8x91xf32>
    %jit3A_379 = arith.constant 38 : i32
    %broadcast_in_dim3A_380 = vector.broadcast %jit3A_379 : i32 to vector<8x91xi32>
    %select_n3A_381 = arith.select %gt3A_377, %broadcast_in_dim3A_380, %select_n3A_371 : vector<8x91xi1>, vector<8x91xi32>
    %get3A_382 = arith.constant 0 : index
    %get3A_383 = arith.constant 312 : index
    %get3A_384 = arith.constant 0 : index
    %get3A_385 = vector.load %arg2[%get3A_382, %get3A_383, %get3A_384] : memref<1x2000x91xf32, #tpu.memory_space<vmem>>, vector<1x8x91xf32>
    %get3A_386 = vector.shape_cast %get3A_385 : vector<1x8x91xf32> to vector<8x91xf32>
    %gt3A_387 = arith.cmpf ogt, %get3A_386, %select_n3A_378 : vector<8x91xf32>
    %select_n3A_388 = arith.select %gt3A_387, %get3A_386, %select_n3A_378 : vector<8x91xi1>, vector<8x91xf32>
    %jit3A_389 = arith.constant 39 : i32
    %broadcast_in_dim3A_390 = vector.broadcast %jit3A_389 : i32 to vector<8x91xi32>
    %select_n3A_391 = arith.select %gt3A_387, %broadcast_in_dim3A_390, %select_n3A_381 : vector<8x91xi1>, vector<8x91xi32>
    %get3A_392 = arith.constant 0 : index
    %get3A_393 = arith.constant 320 : index
    %get3A_394 = arith.constant 0 : index
    %get3A_395 = vector.load %arg2[%get3A_392, %get3A_393, %get3A_394] : memref<1x2000x91xf32, #tpu.memory_space<vmem>>, vector<1x8x91xf32>
    %get3A_396 = vector.shape_cast %get3A_395 : vector<1x8x91xf32> to vector<8x91xf32>
    %gt3A_397 = arith.cmpf ogt, %get3A_396, %select_n3A_388 : vector<8x91xf32>
    %select_n3A_398 = arith.select %gt3A_397, %get3A_396, %select_n3A_388 : vector<8x91xi1>, vector<8x91xf32>
    %jit3A_399 = arith.constant 40 : i32
    %broadcast_in_dim3A_400 = vector.broadcast %jit3A_399 : i32 to vector<8x91xi32>
    %select_n3A_401 = arith.select %gt3A_397, %broadcast_in_dim3A_400, %select_n3A_391 : vector<8x91xi1>, vector<8x91xi32>
    %get3A_402 = arith.constant 0 : index
    %get3A_403 = arith.constant 328 : index
    %get3A_404 = arith.constant 0 : index
    %get3A_405 = vector.load %arg2[%get3A_402, %get3A_403, %get3A_404] : memref<1x2000x91xf32, #tpu.memory_space<vmem>>, vector<1x8x91xf32>
    %get3A_406 = vector.shape_cast %get3A_405 : vector<1x8x91xf32> to vector<8x91xf32>
    %gt3A_407 = arith.cmpf ogt, %get3A_406, %select_n3A_398 : vector<8x91xf32>
    %select_n3A_408 = arith.select %gt3A_407, %get3A_406, %select_n3A_398 : vector<8x91xi1>, vector<8x91xf32>
    %jit3A_409 = arith.constant 41 : i32
    %broadcast_in_dim3A_410 = vector.broadcast %jit3A_409 : i32 to vector<8x91xi32>
    %select_n3A_411 = arith.select %gt3A_407, %broadcast_in_dim3A_410, %select_n3A_401 : vector<8x91xi1>, vector<8x91xi32>
    %get3A_412 = arith.constant 0 : index
    %get3A_413 = arith.constant 336 : index
    %get3A_414 = arith.constant 0 : index
    %get3A_415 = vector.load %arg2[%get3A_412, %get3A_413, %get3A_414] : memref<1x2000x91xf32, #tpu.memory_space<vmem>>, vector<1x8x91xf32>
    %get3A_416 = vector.shape_cast %get3A_415 : vector<1x8x91xf32> to vector<8x91xf32>
    %gt3A_417 = arith.cmpf ogt, %get3A_416, %select_n3A_408 : vector<8x91xf32>
    %select_n3A_418 = arith.select %gt3A_417, %get3A_416, %select_n3A_408 : vector<8x91xi1>, vector<8x91xf32>
    %jit3A_419 = arith.constant 42 : i32
    %broadcast_in_dim3A_420 = vector.broadcast %jit3A_419 : i32 to vector<8x91xi32>
    %select_n3A_421 = arith.select %gt3A_417, %broadcast_in_dim3A_420, %select_n3A_411 : vector<8x91xi1>, vector<8x91xi32>
    %get3A_422 = arith.constant 0 : index
    %get3A_423 = arith.constant 344 : index
    %get3A_424 = arith.constant 0 : index
    %get3A_425 = vector.load %arg2[%get3A_422, %get3A_423, %get3A_424] : memref<1x2000x91xf32, #tpu.memory_space<vmem>>, vector<1x8x91xf32>
    %get3A_426 = vector.shape_cast %get3A_425 : vector<1x8x91xf32> to vector<8x91xf32>
    %gt3A_427 = arith.cmpf ogt, %get3A_426, %select_n3A_418 : vector<8x91xf32>
    %select_n3A_428 = arith.select %gt3A_427, %get3A_426, %select_n3A_418 : vector<8x91xi1>, vector<8x91xf32>
    %jit3A_429 = arith.constant 43 : i32
    %broadcast_in_dim3A_430 = vector.broadcast %jit3A_429 : i32 to vector<8x91xi32>
    %select_n3A_431 = arith.select %gt3A_427, %broadcast_in_dim3A_430, %select_n3A_421 : vector<8x91xi1>, vector<8x91xi32>
    %get3A_432 = arith.constant 0 : index
    %get3A_433 = arith.constant 352 : index
    %get3A_434 = arith.constant 0 : index
    %get3A_435 = vector.load %arg2[%get3A_432, %get3A_433, %get3A_434] : memref<1x2000x91xf32, #tpu.memory_space<vmem>>, vector<1x8x91xf32>
    %get3A_436 = vector.shape_cast %get3A_435 : vector<1x8x91xf32> to vector<8x91xf32>
    %gt3A_437 = arith.cmpf ogt, %get3A_436, %select_n3A_428 : vector<8x91xf32>
    %select_n3A_438 = arith.select %gt3A_437, %get3A_436, %select_n3A_428 : vector<8x91xi1>, vector<8x91xf32>
    %jit3A_439 = arith.constant 44 : i32
    %broadcast_in_dim3A_440 = vector.broadcast %jit3A_439 : i32 to vector<8x91xi32>
    %select_n3A_441 = arith.select %gt3A_437, %broadcast_in_dim3A_440, %select_n3A_431 : vector<8x91xi1>, vector<8x91xi32>
    %get3A_442 = arith.constant 0 : index
    %get3A_443 = arith.constant 360 : index
    %get3A_444 = arith.constant 0 : index
    %get3A_445 = vector.load %arg2[%get3A_442, %get3A_443, %get3A_444] : memref<1x2000x91xf32, #tpu.memory_space<vmem>>, vector<1x8x91xf32>
    %get3A_446 = vector.shape_cast %get3A_445 : vector<1x8x91xf32> to vector<8x91xf32>
    %gt3A_447 = arith.cmpf ogt, %get3A_446, %select_n3A_438 : vector<8x91xf32>
    %select_n3A_448 = arith.select %gt3A_447, %get3A_446, %select_n3A_438 : vector<8x91xi1>, vector<8x91xf32>
    %jit3A_449 = arith.constant 45 : i32
    %broadcast_in_dim3A_450 = vector.broadcast %jit3A_449 : i32 to vector<8x91xi32>
    %select_n3A_451 = arith.select %gt3A_447, %broadcast_in_dim3A_450, %select_n3A_441 : vector<8x91xi1>, vector<8x91xi32>
    %get3A_452 = arith.constant 0 : index
    %get3A_453 = arith.constant 368 : index
    %get3A_454 = arith.constant 0 : index
    %get3A_455 = vector.load %arg2[%get3A_452, %get3A_453, %get3A_454] : memref<1x2000x91xf32, #tpu.memory_space<vmem>>, vector<1x8x91xf32>
    %get3A_456 = vector.shape_cast %get3A_455 : vector<1x8x91xf32> to vector<8x91xf32>
    %gt3A_457 = arith.cmpf ogt, %get3A_456, %select_n3A_448 : vector<8x91xf32>
    %select_n3A_458 = arith.select %gt3A_457, %get3A_456, %select_n3A_448 : vector<8x91xi1>, vector<8x91xf32>
    %jit3A_459 = arith.constant 46 : i32
    %broadcast_in_dim3A_460 = vector.broadcast %jit3A_459 : i32 to vector<8x91xi32>
    %select_n3A_461 = arith.select %gt3A_457, %broadcast_in_dim3A_460, %select_n3A_451 : vector<8x91xi1>, vector<8x91xi32>
    %get3A_462 = arith.constant 0 : index
    %get3A_463 = arith.constant 376 : index
    %get3A_464 = arith.constant 0 : index
    %get3A_465 = vector.load %arg2[%get3A_462, %get3A_463, %get3A_464] : memref<1x2000x91xf32, #tpu.memory_space<vmem>>, vector<1x8x91xf32>
    %get3A_466 = vector.shape_cast %get3A_465 : vector<1x8x91xf32> to vector<8x91xf32>
    %gt3A_467 = arith.cmpf ogt, %get3A_466, %select_n3A_458 : vector<8x91xf32>
    %select_n3A_468 = arith.select %gt3A_467, %get3A_466, %select_n3A_458 : vector<8x91xi1>, vector<8x91xf32>
    %jit3A_469 = arith.constant 47 : i32
    %broadcast_in_dim3A_470 = vector.broadcast %jit3A_469 : i32 to vector<8x91xi32>
    %select_n3A_471 = arith.select %gt3A_467, %broadcast_in_dim3A_470, %select_n3A_461 : vector<8x91xi1>, vector<8x91xi32>
    %get3A_472 = arith.constant 0 : index
    %get3A_473 = arith.constant 384 : index
    %get3A_474 = arith.constant 0 : index
    %get3A_475 = vector.load %arg2[%get3A_472, %get3A_473, %get3A_474] : memref<1x2000x91xf32, #tpu.memory_space<vmem>>, vector<1x8x91xf32>
    %get3A_476 = vector.shape_cast %get3A_475 : vector<1x8x91xf32> to vector<8x91xf32>
    %gt3A_477 = arith.cmpf ogt, %get3A_476, %select_n3A_468 : vector<8x91xf32>
    %select_n3A_478 = arith.select %gt3A_477, %get3A_476, %select_n3A_468 : vector<8x91xi1>, vector<8x91xf32>
    %jit3A_479 = arith.constant 48 : i32
    %broadcast_in_dim3A_480 = vector.broadcast %jit3A_479 : i32 to vector<8x91xi32>
    %select_n3A_481 = arith.select %gt3A_477, %broadcast_in_dim3A_480, %select_n3A_471 : vector<8x91xi1>, vector<8x91xi32>
    %get3A_482 = arith.constant 0 : index
    %get3A_483 = arith.constant 392 : index
    %get3A_484 = arith.constant 0 : index
    %get3A_485 = vector.load %arg2[%get3A_482, %get3A_483, %get3A_484] : memref<1x2000x91xf32, #tpu.memory_space<vmem>>, vector<1x8x91xf32>
    %get3A_486 = vector.shape_cast %get3A_485 : vector<1x8x91xf32> to vector<8x91xf32>
    %gt3A_487 = arith.cmpf ogt, %get3A_486, %select_n3A_478 : vector<8x91xf32>
    %select_n3A_488 = arith.select %gt3A_487, %get3A_486, %select_n3A_478 : vector<8x91xi1>, vector<8x91xf32>
    %jit3A_489 = arith.constant 49 : i32
    %broadcast_in_dim3A_490 = vector.broadcast %jit3A_489 : i32 to vector<8x91xi32>
    %select_n3A_491 = arith.select %gt3A_487, %broadcast_in_dim3A_490, %select_n3A_481 : vector<8x91xi1>, vector<8x91xi32>
    %get3A_492 = arith.constant 0 : index
    %get3A_493 = arith.constant 400 : index
    %get3A_494 = arith.constant 0 : index
    %get3A_495 = vector.load %arg2[%get3A_492, %get3A_493, %get3A_494] : memref<1x2000x91xf32, #tpu.memory_space<vmem>>, vector<1x8x91xf32>
    %get3A_496 = vector.shape_cast %get3A_495 : vector<1x8x91xf32> to vector<8x91xf32>
    %gt3A_497 = arith.cmpf ogt, %get3A_496, %select_n3A_488 : vector<8x91xf32>
    %select_n3A_498 = arith.select %gt3A_497, %get3A_496, %select_n3A_488 : vector<8x91xi1>, vector<8x91xf32>
    %jit3A_499 = arith.constant 50 : i32
    %broadcast_in_dim3A_500 = vector.broadcast %jit3A_499 : i32 to vector<8x91xi32>
    %select_n3A_501 = arith.select %gt3A_497, %broadcast_in_dim3A_500, %select_n3A_491 : vector<8x91xi1>, vector<8x91xi32>
    %get3A_502 = arith.constant 0 : index
    %get3A_503 = arith.constant 408 : index
    %get3A_504 = arith.constant 0 : index
    %get3A_505 = vector.load %arg2[%get3A_502, %get3A_503, %get3A_504] : memref<1x2000x91xf32, #tpu.memory_space<vmem>>, vector<1x8x91xf32>
    %get3A_506 = vector.shape_cast %get3A_505 : vector<1x8x91xf32> to vector<8x91xf32>
    %gt3A_507 = arith.cmpf ogt, %get3A_506, %select_n3A_498 : vector<8x91xf32>
    %select_n3A_508 = arith.select %gt3A_507, %get3A_506, %select_n3A_498 : vector<8x91xi1>, vector<8x91xf32>
    %jit3A_509 = arith.constant 51 : i32
    %broadcast_in_dim3A_510 = vector.broadcast %jit3A_509 : i32 to vector<8x91xi32>
    %select_n3A_511 = arith.select %gt3A_507, %broadcast_in_dim3A_510, %select_n3A_501 : vector<8x91xi1>, vector<8x91xi32>
    %get3A_512 = arith.constant 0 : index
    %get3A_513 = arith.constant 416 : index
    %get3A_514 = arith.constant 0 : index
    %get3A_515 = vector.load %arg2[%get3A_512, %get3A_513, %get3A_514] : memref<1x2000x91xf32, #tpu.memory_space<vmem>>, vector<1x8x91xf32>
    %get3A_516 = vector.shape_cast %get3A_515 : vector<1x8x91xf32> to vector<8x91xf32>
    %gt3A_517 = arith.cmpf ogt, %get3A_516, %select_n3A_508 : vector<8x91xf32>
    %select_n3A_518 = arith.select %gt3A_517, %get3A_516, %select_n3A_508 : vector<8x91xi1>, vector<8x91xf32>
    %jit3A_519 = arith.constant 52 : i32
    %broadcast_in_dim3A_520 = vector.broadcast %jit3A_519 : i32 to vector<8x91xi32>
    %select_n3A_521 = arith.select %gt3A_517, %broadcast_in_dim3A_520, %select_n3A_511 : vector<8x91xi1>, vector<8x91xi32>
    %get3A_522 = arith.constant 0 : index
    %get3A_523 = arith.constant 424 : index
    %get3A_524 = arith.constant 0 : index
    %get3A_525 = vector.load %arg2[%get3A_522, %get3A_523, %get3A_524] : memref<1x2000x91xf32, #tpu.memory_space<vmem>>, vector<1x8x91xf32>
    %get3A_526 = vector.shape_cast %get3A_525 : vector<1x8x91xf32> to vector<8x91xf32>
    %gt3A_527 = arith.cmpf ogt, %get3A_526, %select_n3A_518 : vector<8x91xf32>
    %select_n3A_528 = arith.select %gt3A_527, %get3A_526, %select_n3A_518 : vector<8x91xi1>, vector<8x91xf32>
    %jit3A_529 = arith.constant 53 : i32
    %broadcast_in_dim3A_530 = vector.broadcast %jit3A_529 : i32 to vector<8x91xi32>
    %select_n3A_531 = arith.select %gt3A_527, %broadcast_in_dim3A_530, %select_n3A_521 : vector<8x91xi1>, vector<8x91xi32>
    %get3A_532 = arith.constant 0 : index
    %get3A_533 = arith.constant 432 : index
    %get3A_534 = arith.constant 0 : index
    %get3A_535 = vector.load %arg2[%get3A_532, %get3A_533, %get3A_534] : memref<1x2000x91xf32, #tpu.memory_space<vmem>>, vector<1x8x91xf32>
    %get3A_536 = vector.shape_cast %get3A_535 : vector<1x8x91xf32> to vector<8x91xf32>
    %gt3A_537 = arith.cmpf ogt, %get3A_536, %select_n3A_528 : vector<8x91xf32>
    %select_n3A_538 = arith.select %gt3A_537, %get3A_536, %select_n3A_528 : vector<8x91xi1>, vector<8x91xf32>
    %jit3A_539 = arith.constant 54 : i32
    %broadcast_in_dim3A_540 = vector.broadcast %jit3A_539 : i32 to vector<8x91xi32>
    %select_n3A_541 = arith.select %gt3A_537, %broadcast_in_dim3A_540, %select_n3A_531 : vector<8x91xi1>, vector<8x91xi32>
    %get3A_542 = arith.constant 0 : index
    %get3A_543 = arith.constant 440 : index
    %get3A_544 = arith.constant 0 : index
    %get3A_545 = vector.load %arg2[%get3A_542, %get3A_543, %get3A_544] : memref<1x2000x91xf32, #tpu.memory_space<vmem>>, vector<1x8x91xf32>
    %get3A_546 = vector.shape_cast %get3A_545 : vector<1x8x91xf32> to vector<8x91xf32>
    %gt3A_547 = arith.cmpf ogt, %get3A_546, %select_n3A_538 : vector<8x91xf32>
    %select_n3A_548 = arith.select %gt3A_547, %get3A_546, %select_n3A_538 : vector<8x91xi1>, vector<8x91xf32>
    %jit3A_549 = arith.constant 55 : i32
    %broadcast_in_dim3A_550 = vector.broadcast %jit3A_549 : i32 to vector<8x91xi32>
    %select_n3A_551 = arith.select %gt3A_547, %broadcast_in_dim3A_550, %select_n3A_541 : vector<8x91xi1>, vector<8x91xi32>
    %get3A_552 = arith.constant 0 : index
    %get3A_553 = arith.constant 448 : index
    %get3A_554 = arith.constant 0 : index
    %get3A_555 = vector.load %arg2[%get3A_552, %get3A_553, %get3A_554] : memref<1x2000x91xf32, #tpu.memory_space<vmem>>, vector<1x8x91xf32>
    %get3A_556 = vector.shape_cast %get3A_555 : vector<1x8x91xf32> to vector<8x91xf32>
    %gt3A_557 = arith.cmpf ogt, %get3A_556, %select_n3A_548 : vector<8x91xf32>
    %select_n3A_558 = arith.select %gt3A_557, %get3A_556, %select_n3A_548 : vector<8x91xi1>, vector<8x91xf32>
    %jit3A_559 = arith.constant 56 : i32
    %broadcast_in_dim3A_560 = vector.broadcast %jit3A_559 : i32 to vector<8x91xi32>
    %select_n3A_561 = arith.select %gt3A_557, %broadcast_in_dim3A_560, %select_n3A_551 : vector<8x91xi1>, vector<8x91xi32>
    %get3A_562 = arith.constant 0 : index
    %get3A_563 = arith.constant 456 : index
    %get3A_564 = arith.constant 0 : index
    %get3A_565 = vector.load %arg2[%get3A_562, %get3A_563, %get3A_564] : memref<1x2000x91xf32, #tpu.memory_space<vmem>>, vector<1x8x91xf32>
    %get3A_566 = vector.shape_cast %get3A_565 : vector<1x8x91xf32> to vector<8x91xf32>
    %gt3A_567 = arith.cmpf ogt, %get3A_566, %select_n3A_558 : vector<8x91xf32>
    %select_n3A_568 = arith.select %gt3A_567, %get3A_566, %select_n3A_558 : vector<8x91xi1>, vector<8x91xf32>
    %jit3A_569 = arith.constant 57 : i32
    %broadcast_in_dim3A_570 = vector.broadcast %jit3A_569 : i32 to vector<8x91xi32>
    %select_n3A_571 = arith.select %gt3A_567, %broadcast_in_dim3A_570, %select_n3A_561 : vector<8x91xi1>, vector<8x91xi32>
    %get3A_572 = arith.constant 0 : index
    %get3A_573 = arith.constant 464 : index
    %get3A_574 = arith.constant 0 : index
    %get3A_575 = vector.load %arg2[%get3A_572, %get3A_573, %get3A_574] : memref<1x2000x91xf32, #tpu.memory_space<vmem>>, vector<1x8x91xf32>
    %get3A_576 = vector.shape_cast %get3A_575 : vector<1x8x91xf32> to vector<8x91xf32>
    %gt3A_577 = arith.cmpf ogt, %get3A_576, %select_n3A_568 : vector<8x91xf32>
    %select_n3A_578 = arith.select %gt3A_577, %get3A_576, %select_n3A_568 : vector<8x91xi1>, vector<8x91xf32>
    %jit3A_579 = arith.constant 58 : i32
    %broadcast_in_dim3A_580 = vector.broadcast %jit3A_579 : i32 to vector<8x91xi32>
    %select_n3A_581 = arith.select %gt3A_577, %broadcast_in_dim3A_580, %select_n3A_571 : vector<8x91xi1>, vector<8x91xi32>
    %get3A_582 = arith.constant 0 : index
    %get3A_583 = arith.constant 472 : index
    %get3A_584 = arith.constant 0 : index
    %get3A_585 = vector.load %arg2[%get3A_582, %get3A_583, %get3A_584] : memref<1x2000x91xf32, #tpu.memory_space<vmem>>, vector<1x8x91xf32>
    %get3A_586 = vector.shape_cast %get3A_585 : vector<1x8x91xf32> to vector<8x91xf32>
    %gt3A_587 = arith.cmpf ogt, %get3A_586, %select_n3A_578 : vector<8x91xf32>
    %select_n3A_588 = arith.select %gt3A_587, %get3A_586, %select_n3A_578 : vector<8x91xi1>, vector<8x91xf32>
    %jit3A_589 = arith.constant 59 : i32
    %broadcast_in_dim3A_590 = vector.broadcast %jit3A_589 : i32 to vector<8x91xi32>
    %select_n3A_591 = arith.select %gt3A_587, %broadcast_in_dim3A_590, %select_n3A_581 : vector<8x91xi1>, vector<8x91xi32>
    %get3A_592 = arith.constant 0 : index
    %get3A_593 = arith.constant 480 : index
    %get3A_594 = arith.constant 0 : index
    %get3A_595 = vector.load %arg2[%get3A_592, %get3A_593, %get3A_594] : memref<1x2000x91xf32, #tpu.memory_space<vmem>>, vector<1x8x91xf32>
    %get3A_596 = vector.shape_cast %get3A_595 : vector<1x8x91xf32> to vector<8x91xf32>
    %gt3A_597 = arith.cmpf ogt, %get3A_596, %select_n3A_588 : vector<8x91xf32>
    %select_n3A_598 = arith.select %gt3A_597, %get3A_596, %select_n3A_588 : vector<8x91xi1>, vector<8x91xf32>
    %jit3A_599 = arith.constant 60 : i32
    %broadcast_in_dim3A_600 = vector.broadcast %jit3A_599 : i32 to vector<8x91xi32>
    %select_n3A_601 = arith.select %gt3A_597, %broadcast_in_dim3A_600, %select_n3A_591 : vector<8x91xi1>, vector<8x91xi32>
    %get3A_602 = arith.constant 0 : index
    %get3A_603 = arith.constant 488 : index
    %get3A_604 = arith.constant 0 : index
    %get3A_605 = vector.load %arg2[%get3A_602, %get3A_603, %get3A_604] : memref<1x2000x91xf32, #tpu.memory_space<vmem>>, vector<1x8x91xf32>
    %get3A_606 = vector.shape_cast %get3A_605 : vector<1x8x91xf32> to vector<8x91xf32>
    %gt3A_607 = arith.cmpf ogt, %get3A_606, %select_n3A_598 : vector<8x91xf32>
    %select_n3A_608 = arith.select %gt3A_607, %get3A_606, %select_n3A_598 : vector<8x91xi1>, vector<8x91xf32>
    %jit3A_609 = arith.constant 61 : i32
    %broadcast_in_dim3A_610 = vector.broadcast %jit3A_609 : i32 to vector<8x91xi32>
    %select_n3A_611 = arith.select %gt3A_607, %broadcast_in_dim3A_610, %select_n3A_601 : vector<8x91xi1>, vector<8x91xi32>
    %get3A_612 = arith.constant 0 : index
    %get3A_613 = arith.constant 496 : index
    %get3A_614 = arith.constant 0 : index
    %get3A_615 = vector.load %arg2[%get3A_612, %get3A_613, %get3A_614] : memref<1x2000x91xf32, #tpu.memory_space<vmem>>, vector<1x8x91xf32>
    %get3A_616 = vector.shape_cast %get3A_615 : vector<1x8x91xf32> to vector<8x91xf32>
    %gt3A_617 = arith.cmpf ogt, %get3A_616, %select_n3A_608 : vector<8x91xf32>
    %select_n3A_618 = arith.select %gt3A_617, %get3A_616, %select_n3A_608 : vector<8x91xi1>, vector<8x91xf32>
    %jit3A_619 = arith.constant 62 : i32
    %broadcast_in_dim3A_620 = vector.broadcast %jit3A_619 : i32 to vector<8x91xi32>
    %select_n3A_621 = arith.select %gt3A_617, %broadcast_in_dim3A_620, %select_n3A_611 : vector<8x91xi1>, vector<8x91xi32>
    %get3A_622 = arith.constant 0 : index
    %get3A_623 = arith.constant 504 : index
    %get3A_624 = arith.constant 0 : index
    %get3A_625 = vector.load %arg2[%get3A_622, %get3A_623, %get3A_624] : memref<1x2000x91xf32, #tpu.memory_space<vmem>>, vector<1x8x91xf32>
    %get3A_626 = vector.shape_cast %get3A_625 : vector<1x8x91xf32> to vector<8x91xf32>
    %gt3A_627 = arith.cmpf ogt, %get3A_626, %select_n3A_618 : vector<8x91xf32>
    %select_n3A_628 = arith.select %gt3A_627, %get3A_626, %select_n3A_618 : vector<8x91xi1>, vector<8x91xf32>
    %jit3A_629 = arith.constant 63 : i32
    %broadcast_in_dim3A_630 = vector.broadcast %jit3A_629 : i32 to vector<8x91xi32>
    %select_n3A_631 = arith.select %gt3A_627, %broadcast_in_dim3A_630, %select_n3A_621 : vector<8x91xi1>, vector<8x91xi32>
    %get3A_632 = arith.constant 0 : index
    %get3A_633 = arith.constant 512 : index
    %get3A_634 = arith.constant 0 : index
    %get3A_635 = vector.load %arg2[%get3A_632, %get3A_633, %get3A_634] : memref<1x2000x91xf32, #tpu.memory_space<vmem>>, vector<1x8x91xf32>
    %get3A_636 = vector.shape_cast %get3A_635 : vector<1x8x91xf32> to vector<8x91xf32>
    %gt3A_637 = arith.cmpf ogt, %get3A_636, %select_n3A_628 : vector<8x91xf32>
    %select_n3A_638 = arith.select %gt3A_637, %get3A_636, %select_n3A_628 : vector<8x91xi1>, vector<8x91xf32>
    %jit3A_639 = arith.constant 64 : i32
    %broadcast_in_dim3A_640 = vector.broadcast %jit3A_639 : i32 to vector<8x91xi32>
    %select_n3A_641 = arith.select %gt3A_637, %broadcast_in_dim3A_640, %select_n3A_631 : vector<8x91xi1>, vector<8x91xi32>
    %get3A_642 = arith.constant 0 : index
    %get3A_643 = arith.constant 520 : index
    %get3A_644 = arith.constant 0 : index
    %get3A_645 = vector.load %arg2[%get3A_642, %get3A_643, %get3A_644] : memref<1x2000x91xf32, #tpu.memory_space<vmem>>, vector<1x8x91xf32>
    %get3A_646 = vector.shape_cast %get3A_645 : vector<1x8x91xf32> to vector<8x91xf32>
    %gt3A_647 = arith.cmpf ogt, %get3A_646, %select_n3A_638 : vector<8x91xf32>
    %select_n3A_648 = arith.select %gt3A_647, %get3A_646, %select_n3A_638 : vector<8x91xi1>, vector<8x91xf32>
    %jit3A_649 = arith.constant 65 : i32
    %broadcast_in_dim3A_650 = vector.broadcast %jit3A_649 : i32 to vector<8x91xi32>
    %select_n3A_651 = arith.select %gt3A_647, %broadcast_in_dim3A_650, %select_n3A_641 : vector<8x91xi1>, vector<8x91xi32>
    %get3A_652 = arith.constant 0 : index
    %get3A_653 = arith.constant 528 : index
    %get3A_654 = arith.constant 0 : index
    %get3A_655 = vector.load %arg2[%get3A_652, %get3A_653, %get3A_654] : memref<1x2000x91xf32, #tpu.memory_space<vmem>>, vector<1x8x91xf32>
    %get3A_656 = vector.shape_cast %get3A_655 : vector<1x8x91xf32> to vector<8x91xf32>
    %gt3A_657 = arith.cmpf ogt, %get3A_656, %select_n3A_648 : vector<8x91xf32>
    %select_n3A_658 = arith.select %gt3A_657, %get3A_656, %select_n3A_648 : vector<8x91xi1>, vector<8x91xf32>
    %jit3A_659 = arith.constant 66 : i32
    %broadcast_in_dim3A_660 = vector.broadcast %jit3A_659 : i32 to vector<8x91xi32>
    %select_n3A_661 = arith.select %gt3A_657, %broadcast_in_dim3A_660, %select_n3A_651 : vector<8x91xi1>, vector<8x91xi32>
    %get3A_662 = arith.constant 0 : index
    %get3A_663 = arith.constant 536 : index
    %get3A_664 = arith.constant 0 : index
    %get3A_665 = vector.load %arg2[%get3A_662, %get3A_663, %get3A_664] : memref<1x2000x91xf32, #tpu.memory_space<vmem>>, vector<1x8x91xf32>
    %get3A_666 = vector.shape_cast %get3A_665 : vector<1x8x91xf32> to vector<8x91xf32>
    %gt3A_667 = arith.cmpf ogt, %get3A_666, %select_n3A_658 : vector<8x91xf32>
    %select_n3A_668 = arith.select %gt3A_667, %get3A_666, %select_n3A_658 : vector<8x91xi1>, vector<8x91xf32>
    %jit3A_669 = arith.constant 67 : i32
    %broadcast_in_dim3A_670 = vector.broadcast %jit3A_669 : i32 to vector<8x91xi32>
    %select_n3A_671 = arith.select %gt3A_667, %broadcast_in_dim3A_670, %select_n3A_661 : vector<8x91xi1>, vector<8x91xi32>
    %get3A_672 = arith.constant 0 : index
    %get3A_673 = arith.constant 544 : index
    %get3A_674 = arith.constant 0 : index
    %get3A_675 = vector.load %arg2[%get3A_672, %get3A_673, %get3A_674] : memref<1x2000x91xf32, #tpu.memory_space<vmem>>, vector<1x8x91xf32>
    %get3A_676 = vector.shape_cast %get3A_675 : vector<1x8x91xf32> to vector<8x91xf32>
    %gt3A_677 = arith.cmpf ogt, %get3A_676, %select_n3A_668 : vector<8x91xf32>
    %select_n3A_678 = arith.select %gt3A_677, %get3A_676, %select_n3A_668 : vector<8x91xi1>, vector<8x91xf32>
    %jit3A_679 = arith.constant 68 : i32
    %broadcast_in_dim3A_680 = vector.broadcast %jit3A_679 : i32 to vector<8x91xi32>
    %select_n3A_681 = arith.select %gt3A_677, %broadcast_in_dim3A_680, %select_n3A_671 : vector<8x91xi1>, vector<8x91xi32>
    %get3A_682 = arith.constant 0 : index
    %get3A_683 = arith.constant 552 : index
    %get3A_684 = arith.constant 0 : index
    %get3A_685 = vector.load %arg2[%get3A_682, %get3A_683, %get3A_684] : memref<1x2000x91xf32, #tpu.memory_space<vmem>>, vector<1x8x91xf32>
    %get3A_686 = vector.shape_cast %get3A_685 : vector<1x8x91xf32> to vector<8x91xf32>
    %gt3A_687 = arith.cmpf ogt, %get3A_686, %select_n3A_678 : vector<8x91xf32>
    %select_n3A_688 = arith.select %gt3A_687, %get3A_686, %select_n3A_678 : vector<8x91xi1>, vector<8x91xf32>
    %jit3A_689 = arith.constant 69 : i32
    %broadcast_in_dim3A_690 = vector.broadcast %jit3A_689 : i32 to vector<8x91xi32>
    %select_n3A_691 = arith.select %gt3A_687, %broadcast_in_dim3A_690, %select_n3A_681 : vector<8x91xi1>, vector<8x91xi32>
    %get3A_692 = arith.constant 0 : index
    %get3A_693 = arith.constant 560 : index
    %get3A_694 = arith.constant 0 : index
    %get3A_695 = vector.load %arg2[%get3A_692, %get3A_693, %get3A_694] : memref<1x2000x91xf32, #tpu.memory_space<vmem>>, vector<1x8x91xf32>
    %get3A_696 = vector.shape_cast %get3A_695 : vector<1x8x91xf32> to vector<8x91xf32>
    %gt3A_697 = arith.cmpf ogt, %get3A_696, %select_n3A_688 : vector<8x91xf32>
    %select_n3A_698 = arith.select %gt3A_697, %get3A_696, %select_n3A_688 : vector<8x91xi1>, vector<8x91xf32>
    %jit3A_699 = arith.constant 70 : i32
    %broadcast_in_dim3A_700 = vector.broadcast %jit3A_699 : i32 to vector<8x91xi32>
    %select_n3A_701 = arith.select %gt3A_697, %broadcast_in_dim3A_700, %select_n3A_691 : vector<8x91xi1>, vector<8x91xi32>
    %get3A_702 = arith.constant 0 : index
    %get3A_703 = arith.constant 568 : index
    %get3A_704 = arith.constant 0 : index
    %get3A_705 = vector.load %arg2[%get3A_702, %get3A_703, %get3A_704] : memref<1x2000x91xf32, #tpu.memory_space<vmem>>, vector<1x8x91xf32>
    %get3A_706 = vector.shape_cast %get3A_705 : vector<1x8x91xf32> to vector<8x91xf32>
    %gt3A_707 = arith.cmpf ogt, %get3A_706, %select_n3A_698 : vector<8x91xf32>
    %select_n3A_708 = arith.select %gt3A_707, %get3A_706, %select_n3A_698 : vector<8x91xi1>, vector<8x91xf32>
    %jit3A_709 = arith.constant 71 : i32
    %broadcast_in_dim3A_710 = vector.broadcast %jit3A_709 : i32 to vector<8x91xi32>
    %select_n3A_711 = arith.select %gt3A_707, %broadcast_in_dim3A_710, %select_n3A_701 : vector<8x91xi1>, vector<8x91xi32>
    %get3A_712 = arith.constant 0 : index
    %get3A_713 = arith.constant 576 : index
    %get3A_714 = arith.constant 0 : index
    %get3A_715 = vector.load %arg2[%get3A_712, %get3A_713, %get3A_714] : memref<1x2000x91xf32, #tpu.memory_space<vmem>>, vector<1x8x91xf32>
    %get3A_716 = vector.shape_cast %get3A_715 : vector<1x8x91xf32> to vector<8x91xf32>
    %gt3A_717 = arith.cmpf ogt, %get3A_716, %select_n3A_708 : vector<8x91xf32>
    %select_n3A_718 = arith.select %gt3A_717, %get3A_716, %select_n3A_708 : vector<8x91xi1>, vector<8x91xf32>
    %jit3A_719 = arith.constant 72 : i32
    %broadcast_in_dim3A_720 = vector.broadcast %jit3A_719 : i32 to vector<8x91xi32>
    %select_n3A_721 = arith.select %gt3A_717, %broadcast_in_dim3A_720, %select_n3A_711 : vector<8x91xi1>, vector<8x91xi32>
    %get3A_722 = arith.constant 0 : index
    %get3A_723 = arith.constant 584 : index
    %get3A_724 = arith.constant 0 : index
    %get3A_725 = vector.load %arg2[%get3A_722, %get3A_723, %get3A_724] : memref<1x2000x91xf32, #tpu.memory_space<vmem>>, vector<1x8x91xf32>
    %get3A_726 = vector.shape_cast %get3A_725 : vector<1x8x91xf32> to vector<8x91xf32>
    %gt3A_727 = arith.cmpf ogt, %get3A_726, %select_n3A_718 : vector<8x91xf32>
    %select_n3A_728 = arith.select %gt3A_727, %get3A_726, %select_n3A_718 : vector<8x91xi1>, vector<8x91xf32>
    %jit3A_729 = arith.constant 73 : i32
    %broadcast_in_dim3A_730 = vector.broadcast %jit3A_729 : i32 to vector<8x91xi32>
    %select_n3A_731 = arith.select %gt3A_727, %broadcast_in_dim3A_730, %select_n3A_721 : vector<8x91xi1>, vector<8x91xi32>
    %get3A_732 = arith.constant 0 : index
    %get3A_733 = arith.constant 592 : index
    %get3A_734 = arith.constant 0 : index
    %get3A_735 = vector.load %arg2[%get3A_732, %get3A_733, %get3A_734] : memref<1x2000x91xf32, #tpu.memory_space<vmem>>, vector<1x8x91xf32>
    %get3A_736 = vector.shape_cast %get3A_735 : vector<1x8x91xf32> to vector<8x91xf32>
    %gt3A_737 = arith.cmpf ogt, %get3A_736, %select_n3A_728 : vector<8x91xf32>
    %select_n3A_738 = arith.select %gt3A_737, %get3A_736, %select_n3A_728 : vector<8x91xi1>, vector<8x91xf32>
    %jit3A_739 = arith.constant 74 : i32
    %broadcast_in_dim3A_740 = vector.broadcast %jit3A_739 : i32 to vector<8x91xi32>
    %select_n3A_741 = arith.select %gt3A_737, %broadcast_in_dim3A_740, %select_n3A_731 : vector<8x91xi1>, vector<8x91xi32>
    %get3A_742 = arith.constant 0 : index
    %get3A_743 = arith.constant 600 : index
    %get3A_744 = arith.constant 0 : index
    %get3A_745 = vector.load %arg2[%get3A_742, %get3A_743, %get3A_744] : memref<1x2000x91xf32, #tpu.memory_space<vmem>>, vector<1x8x91xf32>
    %get3A_746 = vector.shape_cast %get3A_745 : vector<1x8x91xf32> to vector<8x91xf32>
    %gt3A_747 = arith.cmpf ogt, %get3A_746, %select_n3A_738 : vector<8x91xf32>
    %select_n3A_748 = arith.select %gt3A_747, %get3A_746, %select_n3A_738 : vector<8x91xi1>, vector<8x91xf32>
    %jit3A_749 = arith.constant 75 : i32
    %broadcast_in_dim3A_750 = vector.broadcast %jit3A_749 : i32 to vector<8x91xi32>
    %select_n3A_751 = arith.select %gt3A_747, %broadcast_in_dim3A_750, %select_n3A_741 : vector<8x91xi1>, vector<8x91xi32>
    %get3A_752 = arith.constant 0 : index
    %get3A_753 = arith.constant 608 : index
    %get3A_754 = arith.constant 0 : index
    %get3A_755 = vector.load %arg2[%get3A_752, %get3A_753, %get3A_754] : memref<1x2000x91xf32, #tpu.memory_space<vmem>>, vector<1x8x91xf32>
    %get3A_756 = vector.shape_cast %get3A_755 : vector<1x8x91xf32> to vector<8x91xf32>
    %gt3A_757 = arith.cmpf ogt, %get3A_756, %select_n3A_748 : vector<8x91xf32>
    %select_n3A_758 = arith.select %gt3A_757, %get3A_756, %select_n3A_748 : vector<8x91xi1>, vector<8x91xf32>
    %jit3A_759 = arith.constant 76 : i32
    %broadcast_in_dim3A_760 = vector.broadcast %jit3A_759 : i32 to vector<8x91xi32>
    %select_n3A_761 = arith.select %gt3A_757, %broadcast_in_dim3A_760, %select_n3A_751 : vector<8x91xi1>, vector<8x91xi32>
    %get3A_762 = arith.constant 0 : index
    %get3A_763 = arith.constant 616 : index
    %get3A_764 = arith.constant 0 : index
    %get3A_765 = vector.load %arg2[%get3A_762, %get3A_763, %get3A_764] : memref<1x2000x91xf32, #tpu.memory_space<vmem>>, vector<1x8x91xf32>
    %get3A_766 = vector.shape_cast %get3A_765 : vector<1x8x91xf32> to vector<8x91xf32>
    %gt3A_767 = arith.cmpf ogt, %get3A_766, %select_n3A_758 : vector<8x91xf32>
    %select_n3A_768 = arith.select %gt3A_767, %get3A_766, %select_n3A_758 : vector<8x91xi1>, vector<8x91xf32>
    %jit3A_769 = arith.constant 77 : i32
    %broadcast_in_dim3A_770 = vector.broadcast %jit3A_769 : i32 to vector<8x91xi32>
    %select_n3A_771 = arith.select %gt3A_767, %broadcast_in_dim3A_770, %select_n3A_761 : vector<8x91xi1>, vector<8x91xi32>
    %get3A_772 = arith.constant 0 : index
    %get3A_773 = arith.constant 624 : index
    %get3A_774 = arith.constant 0 : index
    %get3A_775 = vector.load %arg2[%get3A_772, %get3A_773, %get3A_774] : memref<1x2000x91xf32, #tpu.memory_space<vmem>>, vector<1x8x91xf32>
    %get3A_776 = vector.shape_cast %get3A_775 : vector<1x8x91xf32> to vector<8x91xf32>
    %gt3A_777 = arith.cmpf ogt, %get3A_776, %select_n3A_768 : vector<8x91xf32>
    %select_n3A_778 = arith.select %gt3A_777, %get3A_776, %select_n3A_768 : vector<8x91xi1>, vector<8x91xf32>
    %jit3A_779 = arith.constant 78 : i32
    %broadcast_in_dim3A_780 = vector.broadcast %jit3A_779 : i32 to vector<8x91xi32>
    %select_n3A_781 = arith.select %gt3A_777, %broadcast_in_dim3A_780, %select_n3A_771 : vector<8x91xi1>, vector<8x91xi32>
    %get3A_782 = arith.constant 0 : index
    %get3A_783 = arith.constant 632 : index
    %get3A_784 = arith.constant 0 : index
    %get3A_785 = vector.load %arg2[%get3A_782, %get3A_783, %get3A_784] : memref<1x2000x91xf32, #tpu.memory_space<vmem>>, vector<1x8x91xf32>
    %get3A_786 = vector.shape_cast %get3A_785 : vector<1x8x91xf32> to vector<8x91xf32>
    %gt3A_787 = arith.cmpf ogt, %get3A_786, %select_n3A_778 : vector<8x91xf32>
    %select_n3A_788 = arith.select %gt3A_787, %get3A_786, %select_n3A_778 : vector<8x91xi1>, vector<8x91xf32>
    %jit3A_789 = arith.constant 79 : i32
    %broadcast_in_dim3A_790 = vector.broadcast %jit3A_789 : i32 to vector<8x91xi32>
    %select_n3A_791 = arith.select %gt3A_787, %broadcast_in_dim3A_790, %select_n3A_781 : vector<8x91xi1>, vector<8x91xi32>
    %get3A_792 = arith.constant 0 : index
    %get3A_793 = arith.constant 640 : index
    %get3A_794 = arith.constant 0 : index
    %get3A_795 = vector.load %arg2[%get3A_792, %get3A_793, %get3A_794] : memref<1x2000x91xf32, #tpu.memory_space<vmem>>, vector<1x8x91xf32>
    %get3A_796 = vector.shape_cast %get3A_795 : vector<1x8x91xf32> to vector<8x91xf32>
    %gt3A_797 = arith.cmpf ogt, %get3A_796, %select_n3A_788 : vector<8x91xf32>
    %select_n3A_798 = arith.select %gt3A_797, %get3A_796, %select_n3A_788 : vector<8x91xi1>, vector<8x91xf32>
    %jit3A_799 = arith.constant 80 : i32
    %broadcast_in_dim3A_800 = vector.broadcast %jit3A_799 : i32 to vector<8x91xi32>
    %select_n3A_801 = arith.select %gt3A_797, %broadcast_in_dim3A_800, %select_n3A_791 : vector<8x91xi1>, vector<8x91xi32>
    %get3A_802 = arith.constant 0 : index
    %get3A_803 = arith.constant 648 : index
    %get3A_804 = arith.constant 0 : index
    %get3A_805 = vector.load %arg2[%get3A_802, %get3A_803, %get3A_804] : memref<1x2000x91xf32, #tpu.memory_space<vmem>>, vector<1x8x91xf32>
    %get3A_806 = vector.shape_cast %get3A_805 : vector<1x8x91xf32> to vector<8x91xf32>
    %gt3A_807 = arith.cmpf ogt, %get3A_806, %select_n3A_798 : vector<8x91xf32>
    %select_n3A_808 = arith.select %gt3A_807, %get3A_806, %select_n3A_798 : vector<8x91xi1>, vector<8x91xf32>
    %jit3A_809 = arith.constant 81 : i32
    %broadcast_in_dim3A_810 = vector.broadcast %jit3A_809 : i32 to vector<8x91xi32>
    %select_n3A_811 = arith.select %gt3A_807, %broadcast_in_dim3A_810, %select_n3A_801 : vector<8x91xi1>, vector<8x91xi32>
    %get3A_812 = arith.constant 0 : index
    %get3A_813 = arith.constant 656 : index
    %get3A_814 = arith.constant 0 : index
    %get3A_815 = vector.load %arg2[%get3A_812, %get3A_813, %get3A_814] : memref<1x2000x91xf32, #tpu.memory_space<vmem>>, vector<1x8x91xf32>
    %get3A_816 = vector.shape_cast %get3A_815 : vector<1x8x91xf32> to vector<8x91xf32>
    %gt3A_817 = arith.cmpf ogt, %get3A_816, %select_n3A_808 : vector<8x91xf32>
    %select_n3A_818 = arith.select %gt3A_817, %get3A_816, %select_n3A_808 : vector<8x91xi1>, vector<8x91xf32>
    %jit3A_819 = arith.constant 82 : i32
    %broadcast_in_dim3A_820 = vector.broadcast %jit3A_819 : i32 to vector<8x91xi32>
    %select_n3A_821 = arith.select %gt3A_817, %broadcast_in_dim3A_820, %select_n3A_811 : vector<8x91xi1>, vector<8x91xi32>
    %get3A_822 = arith.constant 0 : index
    %get3A_823 = arith.constant 664 : index
    %get3A_824 = arith.constant 0 : index
    %get3A_825 = vector.load %arg2[%get3A_822, %get3A_823, %get3A_824] : memref<1x2000x91xf32, #tpu.memory_space<vmem>>, vector<1x8x91xf32>
    %get3A_826 = vector.shape_cast %get3A_825 : vector<1x8x91xf32> to vector<8x91xf32>
    %gt3A_827 = arith.cmpf ogt, %get3A_826, %select_n3A_818 : vector<8x91xf32>
    %select_n3A_828 = arith.select %gt3A_827, %get3A_826, %select_n3A_818 : vector<8x91xi1>, vector<8x91xf32>
    %jit3A_829 = arith.constant 83 : i32
    %broadcast_in_dim3A_830 = vector.broadcast %jit3A_829 : i32 to vector<8x91xi32>
    %select_n3A_831 = arith.select %gt3A_827, %broadcast_in_dim3A_830, %select_n3A_821 : vector<8x91xi1>, vector<8x91xi32>
    %get3A_832 = arith.constant 0 : index
    %get3A_833 = arith.constant 672 : index
    %get3A_834 = arith.constant 0 : index
    %get3A_835 = vector.load %arg2[%get3A_832, %get3A_833, %get3A_834] : memref<1x2000x91xf32, #tpu.memory_space<vmem>>, vector<1x8x91xf32>
    %get3A_836 = vector.shape_cast %get3A_835 : vector<1x8x91xf32> to vector<8x91xf32>
    %gt3A_837 = arith.cmpf ogt, %get3A_836, %select_n3A_828 : vector<8x91xf32>
    %select_n3A_838 = arith.select %gt3A_837, %get3A_836, %select_n3A_828 : vector<8x91xi1>, vector<8x91xf32>
    %jit3A_839 = arith.constant 84 : i32
    %broadcast_in_dim3A_840 = vector.broadcast %jit3A_839 : i32 to vector<8x91xi32>
    %select_n3A_841 = arith.select %gt3A_837, %broadcast_in_dim3A_840, %select_n3A_831 : vector<8x91xi1>, vector<8x91xi32>
    %get3A_842 = arith.constant 0 : index
    %get3A_843 = arith.constant 680 : index
    %get3A_844 = arith.constant 0 : index
    %get3A_845 = vector.load %arg2[%get3A_842, %get3A_843, %get3A_844] : memref<1x2000x91xf32, #tpu.memory_space<vmem>>, vector<1x8x91xf32>
    %get3A_846 = vector.shape_cast %get3A_845 : vector<1x8x91xf32> to vector<8x91xf32>
    %gt3A_847 = arith.cmpf ogt, %get3A_846, %select_n3A_838 : vector<8x91xf32>
    %select_n3A_848 = arith.select %gt3A_847, %get3A_846, %select_n3A_838 : vector<8x91xi1>, vector<8x91xf32>
    %jit3A_849 = arith.constant 85 : i32
    %broadcast_in_dim3A_850 = vector.broadcast %jit3A_849 : i32 to vector<8x91xi32>
    %select_n3A_851 = arith.select %gt3A_847, %broadcast_in_dim3A_850, %select_n3A_841 : vector<8x91xi1>, vector<8x91xi32>
    %get3A_852 = arith.constant 0 : index
    %get3A_853 = arith.constant 688 : index
    %get3A_854 = arith.constant 0 : index
    %get3A_855 = vector.load %arg2[%get3A_852, %get3A_853, %get3A_854] : memref<1x2000x91xf32, #tpu.memory_space<vmem>>, vector<1x8x91xf32>
    %get3A_856 = vector.shape_cast %get3A_855 : vector<1x8x91xf32> to vector<8x91xf32>
    %gt3A_857 = arith.cmpf ogt, %get3A_856, %select_n3A_848 : vector<8x91xf32>
    %select_n3A_858 = arith.select %gt3A_857, %get3A_856, %select_n3A_848 : vector<8x91xi1>, vector<8x91xf32>
    %jit3A_859 = arith.constant 86 : i32
    %broadcast_in_dim3A_860 = vector.broadcast %jit3A_859 : i32 to vector<8x91xi32>
    %select_n3A_861 = arith.select %gt3A_857, %broadcast_in_dim3A_860, %select_n3A_851 : vector<8x91xi1>, vector<8x91xi32>
    %get3A_862 = arith.constant 0 : index
    %get3A_863 = arith.constant 696 : index
    %get3A_864 = arith.constant 0 : index
    %get3A_865 = vector.load %arg2[%get3A_862, %get3A_863, %get3A_864] : memref<1x2000x91xf32, #tpu.memory_space<vmem>>, vector<1x8x91xf32>
    %get3A_866 = vector.shape_cast %get3A_865 : vector<1x8x91xf32> to vector<8x91xf32>
    %gt3A_867 = arith.cmpf ogt, %get3A_866, %select_n3A_858 : vector<8x91xf32>
    %select_n3A_868 = arith.select %gt3A_867, %get3A_866, %select_n3A_858 : vector<8x91xi1>, vector<8x91xf32>
    %jit3A_869 = arith.constant 87 : i32
    %broadcast_in_dim3A_870 = vector.broadcast %jit3A_869 : i32 to vector<8x91xi32>
    %select_n3A_871 = arith.select %gt3A_867, %broadcast_in_dim3A_870, %select_n3A_861 : vector<8x91xi1>, vector<8x91xi32>
    %get3A_872 = arith.constant 0 : index
    %get3A_873 = arith.constant 704 : index
    %get3A_874 = arith.constant 0 : index
    %get3A_875 = vector.load %arg2[%get3A_872, %get3A_873, %get3A_874] : memref<1x2000x91xf32, #tpu.memory_space<vmem>>, vector<1x8x91xf32>
    %get3A_876 = vector.shape_cast %get3A_875 : vector<1x8x91xf32> to vector<8x91xf32>
    %gt3A_877 = arith.cmpf ogt, %get3A_876, %select_n3A_868 : vector<8x91xf32>
    %select_n3A_878 = arith.select %gt3A_877, %get3A_876, %select_n3A_868 : vector<8x91xi1>, vector<8x91xf32>
    %jit3A_879 = arith.constant 88 : i32
    %broadcast_in_dim3A_880 = vector.broadcast %jit3A_879 : i32 to vector<8x91xi32>
    %select_n3A_881 = arith.select %gt3A_877, %broadcast_in_dim3A_880, %select_n3A_871 : vector<8x91xi1>, vector<8x91xi32>
    %get3A_882 = arith.constant 0 : index
    %get3A_883 = arith.constant 712 : index
    %get3A_884 = arith.constant 0 : index
    %get3A_885 = vector.load %arg2[%get3A_882, %get3A_883, %get3A_884] : memref<1x2000x91xf32, #tpu.memory_space<vmem>>, vector<1x8x91xf32>
    %get3A_886 = vector.shape_cast %get3A_885 : vector<1x8x91xf32> to vector<8x91xf32>
    %gt3A_887 = arith.cmpf ogt, %get3A_886, %select_n3A_878 : vector<8x91xf32>
    %select_n3A_888 = arith.select %gt3A_887, %get3A_886, %select_n3A_878 : vector<8x91xi1>, vector<8x91xf32>
    %jit3A_889 = arith.constant 89 : i32
    %broadcast_in_dim3A_890 = vector.broadcast %jit3A_889 : i32 to vector<8x91xi32>
    %select_n3A_891 = arith.select %gt3A_887, %broadcast_in_dim3A_890, %select_n3A_881 : vector<8x91xi1>, vector<8x91xi32>
    %get3A_892 = arith.constant 0 : index
    %get3A_893 = arith.constant 720 : index
    %get3A_894 = arith.constant 0 : index
    %get3A_895 = vector.load %arg2[%get3A_892, %get3A_893, %get3A_894] : memref<1x2000x91xf32, #tpu.memory_space<vmem>>, vector<1x8x91xf32>
    %get3A_896 = vector.shape_cast %get3A_895 : vector<1x8x91xf32> to vector<8x91xf32>
    %gt3A_897 = arith.cmpf ogt, %get3A_896, %select_n3A_888 : vector<8x91xf32>
    %select_n3A_898 = arith.select %gt3A_897, %get3A_896, %select_n3A_888 : vector<8x91xi1>, vector<8x91xf32>
    %jit3A_899 = arith.constant 90 : i32
    %broadcast_in_dim3A_900 = vector.broadcast %jit3A_899 : i32 to vector<8x91xi32>
    %select_n3A_901 = arith.select %gt3A_897, %broadcast_in_dim3A_900, %select_n3A_891 : vector<8x91xi1>, vector<8x91xi32>
    %get3A_902 = arith.constant 0 : index
    %get3A_903 = arith.constant 728 : index
    %get3A_904 = arith.constant 0 : index
    %get3A_905 = vector.load %arg2[%get3A_902, %get3A_903, %get3A_904] : memref<1x2000x91xf32, #tpu.memory_space<vmem>>, vector<1x8x91xf32>
    %get3A_906 = vector.shape_cast %get3A_905 : vector<1x8x91xf32> to vector<8x91xf32>
    %gt3A_907 = arith.cmpf ogt, %get3A_906, %select_n3A_898 : vector<8x91xf32>
    %select_n3A_908 = arith.select %gt3A_907, %get3A_906, %select_n3A_898 : vector<8x91xi1>, vector<8x91xf32>
    %jit3A_909 = arith.constant 91 : i32
    %broadcast_in_dim3A_910 = vector.broadcast %jit3A_909 : i32 to vector<8x91xi32>
    %select_n3A_911 = arith.select %gt3A_907, %broadcast_in_dim3A_910, %select_n3A_901 : vector<8x91xi1>, vector<8x91xi32>
    %get3A_912 = arith.constant 0 : index
    %get3A_913 = arith.constant 736 : index
    %get3A_914 = arith.constant 0 : index
    %get3A_915 = vector.load %arg2[%get3A_912, %get3A_913, %get3A_914] : memref<1x2000x91xf32, #tpu.memory_space<vmem>>, vector<1x8x91xf32>
    %get3A_916 = vector.shape_cast %get3A_915 : vector<1x8x91xf32> to vector<8x91xf32>
    %gt3A_917 = arith.cmpf ogt, %get3A_916, %select_n3A_908 : vector<8x91xf32>
    %select_n3A_918 = arith.select %gt3A_917, %get3A_916, %select_n3A_908 : vector<8x91xi1>, vector<8x91xf32>
    %jit3A_919 = arith.constant 92 : i32
    %broadcast_in_dim3A_920 = vector.broadcast %jit3A_919 : i32 to vector<8x91xi32>
    %select_n3A_921 = arith.select %gt3A_917, %broadcast_in_dim3A_920, %select_n3A_911 : vector<8x91xi1>, vector<8x91xi32>
    %get3A_922 = arith.constant 0 : index
    %get3A_923 = arith.constant 744 : index
    %get3A_924 = arith.constant 0 : index
    %get3A_925 = vector.load %arg2[%get3A_922, %get3A_923, %get3A_924] : memref<1x2000x91xf32, #tpu.memory_space<vmem>>, vector<1x8x91xf32>
    %get3A_926 = vector.shape_cast %get3A_925 : vector<1x8x91xf32> to vector<8x91xf32>
    %gt3A_927 = arith.cmpf ogt, %get3A_926, %select_n3A_918 : vector<8x91xf32>
    %select_n3A_928 = arith.select %gt3A_927, %get3A_926, %select_n3A_918 : vector<8x91xi1>, vector<8x91xf32>
    %jit3A_929 = arith.constant 93 : i32
    %broadcast_in_dim3A_930 = vector.broadcast %jit3A_929 : i32 to vector<8x91xi32>
    %select_n3A_931 = arith.select %gt3A_927, %broadcast_in_dim3A_930, %select_n3A_921 : vector<8x91xi1>, vector<8x91xi32>
    %get3A_932 = arith.constant 0 : index
    %get3A_933 = arith.constant 752 : index
    %get3A_934 = arith.constant 0 : index
    %get3A_935 = vector.load %arg2[%get3A_932, %get3A_933, %get3A_934] : memref<1x2000x91xf32, #tpu.memory_space<vmem>>, vector<1x8x91xf32>
    %get3A_936 = vector.shape_cast %get3A_935 : vector<1x8x91xf32> to vector<8x91xf32>
    %gt3A_937 = arith.cmpf ogt, %get3A_936, %select_n3A_928 : vector<8x91xf32>
    %select_n3A_938 = arith.select %gt3A_937, %get3A_936, %select_n3A_928 : vector<8x91xi1>, vector<8x91xf32>
    %jit3A_939 = arith.constant 94 : i32
    %broadcast_in_dim3A_940 = vector.broadcast %jit3A_939 : i32 to vector<8x91xi32>
    %select_n3A_941 = arith.select %gt3A_937, %broadcast_in_dim3A_940, %select_n3A_931 : vector<8x91xi1>, vector<8x91xi32>
    %get3A_942 = arith.constant 0 : index
    %get3A_943 = arith.constant 760 : index
    %get3A_944 = arith.constant 0 : index
    %get3A_945 = vector.load %arg2[%get3A_942, %get3A_943, %get3A_944] : memref<1x2000x91xf32, #tpu.memory_space<vmem>>, vector<1x8x91xf32>
    %get3A_946 = vector.shape_cast %get3A_945 : vector<1x8x91xf32> to vector<8x91xf32>
    %gt3A_947 = arith.cmpf ogt, %get3A_946, %select_n3A_938 : vector<8x91xf32>
    %select_n3A_948 = arith.select %gt3A_947, %get3A_946, %select_n3A_938 : vector<8x91xi1>, vector<8x91xf32>
    %jit3A_949 = arith.constant 95 : i32
    %broadcast_in_dim3A_950 = vector.broadcast %jit3A_949 : i32 to vector<8x91xi32>
    %select_n3A_951 = arith.select %gt3A_947, %broadcast_in_dim3A_950, %select_n3A_941 : vector<8x91xi1>, vector<8x91xi32>
    %get3A_952 = arith.constant 0 : index
    %get3A_953 = arith.constant 768 : index
    %get3A_954 = arith.constant 0 : index
    %get3A_955 = vector.load %arg2[%get3A_952, %get3A_953, %get3A_954] : memref<1x2000x91xf32, #tpu.memory_space<vmem>>, vector<1x8x91xf32>
    %get3A_956 = vector.shape_cast %get3A_955 : vector<1x8x91xf32> to vector<8x91xf32>
    %gt3A_957 = arith.cmpf ogt, %get3A_956, %select_n3A_948 : vector<8x91xf32>
    %select_n3A_958 = arith.select %gt3A_957, %get3A_956, %select_n3A_948 : vector<8x91xi1>, vector<8x91xf32>
    %jit3A_959 = arith.constant 96 : i32
    %broadcast_in_dim3A_960 = vector.broadcast %jit3A_959 : i32 to vector<8x91xi32>
    %select_n3A_961 = arith.select %gt3A_957, %broadcast_in_dim3A_960, %select_n3A_951 : vector<8x91xi1>, vector<8x91xi32>
    %get3A_962 = arith.constant 0 : index
    %get3A_963 = arith.constant 776 : index
    %get3A_964 = arith.constant 0 : index
    %get3A_965 = vector.load %arg2[%get3A_962, %get3A_963, %get3A_964] : memref<1x2000x91xf32, #tpu.memory_space<vmem>>, vector<1x8x91xf32>
    %get3A_966 = vector.shape_cast %get3A_965 : vector<1x8x91xf32> to vector<8x91xf32>
    %gt3A_967 = arith.cmpf ogt, %get3A_966, %select_n3A_958 : vector<8x91xf32>
    %select_n3A_968 = arith.select %gt3A_967, %get3A_966, %select_n3A_958 : vector<8x91xi1>, vector<8x91xf32>
    %jit3A_969 = arith.constant 97 : i32
    %broadcast_in_dim3A_970 = vector.broadcast %jit3A_969 : i32 to vector<8x91xi32>
    %select_n3A_971 = arith.select %gt3A_967, %broadcast_in_dim3A_970, %select_n3A_961 : vector<8x91xi1>, vector<8x91xi32>
    %get3A_972 = arith.constant 0 : index
    %get3A_973 = arith.constant 784 : index
    %get3A_974 = arith.constant 0 : index
    %get3A_975 = vector.load %arg2[%get3A_972, %get3A_973, %get3A_974] : memref<1x2000x91xf32, #tpu.memory_space<vmem>>, vector<1x8x91xf32>
    %get3A_976 = vector.shape_cast %get3A_975 : vector<1x8x91xf32> to vector<8x91xf32>
    %gt3A_977 = arith.cmpf ogt, %get3A_976, %select_n3A_968 : vector<8x91xf32>
    %select_n3A_978 = arith.select %gt3A_977, %get3A_976, %select_n3A_968 : vector<8x91xi1>, vector<8x91xf32>
    %jit3A_979 = arith.constant 98 : i32
    %broadcast_in_dim3A_980 = vector.broadcast %jit3A_979 : i32 to vector<8x91xi32>
    %select_n3A_981 = arith.select %gt3A_977, %broadcast_in_dim3A_980, %select_n3A_971 : vector<8x91xi1>, vector<8x91xi32>
    %get3A_982 = arith.constant 0 : index
    %get3A_983 = arith.constant 792 : index
    %get3A_984 = arith.constant 0 : index
    %get3A_985 = vector.load %arg2[%get3A_982, %get3A_983, %get3A_984] : memref<1x2000x91xf32, #tpu.memory_space<vmem>>, vector<1x8x91xf32>
    %get3A_986 = vector.shape_cast %get3A_985 : vector<1x8x91xf32> to vector<8x91xf32>
    %gt3A_987 = arith.cmpf ogt, %get3A_986, %select_n3A_978 : vector<8x91xf32>
    %select_n3A_988 = arith.select %gt3A_987, %get3A_986, %select_n3A_978 : vector<8x91xi1>, vector<8x91xf32>
    %jit3A_989 = arith.constant 99 : i32
    %broadcast_in_dim3A_990 = vector.broadcast %jit3A_989 : i32 to vector<8x91xi32>
    %select_n3A_991 = arith.select %gt3A_987, %broadcast_in_dim3A_990, %select_n3A_981 : vector<8x91xi1>, vector<8x91xi32>
    %get3A_992 = arith.constant 0 : index
    %get3A_993 = arith.constant 800 : index
    %get3A_994 = arith.constant 0 : index
    %get3A_995 = vector.load %arg2[%get3A_992, %get3A_993, %get3A_994] : memref<1x2000x91xf32, #tpu.memory_space<vmem>>, vector<1x8x91xf32>
    %get3A_996 = vector.shape_cast %get3A_995 : vector<1x8x91xf32> to vector<8x91xf32>
    %gt3A_997 = arith.cmpf ogt, %get3A_996, %select_n3A_988 : vector<8x91xf32>
    %select_n3A_998 = arith.select %gt3A_997, %get3A_996, %select_n3A_988 : vector<8x91xi1>, vector<8x91xf32>
    %jit3A_999 = arith.constant 100 : i32
    %broadcast_in_dim3A_1000 = vector.broadcast %jit3A_999 : i32 to vector<8x91xi32>
    %select_n3A_1001 = arith.select %gt3A_997, %broadcast_in_dim3A_1000, %select_n3A_991 : vector<8x91xi1>, vector<8x91xi32>
    %get3A_1002 = arith.constant 0 : index
    %get3A_1003 = arith.constant 808 : index
    %get3A_1004 = arith.constant 0 : index
    %get3A_1005 = vector.load %arg2[%get3A_1002, %get3A_1003, %get3A_1004] : memref<1x2000x91xf32, #tpu.memory_space<vmem>>, vector<1x8x91xf32>
    %get3A_1006 = vector.shape_cast %get3A_1005 : vector<1x8x91xf32> to vector<8x91xf32>
    %gt3A_1007 = arith.cmpf ogt, %get3A_1006, %select_n3A_998 : vector<8x91xf32>
    %select_n3A_1008 = arith.select %gt3A_1007, %get3A_1006, %select_n3A_998 : vector<8x91xi1>, vector<8x91xf32>
    %jit3A_1009 = arith.constant 101 : i32
    %broadcast_in_dim3A_1010 = vector.broadcast %jit3A_1009 : i32 to vector<8x91xi32>
    %select_n3A_1011 = arith.select %gt3A_1007, %broadcast_in_dim3A_1010, %select_n3A_1001 : vector<8x91xi1>, vector<8x91xi32>
    %get3A_1012 = arith.constant 0 : index
    %get3A_1013 = arith.constant 816 : index
    %get3A_1014 = arith.constant 0 : index
    %get3A_1015 = vector.load %arg2[%get3A_1012, %get3A_1013, %get3A_1014] : memref<1x2000x91xf32, #tpu.memory_space<vmem>>, vector<1x8x91xf32>
    %get3A_1016 = vector.shape_cast %get3A_1015 : vector<1x8x91xf32> to vector<8x91xf32>
    %gt3A_1017 = arith.cmpf ogt, %get3A_1016, %select_n3A_1008 : vector<8x91xf32>
    %select_n3A_1018 = arith.select %gt3A_1017, %get3A_1016, %select_n3A_1008 : vector<8x91xi1>, vector<8x91xf32>
    %jit3A_1019 = arith.constant 102 : i32
    %broadcast_in_dim3A_1020 = vector.broadcast %jit3A_1019 : i32 to vector<8x91xi32>
    %select_n3A_1021 = arith.select %gt3A_1017, %broadcast_in_dim3A_1020, %select_n3A_1011 : vector<8x91xi1>, vector<8x91xi32>
    %get3A_1022 = arith.constant 0 : index
    %get3A_1023 = arith.constant 824 : index
    %get3A_1024 = arith.constant 0 : index
    %get3A_1025 = vector.load %arg2[%get3A_1022, %get3A_1023, %get3A_1024] : memref<1x2000x91xf32, #tpu.memory_space<vmem>>, vector<1x8x91xf32>
    %get3A_1026 = vector.shape_cast %get3A_1025 : vector<1x8x91xf32> to vector<8x91xf32>
    %gt3A_1027 = arith.cmpf ogt, %get3A_1026, %select_n3A_1018 : vector<8x91xf32>
    %select_n3A_1028 = arith.select %gt3A_1027, %get3A_1026, %select_n3A_1018 : vector<8x91xi1>, vector<8x91xf32>
    %jit3A_1029 = arith.constant 103 : i32
    %broadcast_in_dim3A_1030 = vector.broadcast %jit3A_1029 : i32 to vector<8x91xi32>
    %select_n3A_1031 = arith.select %gt3A_1027, %broadcast_in_dim3A_1030, %select_n3A_1021 : vector<8x91xi1>, vector<8x91xi32>
    %get3A_1032 = arith.constant 0 : index
    %get3A_1033 = arith.constant 832 : index
    %get3A_1034 = arith.constant 0 : index
    %get3A_1035 = vector.load %arg2[%get3A_1032, %get3A_1033, %get3A_1034] : memref<1x2000x91xf32, #tpu.memory_space<vmem>>, vector<1x8x91xf32>
    %get3A_1036 = vector.shape_cast %get3A_1035 : vector<1x8x91xf32> to vector<8x91xf32>
    %gt3A_1037 = arith.cmpf ogt, %get3A_1036, %select_n3A_1028 : vector<8x91xf32>
    %select_n3A_1038 = arith.select %gt3A_1037, %get3A_1036, %select_n3A_1028 : vector<8x91xi1>, vector<8x91xf32>
    %jit3A_1039 = arith.constant 104 : i32
    %broadcast_in_dim3A_1040 = vector.broadcast %jit3A_1039 : i32 to vector<8x91xi32>
    %select_n3A_1041 = arith.select %gt3A_1037, %broadcast_in_dim3A_1040, %select_n3A_1031 : vector<8x91xi1>, vector<8x91xi32>
    %get3A_1042 = arith.constant 0 : index
    %get3A_1043 = arith.constant 840 : index
    %get3A_1044 = arith.constant 0 : index
    %get3A_1045 = vector.load %arg2[%get3A_1042, %get3A_1043, %get3A_1044] : memref<1x2000x91xf32, #tpu.memory_space<vmem>>, vector<1x8x91xf32>
    %get3A_1046 = vector.shape_cast %get3A_1045 : vector<1x8x91xf32> to vector<8x91xf32>
    %gt3A_1047 = arith.cmpf ogt, %get3A_1046, %select_n3A_1038 : vector<8x91xf32>
    %select_n3A_1048 = arith.select %gt3A_1047, %get3A_1046, %select_n3A_1038 : vector<8x91xi1>, vector<8x91xf32>
    %jit3A_1049 = arith.constant 105 : i32
    %broadcast_in_dim3A_1050 = vector.broadcast %jit3A_1049 : i32 to vector<8x91xi32>
    %select_n3A_1051 = arith.select %gt3A_1047, %broadcast_in_dim3A_1050, %select_n3A_1041 : vector<8x91xi1>, vector<8x91xi32>
    %get3A_1052 = arith.constant 0 : index
    %get3A_1053 = arith.constant 848 : index
    %get3A_1054 = arith.constant 0 : index
    %get3A_1055 = vector.load %arg2[%get3A_1052, %get3A_1053, %get3A_1054] : memref<1x2000x91xf32, #tpu.memory_space<vmem>>, vector<1x8x91xf32>
    %get3A_1056 = vector.shape_cast %get3A_1055 : vector<1x8x91xf32> to vector<8x91xf32>
    %gt3A_1057 = arith.cmpf ogt, %get3A_1056, %select_n3A_1048 : vector<8x91xf32>
    %select_n3A_1058 = arith.select %gt3A_1057, %get3A_1056, %select_n3A_1048 : vector<8x91xi1>, vector<8x91xf32>
    %jit3A_1059 = arith.constant 106 : i32
    %broadcast_in_dim3A_1060 = vector.broadcast %jit3A_1059 : i32 to vector<8x91xi32>
    %select_n3A_1061 = arith.select %gt3A_1057, %broadcast_in_dim3A_1060, %select_n3A_1051 : vector<8x91xi1>, vector<8x91xi32>
    %get3A_1062 = arith.constant 0 : index
    %get3A_1063 = arith.constant 856 : index
    %get3A_1064 = arith.constant 0 : index
    %get3A_1065 = vector.load %arg2[%get3A_1062, %get3A_1063, %get3A_1064] : memref<1x2000x91xf32, #tpu.memory_space<vmem>>, vector<1x8x91xf32>
    %get3A_1066 = vector.shape_cast %get3A_1065 : vector<1x8x91xf32> to vector<8x91xf32>
    %gt3A_1067 = arith.cmpf ogt, %get3A_1066, %select_n3A_1058 : vector<8x91xf32>
    %select_n3A_1068 = arith.select %gt3A_1067, %get3A_1066, %select_n3A_1058 : vector<8x91xi1>, vector<8x91xf32>
    %jit3A_1069 = arith.constant 107 : i32
    %broadcast_in_dim3A_1070 = vector.broadcast %jit3A_1069 : i32 to vector<8x91xi32>
    %select_n3A_1071 = arith.select %gt3A_1067, %broadcast_in_dim3A_1070, %select_n3A_1061 : vector<8x91xi1>, vector<8x91xi32>
    %get3A_1072 = arith.constant 0 : index
    %get3A_1073 = arith.constant 864 : index
    %get3A_1074 = arith.constant 0 : index
    %get3A_1075 = vector.load %arg2[%get3A_1072, %get3A_1073, %get3A_1074] : memref<1x2000x91xf32, #tpu.memory_space<vmem>>, vector<1x8x91xf32>
    %get3A_1076 = vector.shape_cast %get3A_1075 : vector<1x8x91xf32> to vector<8x91xf32>
    %gt3A_1077 = arith.cmpf ogt, %get3A_1076, %select_n3A_1068 : vector<8x91xf32>
    %select_n3A_1078 = arith.select %gt3A_1077, %get3A_1076, %select_n3A_1068 : vector<8x91xi1>, vector<8x91xf32>
    %jit3A_1079 = arith.constant 108 : i32
    %broadcast_in_dim3A_1080 = vector.broadcast %jit3A_1079 : i32 to vector<8x91xi32>
    %select_n3A_1081 = arith.select %gt3A_1077, %broadcast_in_dim3A_1080, %select_n3A_1071 : vector<8x91xi1>, vector<8x91xi32>
    %get3A_1082 = arith.constant 0 : index
    %get3A_1083 = arith.constant 872 : index
    %get3A_1084 = arith.constant 0 : index
    %get3A_1085 = vector.load %arg2[%get3A_1082, %get3A_1083, %get3A_1084] : memref<1x2000x91xf32, #tpu.memory_space<vmem>>, vector<1x8x91xf32>
    %get3A_1086 = vector.shape_cast %get3A_1085 : vector<1x8x91xf32> to vector<8x91xf32>
    %gt3A_1087 = arith.cmpf ogt, %get3A_1086, %select_n3A_1078 : vector<8x91xf32>
    %select_n3A_1088 = arith.select %gt3A_1087, %get3A_1086, %select_n3A_1078 : vector<8x91xi1>, vector<8x91xf32>
    %jit3A_1089 = arith.constant 109 : i32
    %broadcast_in_dim3A_1090 = vector.broadcast %jit3A_1089 : i32 to vector<8x91xi32>
    %select_n3A_1091 = arith.select %gt3A_1087, %broadcast_in_dim3A_1090, %select_n3A_1081 : vector<8x91xi1>, vector<8x91xi32>
    %get3A_1092 = arith.constant 0 : index
    %get3A_1093 = arith.constant 880 : index
    %get3A_1094 = arith.constant 0 : index
    %get3A_1095 = vector.load %arg2[%get3A_1092, %get3A_1093, %get3A_1094] : memref<1x2000x91xf32, #tpu.memory_space<vmem>>, vector<1x8x91xf32>
    %get3A_1096 = vector.shape_cast %get3A_1095 : vector<1x8x91xf32> to vector<8x91xf32>
    %gt3A_1097 = arith.cmpf ogt, %get3A_1096, %select_n3A_1088 : vector<8x91xf32>
    %select_n3A_1098 = arith.select %gt3A_1097, %get3A_1096, %select_n3A_1088 : vector<8x91xi1>, vector<8x91xf32>
    %jit3A_1099 = arith.constant 110 : i32
    %broadcast_in_dim3A_1100 = vector.broadcast %jit3A_1099 : i32 to vector<8x91xi32>
    %select_n3A_1101 = arith.select %gt3A_1097, %broadcast_in_dim3A_1100, %select_n3A_1091 : vector<8x91xi1>, vector<8x91xi32>
    %get3A_1102 = arith.constant 0 : index
    %get3A_1103 = arith.constant 888 : index
    %get3A_1104 = arith.constant 0 : index
    %get3A_1105 = vector.load %arg2[%get3A_1102, %get3A_1103, %get3A_1104] : memref<1x2000x91xf32, #tpu.memory_space<vmem>>, vector<1x8x91xf32>
    %get3A_1106 = vector.shape_cast %get3A_1105 : vector<1x8x91xf32> to vector<8x91xf32>
    %gt3A_1107 = arith.cmpf ogt, %get3A_1106, %select_n3A_1098 : vector<8x91xf32>
    %select_n3A_1108 = arith.select %gt3A_1107, %get3A_1106, %select_n3A_1098 : vector<8x91xi1>, vector<8x91xf32>
    %jit3A_1109 = arith.constant 111 : i32
    %broadcast_in_dim3A_1110 = vector.broadcast %jit3A_1109 : i32 to vector<8x91xi32>
    %select_n3A_1111 = arith.select %gt3A_1107, %broadcast_in_dim3A_1110, %select_n3A_1101 : vector<8x91xi1>, vector<8x91xi32>
    %get3A_1112 = arith.constant 0 : index
    %get3A_1113 = arith.constant 896 : index
    %get3A_1114 = arith.constant 0 : index
    %get3A_1115 = vector.load %arg2[%get3A_1112, %get3A_1113, %get3A_1114] : memref<1x2000x91xf32, #tpu.memory_space<vmem>>, vector<1x8x91xf32>
    %get3A_1116 = vector.shape_cast %get3A_1115 : vector<1x8x91xf32> to vector<8x91xf32>
    %gt3A_1117 = arith.cmpf ogt, %get3A_1116, %select_n3A_1108 : vector<8x91xf32>
    %select_n3A_1118 = arith.select %gt3A_1117, %get3A_1116, %select_n3A_1108 : vector<8x91xi1>, vector<8x91xf32>
    %jit3A_1119 = arith.constant 112 : i32
    %broadcast_in_dim3A_1120 = vector.broadcast %jit3A_1119 : i32 to vector<8x91xi32>
    %select_n3A_1121 = arith.select %gt3A_1117, %broadcast_in_dim3A_1120, %select_n3A_1111 : vector<8x91xi1>, vector<8x91xi32>
    %get3A_1122 = arith.constant 0 : index
    %get3A_1123 = arith.constant 904 : index
    %get3A_1124 = arith.constant 0 : index
    %get3A_1125 = vector.load %arg2[%get3A_1122, %get3A_1123, %get3A_1124] : memref<1x2000x91xf32, #tpu.memory_space<vmem>>, vector<1x8x91xf32>
    %get3A_1126 = vector.shape_cast %get3A_1125 : vector<1x8x91xf32> to vector<8x91xf32>
    %gt3A_1127 = arith.cmpf ogt, %get3A_1126, %select_n3A_1118 : vector<8x91xf32>
    %select_n3A_1128 = arith.select %gt3A_1127, %get3A_1126, %select_n3A_1118 : vector<8x91xi1>, vector<8x91xf32>
    %jit3A_1129 = arith.constant 113 : i32
    %broadcast_in_dim3A_1130 = vector.broadcast %jit3A_1129 : i32 to vector<8x91xi32>
    %select_n3A_1131 = arith.select %gt3A_1127, %broadcast_in_dim3A_1130, %select_n3A_1121 : vector<8x91xi1>, vector<8x91xi32>
    %get3A_1132 = arith.constant 0 : index
    %get3A_1133 = arith.constant 912 : index
    %get3A_1134 = arith.constant 0 : index
    %get3A_1135 = vector.load %arg2[%get3A_1132, %get3A_1133, %get3A_1134] : memref<1x2000x91xf32, #tpu.memory_space<vmem>>, vector<1x8x91xf32>
    %get3A_1136 = vector.shape_cast %get3A_1135 : vector<1x8x91xf32> to vector<8x91xf32>
    %gt3A_1137 = arith.cmpf ogt, %get3A_1136, %select_n3A_1128 : vector<8x91xf32>
    %select_n3A_1138 = arith.select %gt3A_1137, %get3A_1136, %select_n3A_1128 : vector<8x91xi1>, vector<8x91xf32>
    %jit3A_1139 = arith.constant 114 : i32
    %broadcast_in_dim3A_1140 = vector.broadcast %jit3A_1139 : i32 to vector<8x91xi32>
    %select_n3A_1141 = arith.select %gt3A_1137, %broadcast_in_dim3A_1140, %select_n3A_1131 : vector<8x91xi1>, vector<8x91xi32>
    %get3A_1142 = arith.constant 0 : index
    %get3A_1143 = arith.constant 920 : index
    %get3A_1144 = arith.constant 0 : index
    %get3A_1145 = vector.load %arg2[%get3A_1142, %get3A_1143, %get3A_1144] : memref<1x2000x91xf32, #tpu.memory_space<vmem>>, vector<1x8x91xf32>
    %get3A_1146 = vector.shape_cast %get3A_1145 : vector<1x8x91xf32> to vector<8x91xf32>
    %gt3A_1147 = arith.cmpf ogt, %get3A_1146, %select_n3A_1138 : vector<8x91xf32>
    %select_n3A_1148 = arith.select %gt3A_1147, %get3A_1146, %select_n3A_1138 : vector<8x91xi1>, vector<8x91xf32>
    %jit3A_1149 = arith.constant 115 : i32
    %broadcast_in_dim3A_1150 = vector.broadcast %jit3A_1149 : i32 to vector<8x91xi32>
    %select_n3A_1151 = arith.select %gt3A_1147, %broadcast_in_dim3A_1150, %select_n3A_1141 : vector<8x91xi1>, vector<8x91xi32>
    %get3A_1152 = arith.constant 0 : index
    %get3A_1153 = arith.constant 928 : index
    %get3A_1154 = arith.constant 0 : index
    %get3A_1155 = vector.load %arg2[%get3A_1152, %get3A_1153, %get3A_1154] : memref<1x2000x91xf32, #tpu.memory_space<vmem>>, vector<1x8x91xf32>
    %get3A_1156 = vector.shape_cast %get3A_1155 : vector<1x8x91xf32> to vector<8x91xf32>
    %gt3A_1157 = arith.cmpf ogt, %get3A_1156, %select_n3A_1148 : vector<8x91xf32>
    %select_n3A_1158 = arith.select %gt3A_1157, %get3A_1156, %select_n3A_1148 : vector<8x91xi1>, vector<8x91xf32>
    %jit3A_1159 = arith.constant 116 : i32
    %broadcast_in_dim3A_1160 = vector.broadcast %jit3A_1159 : i32 to vector<8x91xi32>
    %select_n3A_1161 = arith.select %gt3A_1157, %broadcast_in_dim3A_1160, %select_n3A_1151 : vector<8x91xi1>, vector<8x91xi32>
    %get3A_1162 = arith.constant 0 : index
    %get3A_1163 = arith.constant 936 : index
    %get3A_1164 = arith.constant 0 : index
    %get3A_1165 = vector.load %arg2[%get3A_1162, %get3A_1163, %get3A_1164] : memref<1x2000x91xf32, #tpu.memory_space<vmem>>, vector<1x8x91xf32>
    %get3A_1166 = vector.shape_cast %get3A_1165 : vector<1x8x91xf32> to vector<8x91xf32>
    %gt3A_1167 = arith.cmpf ogt, %get3A_1166, %select_n3A_1158 : vector<8x91xf32>
    %select_n3A_1168 = arith.select %gt3A_1167, %get3A_1166, %select_n3A_1158 : vector<8x91xi1>, vector<8x91xf32>
    %jit3A_1169 = arith.constant 117 : i32
    %broadcast_in_dim3A_1170 = vector.broadcast %jit3A_1169 : i32 to vector<8x91xi32>
    %select_n3A_1171 = arith.select %gt3A_1167, %broadcast_in_dim3A_1170, %select_n3A_1161 : vector<8x91xi1>, vector<8x91xi32>
    %get3A_1172 = arith.constant 0 : index
    %get3A_1173 = arith.constant 944 : index
    %get3A_1174 = arith.constant 0 : index
    %get3A_1175 = vector.load %arg2[%get3A_1172, %get3A_1173, %get3A_1174] : memref<1x2000x91xf32, #tpu.memory_space<vmem>>, vector<1x8x91xf32>
    %get3A_1176 = vector.shape_cast %get3A_1175 : vector<1x8x91xf32> to vector<8x91xf32>
    %gt3A_1177 = arith.cmpf ogt, %get3A_1176, %select_n3A_1168 : vector<8x91xf32>
    %select_n3A_1178 = arith.select %gt3A_1177, %get3A_1176, %select_n3A_1168 : vector<8x91xi1>, vector<8x91xf32>
    %jit3A_1179 = arith.constant 118 : i32
    %broadcast_in_dim3A_1180 = vector.broadcast %jit3A_1179 : i32 to vector<8x91xi32>
    %select_n3A_1181 = arith.select %gt3A_1177, %broadcast_in_dim3A_1180, %select_n3A_1171 : vector<8x91xi1>, vector<8x91xi32>
    %get3A_1182 = arith.constant 0 : index
    %get3A_1183 = arith.constant 952 : index
    %get3A_1184 = arith.constant 0 : index
    %get3A_1185 = vector.load %arg2[%get3A_1182, %get3A_1183, %get3A_1184] : memref<1x2000x91xf32, #tpu.memory_space<vmem>>, vector<1x8x91xf32>
    %get3A_1186 = vector.shape_cast %get3A_1185 : vector<1x8x91xf32> to vector<8x91xf32>
    %gt3A_1187 = arith.cmpf ogt, %get3A_1186, %select_n3A_1178 : vector<8x91xf32>
    %select_n3A_1188 = arith.select %gt3A_1187, %get3A_1186, %select_n3A_1178 : vector<8x91xi1>, vector<8x91xf32>
    %jit3A_1189 = arith.constant 119 : i32
    %broadcast_in_dim3A_1190 = vector.broadcast %jit3A_1189 : i32 to vector<8x91xi32>
    %select_n3A_1191 = arith.select %gt3A_1187, %broadcast_in_dim3A_1190, %select_n3A_1181 : vector<8x91xi1>, vector<8x91xi32>
    %get3A_1192 = arith.constant 0 : index
    %get3A_1193 = arith.constant 960 : index
    %get3A_1194 = arith.constant 0 : index
    %get3A_1195 = vector.load %arg2[%get3A_1192, %get3A_1193, %get3A_1194] : memref<1x2000x91xf32, #tpu.memory_space<vmem>>, vector<1x8x91xf32>
    %get3A_1196 = vector.shape_cast %get3A_1195 : vector<1x8x91xf32> to vector<8x91xf32>
    %gt3A_1197 = arith.cmpf ogt, %get3A_1196, %select_n3A_1188 : vector<8x91xf32>
    %select_n3A_1198 = arith.select %gt3A_1197, %get3A_1196, %select_n3A_1188 : vector<8x91xi1>, vector<8x91xf32>
    %jit3A_1199 = arith.constant 120 : i32
    %broadcast_in_dim3A_1200 = vector.broadcast %jit3A_1199 : i32 to vector<8x91xi32>
    %select_n3A_1201 = arith.select %gt3A_1197, %broadcast_in_dim3A_1200, %select_n3A_1191 : vector<8x91xi1>, vector<8x91xi32>
    %get3A_1202 = arith.constant 0 : index
    %get3A_1203 = arith.constant 968 : index
    %get3A_1204 = arith.constant 0 : index
    %get3A_1205 = vector.load %arg2[%get3A_1202, %get3A_1203, %get3A_1204] : memref<1x2000x91xf32, #tpu.memory_space<vmem>>, vector<1x8x91xf32>
    %get3A_1206 = vector.shape_cast %get3A_1205 : vector<1x8x91xf32> to vector<8x91xf32>
    %gt3A_1207 = arith.cmpf ogt, %get3A_1206, %select_n3A_1198 : vector<8x91xf32>
    %select_n3A_1208 = arith.select %gt3A_1207, %get3A_1206, %select_n3A_1198 : vector<8x91xi1>, vector<8x91xf32>
    %jit3A_1209 = arith.constant 121 : i32
    %broadcast_in_dim3A_1210 = vector.broadcast %jit3A_1209 : i32 to vector<8x91xi32>
    %select_n3A_1211 = arith.select %gt3A_1207, %broadcast_in_dim3A_1210, %select_n3A_1201 : vector<8x91xi1>, vector<8x91xi32>
    %get3A_1212 = arith.constant 0 : index
    %get3A_1213 = arith.constant 976 : index
    %get3A_1214 = arith.constant 0 : index
    %get3A_1215 = vector.load %arg2[%get3A_1212, %get3A_1213, %get3A_1214] : memref<1x2000x91xf32, #tpu.memory_space<vmem>>, vector<1x8x91xf32>
    %get3A_1216 = vector.shape_cast %get3A_1215 : vector<1x8x91xf32> to vector<8x91xf32>
    %gt3A_1217 = arith.cmpf ogt, %get3A_1216, %select_n3A_1208 : vector<8x91xf32>
    %select_n3A_1218 = arith.select %gt3A_1217, %get3A_1216, %select_n3A_1208 : vector<8x91xi1>, vector<8x91xf32>
    %jit3A_1219 = arith.constant 122 : i32
    %broadcast_in_dim3A_1220 = vector.broadcast %jit3A_1219 : i32 to vector<8x91xi32>
    %select_n3A_1221 = arith.select %gt3A_1217, %broadcast_in_dim3A_1220, %select_n3A_1211 : vector<8x91xi1>, vector<8x91xi32>
    %get3A_1222 = arith.constant 0 : index
    %get3A_1223 = arith.constant 984 : index
    %get3A_1224 = arith.constant 0 : index
    %get3A_1225 = vector.load %arg2[%get3A_1222, %get3A_1223, %get3A_1224] : memref<1x2000x91xf32, #tpu.memory_space<vmem>>, vector<1x8x91xf32>
    %get3A_1226 = vector.shape_cast %get3A_1225 : vector<1x8x91xf32> to vector<8x91xf32>
    %gt3A_1227 = arith.cmpf ogt, %get3A_1226, %select_n3A_1218 : vector<8x91xf32>
    %select_n3A_1228 = arith.select %gt3A_1227, %get3A_1226, %select_n3A_1218 : vector<8x91xi1>, vector<8x91xf32>
    %jit3A_1229 = arith.constant 123 : i32
    %broadcast_in_dim3A_1230 = vector.broadcast %jit3A_1229 : i32 to vector<8x91xi32>
    %select_n3A_1231 = arith.select %gt3A_1227, %broadcast_in_dim3A_1230, %select_n3A_1221 : vector<8x91xi1>, vector<8x91xi32>
    %get3A_1232 = arith.constant 0 : index
    %get3A_1233 = arith.constant 992 : index
    %get3A_1234 = arith.constant 0 : index
    %get3A_1235 = vector.load %arg2[%get3A_1232, %get3A_1233, %get3A_1234] : memref<1x2000x91xf32, #tpu.memory_space<vmem>>, vector<1x8x91xf32>
    %get3A_1236 = vector.shape_cast %get3A_1235 : vector<1x8x91xf32> to vector<8x91xf32>
    %gt3A_1237 = arith.cmpf ogt, %get3A_1236, %select_n3A_1228 : vector<8x91xf32>
    %select_n3A_1238 = arith.select %gt3A_1237, %get3A_1236, %select_n3A_1228 : vector<8x91xi1>, vector<8x91xf32>
    %jit3A_1239 = arith.constant 124 : i32
    %broadcast_in_dim3A_1240 = vector.broadcast %jit3A_1239 : i32 to vector<8x91xi32>
    %select_n3A_1241 = arith.select %gt3A_1237, %broadcast_in_dim3A_1240, %select_n3A_1231 : vector<8x91xi1>, vector<8x91xi32>
    %get3A_1242 = arith.constant 0 : index
    %get3A_1243 = arith.constant 1000 : index
    %get3A_1244 = arith.constant 0 : index
    %get3A_1245 = vector.load %arg2[%get3A_1242, %get3A_1243, %get3A_1244] : memref<1x2000x91xf32, #tpu.memory_space<vmem>>, vector<1x8x91xf32>
    %get3A_1246 = vector.shape_cast %get3A_1245 : vector<1x8x91xf32> to vector<8x91xf32>
    %gt3A_1247 = arith.cmpf ogt, %get3A_1246, %select_n3A_1238 : vector<8x91xf32>
    %select_n3A_1248 = arith.select %gt3A_1247, %get3A_1246, %select_n3A_1238 : vector<8x91xi1>, vector<8x91xf32>
    %jit3A_1249 = arith.constant 125 : i32
    %broadcast_in_dim3A_1250 = vector.broadcast %jit3A_1249 : i32 to vector<8x91xi32>
    %select_n3A_1251 = arith.select %gt3A_1247, %broadcast_in_dim3A_1250, %select_n3A_1241 : vector<8x91xi1>, vector<8x91xi32>
    %get3A_1252 = arith.constant 0 : index
    %get3A_1253 = arith.constant 1008 : index
    %get3A_1254 = arith.constant 0 : index
    %get3A_1255 = vector.load %arg2[%get3A_1252, %get3A_1253, %get3A_1254] : memref<1x2000x91xf32, #tpu.memory_space<vmem>>, vector<1x8x91xf32>
    %get3A_1256 = vector.shape_cast %get3A_1255 : vector<1x8x91xf32> to vector<8x91xf32>
    %gt3A_1257 = arith.cmpf ogt, %get3A_1256, %select_n3A_1248 : vector<8x91xf32>
    %select_n3A_1258 = arith.select %gt3A_1257, %get3A_1256, %select_n3A_1248 : vector<8x91xi1>, vector<8x91xf32>
    %jit3A_1259 = arith.constant 126 : i32
    %broadcast_in_dim3A_1260 = vector.broadcast %jit3A_1259 : i32 to vector<8x91xi32>
    %select_n3A_1261 = arith.select %gt3A_1257, %broadcast_in_dim3A_1260, %select_n3A_1251 : vector<8x91xi1>, vector<8x91xi32>
    %get3A_1262 = arith.constant 0 : index
    %get3A_1263 = arith.constant 1016 : index
    %get3A_1264 = arith.constant 0 : index
    %get3A_1265 = vector.load %arg2[%get3A_1262, %get3A_1263, %get3A_1264] : memref<1x2000x91xf32, #tpu.memory_space<vmem>>, vector<1x8x91xf32>
    %get3A_1266 = vector.shape_cast %get3A_1265 : vector<1x8x91xf32> to vector<8x91xf32>
    %gt3A_1267 = arith.cmpf ogt, %get3A_1266, %select_n3A_1258 : vector<8x91xf32>
    %select_n3A_1268 = arith.select %gt3A_1267, %get3A_1266, %select_n3A_1258 : vector<8x91xi1>, vector<8x91xf32>
    %jit3A_1269 = arith.constant 127 : i32
    %broadcast_in_dim3A_1270 = vector.broadcast %jit3A_1269 : i32 to vector<8x91xi32>
    %select_n3A_1271 = arith.select %gt3A_1267, %broadcast_in_dim3A_1270, %select_n3A_1261 : vector<8x91xi1>, vector<8x91xi32>
    %get3A_1272 = arith.constant 0 : index
    %get3A_1273 = arith.constant 1024 : index
    %get3A_1274 = arith.constant 0 : index
    %get3A_1275 = vector.load %arg2[%get3A_1272, %get3A_1273, %get3A_1274] : memref<1x2000x91xf32, #tpu.memory_space<vmem>>, vector<1x8x91xf32>
    %get3A_1276 = vector.shape_cast %get3A_1275 : vector<1x8x91xf32> to vector<8x91xf32>
    %gt3A_1277 = arith.cmpf ogt, %get3A_1276, %select_n3A_1268 : vector<8x91xf32>
    %select_n3A_1278 = arith.select %gt3A_1277, %get3A_1276, %select_n3A_1268 : vector<8x91xi1>, vector<8x91xf32>
    %jit3A_1279 = arith.constant 128 : i32
    %broadcast_in_dim3A_1280 = vector.broadcast %jit3A_1279 : i32 to vector<8x91xi32>
    %select_n3A_1281 = arith.select %gt3A_1277, %broadcast_in_dim3A_1280, %select_n3A_1271 : vector<8x91xi1>, vector<8x91xi32>
    %get3A_1282 = arith.constant 0 : index
    %get3A_1283 = arith.constant 1032 : index
    %get3A_1284 = arith.constant 0 : index
    %get3A_1285 = vector.load %arg2[%get3A_1282, %get3A_1283, %get3A_1284] : memref<1x2000x91xf32, #tpu.memory_space<vmem>>, vector<1x8x91xf32>
    %get3A_1286 = vector.shape_cast %get3A_1285 : vector<1x8x91xf32> to vector<8x91xf32>
    %gt3A_1287 = arith.cmpf ogt, %get3A_1286, %select_n3A_1278 : vector<8x91xf32>
    %select_n3A_1288 = arith.select %gt3A_1287, %get3A_1286, %select_n3A_1278 : vector<8x91xi1>, vector<8x91xf32>
    %jit3A_1289 = arith.constant 129 : i32
    %broadcast_in_dim3A_1290 = vector.broadcast %jit3A_1289 : i32 to vector<8x91xi32>
    %select_n3A_1291 = arith.select %gt3A_1287, %broadcast_in_dim3A_1290, %select_n3A_1281 : vector<8x91xi1>, vector<8x91xi32>
    %get3A_1292 = arith.constant 0 : index
    %get3A_1293 = arith.constant 1040 : index
    %get3A_1294 = arith.constant 0 : index
    %get3A_1295 = vector.load %arg2[%get3A_1292, %get3A_1293, %get3A_1294] : memref<1x2000x91xf32, #tpu.memory_space<vmem>>, vector<1x8x91xf32>
    %get3A_1296 = vector.shape_cast %get3A_1295 : vector<1x8x91xf32> to vector<8x91xf32>
    %gt3A_1297 = arith.cmpf ogt, %get3A_1296, %select_n3A_1288 : vector<8x91xf32>
    %select_n3A_1298 = arith.select %gt3A_1297, %get3A_1296, %select_n3A_1288 : vector<8x91xi1>, vector<8x91xf32>
    %jit3A_1299 = arith.constant 130 : i32
    %broadcast_in_dim3A_1300 = vector.broadcast %jit3A_1299 : i32 to vector<8x91xi32>
    %select_n3A_1301 = arith.select %gt3A_1297, %broadcast_in_dim3A_1300, %select_n3A_1291 : vector<8x91xi1>, vector<8x91xi32>
    %get3A_1302 = arith.constant 0 : index
    %get3A_1303 = arith.constant 1048 : index
    %get3A_1304 = arith.constant 0 : index
    %get3A_1305 = vector.load %arg2[%get3A_1302, %get3A_1303, %get3A_1304] : memref<1x2000x91xf32, #tpu.memory_space<vmem>>, vector<1x8x91xf32>
    %get3A_1306 = vector.shape_cast %get3A_1305 : vector<1x8x91xf32> to vector<8x91xf32>
    %gt3A_1307 = arith.cmpf ogt, %get3A_1306, %select_n3A_1298 : vector<8x91xf32>
    %select_n3A_1308 = arith.select %gt3A_1307, %get3A_1306, %select_n3A_1298 : vector<8x91xi1>, vector<8x91xf32>
    %jit3A_1309 = arith.constant 131 : i32
    %broadcast_in_dim3A_1310 = vector.broadcast %jit3A_1309 : i32 to vector<8x91xi32>
    %select_n3A_1311 = arith.select %gt3A_1307, %broadcast_in_dim3A_1310, %select_n3A_1301 : vector<8x91xi1>, vector<8x91xi32>
    %get3A_1312 = arith.constant 0 : index
    %get3A_1313 = arith.constant 1056 : index
    %get3A_1314 = arith.constant 0 : index
    %get3A_1315 = vector.load %arg2[%get3A_1312, %get3A_1313, %get3A_1314] : memref<1x2000x91xf32, #tpu.memory_space<vmem>>, vector<1x8x91xf32>
    %get3A_1316 = vector.shape_cast %get3A_1315 : vector<1x8x91xf32> to vector<8x91xf32>
    %gt3A_1317 = arith.cmpf ogt, %get3A_1316, %select_n3A_1308 : vector<8x91xf32>
    %select_n3A_1318 = arith.select %gt3A_1317, %get3A_1316, %select_n3A_1308 : vector<8x91xi1>, vector<8x91xf32>
    %jit3A_1319 = arith.constant 132 : i32
    %broadcast_in_dim3A_1320 = vector.broadcast %jit3A_1319 : i32 to vector<8x91xi32>
    %select_n3A_1321 = arith.select %gt3A_1317, %broadcast_in_dim3A_1320, %select_n3A_1311 : vector<8x91xi1>, vector<8x91xi32>
    %get3A_1322 = arith.constant 0 : index
    %get3A_1323 = arith.constant 1064 : index
    %get3A_1324 = arith.constant 0 : index
    %get3A_1325 = vector.load %arg2[%get3A_1322, %get3A_1323, %get3A_1324] : memref<1x2000x91xf32, #tpu.memory_space<vmem>>, vector<1x8x91xf32>
    %get3A_1326 = vector.shape_cast %get3A_1325 : vector<1x8x91xf32> to vector<8x91xf32>
    %gt3A_1327 = arith.cmpf ogt, %get3A_1326, %select_n3A_1318 : vector<8x91xf32>
    %select_n3A_1328 = arith.select %gt3A_1327, %get3A_1326, %select_n3A_1318 : vector<8x91xi1>, vector<8x91xf32>
    %jit3A_1329 = arith.constant 133 : i32
    %broadcast_in_dim3A_1330 = vector.broadcast %jit3A_1329 : i32 to vector<8x91xi32>
    %select_n3A_1331 = arith.select %gt3A_1327, %broadcast_in_dim3A_1330, %select_n3A_1321 : vector<8x91xi1>, vector<8x91xi32>
    %get3A_1332 = arith.constant 0 : index
    %get3A_1333 = arith.constant 1072 : index
    %get3A_1334 = arith.constant 0 : index
    %get3A_1335 = vector.load %arg2[%get3A_1332, %get3A_1333, %get3A_1334] : memref<1x2000x91xf32, #tpu.memory_space<vmem>>, vector<1x8x91xf32>
    %get3A_1336 = vector.shape_cast %get3A_1335 : vector<1x8x91xf32> to vector<8x91xf32>
    %gt3A_1337 = arith.cmpf ogt, %get3A_1336, %select_n3A_1328 : vector<8x91xf32>
    %select_n3A_1338 = arith.select %gt3A_1337, %get3A_1336, %select_n3A_1328 : vector<8x91xi1>, vector<8x91xf32>
    %jit3A_1339 = arith.constant 134 : i32
    %broadcast_in_dim3A_1340 = vector.broadcast %jit3A_1339 : i32 to vector<8x91xi32>
    %select_n3A_1341 = arith.select %gt3A_1337, %broadcast_in_dim3A_1340, %select_n3A_1331 : vector<8x91xi1>, vector<8x91xi32>
    %get3A_1342 = arith.constant 0 : index
    %get3A_1343 = arith.constant 1080 : index
    %get3A_1344 = arith.constant 0 : index
    %get3A_1345 = vector.load %arg2[%get3A_1342, %get3A_1343, %get3A_1344] : memref<1x2000x91xf32, #tpu.memory_space<vmem>>, vector<1x8x91xf32>
    %get3A_1346 = vector.shape_cast %get3A_1345 : vector<1x8x91xf32> to vector<8x91xf32>
    %gt3A_1347 = arith.cmpf ogt, %get3A_1346, %select_n3A_1338 : vector<8x91xf32>
    %select_n3A_1348 = arith.select %gt3A_1347, %get3A_1346, %select_n3A_1338 : vector<8x91xi1>, vector<8x91xf32>
    %jit3A_1349 = arith.constant 135 : i32
    %broadcast_in_dim3A_1350 = vector.broadcast %jit3A_1349 : i32 to vector<8x91xi32>
    %select_n3A_1351 = arith.select %gt3A_1347, %broadcast_in_dim3A_1350, %select_n3A_1341 : vector<8x91xi1>, vector<8x91xi32>
    %get3A_1352 = arith.constant 0 : index
    %get3A_1353 = arith.constant 1088 : index
    %get3A_1354 = arith.constant 0 : index
    %get3A_1355 = vector.load %arg2[%get3A_1352, %get3A_1353, %get3A_1354] : memref<1x2000x91xf32, #tpu.memory_space<vmem>>, vector<1x8x91xf32>
    %get3A_1356 = vector.shape_cast %get3A_1355 : vector<1x8x91xf32> to vector<8x91xf32>
    %gt3A_1357 = arith.cmpf ogt, %get3A_1356, %select_n3A_1348 : vector<8x91xf32>
    %select_n3A_1358 = arith.select %gt3A_1357, %get3A_1356, %select_n3A_1348 : vector<8x91xi1>, vector<8x91xf32>
    %jit3A_1359 = arith.constant 136 : i32
    %broadcast_in_dim3A_1360 = vector.broadcast %jit3A_1359 : i32 to vector<8x91xi32>
    %select_n3A_1361 = arith.select %gt3A_1357, %broadcast_in_dim3A_1360, %select_n3A_1351 : vector<8x91xi1>, vector<8x91xi32>
    %get3A_1362 = arith.constant 0 : index
    %get3A_1363 = arith.constant 1096 : index
    %get3A_1364 = arith.constant 0 : index
    %get3A_1365 = vector.load %arg2[%get3A_1362, %get3A_1363, %get3A_1364] : memref<1x2000x91xf32, #tpu.memory_space<vmem>>, vector<1x8x91xf32>
    %get3A_1366 = vector.shape_cast %get3A_1365 : vector<1x8x91xf32> to vector<8x91xf32>
    %gt3A_1367 = arith.cmpf ogt, %get3A_1366, %select_n3A_1358 : vector<8x91xf32>
    %select_n3A_1368 = arith.select %gt3A_1367, %get3A_1366, %select_n3A_1358 : vector<8x91xi1>, vector<8x91xf32>
    %jit3A_1369 = arith.constant 137 : i32
    %broadcast_in_dim3A_1370 = vector.broadcast %jit3A_1369 : i32 to vector<8x91xi32>
    %select_n3A_1371 = arith.select %gt3A_1367, %broadcast_in_dim3A_1370, %select_n3A_1361 : vector<8x91xi1>, vector<8x91xi32>
    %get3A_1372 = arith.constant 0 : index
    %get3A_1373 = arith.constant 1104 : index
    %get3A_1374 = arith.constant 0 : index
    %get3A_1375 = vector.load %arg2[%get3A_1372, %get3A_1373, %get3A_1374] : memref<1x2000x91xf32, #tpu.memory_space<vmem>>, vector<1x8x91xf32>
    %get3A_1376 = vector.shape_cast %get3A_1375 : vector<1x8x91xf32> to vector<8x91xf32>
    %gt3A_1377 = arith.cmpf ogt, %get3A_1376, %select_n3A_1368 : vector<8x91xf32>
    %select_n3A_1378 = arith.select %gt3A_1377, %get3A_1376, %select_n3A_1368 : vector<8x91xi1>, vector<8x91xf32>
    %jit3A_1379 = arith.constant 138 : i32
    %broadcast_in_dim3A_1380 = vector.broadcast %jit3A_1379 : i32 to vector<8x91xi32>
    %select_n3A_1381 = arith.select %gt3A_1377, %broadcast_in_dim3A_1380, %select_n3A_1371 : vector<8x91xi1>, vector<8x91xi32>
    %get3A_1382 = arith.constant 0 : index
    %get3A_1383 = arith.constant 1112 : index
    %get3A_1384 = arith.constant 0 : index
    %get3A_1385 = vector.load %arg2[%get3A_1382, %get3A_1383, %get3A_1384] : memref<1x2000x91xf32, #tpu.memory_space<vmem>>, vector<1x8x91xf32>
    %get3A_1386 = vector.shape_cast %get3A_1385 : vector<1x8x91xf32> to vector<8x91xf32>
    %gt3A_1387 = arith.cmpf ogt, %get3A_1386, %select_n3A_1378 : vector<8x91xf32>
    %select_n3A_1388 = arith.select %gt3A_1387, %get3A_1386, %select_n3A_1378 : vector<8x91xi1>, vector<8x91xf32>
    %jit3A_1389 = arith.constant 139 : i32
    %broadcast_in_dim3A_1390 = vector.broadcast %jit3A_1389 : i32 to vector<8x91xi32>
    %select_n3A_1391 = arith.select %gt3A_1387, %broadcast_in_dim3A_1390, %select_n3A_1381 : vector<8x91xi1>, vector<8x91xi32>
    %get3A_1392 = arith.constant 0 : index
    %get3A_1393 = arith.constant 1120 : index
    %get3A_1394 = arith.constant 0 : index
    %get3A_1395 = vector.load %arg2[%get3A_1392, %get3A_1393, %get3A_1394] : memref<1x2000x91xf32, #tpu.memory_space<vmem>>, vector<1x8x91xf32>
    %get3A_1396 = vector.shape_cast %get3A_1395 : vector<1x8x91xf32> to vector<8x91xf32>
    %gt3A_1397 = arith.cmpf ogt, %get3A_1396, %select_n3A_1388 : vector<8x91xf32>
    %select_n3A_1398 = arith.select %gt3A_1397, %get3A_1396, %select_n3A_1388 : vector<8x91xi1>, vector<8x91xf32>
    %jit3A_1399 = arith.constant 140 : i32
    %broadcast_in_dim3A_1400 = vector.broadcast %jit3A_1399 : i32 to vector<8x91xi32>
    %select_n3A_1401 = arith.select %gt3A_1397, %broadcast_in_dim3A_1400, %select_n3A_1391 : vector<8x91xi1>, vector<8x91xi32>
    %get3A_1402 = arith.constant 0 : index
    %get3A_1403 = arith.constant 1128 : index
    %get3A_1404 = arith.constant 0 : index
    %get3A_1405 = vector.load %arg2[%get3A_1402, %get3A_1403, %get3A_1404] : memref<1x2000x91xf32, #tpu.memory_space<vmem>>, vector<1x8x91xf32>
    %get3A_1406 = vector.shape_cast %get3A_1405 : vector<1x8x91xf32> to vector<8x91xf32>
    %gt3A_1407 = arith.cmpf ogt, %get3A_1406, %select_n3A_1398 : vector<8x91xf32>
    %select_n3A_1408 = arith.select %gt3A_1407, %get3A_1406, %select_n3A_1398 : vector<8x91xi1>, vector<8x91xf32>
    %jit3A_1409 = arith.constant 141 : i32
    %broadcast_in_dim3A_1410 = vector.broadcast %jit3A_1409 : i32 to vector<8x91xi32>
    %select_n3A_1411 = arith.select %gt3A_1407, %broadcast_in_dim3A_1410, %select_n3A_1401 : vector<8x91xi1>, vector<8x91xi32>
    %get3A_1412 = arith.constant 0 : index
    %get3A_1413 = arith.constant 1136 : index
    %get3A_1414 = arith.constant 0 : index
    %get3A_1415 = vector.load %arg2[%get3A_1412, %get3A_1413, %get3A_1414] : memref<1x2000x91xf32, #tpu.memory_space<vmem>>, vector<1x8x91xf32>
    %get3A_1416 = vector.shape_cast %get3A_1415 : vector<1x8x91xf32> to vector<8x91xf32>
    %gt3A_1417 = arith.cmpf ogt, %get3A_1416, %select_n3A_1408 : vector<8x91xf32>
    %select_n3A_1418 = arith.select %gt3A_1417, %get3A_1416, %select_n3A_1408 : vector<8x91xi1>, vector<8x91xf32>
    %jit3A_1419 = arith.constant 142 : i32
    %broadcast_in_dim3A_1420 = vector.broadcast %jit3A_1419 : i32 to vector<8x91xi32>
    %select_n3A_1421 = arith.select %gt3A_1417, %broadcast_in_dim3A_1420, %select_n3A_1411 : vector<8x91xi1>, vector<8x91xi32>
    %get3A_1422 = arith.constant 0 : index
    %get3A_1423 = arith.constant 1144 : index
    %get3A_1424 = arith.constant 0 : index
    %get3A_1425 = vector.load %arg2[%get3A_1422, %get3A_1423, %get3A_1424] : memref<1x2000x91xf32, #tpu.memory_space<vmem>>, vector<1x8x91xf32>
    %get3A_1426 = vector.shape_cast %get3A_1425 : vector<1x8x91xf32> to vector<8x91xf32>
    %gt3A_1427 = arith.cmpf ogt, %get3A_1426, %select_n3A_1418 : vector<8x91xf32>
    %select_n3A_1428 = arith.select %gt3A_1427, %get3A_1426, %select_n3A_1418 : vector<8x91xi1>, vector<8x91xf32>
    %jit3A_1429 = arith.constant 143 : i32
    %broadcast_in_dim3A_1430 = vector.broadcast %jit3A_1429 : i32 to vector<8x91xi32>
    %select_n3A_1431 = arith.select %gt3A_1427, %broadcast_in_dim3A_1430, %select_n3A_1421 : vector<8x91xi1>, vector<8x91xi32>
    %get3A_1432 = arith.constant 0 : index
    %get3A_1433 = arith.constant 1152 : index
    %get3A_1434 = arith.constant 0 : index
    %get3A_1435 = vector.load %arg2[%get3A_1432, %get3A_1433, %get3A_1434] : memref<1x2000x91xf32, #tpu.memory_space<vmem>>, vector<1x8x91xf32>
    %get3A_1436 = vector.shape_cast %get3A_1435 : vector<1x8x91xf32> to vector<8x91xf32>
    %gt3A_1437 = arith.cmpf ogt, %get3A_1436, %select_n3A_1428 : vector<8x91xf32>
    %select_n3A_1438 = arith.select %gt3A_1437, %get3A_1436, %select_n3A_1428 : vector<8x91xi1>, vector<8x91xf32>
    %jit3A_1439 = arith.constant 144 : i32
    %broadcast_in_dim3A_1440 = vector.broadcast %jit3A_1439 : i32 to vector<8x91xi32>
    %select_n3A_1441 = arith.select %gt3A_1437, %broadcast_in_dim3A_1440, %select_n3A_1431 : vector<8x91xi1>, vector<8x91xi32>
    %get3A_1442 = arith.constant 0 : index
    %get3A_1443 = arith.constant 1160 : index
    %get3A_1444 = arith.constant 0 : index
    %get3A_1445 = vector.load %arg2[%get3A_1442, %get3A_1443, %get3A_1444] : memref<1x2000x91xf32, #tpu.memory_space<vmem>>, vector<1x8x91xf32>
    %get3A_1446 = vector.shape_cast %get3A_1445 : vector<1x8x91xf32> to vector<8x91xf32>
    %gt3A_1447 = arith.cmpf ogt, %get3A_1446, %select_n3A_1438 : vector<8x91xf32>
    %select_n3A_1448 = arith.select %gt3A_1447, %get3A_1446, %select_n3A_1438 : vector<8x91xi1>, vector<8x91xf32>
    %jit3A_1449 = arith.constant 145 : i32
    %broadcast_in_dim3A_1450 = vector.broadcast %jit3A_1449 : i32 to vector<8x91xi32>
    %select_n3A_1451 = arith.select %gt3A_1447, %broadcast_in_dim3A_1450, %select_n3A_1441 : vector<8x91xi1>, vector<8x91xi32>
    %get3A_1452 = arith.constant 0 : index
    %get3A_1453 = arith.constant 1168 : index
    %get3A_1454 = arith.constant 0 : index
    %get3A_1455 = vector.load %arg2[%get3A_1452, %get3A_1453, %get3A_1454] : memref<1x2000x91xf32, #tpu.memory_space<vmem>>, vector<1x8x91xf32>
    %get3A_1456 = vector.shape_cast %get3A_1455 : vector<1x8x91xf32> to vector<8x91xf32>
    %gt3A_1457 = arith.cmpf ogt, %get3A_1456, %select_n3A_1448 : vector<8x91xf32>
    %select_n3A_1458 = arith.select %gt3A_1457, %get3A_1456, %select_n3A_1448 : vector<8x91xi1>, vector<8x91xf32>
    %jit3A_1459 = arith.constant 146 : i32
    %broadcast_in_dim3A_1460 = vector.broadcast %jit3A_1459 : i32 to vector<8x91xi32>
    %select_n3A_1461 = arith.select %gt3A_1457, %broadcast_in_dim3A_1460, %select_n3A_1451 : vector<8x91xi1>, vector<8x91xi32>
    %get3A_1462 = arith.constant 0 : index
    %get3A_1463 = arith.constant 1176 : index
    %get3A_1464 = arith.constant 0 : index
    %get3A_1465 = vector.load %arg2[%get3A_1462, %get3A_1463, %get3A_1464] : memref<1x2000x91xf32, #tpu.memory_space<vmem>>, vector<1x8x91xf32>
    %get3A_1466 = vector.shape_cast %get3A_1465 : vector<1x8x91xf32> to vector<8x91xf32>
    %gt3A_1467 = arith.cmpf ogt, %get3A_1466, %select_n3A_1458 : vector<8x91xf32>
    %select_n3A_1468 = arith.select %gt3A_1467, %get3A_1466, %select_n3A_1458 : vector<8x91xi1>, vector<8x91xf32>
    %jit3A_1469 = arith.constant 147 : i32
    %broadcast_in_dim3A_1470 = vector.broadcast %jit3A_1469 : i32 to vector<8x91xi32>
    %select_n3A_1471 = arith.select %gt3A_1467, %broadcast_in_dim3A_1470, %select_n3A_1461 : vector<8x91xi1>, vector<8x91xi32>
    %get3A_1472 = arith.constant 0 : index
    %get3A_1473 = arith.constant 1184 : index
    %get3A_1474 = arith.constant 0 : index
    %get3A_1475 = vector.load %arg2[%get3A_1472, %get3A_1473, %get3A_1474] : memref<1x2000x91xf32, #tpu.memory_space<vmem>>, vector<1x8x91xf32>
    %get3A_1476 = vector.shape_cast %get3A_1475 : vector<1x8x91xf32> to vector<8x91xf32>
    %gt3A_1477 = arith.cmpf ogt, %get3A_1476, %select_n3A_1468 : vector<8x91xf32>
    %select_n3A_1478 = arith.select %gt3A_1477, %get3A_1476, %select_n3A_1468 : vector<8x91xi1>, vector<8x91xf32>
    %jit3A_1479 = arith.constant 148 : i32
    %broadcast_in_dim3A_1480 = vector.broadcast %jit3A_1479 : i32 to vector<8x91xi32>
    %select_n3A_1481 = arith.select %gt3A_1477, %broadcast_in_dim3A_1480, %select_n3A_1471 : vector<8x91xi1>, vector<8x91xi32>
    %get3A_1482 = arith.constant 0 : index
    %get3A_1483 = arith.constant 1192 : index
    %get3A_1484 = arith.constant 0 : index
    %get3A_1485 = vector.load %arg2[%get3A_1482, %get3A_1483, %get3A_1484] : memref<1x2000x91xf32, #tpu.memory_space<vmem>>, vector<1x8x91xf32>
    %get3A_1486 = vector.shape_cast %get3A_1485 : vector<1x8x91xf32> to vector<8x91xf32>
    %gt3A_1487 = arith.cmpf ogt, %get3A_1486, %select_n3A_1478 : vector<8x91xf32>
    %select_n3A_1488 = arith.select %gt3A_1487, %get3A_1486, %select_n3A_1478 : vector<8x91xi1>, vector<8x91xf32>
    %jit3A_1489 = arith.constant 149 : i32
    %broadcast_in_dim3A_1490 = vector.broadcast %jit3A_1489 : i32 to vector<8x91xi32>
    %select_n3A_1491 = arith.select %gt3A_1487, %broadcast_in_dim3A_1490, %select_n3A_1481 : vector<8x91xi1>, vector<8x91xi32>
    %get3A_1492 = arith.constant 0 : index
    %get3A_1493 = arith.constant 1200 : index
    %get3A_1494 = arith.constant 0 : index
    %get3A_1495 = vector.load %arg2[%get3A_1492, %get3A_1493, %get3A_1494] : memref<1x2000x91xf32, #tpu.memory_space<vmem>>, vector<1x8x91xf32>
    %get3A_1496 = vector.shape_cast %get3A_1495 : vector<1x8x91xf32> to vector<8x91xf32>
    %gt3A_1497 = arith.cmpf ogt, %get3A_1496, %select_n3A_1488 : vector<8x91xf32>
    %select_n3A_1498 = arith.select %gt3A_1497, %get3A_1496, %select_n3A_1488 : vector<8x91xi1>, vector<8x91xf32>
    %jit3A_1499 = arith.constant 150 : i32
    %broadcast_in_dim3A_1500 = vector.broadcast %jit3A_1499 : i32 to vector<8x91xi32>
    %select_n3A_1501 = arith.select %gt3A_1497, %broadcast_in_dim3A_1500, %select_n3A_1491 : vector<8x91xi1>, vector<8x91xi32>
    %get3A_1502 = arith.constant 0 : index
    %get3A_1503 = arith.constant 1208 : index
    %get3A_1504 = arith.constant 0 : index
    %get3A_1505 = vector.load %arg2[%get3A_1502, %get3A_1503, %get3A_1504] : memref<1x2000x91xf32, #tpu.memory_space<vmem>>, vector<1x8x91xf32>
    %get3A_1506 = vector.shape_cast %get3A_1505 : vector<1x8x91xf32> to vector<8x91xf32>
    %gt3A_1507 = arith.cmpf ogt, %get3A_1506, %select_n3A_1498 : vector<8x91xf32>
    %select_n3A_1508 = arith.select %gt3A_1507, %get3A_1506, %select_n3A_1498 : vector<8x91xi1>, vector<8x91xf32>
    %jit3A_1509 = arith.constant 151 : i32
    %broadcast_in_dim3A_1510 = vector.broadcast %jit3A_1509 : i32 to vector<8x91xi32>
    %select_n3A_1511 = arith.select %gt3A_1507, %broadcast_in_dim3A_1510, %select_n3A_1501 : vector<8x91xi1>, vector<8x91xi32>
    %get3A_1512 = arith.constant 0 : index
    %get3A_1513 = arith.constant 1216 : index
    %get3A_1514 = arith.constant 0 : index
    %get3A_1515 = vector.load %arg2[%get3A_1512, %get3A_1513, %get3A_1514] : memref<1x2000x91xf32, #tpu.memory_space<vmem>>, vector<1x8x91xf32>
    %get3A_1516 = vector.shape_cast %get3A_1515 : vector<1x8x91xf32> to vector<8x91xf32>
    %gt3A_1517 = arith.cmpf ogt, %get3A_1516, %select_n3A_1508 : vector<8x91xf32>
    %select_n3A_1518 = arith.select %gt3A_1517, %get3A_1516, %select_n3A_1508 : vector<8x91xi1>, vector<8x91xf32>
    %jit3A_1519 = arith.constant 152 : i32
    %broadcast_in_dim3A_1520 = vector.broadcast %jit3A_1519 : i32 to vector<8x91xi32>
    %select_n3A_1521 = arith.select %gt3A_1517, %broadcast_in_dim3A_1520, %select_n3A_1511 : vector<8x91xi1>, vector<8x91xi32>
    %get3A_1522 = arith.constant 0 : index
    %get3A_1523 = arith.constant 1224 : index
    %get3A_1524 = arith.constant 0 : index
    %get3A_1525 = vector.load %arg2[%get3A_1522, %get3A_1523, %get3A_1524] : memref<1x2000x91xf32, #tpu.memory_space<vmem>>, vector<1x8x91xf32>
    %get3A_1526 = vector.shape_cast %get3A_1525 : vector<1x8x91xf32> to vector<8x91xf32>
    %gt3A_1527 = arith.cmpf ogt, %get3A_1526, %select_n3A_1518 : vector<8x91xf32>
    %select_n3A_1528 = arith.select %gt3A_1527, %get3A_1526, %select_n3A_1518 : vector<8x91xi1>, vector<8x91xf32>
    %jit3A_1529 = arith.constant 153 : i32
    %broadcast_in_dim3A_1530 = vector.broadcast %jit3A_1529 : i32 to vector<8x91xi32>
    %select_n3A_1531 = arith.select %gt3A_1527, %broadcast_in_dim3A_1530, %select_n3A_1521 : vector<8x91xi1>, vector<8x91xi32>
    %get3A_1532 = arith.constant 0 : index
    %get3A_1533 = arith.constant 1232 : index
    %get3A_1534 = arith.constant 0 : index
    %get3A_1535 = vector.load %arg2[%get3A_1532, %get3A_1533, %get3A_1534] : memref<1x2000x91xf32, #tpu.memory_space<vmem>>, vector<1x8x91xf32>
    %get3A_1536 = vector.shape_cast %get3A_1535 : vector<1x8x91xf32> to vector<8x91xf32>
    %gt3A_1537 = arith.cmpf ogt, %get3A_1536, %select_n3A_1528 : vector<8x91xf32>
    %select_n3A_1538 = arith.select %gt3A_1537, %get3A_1536, %select_n3A_1528 : vector<8x91xi1>, vector<8x91xf32>
    %jit3A_1539 = arith.constant 154 : i32
    %broadcast_in_dim3A_1540 = vector.broadcast %jit3A_1539 : i32 to vector<8x91xi32>
    %select_n3A_1541 = arith.select %gt3A_1537, %broadcast_in_dim3A_1540, %select_n3A_1531 : vector<8x91xi1>, vector<8x91xi32>
    %get3A_1542 = arith.constant 0 : index
    %get3A_1543 = arith.constant 1240 : index
    %get3A_1544 = arith.constant 0 : index
    %get3A_1545 = vector.load %arg2[%get3A_1542, %get3A_1543, %get3A_1544] : memref<1x2000x91xf32, #tpu.memory_space<vmem>>, vector<1x8x91xf32>
    %get3A_1546 = vector.shape_cast %get3A_1545 : vector<1x8x91xf32> to vector<8x91xf32>
    %gt3A_1547 = arith.cmpf ogt, %get3A_1546, %select_n3A_1538 : vector<8x91xf32>
    %select_n3A_1548 = arith.select %gt3A_1547, %get3A_1546, %select_n3A_1538 : vector<8x91xi1>, vector<8x91xf32>
    %jit3A_1549 = arith.constant 155 : i32
    %broadcast_in_dim3A_1550 = vector.broadcast %jit3A_1549 : i32 to vector<8x91xi32>
    %select_n3A_1551 = arith.select %gt3A_1547, %broadcast_in_dim3A_1550, %select_n3A_1541 : vector<8x91xi1>, vector<8x91xi32>
    %get3A_1552 = arith.constant 0 : index
    %get3A_1553 = arith.constant 1248 : index
    %get3A_1554 = arith.constant 0 : index
    %get3A_1555 = vector.load %arg2[%get3A_1552, %get3A_1553, %get3A_1554] : memref<1x2000x91xf32, #tpu.memory_space<vmem>>, vector<1x8x91xf32>
    %get3A_1556 = vector.shape_cast %get3A_1555 : vector<1x8x91xf32> to vector<8x91xf32>
    %gt3A_1557 = arith.cmpf ogt, %get3A_1556, %select_n3A_1548 : vector<8x91xf32>
    %select_n3A_1558 = arith.select %gt3A_1557, %get3A_1556, %select_n3A_1548 : vector<8x91xi1>, vector<8x91xf32>
    %jit3A_1559 = arith.constant 156 : i32
    %broadcast_in_dim3A_1560 = vector.broadcast %jit3A_1559 : i32 to vector<8x91xi32>
    %select_n3A_1561 = arith.select %gt3A_1557, %broadcast_in_dim3A_1560, %select_n3A_1551 : vector<8x91xi1>, vector<8x91xi32>
    %get3A_1562 = arith.constant 0 : index
    %get3A_1563 = arith.constant 1256 : index
    %get3A_1564 = arith.constant 0 : index
    %get3A_1565 = vector.load %arg2[%get3A_1562, %get3A_1563, %get3A_1564] : memref<1x2000x91xf32, #tpu.memory_space<vmem>>, vector<1x8x91xf32>
    %get3A_1566 = vector.shape_cast %get3A_1565 : vector<1x8x91xf32> to vector<8x91xf32>
    %gt3A_1567 = arith.cmpf ogt, %get3A_1566, %select_n3A_1558 : vector<8x91xf32>
    %select_n3A_1568 = arith.select %gt3A_1567, %get3A_1566, %select_n3A_1558 : vector<8x91xi1>, vector<8x91xf32>
    %jit3A_1569 = arith.constant 157 : i32
    %broadcast_in_dim3A_1570 = vector.broadcast %jit3A_1569 : i32 to vector<8x91xi32>
    %select_n3A_1571 = arith.select %gt3A_1567, %broadcast_in_dim3A_1570, %select_n3A_1561 : vector<8x91xi1>, vector<8x91xi32>
    %get3A_1572 = arith.constant 0 : index
    %get3A_1573 = arith.constant 1264 : index
    %get3A_1574 = arith.constant 0 : index
    %get3A_1575 = vector.load %arg2[%get3A_1572, %get3A_1573, %get3A_1574] : memref<1x2000x91xf32, #tpu.memory_space<vmem>>, vector<1x8x91xf32>
    %get3A_1576 = vector.shape_cast %get3A_1575 : vector<1x8x91xf32> to vector<8x91xf32>
    %gt3A_1577 = arith.cmpf ogt, %get3A_1576, %select_n3A_1568 : vector<8x91xf32>
    %select_n3A_1578 = arith.select %gt3A_1577, %get3A_1576, %select_n3A_1568 : vector<8x91xi1>, vector<8x91xf32>
    %jit3A_1579 = arith.constant 158 : i32
    %broadcast_in_dim3A_1580 = vector.broadcast %jit3A_1579 : i32 to vector<8x91xi32>
    %select_n3A_1581 = arith.select %gt3A_1577, %broadcast_in_dim3A_1580, %select_n3A_1571 : vector<8x91xi1>, vector<8x91xi32>
    %get3A_1582 = arith.constant 0 : index
    %get3A_1583 = arith.constant 1272 : index
    %get3A_1584 = arith.constant 0 : index
    %get3A_1585 = vector.load %arg2[%get3A_1582, %get3A_1583, %get3A_1584] : memref<1x2000x91xf32, #tpu.memory_space<vmem>>, vector<1x8x91xf32>
    %get3A_1586 = vector.shape_cast %get3A_1585 : vector<1x8x91xf32> to vector<8x91xf32>
    %gt3A_1587 = arith.cmpf ogt, %get3A_1586, %select_n3A_1578 : vector<8x91xf32>
    %select_n3A_1588 = arith.select %gt3A_1587, %get3A_1586, %select_n3A_1578 : vector<8x91xi1>, vector<8x91xf32>
    %jit3A_1589 = arith.constant 159 : i32
    %broadcast_in_dim3A_1590 = vector.broadcast %jit3A_1589 : i32 to vector<8x91xi32>
    %select_n3A_1591 = arith.select %gt3A_1587, %broadcast_in_dim3A_1590, %select_n3A_1581 : vector<8x91xi1>, vector<8x91xi32>
    %get3A_1592 = arith.constant 0 : index
    %get3A_1593 = arith.constant 1280 : index
    %get3A_1594 = arith.constant 0 : index
    %get3A_1595 = vector.load %arg2[%get3A_1592, %get3A_1593, %get3A_1594] : memref<1x2000x91xf32, #tpu.memory_space<vmem>>, vector<1x8x91xf32>
    %get3A_1596 = vector.shape_cast %get3A_1595 : vector<1x8x91xf32> to vector<8x91xf32>
    %gt3A_1597 = arith.cmpf ogt, %get3A_1596, %select_n3A_1588 : vector<8x91xf32>
    %select_n3A_1598 = arith.select %gt3A_1597, %get3A_1596, %select_n3A_1588 : vector<8x91xi1>, vector<8x91xf32>
    %jit3A_1599 = arith.constant 160 : i32
    %broadcast_in_dim3A_1600 = vector.broadcast %jit3A_1599 : i32 to vector<8x91xi32>
    %select_n3A_1601 = arith.select %gt3A_1597, %broadcast_in_dim3A_1600, %select_n3A_1591 : vector<8x91xi1>, vector<8x91xi32>
    %get3A_1602 = arith.constant 0 : index
    %get3A_1603 = arith.constant 1288 : index
    %get3A_1604 = arith.constant 0 : index
    %get3A_1605 = vector.load %arg2[%get3A_1602, %get3A_1603, %get3A_1604] : memref<1x2000x91xf32, #tpu.memory_space<vmem>>, vector<1x8x91xf32>
    %get3A_1606 = vector.shape_cast %get3A_1605 : vector<1x8x91xf32> to vector<8x91xf32>
    %gt3A_1607 = arith.cmpf ogt, %get3A_1606, %select_n3A_1598 : vector<8x91xf32>
    %select_n3A_1608 = arith.select %gt3A_1607, %get3A_1606, %select_n3A_1598 : vector<8x91xi1>, vector<8x91xf32>
    %jit3A_1609 = arith.constant 161 : i32
    %broadcast_in_dim3A_1610 = vector.broadcast %jit3A_1609 : i32 to vector<8x91xi32>
    %select_n3A_1611 = arith.select %gt3A_1607, %broadcast_in_dim3A_1610, %select_n3A_1601 : vector<8x91xi1>, vector<8x91xi32>
    %get3A_1612 = arith.constant 0 : index
    %get3A_1613 = arith.constant 1296 : index
    %get3A_1614 = arith.constant 0 : index
    %get3A_1615 = vector.load %arg2[%get3A_1612, %get3A_1613, %get3A_1614] : memref<1x2000x91xf32, #tpu.memory_space<vmem>>, vector<1x8x91xf32>
    %get3A_1616 = vector.shape_cast %get3A_1615 : vector<1x8x91xf32> to vector<8x91xf32>
    %gt3A_1617 = arith.cmpf ogt, %get3A_1616, %select_n3A_1608 : vector<8x91xf32>
    %select_n3A_1618 = arith.select %gt3A_1617, %get3A_1616, %select_n3A_1608 : vector<8x91xi1>, vector<8x91xf32>
    %jit3A_1619 = arith.constant 162 : i32
    %broadcast_in_dim3A_1620 = vector.broadcast %jit3A_1619 : i32 to vector<8x91xi32>
    %select_n3A_1621 = arith.select %gt3A_1617, %broadcast_in_dim3A_1620, %select_n3A_1611 : vector<8x91xi1>, vector<8x91xi32>
    %get3A_1622 = arith.constant 0 : index
    %get3A_1623 = arith.constant 1304 : index
    %get3A_1624 = arith.constant 0 : index
    %get3A_1625 = vector.load %arg2[%get3A_1622, %get3A_1623, %get3A_1624] : memref<1x2000x91xf32, #tpu.memory_space<vmem>>, vector<1x8x91xf32>
    %get3A_1626 = vector.shape_cast %get3A_1625 : vector<1x8x91xf32> to vector<8x91xf32>
    %gt3A_1627 = arith.cmpf ogt, %get3A_1626, %select_n3A_1618 : vector<8x91xf32>
    %select_n3A_1628 = arith.select %gt3A_1627, %get3A_1626, %select_n3A_1618 : vector<8x91xi1>, vector<8x91xf32>
    %jit3A_1629 = arith.constant 163 : i32
    %broadcast_in_dim3A_1630 = vector.broadcast %jit3A_1629 : i32 to vector<8x91xi32>
    %select_n3A_1631 = arith.select %gt3A_1627, %broadcast_in_dim3A_1630, %select_n3A_1621 : vector<8x91xi1>, vector<8x91xi32>
    %get3A_1632 = arith.constant 0 : index
    %get3A_1633 = arith.constant 1312 : index
    %get3A_1634 = arith.constant 0 : index
    %get3A_1635 = vector.load %arg2[%get3A_1632, %get3A_1633, %get3A_1634] : memref<1x2000x91xf32, #tpu.memory_space<vmem>>, vector<1x8x91xf32>
    %get3A_1636 = vector.shape_cast %get3A_1635 : vector<1x8x91xf32> to vector<8x91xf32>
    %gt3A_1637 = arith.cmpf ogt, %get3A_1636, %select_n3A_1628 : vector<8x91xf32>
    %select_n3A_1638 = arith.select %gt3A_1637, %get3A_1636, %select_n3A_1628 : vector<8x91xi1>, vector<8x91xf32>
    %jit3A_1639 = arith.constant 164 : i32
    %broadcast_in_dim3A_1640 = vector.broadcast %jit3A_1639 : i32 to vector<8x91xi32>
    %select_n3A_1641 = arith.select %gt3A_1637, %broadcast_in_dim3A_1640, %select_n3A_1631 : vector<8x91xi1>, vector<8x91xi32>
    %get3A_1642 = arith.constant 0 : index
    %get3A_1643 = arith.constant 1320 : index
    %get3A_1644 = arith.constant 0 : index
    %get3A_1645 = vector.load %arg2[%get3A_1642, %get3A_1643, %get3A_1644] : memref<1x2000x91xf32, #tpu.memory_space<vmem>>, vector<1x8x91xf32>
    %get3A_1646 = vector.shape_cast %get3A_1645 : vector<1x8x91xf32> to vector<8x91xf32>
    %gt3A_1647 = arith.cmpf ogt, %get3A_1646, %select_n3A_1638 : vector<8x91xf32>
    %select_n3A_1648 = arith.select %gt3A_1647, %get3A_1646, %select_n3A_1638 : vector<8x91xi1>, vector<8x91xf32>
    %jit3A_1649 = arith.constant 165 : i32
    %broadcast_in_dim3A_1650 = vector.broadcast %jit3A_1649 : i32 to vector<8x91xi32>
    %select_n3A_1651 = arith.select %gt3A_1647, %broadcast_in_dim3A_1650, %select_n3A_1641 : vector<8x91xi1>, vector<8x91xi32>
    %get3A_1652 = arith.constant 0 : index
    %get3A_1653 = arith.constant 1328 : index
    %get3A_1654 = arith.constant 0 : index
    %get3A_1655 = vector.load %arg2[%get3A_1652, %get3A_1653, %get3A_1654] : memref<1x2000x91xf32, #tpu.memory_space<vmem>>, vector<1x8x91xf32>
    %get3A_1656 = vector.shape_cast %get3A_1655 : vector<1x8x91xf32> to vector<8x91xf32>
    %gt3A_1657 = arith.cmpf ogt, %get3A_1656, %select_n3A_1648 : vector<8x91xf32>
    %select_n3A_1658 = arith.select %gt3A_1657, %get3A_1656, %select_n3A_1648 : vector<8x91xi1>, vector<8x91xf32>
    %jit3A_1659 = arith.constant 166 : i32
    %broadcast_in_dim3A_1660 = vector.broadcast %jit3A_1659 : i32 to vector<8x91xi32>
    %select_n3A_1661 = arith.select %gt3A_1657, %broadcast_in_dim3A_1660, %select_n3A_1651 : vector<8x91xi1>, vector<8x91xi32>
    %get3A_1662 = arith.constant 0 : index
    %get3A_1663 = arith.constant 1336 : index
    %get3A_1664 = arith.constant 0 : index
    %get3A_1665 = vector.load %arg2[%get3A_1662, %get3A_1663, %get3A_1664] : memref<1x2000x91xf32, #tpu.memory_space<vmem>>, vector<1x8x91xf32>
    %get3A_1666 = vector.shape_cast %get3A_1665 : vector<1x8x91xf32> to vector<8x91xf32>
    %gt3A_1667 = arith.cmpf ogt, %get3A_1666, %select_n3A_1658 : vector<8x91xf32>
    %select_n3A_1668 = arith.select %gt3A_1667, %get3A_1666, %select_n3A_1658 : vector<8x91xi1>, vector<8x91xf32>
    %jit3A_1669 = arith.constant 167 : i32
    %broadcast_in_dim3A_1670 = vector.broadcast %jit3A_1669 : i32 to vector<8x91xi32>
    %select_n3A_1671 = arith.select %gt3A_1667, %broadcast_in_dim3A_1670, %select_n3A_1661 : vector<8x91xi1>, vector<8x91xi32>
    %get3A_1672 = arith.constant 0 : index
    %get3A_1673 = arith.constant 1344 : index
    %get3A_1674 = arith.constant 0 : index
    %get3A_1675 = vector.load %arg2[%get3A_1672, %get3A_1673, %get3A_1674] : memref<1x2000x91xf32, #tpu.memory_space<vmem>>, vector<1x8x91xf32>
    %get3A_1676 = vector.shape_cast %get3A_1675 : vector<1x8x91xf32> to vector<8x91xf32>
    %gt3A_1677 = arith.cmpf ogt, %get3A_1676, %select_n3A_1668 : vector<8x91xf32>
    %select_n3A_1678 = arith.select %gt3A_1677, %get3A_1676, %select_n3A_1668 : vector<8x91xi1>, vector<8x91xf32>
    %jit3A_1679 = arith.constant 168 : i32
    %broadcast_in_dim3A_1680 = vector.broadcast %jit3A_1679 : i32 to vector<8x91xi32>
    %select_n3A_1681 = arith.select %gt3A_1677, %broadcast_in_dim3A_1680, %select_n3A_1671 : vector<8x91xi1>, vector<8x91xi32>
    %get3A_1682 = arith.constant 0 : index
    %get3A_1683 = arith.constant 1352 : index
    %get3A_1684 = arith.constant 0 : index
    %get3A_1685 = vector.load %arg2[%get3A_1682, %get3A_1683, %get3A_1684] : memref<1x2000x91xf32, #tpu.memory_space<vmem>>, vector<1x8x91xf32>
    %get3A_1686 = vector.shape_cast %get3A_1685 : vector<1x8x91xf32> to vector<8x91xf32>
    %gt3A_1687 = arith.cmpf ogt, %get3A_1686, %select_n3A_1678 : vector<8x91xf32>
    %select_n3A_1688 = arith.select %gt3A_1687, %get3A_1686, %select_n3A_1678 : vector<8x91xi1>, vector<8x91xf32>
    %jit3A_1689 = arith.constant 169 : i32
    %broadcast_in_dim3A_1690 = vector.broadcast %jit3A_1689 : i32 to vector<8x91xi32>
    %select_n3A_1691 = arith.select %gt3A_1687, %broadcast_in_dim3A_1690, %select_n3A_1681 : vector<8x91xi1>, vector<8x91xi32>
    %get3A_1692 = arith.constant 0 : index
    %get3A_1693 = arith.constant 1360 : index
    %get3A_1694 = arith.constant 0 : index
    %get3A_1695 = vector.load %arg2[%get3A_1692, %get3A_1693, %get3A_1694] : memref<1x2000x91xf32, #tpu.memory_space<vmem>>, vector<1x8x91xf32>
    %get3A_1696 = vector.shape_cast %get3A_1695 : vector<1x8x91xf32> to vector<8x91xf32>
    %gt3A_1697 = arith.cmpf ogt, %get3A_1696, %select_n3A_1688 : vector<8x91xf32>
    %select_n3A_1698 = arith.select %gt3A_1697, %get3A_1696, %select_n3A_1688 : vector<8x91xi1>, vector<8x91xf32>
    %jit3A_1699 = arith.constant 170 : i32
    %broadcast_in_dim3A_1700 = vector.broadcast %jit3A_1699 : i32 to vector<8x91xi32>
    %select_n3A_1701 = arith.select %gt3A_1697, %broadcast_in_dim3A_1700, %select_n3A_1691 : vector<8x91xi1>, vector<8x91xi32>
    %get3A_1702 = arith.constant 0 : index
    %get3A_1703 = arith.constant 1368 : index
    %get3A_1704 = arith.constant 0 : index
    %get3A_1705 = vector.load %arg2[%get3A_1702, %get3A_1703, %get3A_1704] : memref<1x2000x91xf32, #tpu.memory_space<vmem>>, vector<1x8x91xf32>
    %get3A_1706 = vector.shape_cast %get3A_1705 : vector<1x8x91xf32> to vector<8x91xf32>
    %gt3A_1707 = arith.cmpf ogt, %get3A_1706, %select_n3A_1698 : vector<8x91xf32>
    %select_n3A_1708 = arith.select %gt3A_1707, %get3A_1706, %select_n3A_1698 : vector<8x91xi1>, vector<8x91xf32>
    %jit3A_1709 = arith.constant 171 : i32
    %broadcast_in_dim3A_1710 = vector.broadcast %jit3A_1709 : i32 to vector<8x91xi32>
    %select_n3A_1711 = arith.select %gt3A_1707, %broadcast_in_dim3A_1710, %select_n3A_1701 : vector<8x91xi1>, vector<8x91xi32>
    %get3A_1712 = arith.constant 0 : index
    %get3A_1713 = arith.constant 1376 : index
    %get3A_1714 = arith.constant 0 : index
    %get3A_1715 = vector.load %arg2[%get3A_1712, %get3A_1713, %get3A_1714] : memref<1x2000x91xf32, #tpu.memory_space<vmem>>, vector<1x8x91xf32>
    %get3A_1716 = vector.shape_cast %get3A_1715 : vector<1x8x91xf32> to vector<8x91xf32>
    %gt3A_1717 = arith.cmpf ogt, %get3A_1716, %select_n3A_1708 : vector<8x91xf32>
    %select_n3A_1718 = arith.select %gt3A_1717, %get3A_1716, %select_n3A_1708 : vector<8x91xi1>, vector<8x91xf32>
    %jit3A_1719 = arith.constant 172 : i32
    %broadcast_in_dim3A_1720 = vector.broadcast %jit3A_1719 : i32 to vector<8x91xi32>
    %select_n3A_1721 = arith.select %gt3A_1717, %broadcast_in_dim3A_1720, %select_n3A_1711 : vector<8x91xi1>, vector<8x91xi32>
    %get3A_1722 = arith.constant 0 : index
    %get3A_1723 = arith.constant 1384 : index
    %get3A_1724 = arith.constant 0 : index
    %get3A_1725 = vector.load %arg2[%get3A_1722, %get3A_1723, %get3A_1724] : memref<1x2000x91xf32, #tpu.memory_space<vmem>>, vector<1x8x91xf32>
    %get3A_1726 = vector.shape_cast %get3A_1725 : vector<1x8x91xf32> to vector<8x91xf32>
    %gt3A_1727 = arith.cmpf ogt, %get3A_1726, %select_n3A_1718 : vector<8x91xf32>
    %select_n3A_1728 = arith.select %gt3A_1727, %get3A_1726, %select_n3A_1718 : vector<8x91xi1>, vector<8x91xf32>
    %jit3A_1729 = arith.constant 173 : i32
    %broadcast_in_dim3A_1730 = vector.broadcast %jit3A_1729 : i32 to vector<8x91xi32>
    %select_n3A_1731 = arith.select %gt3A_1727, %broadcast_in_dim3A_1730, %select_n3A_1721 : vector<8x91xi1>, vector<8x91xi32>
    %get3A_1732 = arith.constant 0 : index
    %get3A_1733 = arith.constant 1392 : index
    %get3A_1734 = arith.constant 0 : index
    %get3A_1735 = vector.load %arg2[%get3A_1732, %get3A_1733, %get3A_1734] : memref<1x2000x91xf32, #tpu.memory_space<vmem>>, vector<1x8x91xf32>
    %get3A_1736 = vector.shape_cast %get3A_1735 : vector<1x8x91xf32> to vector<8x91xf32>
    %gt3A_1737 = arith.cmpf ogt, %get3A_1736, %select_n3A_1728 : vector<8x91xf32>
    %select_n3A_1738 = arith.select %gt3A_1737, %get3A_1736, %select_n3A_1728 : vector<8x91xi1>, vector<8x91xf32>
    %jit3A_1739 = arith.constant 174 : i32
    %broadcast_in_dim3A_1740 = vector.broadcast %jit3A_1739 : i32 to vector<8x91xi32>
    %select_n3A_1741 = arith.select %gt3A_1737, %broadcast_in_dim3A_1740, %select_n3A_1731 : vector<8x91xi1>, vector<8x91xi32>
    %get3A_1742 = arith.constant 0 : index
    %get3A_1743 = arith.constant 1400 : index
    %get3A_1744 = arith.constant 0 : index
    %get3A_1745 = vector.load %arg2[%get3A_1742, %get3A_1743, %get3A_1744] : memref<1x2000x91xf32, #tpu.memory_space<vmem>>, vector<1x8x91xf32>
    %get3A_1746 = vector.shape_cast %get3A_1745 : vector<1x8x91xf32> to vector<8x91xf32>
    %gt3A_1747 = arith.cmpf ogt, %get3A_1746, %select_n3A_1738 : vector<8x91xf32>
    %select_n3A_1748 = arith.select %gt3A_1747, %get3A_1746, %select_n3A_1738 : vector<8x91xi1>, vector<8x91xf32>
    %jit3A_1749 = arith.constant 175 : i32
    %broadcast_in_dim3A_1750 = vector.broadcast %jit3A_1749 : i32 to vector<8x91xi32>
    %select_n3A_1751 = arith.select %gt3A_1747, %broadcast_in_dim3A_1750, %select_n3A_1741 : vector<8x91xi1>, vector<8x91xi32>
    %get3A_1752 = arith.constant 0 : index
    %get3A_1753 = arith.constant 1408 : index
    %get3A_1754 = arith.constant 0 : index
    %get3A_1755 = vector.load %arg2[%get3A_1752, %get3A_1753, %get3A_1754] : memref<1x2000x91xf32, #tpu.memory_space<vmem>>, vector<1x8x91xf32>
    %get3A_1756 = vector.shape_cast %get3A_1755 : vector<1x8x91xf32> to vector<8x91xf32>
    %gt3A_1757 = arith.cmpf ogt, %get3A_1756, %select_n3A_1748 : vector<8x91xf32>
    %select_n3A_1758 = arith.select %gt3A_1757, %get3A_1756, %select_n3A_1748 : vector<8x91xi1>, vector<8x91xf32>
    %jit3A_1759 = arith.constant 176 : i32
    %broadcast_in_dim3A_1760 = vector.broadcast %jit3A_1759 : i32 to vector<8x91xi32>
    %select_n3A_1761 = arith.select %gt3A_1757, %broadcast_in_dim3A_1760, %select_n3A_1751 : vector<8x91xi1>, vector<8x91xi32>
    %get3A_1762 = arith.constant 0 : index
    %get3A_1763 = arith.constant 1416 : index
    %get3A_1764 = arith.constant 0 : index
    %get3A_1765 = vector.load %arg2[%get3A_1762, %get3A_1763, %get3A_1764] : memref<1x2000x91xf32, #tpu.memory_space<vmem>>, vector<1x8x91xf32>
    %get3A_1766 = vector.shape_cast %get3A_1765 : vector<1x8x91xf32> to vector<8x91xf32>
    %gt3A_1767 = arith.cmpf ogt, %get3A_1766, %select_n3A_1758 : vector<8x91xf32>
    %select_n3A_1768 = arith.select %gt3A_1767, %get3A_1766, %select_n3A_1758 : vector<8x91xi1>, vector<8x91xf32>
    %jit3A_1769 = arith.constant 177 : i32
    %broadcast_in_dim3A_1770 = vector.broadcast %jit3A_1769 : i32 to vector<8x91xi32>
    %select_n3A_1771 = arith.select %gt3A_1767, %broadcast_in_dim3A_1770, %select_n3A_1761 : vector<8x91xi1>, vector<8x91xi32>
    %get3A_1772 = arith.constant 0 : index
    %get3A_1773 = arith.constant 1424 : index
    %get3A_1774 = arith.constant 0 : index
    %get3A_1775 = vector.load %arg2[%get3A_1772, %get3A_1773, %get3A_1774] : memref<1x2000x91xf32, #tpu.memory_space<vmem>>, vector<1x8x91xf32>
    %get3A_1776 = vector.shape_cast %get3A_1775 : vector<1x8x91xf32> to vector<8x91xf32>
    %gt3A_1777 = arith.cmpf ogt, %get3A_1776, %select_n3A_1768 : vector<8x91xf32>
    %select_n3A_1778 = arith.select %gt3A_1777, %get3A_1776, %select_n3A_1768 : vector<8x91xi1>, vector<8x91xf32>
    %jit3A_1779 = arith.constant 178 : i32
    %broadcast_in_dim3A_1780 = vector.broadcast %jit3A_1779 : i32 to vector<8x91xi32>
    %select_n3A_1781 = arith.select %gt3A_1777, %broadcast_in_dim3A_1780, %select_n3A_1771 : vector<8x91xi1>, vector<8x91xi32>
    %get3A_1782 = arith.constant 0 : index
    %get3A_1783 = arith.constant 1432 : index
    %get3A_1784 = arith.constant 0 : index
    %get3A_1785 = vector.load %arg2[%get3A_1782, %get3A_1783, %get3A_1784] : memref<1x2000x91xf32, #tpu.memory_space<vmem>>, vector<1x8x91xf32>
    %get3A_1786 = vector.shape_cast %get3A_1785 : vector<1x8x91xf32> to vector<8x91xf32>
    %gt3A_1787 = arith.cmpf ogt, %get3A_1786, %select_n3A_1778 : vector<8x91xf32>
    %select_n3A_1788 = arith.select %gt3A_1787, %get3A_1786, %select_n3A_1778 : vector<8x91xi1>, vector<8x91xf32>
    %jit3A_1789 = arith.constant 179 : i32
    %broadcast_in_dim3A_1790 = vector.broadcast %jit3A_1789 : i32 to vector<8x91xi32>
    %select_n3A_1791 = arith.select %gt3A_1787, %broadcast_in_dim3A_1790, %select_n3A_1781 : vector<8x91xi1>, vector<8x91xi32>
    %get3A_1792 = arith.constant 0 : index
    %get3A_1793 = arith.constant 1440 : index
    %get3A_1794 = arith.constant 0 : index
    %get3A_1795 = vector.load %arg2[%get3A_1792, %get3A_1793, %get3A_1794] : memref<1x2000x91xf32, #tpu.memory_space<vmem>>, vector<1x8x91xf32>
    %get3A_1796 = vector.shape_cast %get3A_1795 : vector<1x8x91xf32> to vector<8x91xf32>
    %gt3A_1797 = arith.cmpf ogt, %get3A_1796, %select_n3A_1788 : vector<8x91xf32>
    %select_n3A_1798 = arith.select %gt3A_1797, %get3A_1796, %select_n3A_1788 : vector<8x91xi1>, vector<8x91xf32>
    %jit3A_1799 = arith.constant 180 : i32
    %broadcast_in_dim3A_1800 = vector.broadcast %jit3A_1799 : i32 to vector<8x91xi32>
    %select_n3A_1801 = arith.select %gt3A_1797, %broadcast_in_dim3A_1800, %select_n3A_1791 : vector<8x91xi1>, vector<8x91xi32>
    %get3A_1802 = arith.constant 0 : index
    %get3A_1803 = arith.constant 1448 : index
    %get3A_1804 = arith.constant 0 : index
    %get3A_1805 = vector.load %arg2[%get3A_1802, %get3A_1803, %get3A_1804] : memref<1x2000x91xf32, #tpu.memory_space<vmem>>, vector<1x8x91xf32>
    %get3A_1806 = vector.shape_cast %get3A_1805 : vector<1x8x91xf32> to vector<8x91xf32>
    %gt3A_1807 = arith.cmpf ogt, %get3A_1806, %select_n3A_1798 : vector<8x91xf32>
    %select_n3A_1808 = arith.select %gt3A_1807, %get3A_1806, %select_n3A_1798 : vector<8x91xi1>, vector<8x91xf32>
    %jit3A_1809 = arith.constant 181 : i32
    %broadcast_in_dim3A_1810 = vector.broadcast %jit3A_1809 : i32 to vector<8x91xi32>
    %select_n3A_1811 = arith.select %gt3A_1807, %broadcast_in_dim3A_1810, %select_n3A_1801 : vector<8x91xi1>, vector<8x91xi32>
    %get3A_1812 = arith.constant 0 : index
    %get3A_1813 = arith.constant 1456 : index
    %get3A_1814 = arith.constant 0 : index
    %get3A_1815 = vector.load %arg2[%get3A_1812, %get3A_1813, %get3A_1814] : memref<1x2000x91xf32, #tpu.memory_space<vmem>>, vector<1x8x91xf32>
    %get3A_1816 = vector.shape_cast %get3A_1815 : vector<1x8x91xf32> to vector<8x91xf32>
    %gt3A_1817 = arith.cmpf ogt, %get3A_1816, %select_n3A_1808 : vector<8x91xf32>
    %select_n3A_1818 = arith.select %gt3A_1817, %get3A_1816, %select_n3A_1808 : vector<8x91xi1>, vector<8x91xf32>
    %jit3A_1819 = arith.constant 182 : i32
    %broadcast_in_dim3A_1820 = vector.broadcast %jit3A_1819 : i32 to vector<8x91xi32>
    %select_n3A_1821 = arith.select %gt3A_1817, %broadcast_in_dim3A_1820, %select_n3A_1811 : vector<8x91xi1>, vector<8x91xi32>
    %get3A_1822 = arith.constant 0 : index
    %get3A_1823 = arith.constant 1464 : index
    %get3A_1824 = arith.constant 0 : index
    %get3A_1825 = vector.load %arg2[%get3A_1822, %get3A_1823, %get3A_1824] : memref<1x2000x91xf32, #tpu.memory_space<vmem>>, vector<1x8x91xf32>
    %get3A_1826 = vector.shape_cast %get3A_1825 : vector<1x8x91xf32> to vector<8x91xf32>
    %gt3A_1827 = arith.cmpf ogt, %get3A_1826, %select_n3A_1818 : vector<8x91xf32>
    %select_n3A_1828 = arith.select %gt3A_1827, %get3A_1826, %select_n3A_1818 : vector<8x91xi1>, vector<8x91xf32>
    %jit3A_1829 = arith.constant 183 : i32
    %broadcast_in_dim3A_1830 = vector.broadcast %jit3A_1829 : i32 to vector<8x91xi32>
    %select_n3A_1831 = arith.select %gt3A_1827, %broadcast_in_dim3A_1830, %select_n3A_1821 : vector<8x91xi1>, vector<8x91xi32>
    %get3A_1832 = arith.constant 0 : index
    %get3A_1833 = arith.constant 1472 : index
    %get3A_1834 = arith.constant 0 : index
    %get3A_1835 = vector.load %arg2[%get3A_1832, %get3A_1833, %get3A_1834] : memref<1x2000x91xf32, #tpu.memory_space<vmem>>, vector<1x8x91xf32>
    %get3A_1836 = vector.shape_cast %get3A_1835 : vector<1x8x91xf32> to vector<8x91xf32>
    %gt3A_1837 = arith.cmpf ogt, %get3A_1836, %select_n3A_1828 : vector<8x91xf32>
    %select_n3A_1838 = arith.select %gt3A_1837, %get3A_1836, %select_n3A_1828 : vector<8x91xi1>, vector<8x91xf32>
    %jit3A_1839 = arith.constant 184 : i32
    %broadcast_in_dim3A_1840 = vector.broadcast %jit3A_1839 : i32 to vector<8x91xi32>
    %select_n3A_1841 = arith.select %gt3A_1837, %broadcast_in_dim3A_1840, %select_n3A_1831 : vector<8x91xi1>, vector<8x91xi32>
    %get3A_1842 = arith.constant 0 : index
    %get3A_1843 = arith.constant 1480 : index
    %get3A_1844 = arith.constant 0 : index
    %get3A_1845 = vector.load %arg2[%get3A_1842, %get3A_1843, %get3A_1844] : memref<1x2000x91xf32, #tpu.memory_space<vmem>>, vector<1x8x91xf32>
    %get3A_1846 = vector.shape_cast %get3A_1845 : vector<1x8x91xf32> to vector<8x91xf32>
    %gt3A_1847 = arith.cmpf ogt, %get3A_1846, %select_n3A_1838 : vector<8x91xf32>
    %select_n3A_1848 = arith.select %gt3A_1847, %get3A_1846, %select_n3A_1838 : vector<8x91xi1>, vector<8x91xf32>
    %jit3A_1849 = arith.constant 185 : i32
    %broadcast_in_dim3A_1850 = vector.broadcast %jit3A_1849 : i32 to vector<8x91xi32>
    %select_n3A_1851 = arith.select %gt3A_1847, %broadcast_in_dim3A_1850, %select_n3A_1841 : vector<8x91xi1>, vector<8x91xi32>
    %get3A_1852 = arith.constant 0 : index
    %get3A_1853 = arith.constant 1488 : index
    %get3A_1854 = arith.constant 0 : index
    %get3A_1855 = vector.load %arg2[%get3A_1852, %get3A_1853, %get3A_1854] : memref<1x2000x91xf32, #tpu.memory_space<vmem>>, vector<1x8x91xf32>
    %get3A_1856 = vector.shape_cast %get3A_1855 : vector<1x8x91xf32> to vector<8x91xf32>
    %gt3A_1857 = arith.cmpf ogt, %get3A_1856, %select_n3A_1848 : vector<8x91xf32>
    %select_n3A_1858 = arith.select %gt3A_1857, %get3A_1856, %select_n3A_1848 : vector<8x91xi1>, vector<8x91xf32>
    %jit3A_1859 = arith.constant 186 : i32
    %broadcast_in_dim3A_1860 = vector.broadcast %jit3A_1859 : i32 to vector<8x91xi32>
    %select_n3A_1861 = arith.select %gt3A_1857, %broadcast_in_dim3A_1860, %select_n3A_1851 : vector<8x91xi1>, vector<8x91xi32>
    %get3A_1862 = arith.constant 0 : index
    %get3A_1863 = arith.constant 1496 : index
    %get3A_1864 = arith.constant 0 : index
    %get3A_1865 = vector.load %arg2[%get3A_1862, %get3A_1863, %get3A_1864] : memref<1x2000x91xf32, #tpu.memory_space<vmem>>, vector<1x8x91xf32>
    %get3A_1866 = vector.shape_cast %get3A_1865 : vector<1x8x91xf32> to vector<8x91xf32>
    %gt3A_1867 = arith.cmpf ogt, %get3A_1866, %select_n3A_1858 : vector<8x91xf32>
    %select_n3A_1868 = arith.select %gt3A_1867, %get3A_1866, %select_n3A_1858 : vector<8x91xi1>, vector<8x91xf32>
    %jit3A_1869 = arith.constant 187 : i32
    %broadcast_in_dim3A_1870 = vector.broadcast %jit3A_1869 : i32 to vector<8x91xi32>
    %select_n3A_1871 = arith.select %gt3A_1867, %broadcast_in_dim3A_1870, %select_n3A_1861 : vector<8x91xi1>, vector<8x91xi32>
    %get3A_1872 = arith.constant 0 : index
    %get3A_1873 = arith.constant 1504 : index
    %get3A_1874 = arith.constant 0 : index
    %get3A_1875 = vector.load %arg2[%get3A_1872, %get3A_1873, %get3A_1874] : memref<1x2000x91xf32, #tpu.memory_space<vmem>>, vector<1x8x91xf32>
    %get3A_1876 = vector.shape_cast %get3A_1875 : vector<1x8x91xf32> to vector<8x91xf32>
    %gt3A_1877 = arith.cmpf ogt, %get3A_1876, %select_n3A_1868 : vector<8x91xf32>
    %select_n3A_1878 = arith.select %gt3A_1877, %get3A_1876, %select_n3A_1868 : vector<8x91xi1>, vector<8x91xf32>
    %jit3A_1879 = arith.constant 188 : i32
    %broadcast_in_dim3A_1880 = vector.broadcast %jit3A_1879 : i32 to vector<8x91xi32>
    %select_n3A_1881 = arith.select %gt3A_1877, %broadcast_in_dim3A_1880, %select_n3A_1871 : vector<8x91xi1>, vector<8x91xi32>
    %get3A_1882 = arith.constant 0 : index
    %get3A_1883 = arith.constant 1512 : index
    %get3A_1884 = arith.constant 0 : index
    %get3A_1885 = vector.load %arg2[%get3A_1882, %get3A_1883, %get3A_1884] : memref<1x2000x91xf32, #tpu.memory_space<vmem>>, vector<1x8x91xf32>
    %get3A_1886 = vector.shape_cast %get3A_1885 : vector<1x8x91xf32> to vector<8x91xf32>
    %gt3A_1887 = arith.cmpf ogt, %get3A_1886, %select_n3A_1878 : vector<8x91xf32>
    %select_n3A_1888 = arith.select %gt3A_1887, %get3A_1886, %select_n3A_1878 : vector<8x91xi1>, vector<8x91xf32>
    %jit3A_1889 = arith.constant 189 : i32
    %broadcast_in_dim3A_1890 = vector.broadcast %jit3A_1889 : i32 to vector<8x91xi32>
    %select_n3A_1891 = arith.select %gt3A_1887, %broadcast_in_dim3A_1890, %select_n3A_1881 : vector<8x91xi1>, vector<8x91xi32>
    %get3A_1892 = arith.constant 0 : index
    %get3A_1893 = arith.constant 1520 : index
    %get3A_1894 = arith.constant 0 : index
    %get3A_1895 = vector.load %arg2[%get3A_1892, %get3A_1893, %get3A_1894] : memref<1x2000x91xf32, #tpu.memory_space<vmem>>, vector<1x8x91xf32>
    %get3A_1896 = vector.shape_cast %get3A_1895 : vector<1x8x91xf32> to vector<8x91xf32>
    %gt3A_1897 = arith.cmpf ogt, %get3A_1896, %select_n3A_1888 : vector<8x91xf32>
    %select_n3A_1898 = arith.select %gt3A_1897, %get3A_1896, %select_n3A_1888 : vector<8x91xi1>, vector<8x91xf32>
    %jit3A_1899 = arith.constant 190 : i32
    %broadcast_in_dim3A_1900 = vector.broadcast %jit3A_1899 : i32 to vector<8x91xi32>
    %select_n3A_1901 = arith.select %gt3A_1897, %broadcast_in_dim3A_1900, %select_n3A_1891 : vector<8x91xi1>, vector<8x91xi32>
    %get3A_1902 = arith.constant 0 : index
    %get3A_1903 = arith.constant 1528 : index
    %get3A_1904 = arith.constant 0 : index
    %get3A_1905 = vector.load %arg2[%get3A_1902, %get3A_1903, %get3A_1904] : memref<1x2000x91xf32, #tpu.memory_space<vmem>>, vector<1x8x91xf32>
    %get3A_1906 = vector.shape_cast %get3A_1905 : vector<1x8x91xf32> to vector<8x91xf32>
    %gt3A_1907 = arith.cmpf ogt, %get3A_1906, %select_n3A_1898 : vector<8x91xf32>
    %select_n3A_1908 = arith.select %gt3A_1907, %get3A_1906, %select_n3A_1898 : vector<8x91xi1>, vector<8x91xf32>
    %jit3A_1909 = arith.constant 191 : i32
    %broadcast_in_dim3A_1910 = vector.broadcast %jit3A_1909 : i32 to vector<8x91xi32>
    %select_n3A_1911 = arith.select %gt3A_1907, %broadcast_in_dim3A_1910, %select_n3A_1901 : vector<8x91xi1>, vector<8x91xi32>
    %get3A_1912 = arith.constant 0 : index
    %get3A_1913 = arith.constant 1536 : index
    %get3A_1914 = arith.constant 0 : index
    %get3A_1915 = vector.load %arg2[%get3A_1912, %get3A_1913, %get3A_1914] : memref<1x2000x91xf32, #tpu.memory_space<vmem>>, vector<1x8x91xf32>
    %get3A_1916 = vector.shape_cast %get3A_1915 : vector<1x8x91xf32> to vector<8x91xf32>
    %gt3A_1917 = arith.cmpf ogt, %get3A_1916, %select_n3A_1908 : vector<8x91xf32>
    %select_n3A_1918 = arith.select %gt3A_1917, %get3A_1916, %select_n3A_1908 : vector<8x91xi1>, vector<8x91xf32>
    %jit3A_1919 = arith.constant 192 : i32
    %broadcast_in_dim3A_1920 = vector.broadcast %jit3A_1919 : i32 to vector<8x91xi32>
    %select_n3A_1921 = arith.select %gt3A_1917, %broadcast_in_dim3A_1920, %select_n3A_1911 : vector<8x91xi1>, vector<8x91xi32>
    %get3A_1922 = arith.constant 0 : index
    %get3A_1923 = arith.constant 1544 : index
    %get3A_1924 = arith.constant 0 : index
    %get3A_1925 = vector.load %arg2[%get3A_1922, %get3A_1923, %get3A_1924] : memref<1x2000x91xf32, #tpu.memory_space<vmem>>, vector<1x8x91xf32>
    %get3A_1926 = vector.shape_cast %get3A_1925 : vector<1x8x91xf32> to vector<8x91xf32>
    %gt3A_1927 = arith.cmpf ogt, %get3A_1926, %select_n3A_1918 : vector<8x91xf32>
    %select_n3A_1928 = arith.select %gt3A_1927, %get3A_1926, %select_n3A_1918 : vector<8x91xi1>, vector<8x91xf32>
    %jit3A_1929 = arith.constant 193 : i32
    %broadcast_in_dim3A_1930 = vector.broadcast %jit3A_1929 : i32 to vector<8x91xi32>
    %select_n3A_1931 = arith.select %gt3A_1927, %broadcast_in_dim3A_1930, %select_n3A_1921 : vector<8x91xi1>, vector<8x91xi32>
    %get3A_1932 = arith.constant 0 : index
    %get3A_1933 = arith.constant 1552 : index
    %get3A_1934 = arith.constant 0 : index
    %get3A_1935 = vector.load %arg2[%get3A_1932, %get3A_1933, %get3A_1934] : memref<1x2000x91xf32, #tpu.memory_space<vmem>>, vector<1x8x91xf32>
    %get3A_1936 = vector.shape_cast %get3A_1935 : vector<1x8x91xf32> to vector<8x91xf32>
    %gt3A_1937 = arith.cmpf ogt, %get3A_1936, %select_n3A_1928 : vector<8x91xf32>
    %select_n3A_1938 = arith.select %gt3A_1937, %get3A_1936, %select_n3A_1928 : vector<8x91xi1>, vector<8x91xf32>
    %jit3A_1939 = arith.constant 194 : i32
    %broadcast_in_dim3A_1940 = vector.broadcast %jit3A_1939 : i32 to vector<8x91xi32>
    %select_n3A_1941 = arith.select %gt3A_1937, %broadcast_in_dim3A_1940, %select_n3A_1931 : vector<8x91xi1>, vector<8x91xi32>
    %get3A_1942 = arith.constant 0 : index
    %get3A_1943 = arith.constant 1560 : index
    %get3A_1944 = arith.constant 0 : index
    %get3A_1945 = vector.load %arg2[%get3A_1942, %get3A_1943, %get3A_1944] : memref<1x2000x91xf32, #tpu.memory_space<vmem>>, vector<1x8x91xf32>
    %get3A_1946 = vector.shape_cast %get3A_1945 : vector<1x8x91xf32> to vector<8x91xf32>
    %gt3A_1947 = arith.cmpf ogt, %get3A_1946, %select_n3A_1938 : vector<8x91xf32>
    %select_n3A_1948 = arith.select %gt3A_1947, %get3A_1946, %select_n3A_1938 : vector<8x91xi1>, vector<8x91xf32>
    %jit3A_1949 = arith.constant 195 : i32
    %broadcast_in_dim3A_1950 = vector.broadcast %jit3A_1949 : i32 to vector<8x91xi32>
    %select_n3A_1951 = arith.select %gt3A_1947, %broadcast_in_dim3A_1950, %select_n3A_1941 : vector<8x91xi1>, vector<8x91xi32>
    %get3A_1952 = arith.constant 0 : index
    %get3A_1953 = arith.constant 1568 : index
    %get3A_1954 = arith.constant 0 : index
    %get3A_1955 = vector.load %arg2[%get3A_1952, %get3A_1953, %get3A_1954] : memref<1x2000x91xf32, #tpu.memory_space<vmem>>, vector<1x8x91xf32>
    %get3A_1956 = vector.shape_cast %get3A_1955 : vector<1x8x91xf32> to vector<8x91xf32>
    %gt3A_1957 = arith.cmpf ogt, %get3A_1956, %select_n3A_1948 : vector<8x91xf32>
    %select_n3A_1958 = arith.select %gt3A_1957, %get3A_1956, %select_n3A_1948 : vector<8x91xi1>, vector<8x91xf32>
    %jit3A_1959 = arith.constant 196 : i32
    %broadcast_in_dim3A_1960 = vector.broadcast %jit3A_1959 : i32 to vector<8x91xi32>
    %select_n3A_1961 = arith.select %gt3A_1957, %broadcast_in_dim3A_1960, %select_n3A_1951 : vector<8x91xi1>, vector<8x91xi32>
    %get3A_1962 = arith.constant 0 : index
    %get3A_1963 = arith.constant 1576 : index
    %get3A_1964 = arith.constant 0 : index
    %get3A_1965 = vector.load %arg2[%get3A_1962, %get3A_1963, %get3A_1964] : memref<1x2000x91xf32, #tpu.memory_space<vmem>>, vector<1x8x91xf32>
    %get3A_1966 = vector.shape_cast %get3A_1965 : vector<1x8x91xf32> to vector<8x91xf32>
    %gt3A_1967 = arith.cmpf ogt, %get3A_1966, %select_n3A_1958 : vector<8x91xf32>
    %select_n3A_1968 = arith.select %gt3A_1967, %get3A_1966, %select_n3A_1958 : vector<8x91xi1>, vector<8x91xf32>
    %jit3A_1969 = arith.constant 197 : i32
    %broadcast_in_dim3A_1970 = vector.broadcast %jit3A_1969 : i32 to vector<8x91xi32>
    %select_n3A_1971 = arith.select %gt3A_1967, %broadcast_in_dim3A_1970, %select_n3A_1961 : vector<8x91xi1>, vector<8x91xi32>
    %get3A_1972 = arith.constant 0 : index
    %get3A_1973 = arith.constant 1584 : index
    %get3A_1974 = arith.constant 0 : index
    %get3A_1975 = vector.load %arg2[%get3A_1972, %get3A_1973, %get3A_1974] : memref<1x2000x91xf32, #tpu.memory_space<vmem>>, vector<1x8x91xf32>
    %get3A_1976 = vector.shape_cast %get3A_1975 : vector<1x8x91xf32> to vector<8x91xf32>
    %gt3A_1977 = arith.cmpf ogt, %get3A_1976, %select_n3A_1968 : vector<8x91xf32>
    %select_n3A_1978 = arith.select %gt3A_1977, %get3A_1976, %select_n3A_1968 : vector<8x91xi1>, vector<8x91xf32>
    %jit3A_1979 = arith.constant 198 : i32
    %broadcast_in_dim3A_1980 = vector.broadcast %jit3A_1979 : i32 to vector<8x91xi32>
    %select_n3A_1981 = arith.select %gt3A_1977, %broadcast_in_dim3A_1980, %select_n3A_1971 : vector<8x91xi1>, vector<8x91xi32>
    %get3A_1982 = arith.constant 0 : index
    %get3A_1983 = arith.constant 1592 : index
    %get3A_1984 = arith.constant 0 : index
    %get3A_1985 = vector.load %arg2[%get3A_1982, %get3A_1983, %get3A_1984] : memref<1x2000x91xf32, #tpu.memory_space<vmem>>, vector<1x8x91xf32>
    %get3A_1986 = vector.shape_cast %get3A_1985 : vector<1x8x91xf32> to vector<8x91xf32>
    %gt3A_1987 = arith.cmpf ogt, %get3A_1986, %select_n3A_1978 : vector<8x91xf32>
    %select_n3A_1988 = arith.select %gt3A_1987, %get3A_1986, %select_n3A_1978 : vector<8x91xi1>, vector<8x91xf32>
    %jit3A_1989 = arith.constant 199 : i32
    %broadcast_in_dim3A_1990 = vector.broadcast %jit3A_1989 : i32 to vector<8x91xi32>
    %select_n3A_1991 = arith.select %gt3A_1987, %broadcast_in_dim3A_1990, %select_n3A_1981 : vector<8x91xi1>, vector<8x91xi32>
    %get3A_1992 = arith.constant 0 : index
    %get3A_1993 = arith.constant 1600 : index
    %get3A_1994 = arith.constant 0 : index
    %get3A_1995 = vector.load %arg2[%get3A_1992, %get3A_1993, %get3A_1994] : memref<1x2000x91xf32, #tpu.memory_space<vmem>>, vector<1x8x91xf32>
    %get3A_1996 = vector.shape_cast %get3A_1995 : vector<1x8x91xf32> to vector<8x91xf32>
    %gt3A_1997 = arith.cmpf ogt, %get3A_1996, %select_n3A_1988 : vector<8x91xf32>
    %select_n3A_1998 = arith.select %gt3A_1997, %get3A_1996, %select_n3A_1988 : vector<8x91xi1>, vector<8x91xf32>
    %jit3A_1999 = arith.constant 200 : i32
    %broadcast_in_dim3A_2000 = vector.broadcast %jit3A_1999 : i32 to vector<8x91xi32>
    %select_n3A_2001 = arith.select %gt3A_1997, %broadcast_in_dim3A_2000, %select_n3A_1991 : vector<8x91xi1>, vector<8x91xi32>
    %get3A_2002 = arith.constant 0 : index
    %get3A_2003 = arith.constant 1608 : index
    %get3A_2004 = arith.constant 0 : index
    %get3A_2005 = vector.load %arg2[%get3A_2002, %get3A_2003, %get3A_2004] : memref<1x2000x91xf32, #tpu.memory_space<vmem>>, vector<1x8x91xf32>
    %get3A_2006 = vector.shape_cast %get3A_2005 : vector<1x8x91xf32> to vector<8x91xf32>
    %gt3A_2007 = arith.cmpf ogt, %get3A_2006, %select_n3A_1998 : vector<8x91xf32>
    %select_n3A_2008 = arith.select %gt3A_2007, %get3A_2006, %select_n3A_1998 : vector<8x91xi1>, vector<8x91xf32>
    %jit3A_2009 = arith.constant 201 : i32
    %broadcast_in_dim3A_2010 = vector.broadcast %jit3A_2009 : i32 to vector<8x91xi32>
    %select_n3A_2011 = arith.select %gt3A_2007, %broadcast_in_dim3A_2010, %select_n3A_2001 : vector<8x91xi1>, vector<8x91xi32>
    %get3A_2012 = arith.constant 0 : index
    %get3A_2013 = arith.constant 1616 : index
    %get3A_2014 = arith.constant 0 : index
    %get3A_2015 = vector.load %arg2[%get3A_2012, %get3A_2013, %get3A_2014] : memref<1x2000x91xf32, #tpu.memory_space<vmem>>, vector<1x8x91xf32>
    %get3A_2016 = vector.shape_cast %get3A_2015 : vector<1x8x91xf32> to vector<8x91xf32>
    %gt3A_2017 = arith.cmpf ogt, %get3A_2016, %select_n3A_2008 : vector<8x91xf32>
    %select_n3A_2018 = arith.select %gt3A_2017, %get3A_2016, %select_n3A_2008 : vector<8x91xi1>, vector<8x91xf32>
    %jit3A_2019 = arith.constant 202 : i32
    %broadcast_in_dim3A_2020 = vector.broadcast %jit3A_2019 : i32 to vector<8x91xi32>
    %select_n3A_2021 = arith.select %gt3A_2017, %broadcast_in_dim3A_2020, %select_n3A_2011 : vector<8x91xi1>, vector<8x91xi32>
    %get3A_2022 = arith.constant 0 : index
    %get3A_2023 = arith.constant 1624 : index
    %get3A_2024 = arith.constant 0 : index
    %get3A_2025 = vector.load %arg2[%get3A_2022, %get3A_2023, %get3A_2024] : memref<1x2000x91xf32, #tpu.memory_space<vmem>>, vector<1x8x91xf32>
    %get3A_2026 = vector.shape_cast %get3A_2025 : vector<1x8x91xf32> to vector<8x91xf32>
    %gt3A_2027 = arith.cmpf ogt, %get3A_2026, %select_n3A_2018 : vector<8x91xf32>
    %select_n3A_2028 = arith.select %gt3A_2027, %get3A_2026, %select_n3A_2018 : vector<8x91xi1>, vector<8x91xf32>
    %jit3A_2029 = arith.constant 203 : i32
    %broadcast_in_dim3A_2030 = vector.broadcast %jit3A_2029 : i32 to vector<8x91xi32>
    %select_n3A_2031 = arith.select %gt3A_2027, %broadcast_in_dim3A_2030, %select_n3A_2021 : vector<8x91xi1>, vector<8x91xi32>
    %get3A_2032 = arith.constant 0 : index
    %get3A_2033 = arith.constant 1632 : index
    %get3A_2034 = arith.constant 0 : index
    %get3A_2035 = vector.load %arg2[%get3A_2032, %get3A_2033, %get3A_2034] : memref<1x2000x91xf32, #tpu.memory_space<vmem>>, vector<1x8x91xf32>
    %get3A_2036 = vector.shape_cast %get3A_2035 : vector<1x8x91xf32> to vector<8x91xf32>
    %gt3A_2037 = arith.cmpf ogt, %get3A_2036, %select_n3A_2028 : vector<8x91xf32>
    %select_n3A_2038 = arith.select %gt3A_2037, %get3A_2036, %select_n3A_2028 : vector<8x91xi1>, vector<8x91xf32>
    %jit3A_2039 = arith.constant 204 : i32
    %broadcast_in_dim3A_2040 = vector.broadcast %jit3A_2039 : i32 to vector<8x91xi32>
    %select_n3A_2041 = arith.select %gt3A_2037, %broadcast_in_dim3A_2040, %select_n3A_2031 : vector<8x91xi1>, vector<8x91xi32>
    %get3A_2042 = arith.constant 0 : index
    %get3A_2043 = arith.constant 1640 : index
    %get3A_2044 = arith.constant 0 : index
    %get3A_2045 = vector.load %arg2[%get3A_2042, %get3A_2043, %get3A_2044] : memref<1x2000x91xf32, #tpu.memory_space<vmem>>, vector<1x8x91xf32>
    %get3A_2046 = vector.shape_cast %get3A_2045 : vector<1x8x91xf32> to vector<8x91xf32>
    %gt3A_2047 = arith.cmpf ogt, %get3A_2046, %select_n3A_2038 : vector<8x91xf32>
    %select_n3A_2048 = arith.select %gt3A_2047, %get3A_2046, %select_n3A_2038 : vector<8x91xi1>, vector<8x91xf32>
    %jit3A_2049 = arith.constant 205 : i32
    %broadcast_in_dim3A_2050 = vector.broadcast %jit3A_2049 : i32 to vector<8x91xi32>
    %select_n3A_2051 = arith.select %gt3A_2047, %broadcast_in_dim3A_2050, %select_n3A_2041 : vector<8x91xi1>, vector<8x91xi32>
    %get3A_2052 = arith.constant 0 : index
    %get3A_2053 = arith.constant 1648 : index
    %get3A_2054 = arith.constant 0 : index
    %get3A_2055 = vector.load %arg2[%get3A_2052, %get3A_2053, %get3A_2054] : memref<1x2000x91xf32, #tpu.memory_space<vmem>>, vector<1x8x91xf32>
    %get3A_2056 = vector.shape_cast %get3A_2055 : vector<1x8x91xf32> to vector<8x91xf32>
    %gt3A_2057 = arith.cmpf ogt, %get3A_2056, %select_n3A_2048 : vector<8x91xf32>
    %select_n3A_2058 = arith.select %gt3A_2057, %get3A_2056, %select_n3A_2048 : vector<8x91xi1>, vector<8x91xf32>
    %jit3A_2059 = arith.constant 206 : i32
    %broadcast_in_dim3A_2060 = vector.broadcast %jit3A_2059 : i32 to vector<8x91xi32>
    %select_n3A_2061 = arith.select %gt3A_2057, %broadcast_in_dim3A_2060, %select_n3A_2051 : vector<8x91xi1>, vector<8x91xi32>
    %get3A_2062 = arith.constant 0 : index
    %get3A_2063 = arith.constant 1656 : index
    %get3A_2064 = arith.constant 0 : index
    %get3A_2065 = vector.load %arg2[%get3A_2062, %get3A_2063, %get3A_2064] : memref<1x2000x91xf32, #tpu.memory_space<vmem>>, vector<1x8x91xf32>
    %get3A_2066 = vector.shape_cast %get3A_2065 : vector<1x8x91xf32> to vector<8x91xf32>
    %gt3A_2067 = arith.cmpf ogt, %get3A_2066, %select_n3A_2058 : vector<8x91xf32>
    %select_n3A_2068 = arith.select %gt3A_2067, %get3A_2066, %select_n3A_2058 : vector<8x91xi1>, vector<8x91xf32>
    %jit3A_2069 = arith.constant 207 : i32
    %broadcast_in_dim3A_2070 = vector.broadcast %jit3A_2069 : i32 to vector<8x91xi32>
    %select_n3A_2071 = arith.select %gt3A_2067, %broadcast_in_dim3A_2070, %select_n3A_2061 : vector<8x91xi1>, vector<8x91xi32>
    %get3A_2072 = arith.constant 0 : index
    %get3A_2073 = arith.constant 1664 : index
    %get3A_2074 = arith.constant 0 : index
    %get3A_2075 = vector.load %arg2[%get3A_2072, %get3A_2073, %get3A_2074] : memref<1x2000x91xf32, #tpu.memory_space<vmem>>, vector<1x8x91xf32>
    %get3A_2076 = vector.shape_cast %get3A_2075 : vector<1x8x91xf32> to vector<8x91xf32>
    %gt3A_2077 = arith.cmpf ogt, %get3A_2076, %select_n3A_2068 : vector<8x91xf32>
    %select_n3A_2078 = arith.select %gt3A_2077, %get3A_2076, %select_n3A_2068 : vector<8x91xi1>, vector<8x91xf32>
    %jit3A_2079 = arith.constant 208 : i32
    %broadcast_in_dim3A_2080 = vector.broadcast %jit3A_2079 : i32 to vector<8x91xi32>
    %select_n3A_2081 = arith.select %gt3A_2077, %broadcast_in_dim3A_2080, %select_n3A_2071 : vector<8x91xi1>, vector<8x91xi32>
    %get3A_2082 = arith.constant 0 : index
    %get3A_2083 = arith.constant 1672 : index
    %get3A_2084 = arith.constant 0 : index
    %get3A_2085 = vector.load %arg2[%get3A_2082, %get3A_2083, %get3A_2084] : memref<1x2000x91xf32, #tpu.memory_space<vmem>>, vector<1x8x91xf32>
    %get3A_2086 = vector.shape_cast %get3A_2085 : vector<1x8x91xf32> to vector<8x91xf32>
    %gt3A_2087 = arith.cmpf ogt, %get3A_2086, %select_n3A_2078 : vector<8x91xf32>
    %select_n3A_2088 = arith.select %gt3A_2087, %get3A_2086, %select_n3A_2078 : vector<8x91xi1>, vector<8x91xf32>
    %jit3A_2089 = arith.constant 209 : i32
    %broadcast_in_dim3A_2090 = vector.broadcast %jit3A_2089 : i32 to vector<8x91xi32>
    %select_n3A_2091 = arith.select %gt3A_2087, %broadcast_in_dim3A_2090, %select_n3A_2081 : vector<8x91xi1>, vector<8x91xi32>
    %get3A_2092 = arith.constant 0 : index
    %get3A_2093 = arith.constant 1680 : index
    %get3A_2094 = arith.constant 0 : index
    %get3A_2095 = vector.load %arg2[%get3A_2092, %get3A_2093, %get3A_2094] : memref<1x2000x91xf32, #tpu.memory_space<vmem>>, vector<1x8x91xf32>
    %get3A_2096 = vector.shape_cast %get3A_2095 : vector<1x8x91xf32> to vector<8x91xf32>
    %gt3A_2097 = arith.cmpf ogt, %get3A_2096, %select_n3A_2088 : vector<8x91xf32>
    %select_n3A_2098 = arith.select %gt3A_2097, %get3A_2096, %select_n3A_2088 : vector<8x91xi1>, vector<8x91xf32>
    %jit3A_2099 = arith.constant 210 : i32
    %broadcast_in_dim3A_2100 = vector.broadcast %jit3A_2099 : i32 to vector<8x91xi32>
    %select_n3A_2101 = arith.select %gt3A_2097, %broadcast_in_dim3A_2100, %select_n3A_2091 : vector<8x91xi1>, vector<8x91xi32>
    %get3A_2102 = arith.constant 0 : index
    %get3A_2103 = arith.constant 1688 : index
    %get3A_2104 = arith.constant 0 : index
    %get3A_2105 = vector.load %arg2[%get3A_2102, %get3A_2103, %get3A_2104] : memref<1x2000x91xf32, #tpu.memory_space<vmem>>, vector<1x8x91xf32>
    %get3A_2106 = vector.shape_cast %get3A_2105 : vector<1x8x91xf32> to vector<8x91xf32>
    %gt3A_2107 = arith.cmpf ogt, %get3A_2106, %select_n3A_2098 : vector<8x91xf32>
    %select_n3A_2108 = arith.select %gt3A_2107, %get3A_2106, %select_n3A_2098 : vector<8x91xi1>, vector<8x91xf32>
    %jit3A_2109 = arith.constant 211 : i32
    %broadcast_in_dim3A_2110 = vector.broadcast %jit3A_2109 : i32 to vector<8x91xi32>
    %select_n3A_2111 = arith.select %gt3A_2107, %broadcast_in_dim3A_2110, %select_n3A_2101 : vector<8x91xi1>, vector<8x91xi32>
    %get3A_2112 = arith.constant 0 : index
    %get3A_2113 = arith.constant 1696 : index
    %get3A_2114 = arith.constant 0 : index
    %get3A_2115 = vector.load %arg2[%get3A_2112, %get3A_2113, %get3A_2114] : memref<1x2000x91xf32, #tpu.memory_space<vmem>>, vector<1x8x91xf32>
    %get3A_2116 = vector.shape_cast %get3A_2115 : vector<1x8x91xf32> to vector<8x91xf32>
    %gt3A_2117 = arith.cmpf ogt, %get3A_2116, %select_n3A_2108 : vector<8x91xf32>
    %select_n3A_2118 = arith.select %gt3A_2117, %get3A_2116, %select_n3A_2108 : vector<8x91xi1>, vector<8x91xf32>
    %jit3A_2119 = arith.constant 212 : i32
    %broadcast_in_dim3A_2120 = vector.broadcast %jit3A_2119 : i32 to vector<8x91xi32>
    %select_n3A_2121 = arith.select %gt3A_2117, %broadcast_in_dim3A_2120, %select_n3A_2111 : vector<8x91xi1>, vector<8x91xi32>
    %get3A_2122 = arith.constant 0 : index
    %get3A_2123 = arith.constant 1704 : index
    %get3A_2124 = arith.constant 0 : index
    %get3A_2125 = vector.load %arg2[%get3A_2122, %get3A_2123, %get3A_2124] : memref<1x2000x91xf32, #tpu.memory_space<vmem>>, vector<1x8x91xf32>
    %get3A_2126 = vector.shape_cast %get3A_2125 : vector<1x8x91xf32> to vector<8x91xf32>
    %gt3A_2127 = arith.cmpf ogt, %get3A_2126, %select_n3A_2118 : vector<8x91xf32>
    %select_n3A_2128 = arith.select %gt3A_2127, %get3A_2126, %select_n3A_2118 : vector<8x91xi1>, vector<8x91xf32>
    %jit3A_2129 = arith.constant 213 : i32
    %broadcast_in_dim3A_2130 = vector.broadcast %jit3A_2129 : i32 to vector<8x91xi32>
    %select_n3A_2131 = arith.select %gt3A_2127, %broadcast_in_dim3A_2130, %select_n3A_2121 : vector<8x91xi1>, vector<8x91xi32>
    %get3A_2132 = arith.constant 0 : index
    %get3A_2133 = arith.constant 1712 : index
    %get3A_2134 = arith.constant 0 : index
    %get3A_2135 = vector.load %arg2[%get3A_2132, %get3A_2133, %get3A_2134] : memref<1x2000x91xf32, #tpu.memory_space<vmem>>, vector<1x8x91xf32>
    %get3A_2136 = vector.shape_cast %get3A_2135 : vector<1x8x91xf32> to vector<8x91xf32>
    %gt3A_2137 = arith.cmpf ogt, %get3A_2136, %select_n3A_2128 : vector<8x91xf32>
    %select_n3A_2138 = arith.select %gt3A_2137, %get3A_2136, %select_n3A_2128 : vector<8x91xi1>, vector<8x91xf32>
    %jit3A_2139 = arith.constant 214 : i32
    %broadcast_in_dim3A_2140 = vector.broadcast %jit3A_2139 : i32 to vector<8x91xi32>
    %select_n3A_2141 = arith.select %gt3A_2137, %broadcast_in_dim3A_2140, %select_n3A_2131 : vector<8x91xi1>, vector<8x91xi32>
    %get3A_2142 = arith.constant 0 : index
    %get3A_2143 = arith.constant 1720 : index
    %get3A_2144 = arith.constant 0 : index
    %get3A_2145 = vector.load %arg2[%get3A_2142, %get3A_2143, %get3A_2144] : memref<1x2000x91xf32, #tpu.memory_space<vmem>>, vector<1x8x91xf32>
    %get3A_2146 = vector.shape_cast %get3A_2145 : vector<1x8x91xf32> to vector<8x91xf32>
    %gt3A_2147 = arith.cmpf ogt, %get3A_2146, %select_n3A_2138 : vector<8x91xf32>
    %select_n3A_2148 = arith.select %gt3A_2147, %get3A_2146, %select_n3A_2138 : vector<8x91xi1>, vector<8x91xf32>
    %jit3A_2149 = arith.constant 215 : i32
    %broadcast_in_dim3A_2150 = vector.broadcast %jit3A_2149 : i32 to vector<8x91xi32>
    %select_n3A_2151 = arith.select %gt3A_2147, %broadcast_in_dim3A_2150, %select_n3A_2141 : vector<8x91xi1>, vector<8x91xi32>
    %get3A_2152 = arith.constant 0 : index
    %get3A_2153 = arith.constant 1728 : index
    %get3A_2154 = arith.constant 0 : index
    %get3A_2155 = vector.load %arg2[%get3A_2152, %get3A_2153, %get3A_2154] : memref<1x2000x91xf32, #tpu.memory_space<vmem>>, vector<1x8x91xf32>
    %get3A_2156 = vector.shape_cast %get3A_2155 : vector<1x8x91xf32> to vector<8x91xf32>
    %gt3A_2157 = arith.cmpf ogt, %get3A_2156, %select_n3A_2148 : vector<8x91xf32>
    %select_n3A_2158 = arith.select %gt3A_2157, %get3A_2156, %select_n3A_2148 : vector<8x91xi1>, vector<8x91xf32>
    %jit3A_2159 = arith.constant 216 : i32
    %broadcast_in_dim3A_2160 = vector.broadcast %jit3A_2159 : i32 to vector<8x91xi32>
    %select_n3A_2161 = arith.select %gt3A_2157, %broadcast_in_dim3A_2160, %select_n3A_2151 : vector<8x91xi1>, vector<8x91xi32>
    %get3A_2162 = arith.constant 0 : index
    %get3A_2163 = arith.constant 1736 : index
    %get3A_2164 = arith.constant 0 : index
    %get3A_2165 = vector.load %arg2[%get3A_2162, %get3A_2163, %get3A_2164] : memref<1x2000x91xf32, #tpu.memory_space<vmem>>, vector<1x8x91xf32>
    %get3A_2166 = vector.shape_cast %get3A_2165 : vector<1x8x91xf32> to vector<8x91xf32>
    %gt3A_2167 = arith.cmpf ogt, %get3A_2166, %select_n3A_2158 : vector<8x91xf32>
    %select_n3A_2168 = arith.select %gt3A_2167, %get3A_2166, %select_n3A_2158 : vector<8x91xi1>, vector<8x91xf32>
    %jit3A_2169 = arith.constant 217 : i32
    %broadcast_in_dim3A_2170 = vector.broadcast %jit3A_2169 : i32 to vector<8x91xi32>
    %select_n3A_2171 = arith.select %gt3A_2167, %broadcast_in_dim3A_2170, %select_n3A_2161 : vector<8x91xi1>, vector<8x91xi32>
    %get3A_2172 = arith.constant 0 : index
    %get3A_2173 = arith.constant 1744 : index
    %get3A_2174 = arith.constant 0 : index
    %get3A_2175 = vector.load %arg2[%get3A_2172, %get3A_2173, %get3A_2174] : memref<1x2000x91xf32, #tpu.memory_space<vmem>>, vector<1x8x91xf32>
    %get3A_2176 = vector.shape_cast %get3A_2175 : vector<1x8x91xf32> to vector<8x91xf32>
    %gt3A_2177 = arith.cmpf ogt, %get3A_2176, %select_n3A_2168 : vector<8x91xf32>
    %select_n3A_2178 = arith.select %gt3A_2177, %get3A_2176, %select_n3A_2168 : vector<8x91xi1>, vector<8x91xf32>
    %jit3A_2179 = arith.constant 218 : i32
    %broadcast_in_dim3A_2180 = vector.broadcast %jit3A_2179 : i32 to vector<8x91xi32>
    %select_n3A_2181 = arith.select %gt3A_2177, %broadcast_in_dim3A_2180, %select_n3A_2171 : vector<8x91xi1>, vector<8x91xi32>
    %get3A_2182 = arith.constant 0 : index
    %get3A_2183 = arith.constant 1752 : index
    %get3A_2184 = arith.constant 0 : index
    %get3A_2185 = vector.load %arg2[%get3A_2182, %get3A_2183, %get3A_2184] : memref<1x2000x91xf32, #tpu.memory_space<vmem>>, vector<1x8x91xf32>
    %get3A_2186 = vector.shape_cast %get3A_2185 : vector<1x8x91xf32> to vector<8x91xf32>
    %gt3A_2187 = arith.cmpf ogt, %get3A_2186, %select_n3A_2178 : vector<8x91xf32>
    %select_n3A_2188 = arith.select %gt3A_2187, %get3A_2186, %select_n3A_2178 : vector<8x91xi1>, vector<8x91xf32>
    %jit3A_2189 = arith.constant 219 : i32
    %broadcast_in_dim3A_2190 = vector.broadcast %jit3A_2189 : i32 to vector<8x91xi32>
    %select_n3A_2191 = arith.select %gt3A_2187, %broadcast_in_dim3A_2190, %select_n3A_2181 : vector<8x91xi1>, vector<8x91xi32>
    %get3A_2192 = arith.constant 0 : index
    %get3A_2193 = arith.constant 1760 : index
    %get3A_2194 = arith.constant 0 : index
    %get3A_2195 = vector.load %arg2[%get3A_2192, %get3A_2193, %get3A_2194] : memref<1x2000x91xf32, #tpu.memory_space<vmem>>, vector<1x8x91xf32>
    %get3A_2196 = vector.shape_cast %get3A_2195 : vector<1x8x91xf32> to vector<8x91xf32>
    %gt3A_2197 = arith.cmpf ogt, %get3A_2196, %select_n3A_2188 : vector<8x91xf32>
    %select_n3A_2198 = arith.select %gt3A_2197, %get3A_2196, %select_n3A_2188 : vector<8x91xi1>, vector<8x91xf32>
    %jit3A_2199 = arith.constant 220 : i32
    %broadcast_in_dim3A_2200 = vector.broadcast %jit3A_2199 : i32 to vector<8x91xi32>
    %select_n3A_2201 = arith.select %gt3A_2197, %broadcast_in_dim3A_2200, %select_n3A_2191 : vector<8x91xi1>, vector<8x91xi32>
    %get3A_2202 = arith.constant 0 : index
    %get3A_2203 = arith.constant 1768 : index
    %get3A_2204 = arith.constant 0 : index
    %get3A_2205 = vector.load %arg2[%get3A_2202, %get3A_2203, %get3A_2204] : memref<1x2000x91xf32, #tpu.memory_space<vmem>>, vector<1x8x91xf32>
    %get3A_2206 = vector.shape_cast %get3A_2205 : vector<1x8x91xf32> to vector<8x91xf32>
    %gt3A_2207 = arith.cmpf ogt, %get3A_2206, %select_n3A_2198 : vector<8x91xf32>
    %select_n3A_2208 = arith.select %gt3A_2207, %get3A_2206, %select_n3A_2198 : vector<8x91xi1>, vector<8x91xf32>
    %jit3A_2209 = arith.constant 221 : i32
    %broadcast_in_dim3A_2210 = vector.broadcast %jit3A_2209 : i32 to vector<8x91xi32>
    %select_n3A_2211 = arith.select %gt3A_2207, %broadcast_in_dim3A_2210, %select_n3A_2201 : vector<8x91xi1>, vector<8x91xi32>
    %get3A_2212 = arith.constant 0 : index
    %get3A_2213 = arith.constant 1776 : index
    %get3A_2214 = arith.constant 0 : index
    %get3A_2215 = vector.load %arg2[%get3A_2212, %get3A_2213, %get3A_2214] : memref<1x2000x91xf32, #tpu.memory_space<vmem>>, vector<1x8x91xf32>
    %get3A_2216 = vector.shape_cast %get3A_2215 : vector<1x8x91xf32> to vector<8x91xf32>
    %gt3A_2217 = arith.cmpf ogt, %get3A_2216, %select_n3A_2208 : vector<8x91xf32>
    %select_n3A_2218 = arith.select %gt3A_2217, %get3A_2216, %select_n3A_2208 : vector<8x91xi1>, vector<8x91xf32>
    %jit3A_2219 = arith.constant 222 : i32
    %broadcast_in_dim3A_2220 = vector.broadcast %jit3A_2219 : i32 to vector<8x91xi32>
    %select_n3A_2221 = arith.select %gt3A_2217, %broadcast_in_dim3A_2220, %select_n3A_2211 : vector<8x91xi1>, vector<8x91xi32>
    %get3A_2222 = arith.constant 0 : index
    %get3A_2223 = arith.constant 1784 : index
    %get3A_2224 = arith.constant 0 : index
    %get3A_2225 = vector.load %arg2[%get3A_2222, %get3A_2223, %get3A_2224] : memref<1x2000x91xf32, #tpu.memory_space<vmem>>, vector<1x8x91xf32>
    %get3A_2226 = vector.shape_cast %get3A_2225 : vector<1x8x91xf32> to vector<8x91xf32>
    %gt3A_2227 = arith.cmpf ogt, %get3A_2226, %select_n3A_2218 : vector<8x91xf32>
    %select_n3A_2228 = arith.select %gt3A_2227, %get3A_2226, %select_n3A_2218 : vector<8x91xi1>, vector<8x91xf32>
    %jit3A_2229 = arith.constant 223 : i32
    %broadcast_in_dim3A_2230 = vector.broadcast %jit3A_2229 : i32 to vector<8x91xi32>
    %select_n3A_2231 = arith.select %gt3A_2227, %broadcast_in_dim3A_2230, %select_n3A_2221 : vector<8x91xi1>, vector<8x91xi32>
    %get3A_2232 = arith.constant 0 : index
    %get3A_2233 = arith.constant 1792 : index
    %get3A_2234 = arith.constant 0 : index
    %get3A_2235 = vector.load %arg2[%get3A_2232, %get3A_2233, %get3A_2234] : memref<1x2000x91xf32, #tpu.memory_space<vmem>>, vector<1x8x91xf32>
    %get3A_2236 = vector.shape_cast %get3A_2235 : vector<1x8x91xf32> to vector<8x91xf32>
    %gt3A_2237 = arith.cmpf ogt, %get3A_2236, %select_n3A_2228 : vector<8x91xf32>
    %select_n3A_2238 = arith.select %gt3A_2237, %get3A_2236, %select_n3A_2228 : vector<8x91xi1>, vector<8x91xf32>
    %jit3A_2239 = arith.constant 224 : i32
    %broadcast_in_dim3A_2240 = vector.broadcast %jit3A_2239 : i32 to vector<8x91xi32>
    %select_n3A_2241 = arith.select %gt3A_2237, %broadcast_in_dim3A_2240, %select_n3A_2231 : vector<8x91xi1>, vector<8x91xi32>
    %get3A_2242 = arith.constant 0 : index
    %get3A_2243 = arith.constant 1800 : index
    %get3A_2244 = arith.constant 0 : index
    %get3A_2245 = vector.load %arg2[%get3A_2242, %get3A_2243, %get3A_2244] : memref<1x2000x91xf32, #tpu.memory_space<vmem>>, vector<1x8x91xf32>
    %get3A_2246 = vector.shape_cast %get3A_2245 : vector<1x8x91xf32> to vector<8x91xf32>
    %gt3A_2247 = arith.cmpf ogt, %get3A_2246, %select_n3A_2238 : vector<8x91xf32>
    %select_n3A_2248 = arith.select %gt3A_2247, %get3A_2246, %select_n3A_2238 : vector<8x91xi1>, vector<8x91xf32>
    %jit3A_2249 = arith.constant 225 : i32
    %broadcast_in_dim3A_2250 = vector.broadcast %jit3A_2249 : i32 to vector<8x91xi32>
    %select_n3A_2251 = arith.select %gt3A_2247, %broadcast_in_dim3A_2250, %select_n3A_2241 : vector<8x91xi1>, vector<8x91xi32>
    %get3A_2252 = arith.constant 0 : index
    %get3A_2253 = arith.constant 1808 : index
    %get3A_2254 = arith.constant 0 : index
    %get3A_2255 = vector.load %arg2[%get3A_2252, %get3A_2253, %get3A_2254] : memref<1x2000x91xf32, #tpu.memory_space<vmem>>, vector<1x8x91xf32>
    %get3A_2256 = vector.shape_cast %get3A_2255 : vector<1x8x91xf32> to vector<8x91xf32>
    %gt3A_2257 = arith.cmpf ogt, %get3A_2256, %select_n3A_2248 : vector<8x91xf32>
    %select_n3A_2258 = arith.select %gt3A_2257, %get3A_2256, %select_n3A_2248 : vector<8x91xi1>, vector<8x91xf32>
    %jit3A_2259 = arith.constant 226 : i32
    %broadcast_in_dim3A_2260 = vector.broadcast %jit3A_2259 : i32 to vector<8x91xi32>
    %select_n3A_2261 = arith.select %gt3A_2257, %broadcast_in_dim3A_2260, %select_n3A_2251 : vector<8x91xi1>, vector<8x91xi32>
    %get3A_2262 = arith.constant 0 : index
    %get3A_2263 = arith.constant 1816 : index
    %get3A_2264 = arith.constant 0 : index
    %get3A_2265 = vector.load %arg2[%get3A_2262, %get3A_2263, %get3A_2264] : memref<1x2000x91xf32, #tpu.memory_space<vmem>>, vector<1x8x91xf32>
    %get3A_2266 = vector.shape_cast %get3A_2265 : vector<1x8x91xf32> to vector<8x91xf32>
    %gt3A_2267 = arith.cmpf ogt, %get3A_2266, %select_n3A_2258 : vector<8x91xf32>
    %select_n3A_2268 = arith.select %gt3A_2267, %get3A_2266, %select_n3A_2258 : vector<8x91xi1>, vector<8x91xf32>
    %jit3A_2269 = arith.constant 227 : i32
    %broadcast_in_dim3A_2270 = vector.broadcast %jit3A_2269 : i32 to vector<8x91xi32>
    %select_n3A_2271 = arith.select %gt3A_2267, %broadcast_in_dim3A_2270, %select_n3A_2261 : vector<8x91xi1>, vector<8x91xi32>
    %get3A_2272 = arith.constant 0 : index
    %get3A_2273 = arith.constant 1824 : index
    %get3A_2274 = arith.constant 0 : index
    %get3A_2275 = vector.load %arg2[%get3A_2272, %get3A_2273, %get3A_2274] : memref<1x2000x91xf32, #tpu.memory_space<vmem>>, vector<1x8x91xf32>
    %get3A_2276 = vector.shape_cast %get3A_2275 : vector<1x8x91xf32> to vector<8x91xf32>
    %gt3A_2277 = arith.cmpf ogt, %get3A_2276, %select_n3A_2268 : vector<8x91xf32>
    %select_n3A_2278 = arith.select %gt3A_2277, %get3A_2276, %select_n3A_2268 : vector<8x91xi1>, vector<8x91xf32>
    %jit3A_2279 = arith.constant 228 : i32
    %broadcast_in_dim3A_2280 = vector.broadcast %jit3A_2279 : i32 to vector<8x91xi32>
    %select_n3A_2281 = arith.select %gt3A_2277, %broadcast_in_dim3A_2280, %select_n3A_2271 : vector<8x91xi1>, vector<8x91xi32>
    %get3A_2282 = arith.constant 0 : index
    %get3A_2283 = arith.constant 1832 : index
    %get3A_2284 = arith.constant 0 : index
    %get3A_2285 = vector.load %arg2[%get3A_2282, %get3A_2283, %get3A_2284] : memref<1x2000x91xf32, #tpu.memory_space<vmem>>, vector<1x8x91xf32>
    %get3A_2286 = vector.shape_cast %get3A_2285 : vector<1x8x91xf32> to vector<8x91xf32>
    %gt3A_2287 = arith.cmpf ogt, %get3A_2286, %select_n3A_2278 : vector<8x91xf32>
    %select_n3A_2288 = arith.select %gt3A_2287, %get3A_2286, %select_n3A_2278 : vector<8x91xi1>, vector<8x91xf32>
    %jit3A_2289 = arith.constant 229 : i32
    %broadcast_in_dim3A_2290 = vector.broadcast %jit3A_2289 : i32 to vector<8x91xi32>
    %select_n3A_2291 = arith.select %gt3A_2287, %broadcast_in_dim3A_2290, %select_n3A_2281 : vector<8x91xi1>, vector<8x91xi32>
    %get3A_2292 = arith.constant 0 : index
    %get3A_2293 = arith.constant 1840 : index
    %get3A_2294 = arith.constant 0 : index
    %get3A_2295 = vector.load %arg2[%get3A_2292, %get3A_2293, %get3A_2294] : memref<1x2000x91xf32, #tpu.memory_space<vmem>>, vector<1x8x91xf32>
    %get3A_2296 = vector.shape_cast %get3A_2295 : vector<1x8x91xf32> to vector<8x91xf32>
    %gt3A_2297 = arith.cmpf ogt, %get3A_2296, %select_n3A_2288 : vector<8x91xf32>
    %select_n3A_2298 = arith.select %gt3A_2297, %get3A_2296, %select_n3A_2288 : vector<8x91xi1>, vector<8x91xf32>
    %jit3A_2299 = arith.constant 230 : i32
    %broadcast_in_dim3A_2300 = vector.broadcast %jit3A_2299 : i32 to vector<8x91xi32>
    %select_n3A_2301 = arith.select %gt3A_2297, %broadcast_in_dim3A_2300, %select_n3A_2291 : vector<8x91xi1>, vector<8x91xi32>
    %get3A_2302 = arith.constant 0 : index
    %get3A_2303 = arith.constant 1848 : index
    %get3A_2304 = arith.constant 0 : index
    %get3A_2305 = vector.load %arg2[%get3A_2302, %get3A_2303, %get3A_2304] : memref<1x2000x91xf32, #tpu.memory_space<vmem>>, vector<1x8x91xf32>
    %get3A_2306 = vector.shape_cast %get3A_2305 : vector<1x8x91xf32> to vector<8x91xf32>
    %gt3A_2307 = arith.cmpf ogt, %get3A_2306, %select_n3A_2298 : vector<8x91xf32>
    %select_n3A_2308 = arith.select %gt3A_2307, %get3A_2306, %select_n3A_2298 : vector<8x91xi1>, vector<8x91xf32>
    %jit3A_2309 = arith.constant 231 : i32
    %broadcast_in_dim3A_2310 = vector.broadcast %jit3A_2309 : i32 to vector<8x91xi32>
    %select_n3A_2311 = arith.select %gt3A_2307, %broadcast_in_dim3A_2310, %select_n3A_2301 : vector<8x91xi1>, vector<8x91xi32>
    %get3A_2312 = arith.constant 0 : index
    %get3A_2313 = arith.constant 1856 : index
    %get3A_2314 = arith.constant 0 : index
    %get3A_2315 = vector.load %arg2[%get3A_2312, %get3A_2313, %get3A_2314] : memref<1x2000x91xf32, #tpu.memory_space<vmem>>, vector<1x8x91xf32>
    %get3A_2316 = vector.shape_cast %get3A_2315 : vector<1x8x91xf32> to vector<8x91xf32>
    %gt3A_2317 = arith.cmpf ogt, %get3A_2316, %select_n3A_2308 : vector<8x91xf32>
    %select_n3A_2318 = arith.select %gt3A_2317, %get3A_2316, %select_n3A_2308 : vector<8x91xi1>, vector<8x91xf32>
    %jit3A_2319 = arith.constant 232 : i32
    %broadcast_in_dim3A_2320 = vector.broadcast %jit3A_2319 : i32 to vector<8x91xi32>
    %select_n3A_2321 = arith.select %gt3A_2317, %broadcast_in_dim3A_2320, %select_n3A_2311 : vector<8x91xi1>, vector<8x91xi32>
    %get3A_2322 = arith.constant 0 : index
    %get3A_2323 = arith.constant 1864 : index
    %get3A_2324 = arith.constant 0 : index
    %get3A_2325 = vector.load %arg2[%get3A_2322, %get3A_2323, %get3A_2324] : memref<1x2000x91xf32, #tpu.memory_space<vmem>>, vector<1x8x91xf32>
    %get3A_2326 = vector.shape_cast %get3A_2325 : vector<1x8x91xf32> to vector<8x91xf32>
    %gt3A_2327 = arith.cmpf ogt, %get3A_2326, %select_n3A_2318 : vector<8x91xf32>
    %select_n3A_2328 = arith.select %gt3A_2327, %get3A_2326, %select_n3A_2318 : vector<8x91xi1>, vector<8x91xf32>
    %jit3A_2329 = arith.constant 233 : i32
    %broadcast_in_dim3A_2330 = vector.broadcast %jit3A_2329 : i32 to vector<8x91xi32>
    %select_n3A_2331 = arith.select %gt3A_2327, %broadcast_in_dim3A_2330, %select_n3A_2321 : vector<8x91xi1>, vector<8x91xi32>
    %get3A_2332 = arith.constant 0 : index
    %get3A_2333 = arith.constant 1872 : index
    %get3A_2334 = arith.constant 0 : index
    %get3A_2335 = vector.load %arg2[%get3A_2332, %get3A_2333, %get3A_2334] : memref<1x2000x91xf32, #tpu.memory_space<vmem>>, vector<1x8x91xf32>
    %get3A_2336 = vector.shape_cast %get3A_2335 : vector<1x8x91xf32> to vector<8x91xf32>
    %gt3A_2337 = arith.cmpf ogt, %get3A_2336, %select_n3A_2328 : vector<8x91xf32>
    %select_n3A_2338 = arith.select %gt3A_2337, %get3A_2336, %select_n3A_2328 : vector<8x91xi1>, vector<8x91xf32>
    %jit3A_2339 = arith.constant 234 : i32
    %broadcast_in_dim3A_2340 = vector.broadcast %jit3A_2339 : i32 to vector<8x91xi32>
    %select_n3A_2341 = arith.select %gt3A_2337, %broadcast_in_dim3A_2340, %select_n3A_2331 : vector<8x91xi1>, vector<8x91xi32>
    %get3A_2342 = arith.constant 0 : index
    %get3A_2343 = arith.constant 1880 : index
    %get3A_2344 = arith.constant 0 : index
    %get3A_2345 = vector.load %arg2[%get3A_2342, %get3A_2343, %get3A_2344] : memref<1x2000x91xf32, #tpu.memory_space<vmem>>, vector<1x8x91xf32>
    %get3A_2346 = vector.shape_cast %get3A_2345 : vector<1x8x91xf32> to vector<8x91xf32>
    %gt3A_2347 = arith.cmpf ogt, %get3A_2346, %select_n3A_2338 : vector<8x91xf32>
    %select_n3A_2348 = arith.select %gt3A_2347, %get3A_2346, %select_n3A_2338 : vector<8x91xi1>, vector<8x91xf32>
    %jit3A_2349 = arith.constant 235 : i32
    %broadcast_in_dim3A_2350 = vector.broadcast %jit3A_2349 : i32 to vector<8x91xi32>
    %select_n3A_2351 = arith.select %gt3A_2347, %broadcast_in_dim3A_2350, %select_n3A_2341 : vector<8x91xi1>, vector<8x91xi32>
    %get3A_2352 = arith.constant 0 : index
    %get3A_2353 = arith.constant 1888 : index
    %get3A_2354 = arith.constant 0 : index
    %get3A_2355 = vector.load %arg2[%get3A_2352, %get3A_2353, %get3A_2354] : memref<1x2000x91xf32, #tpu.memory_space<vmem>>, vector<1x8x91xf32>
    %get3A_2356 = vector.shape_cast %get3A_2355 : vector<1x8x91xf32> to vector<8x91xf32>
    %gt3A_2357 = arith.cmpf ogt, %get3A_2356, %select_n3A_2348 : vector<8x91xf32>
    %select_n3A_2358 = arith.select %gt3A_2357, %get3A_2356, %select_n3A_2348 : vector<8x91xi1>, vector<8x91xf32>
    %jit3A_2359 = arith.constant 236 : i32
    %broadcast_in_dim3A_2360 = vector.broadcast %jit3A_2359 : i32 to vector<8x91xi32>
    %select_n3A_2361 = arith.select %gt3A_2357, %broadcast_in_dim3A_2360, %select_n3A_2351 : vector<8x91xi1>, vector<8x91xi32>
    %get3A_2362 = arith.constant 0 : index
    %get3A_2363 = arith.constant 1896 : index
    %get3A_2364 = arith.constant 0 : index
    %get3A_2365 = vector.load %arg2[%get3A_2362, %get3A_2363, %get3A_2364] : memref<1x2000x91xf32, #tpu.memory_space<vmem>>, vector<1x8x91xf32>
    %get3A_2366 = vector.shape_cast %get3A_2365 : vector<1x8x91xf32> to vector<8x91xf32>
    %gt3A_2367 = arith.cmpf ogt, %get3A_2366, %select_n3A_2358 : vector<8x91xf32>
    %select_n3A_2368 = arith.select %gt3A_2367, %get3A_2366, %select_n3A_2358 : vector<8x91xi1>, vector<8x91xf32>
    %jit3A_2369 = arith.constant 237 : i32
    %broadcast_in_dim3A_2370 = vector.broadcast %jit3A_2369 : i32 to vector<8x91xi32>
    %select_n3A_2371 = arith.select %gt3A_2367, %broadcast_in_dim3A_2370, %select_n3A_2361 : vector<8x91xi1>, vector<8x91xi32>
    %get3A_2372 = arith.constant 0 : index
    %get3A_2373 = arith.constant 1904 : index
    %get3A_2374 = arith.constant 0 : index
    %get3A_2375 = vector.load %arg2[%get3A_2372, %get3A_2373, %get3A_2374] : memref<1x2000x91xf32, #tpu.memory_space<vmem>>, vector<1x8x91xf32>
    %get3A_2376 = vector.shape_cast %get3A_2375 : vector<1x8x91xf32> to vector<8x91xf32>
    %gt3A_2377 = arith.cmpf ogt, %get3A_2376, %select_n3A_2368 : vector<8x91xf32>
    %select_n3A_2378 = arith.select %gt3A_2377, %get3A_2376, %select_n3A_2368 : vector<8x91xi1>, vector<8x91xf32>
    %jit3A_2379 = arith.constant 238 : i32
    %broadcast_in_dim3A_2380 = vector.broadcast %jit3A_2379 : i32 to vector<8x91xi32>
    %select_n3A_2381 = arith.select %gt3A_2377, %broadcast_in_dim3A_2380, %select_n3A_2371 : vector<8x91xi1>, vector<8x91xi32>
    %get3A_2382 = arith.constant 0 : index
    %get3A_2383 = arith.constant 1912 : index
    %get3A_2384 = arith.constant 0 : index
    %get3A_2385 = vector.load %arg2[%get3A_2382, %get3A_2383, %get3A_2384] : memref<1x2000x91xf32, #tpu.memory_space<vmem>>, vector<1x8x91xf32>
    %get3A_2386 = vector.shape_cast %get3A_2385 : vector<1x8x91xf32> to vector<8x91xf32>
    %gt3A_2387 = arith.cmpf ogt, %get3A_2386, %select_n3A_2378 : vector<8x91xf32>
    %select_n3A_2388 = arith.select %gt3A_2387, %get3A_2386, %select_n3A_2378 : vector<8x91xi1>, vector<8x91xf32>
    %jit3A_2389 = arith.constant 239 : i32
    %broadcast_in_dim3A_2390 = vector.broadcast %jit3A_2389 : i32 to vector<8x91xi32>
    %select_n3A_2391 = arith.select %gt3A_2387, %broadcast_in_dim3A_2390, %select_n3A_2381 : vector<8x91xi1>, vector<8x91xi32>
    %get3A_2392 = arith.constant 0 : index
    %get3A_2393 = arith.constant 1920 : index
    %get3A_2394 = arith.constant 0 : index
    %get3A_2395 = vector.load %arg2[%get3A_2392, %get3A_2393, %get3A_2394] : memref<1x2000x91xf32, #tpu.memory_space<vmem>>, vector<1x8x91xf32>
    %get3A_2396 = vector.shape_cast %get3A_2395 : vector<1x8x91xf32> to vector<8x91xf32>
    %gt3A_2397 = arith.cmpf ogt, %get3A_2396, %select_n3A_2388 : vector<8x91xf32>
    %select_n3A_2398 = arith.select %gt3A_2397, %get3A_2396, %select_n3A_2388 : vector<8x91xi1>, vector<8x91xf32>
    %jit3A_2399 = arith.constant 240 : i32
    %broadcast_in_dim3A_2400 = vector.broadcast %jit3A_2399 : i32 to vector<8x91xi32>
    %select_n3A_2401 = arith.select %gt3A_2397, %broadcast_in_dim3A_2400, %select_n3A_2391 : vector<8x91xi1>, vector<8x91xi32>
    %get3A_2402 = arith.constant 0 : index
    %get3A_2403 = arith.constant 1928 : index
    %get3A_2404 = arith.constant 0 : index
    %get3A_2405 = vector.load %arg2[%get3A_2402, %get3A_2403, %get3A_2404] : memref<1x2000x91xf32, #tpu.memory_space<vmem>>, vector<1x8x91xf32>
    %get3A_2406 = vector.shape_cast %get3A_2405 : vector<1x8x91xf32> to vector<8x91xf32>
    %gt3A_2407 = arith.cmpf ogt, %get3A_2406, %select_n3A_2398 : vector<8x91xf32>
    %select_n3A_2408 = arith.select %gt3A_2407, %get3A_2406, %select_n3A_2398 : vector<8x91xi1>, vector<8x91xf32>
    %jit3A_2409 = arith.constant 241 : i32
    %broadcast_in_dim3A_2410 = vector.broadcast %jit3A_2409 : i32 to vector<8x91xi32>
    %select_n3A_2411 = arith.select %gt3A_2407, %broadcast_in_dim3A_2410, %select_n3A_2401 : vector<8x91xi1>, vector<8x91xi32>
    %get3A_2412 = arith.constant 0 : index
    %get3A_2413 = arith.constant 1936 : index
    %get3A_2414 = arith.constant 0 : index
    %get3A_2415 = vector.load %arg2[%get3A_2412, %get3A_2413, %get3A_2414] : memref<1x2000x91xf32, #tpu.memory_space<vmem>>, vector<1x8x91xf32>
    %get3A_2416 = vector.shape_cast %get3A_2415 : vector<1x8x91xf32> to vector<8x91xf32>
    %gt3A_2417 = arith.cmpf ogt, %get3A_2416, %select_n3A_2408 : vector<8x91xf32>
    %select_n3A_2418 = arith.select %gt3A_2417, %get3A_2416, %select_n3A_2408 : vector<8x91xi1>, vector<8x91xf32>
    %jit3A_2419 = arith.constant 242 : i32
    %broadcast_in_dim3A_2420 = vector.broadcast %jit3A_2419 : i32 to vector<8x91xi32>
    %select_n3A_2421 = arith.select %gt3A_2417, %broadcast_in_dim3A_2420, %select_n3A_2411 : vector<8x91xi1>, vector<8x91xi32>
    %get3A_2422 = arith.constant 0 : index
    %get3A_2423 = arith.constant 1944 : index
    %get3A_2424 = arith.constant 0 : index
    %get3A_2425 = vector.load %arg2[%get3A_2422, %get3A_2423, %get3A_2424] : memref<1x2000x91xf32, #tpu.memory_space<vmem>>, vector<1x8x91xf32>
    %get3A_2426 = vector.shape_cast %get3A_2425 : vector<1x8x91xf32> to vector<8x91xf32>
    %gt3A_2427 = arith.cmpf ogt, %get3A_2426, %select_n3A_2418 : vector<8x91xf32>
    %select_n3A_2428 = arith.select %gt3A_2427, %get3A_2426, %select_n3A_2418 : vector<8x91xi1>, vector<8x91xf32>
    %jit3A_2429 = arith.constant 243 : i32
    %broadcast_in_dim3A_2430 = vector.broadcast %jit3A_2429 : i32 to vector<8x91xi32>
    %select_n3A_2431 = arith.select %gt3A_2427, %broadcast_in_dim3A_2430, %select_n3A_2421 : vector<8x91xi1>, vector<8x91xi32>
    %get3A_2432 = arith.constant 0 : index
    %get3A_2433 = arith.constant 1952 : index
    %get3A_2434 = arith.constant 0 : index
    %get3A_2435 = vector.load %arg2[%get3A_2432, %get3A_2433, %get3A_2434] : memref<1x2000x91xf32, #tpu.memory_space<vmem>>, vector<1x8x91xf32>
    %get3A_2436 = vector.shape_cast %get3A_2435 : vector<1x8x91xf32> to vector<8x91xf32>
    %gt3A_2437 = arith.cmpf ogt, %get3A_2436, %select_n3A_2428 : vector<8x91xf32>
    %select_n3A_2438 = arith.select %gt3A_2437, %get3A_2436, %select_n3A_2428 : vector<8x91xi1>, vector<8x91xf32>
    %jit3A_2439 = arith.constant 244 : i32
    %broadcast_in_dim3A_2440 = vector.broadcast %jit3A_2439 : i32 to vector<8x91xi32>
    %select_n3A_2441 = arith.select %gt3A_2437, %broadcast_in_dim3A_2440, %select_n3A_2431 : vector<8x91xi1>, vector<8x91xi32>
    %get3A_2442 = arith.constant 0 : index
    %get3A_2443 = arith.constant 1960 : index
    %get3A_2444 = arith.constant 0 : index
    %get3A_2445 = vector.load %arg2[%get3A_2442, %get3A_2443, %get3A_2444] : memref<1x2000x91xf32, #tpu.memory_space<vmem>>, vector<1x8x91xf32>
    %get3A_2446 = vector.shape_cast %get3A_2445 : vector<1x8x91xf32> to vector<8x91xf32>
    %gt3A_2447 = arith.cmpf ogt, %get3A_2446, %select_n3A_2438 : vector<8x91xf32>
    %select_n3A_2448 = arith.select %gt3A_2447, %get3A_2446, %select_n3A_2438 : vector<8x91xi1>, vector<8x91xf32>
    %jit3A_2449 = arith.constant 245 : i32
    %broadcast_in_dim3A_2450 = vector.broadcast %jit3A_2449 : i32 to vector<8x91xi32>
    %select_n3A_2451 = arith.select %gt3A_2447, %broadcast_in_dim3A_2450, %select_n3A_2441 : vector<8x91xi1>, vector<8x91xi32>
    %get3A_2452 = arith.constant 0 : index
    %get3A_2453 = arith.constant 1968 : index
    %get3A_2454 = arith.constant 0 : index
    %get3A_2455 = vector.load %arg2[%get3A_2452, %get3A_2453, %get3A_2454] : memref<1x2000x91xf32, #tpu.memory_space<vmem>>, vector<1x8x91xf32>
    %get3A_2456 = vector.shape_cast %get3A_2455 : vector<1x8x91xf32> to vector<8x91xf32>
    %gt3A_2457 = arith.cmpf ogt, %get3A_2456, %select_n3A_2448 : vector<8x91xf32>
    %select_n3A_2458 = arith.select %gt3A_2457, %get3A_2456, %select_n3A_2448 : vector<8x91xi1>, vector<8x91xf32>
    %jit3A_2459 = arith.constant 246 : i32
    %broadcast_in_dim3A_2460 = vector.broadcast %jit3A_2459 : i32 to vector<8x91xi32>
    %select_n3A_2461 = arith.select %gt3A_2457, %broadcast_in_dim3A_2460, %select_n3A_2451 : vector<8x91xi1>, vector<8x91xi32>
    %get3A_2462 = arith.constant 0 : index
    %get3A_2463 = arith.constant 1976 : index
    %get3A_2464 = arith.constant 0 : index
    %get3A_2465 = vector.load %arg2[%get3A_2462, %get3A_2463, %get3A_2464] : memref<1x2000x91xf32, #tpu.memory_space<vmem>>, vector<1x8x91xf32>
    %get3A_2466 = vector.shape_cast %get3A_2465 : vector<1x8x91xf32> to vector<8x91xf32>
    %gt3A_2467 = arith.cmpf ogt, %get3A_2466, %select_n3A_2458 : vector<8x91xf32>
    %select_n3A_2468 = arith.select %gt3A_2467, %get3A_2466, %select_n3A_2458 : vector<8x91xi1>, vector<8x91xf32>
    %jit3A_2469 = arith.constant 247 : i32
    %broadcast_in_dim3A_2470 = vector.broadcast %jit3A_2469 : i32 to vector<8x91xi32>
    %select_n3A_2471 = arith.select %gt3A_2467, %broadcast_in_dim3A_2470, %select_n3A_2461 : vector<8x91xi1>, vector<8x91xi32>
    %get3A_2472 = arith.constant 0 : index
    %get3A_2473 = arith.constant 1984 : index
    %get3A_2474 = arith.constant 0 : index
    %get3A_2475 = vector.load %arg2[%get3A_2472, %get3A_2473, %get3A_2474] : memref<1x2000x91xf32, #tpu.memory_space<vmem>>, vector<1x8x91xf32>
    %get3A_2476 = vector.shape_cast %get3A_2475 : vector<1x8x91xf32> to vector<8x91xf32>
    %gt3A_2477 = arith.cmpf ogt, %get3A_2476, %select_n3A_2468 : vector<8x91xf32>
    %select_n3A_2478 = arith.select %gt3A_2477, %get3A_2476, %select_n3A_2468 : vector<8x91xi1>, vector<8x91xf32>
    %jit3A_2479 = arith.constant 248 : i32
    %broadcast_in_dim3A_2480 = vector.broadcast %jit3A_2479 : i32 to vector<8x91xi32>
    %select_n3A_2481 = arith.select %gt3A_2477, %broadcast_in_dim3A_2480, %select_n3A_2471 : vector<8x91xi1>, vector<8x91xi32>
    %get3A_2482 = arith.constant 0 : index
    %get3A_2483 = arith.constant 1992 : index
    %get3A_2484 = arith.constant 0 : index
    %get3A_2485 = vector.load %arg2[%get3A_2482, %get3A_2483, %get3A_2484] : memref<1x2000x91xf32, #tpu.memory_space<vmem>>, vector<1x8x91xf32>
    %get3A_2486 = vector.shape_cast %get3A_2485 : vector<1x8x91xf32> to vector<8x91xf32>
    %gt3A_2487 = arith.cmpf ogt, %get3A_2486, %select_n3A_2478 : vector<8x91xf32>
    %select_n3A_2488 = arith.select %gt3A_2487, %get3A_2486, %select_n3A_2478 : vector<8x91xi1>, vector<8x91xf32>
    %jit3A_2489 = arith.constant 249 : i32
    %broadcast_in_dim3A_2490 = vector.broadcast %jit3A_2489 : i32 to vector<8x91xi32>
    %select_n3A_2491 = arith.select %gt3A_2487, %broadcast_in_dim3A_2490, %select_n3A_2481 : vector<8x91xi1>, vector<8x91xi32>
    %mul3A = arith.constant 8 : i32
    %mul3A_2492 = vector.broadcast %mul3A : i32 to vector<8x91xi32>
    %mul3A_2493 = arith.muli %select_n3A_2491, %mul3A_2492 : vector<8x91xi32>
    %add3A = arith.addi %mul3A_2493, %iota3A : vector<8x91xi32>
    %mul3A_2494 = arith.constant 2000 : i32
    %mul3A_2495 = arith.muli %arg1, %mul3A_2494 : i32
    %add3A_2496 = vector.broadcast %mul3A_2495 : i32 to vector<8x91xi32>
    %add3A_2497 = arith.addi %add3A, %add3A_2496 : vector<8x91xi32>
    %reduce_max3A = arith.constant dense<0xFF800000> : vector<91xf32>
    %reduce_max3A_2498 = vector.multi_reduction <maximumf>, %select_n3A_2488, %reduce_max3A [0] : vector<8x91xf32> to vector<91xf32>
    %broadcast_in_dim3A_2499 = vector.shape_cast %reduce_max3A_2498 : vector<91xf32> to vector<1x91xf32>
    %eq3A = vector.broadcast %broadcast_in_dim3A_2499 : vector<1x91xf32> to vector<8x91xf32>
    %eq3A_2500 = arith.cmpf oeq, %select_n3A_2488, %eq3A : vector<8x91xf32>
    %jit3A_2501 = arith.constant 320000 : i32
    %broadcast_in_dim3A_2502 = vector.broadcast %jit3A_2501 : i32 to vector<8x91xi32>
    %select_n3A_2503 = arith.select %eq3A_2500, %add3A_2497, %broadcast_in_dim3A_2502 : vector<8x91xi1>, vector<8x91xi32>
    %reduce_min3A = arith.constant dense<2147483647> : vector<91xi32>
    %reduce_min3A_2504 = vector.multi_reduction <minsi>, %select_n3A_2503, %reduce_min3A [0] : vector<8x91xi32> to vector<91xi32>
    %broadcast_in_dim3A_2505 = arith.constant 0xFF800000 : f32
    %broadcast_in_dim3A_2506 = vector.broadcast %broadcast_in_dim3A_2505 : f32 to vector<21xf32>
    %concatenate3A = tpu.concatenate %reduce_max3A_2498, %broadcast_in_dim3A_2506 in 0 : vector<91xf32>, vector<21xf32> -> vector<112xf32>
    %broadcast_in_dim3A_2507 = arith.constant 0 : i32
    %broadcast_in_dim3A_2508 = vector.broadcast %broadcast_in_dim3A_2507 : i32 to vector<21xi32>
    %concatenate3A_2509 = tpu.concatenate %reduce_min3A_2504, %broadcast_in_dim3A_2508 in 0 : vector<91xi32>, vector<21xi32> -> vector<112xi32>
    %eq3A_2510 = arith.constant 0 : i32
    %eq3A_2511 = arith.cmpi eq, %arg1, %eq3A_2510 : i32
    %convert_element_type3A = arith.extui %eq3A_2511 : i1 to i32
    %cond3A = arith.constant 0 : i32
    %cond3A_2512 = arith.cmpi ne, %convert_element_type3A, %cond3A : i32
    scf.if %cond3A_2512 {
      %swap3A = arith.constant 0 : index
      %swap3A_2518 = arith.constant 0 : index
      %swap3A_2519 = arith.constant 0 : index
      %swap3A_2520 = vector.load %arg3[%swap3A, %swap3A_2518, %swap3A_2519] : memref<1x1x112xf32, #tpu.memory_space<vmem>>, vector<1x1x112xf32>
      %swap3A_2521 = vector.shape_cast %swap3A_2520 : vector<1x1x112xf32> to vector<112xf32>
      %swap3A_2522 = vector.shape_cast %concatenate3A : vector<112xf32> to vector<1x1x112xf32>
      tpu.vector_store %arg3[%swap3A, %swap3A_2518, %swap3A_2519], %swap3A_2522 {strides = array<i32>} : memref<1x1x112xf32, #tpu.memory_space<vmem>>, vector<1x1x112xf32>,
      %swap3A_2523 = arith.constant 0 : index
      %swap3A_2524 = arith.constant 0 : index
      %swap3A_2525 = arith.constant 0 : index
      %swap3A_2526 = vector.load %arg4[%swap3A_2523, %swap3A_2524, %swap3A_2525] : memref<1x1x112xi32, #tpu.memory_space<vmem>>, vector<1x1x112xi32>
      %swap3A_2527 = vector.shape_cast %swap3A_2526 : vector<1x1x112xi32> to vector<112xi32>
      %swap3A_2528 = vector.shape_cast %concatenate3A_2509 : vector<112xi32> to vector<1x1x112xi32>
      tpu.vector_store %arg4[%swap3A_2523, %swap3A_2524, %swap3A_2525], %swap3A_2528 {strides = array<i32>} : memref<1x1x112xi32, #tpu.memory_space<vmem>>, vector<1x1x112xi32>,
    } else {
    }
    %gt3A_2513 = arith.constant 0 : i32
    %gt3A_2514 = arith.cmpi sgt, %arg1, %gt3A_2513 : i32
    %convert_element_type3A_2515 = arith.extui %gt3A_2514 : i1 to i32
    %cond3A_2516 = arith.constant 0 : i32
    %cond3A_2517 = arith.cmpi ne, %convert_element_type3A_2515, %cond3A_2516 : i32
    scf.if %cond3A_2517 {
      %get3A_2518 = arith.constant 0 : index
      %get3A_2519 = arith.constant 0 : index
      %get3A_2520 = arith.constant 0 : index
      %get3A_2521 = vector.load %arg3[%get3A_2518, %get3A_2519, %get3A_2520] : memref<1x1x112xf32, #tpu.memory_space<vmem>>, vector<1x1x112xf32>
      %get3A_2522 = vector.shape_cast %get3A_2521 : vector<1x1x112xf32> to vector<112xf32>
      %get3A_2523 = arith.constant 0 : index
      %get3A_2524 = arith.constant 0 : index
      %get3A_2525 = arith.constant 0 : index
      %get3A_2526 = vector.load %arg4[%get3A_2523, %get3A_2524, %get3A_2525] : memref<1x1x112xi32, #tpu.memory_space<vmem>>, vector<1x1x112xi32>
      %get3A_2527 = vector.shape_cast %get3A_2526 : vector<1x1x112xi32> to vector<112xi32>
      %gt3A_2528 = arith.cmpf ogt, %concatenate3A, %get3A_2522 : vector<112xf32>
      %select_n3A_2529 = arith.select %gt3A_2528, %concatenate3A, %get3A_2522 : vector<112xi1>, vector<112xf32>
      %swap3A = arith.constant 0 : index
      %swap3A_2530 = arith.constant 0 : index
      %swap3A_2531 = arith.constant 0 : index
      %swap3A_2532 = vector.load %arg3[%swap3A, %swap3A_2530, %swap3A_2531] : memref<1x1x112xf32, #tpu.memory_space<vmem>>, vector<1x1x112xf32>
      %swap3A_2533 = vector.shape_cast %swap3A_2532 : vector<1x1x112xf32> to vector<112xf32>
      %swap3A_2534 = vector.shape_cast %select_n3A_2529 : vector<112xf32> to vector<1x1x112xf32>
      tpu.vector_store %arg3[%swap3A, %swap3A_2530, %swap3A_2531], %swap3A_2534 {strides = array<i32>} : memref<1x1x112xf32, #tpu.memory_space<vmem>>, vector<1x1x112xf32>,
      %select_n3A_2535 = arith.select %gt3A_2528, %concatenate3A_2509, %get3A_2527 : vector<112xi1>, vector<112xi32>
      %swap3A_2536 = arith.constant 0 : index
      %swap3A_2537 = arith.constant 0 : index
      %swap3A_2538 = arith.constant 0 : index
      %swap3A_2539 = vector.load %arg4[%swap3A_2536, %swap3A_2537, %swap3A_2538] : memref<1x1x112xi32, #tpu.memory_space<vmem>>, vector<1x1x112xi32>
      %swap3A_2540 = vector.shape_cast %swap3A_2539 : vector<1x1x112xi32> to vector<112xi32>
      %swap3A_2541 = vector.shape_cast %select_n3A_2535 : vector<112xi32> to vector<1x1x112xi32>
      tpu.vector_store %arg4[%swap3A_2536, %swap3A_2537, %swap3A_2538], %swap3A_2541 {strides = array<i32>} : memref<1x1x112xi32, #tpu.memory_space<vmem>>, vector<1x1x112xi32>,
    } else {
    }
    return
  }
  func.func @transform_0(%arg0: i32, %arg1: i32) -> (i32, i32, i32) {
    %c0_i32 = arith.constant 0 : i32
    %c0_i32_0 = arith.constant 0 : i32
    return %arg0, %arg1, %c0_i32 : i32, i32, i32
  }
  func.func @transform_1(%arg0: i32, %arg1: i32) -> (i32, i32, i32) {
    %c0_i32 = arith.constant 0 : i32
    %c0_i32_0 = arith.constant 0 : i32
    %c0_i32_1 = arith.constant 0 : i32
    return %arg0, %c0_i32, %c0_i32_0 : i32, i32, i32
  }
  func.func @transform_2(%arg0: i32, %arg1: i32) -> (i32, i32, i32) {
    %c0_i32 = arith.constant 0 : i32
    %c0_i32_0 = arith.constant 0 : i32
    %c0_i32_1 = arith.constant 0 : i32
    return %arg0, %c0_i32, %c0_i32_0 : i32, i32, i32
  }
}

</mosaic_0001>

<sc_bundles>
// kernel: kernel.4.cloned.1.call-start
scs
__scs_entry_jumppad:
0x0: {  	(pc) =	sbr.rel $0x88, $3  }
0x1: {  	(tag) =	ssettag $0x0;
	lr =	simm.s32 $0x1  }
0x2: {  	[smem:$0x3F9E] =	sst lr;
	_ =	strace $0xD0000000  }
0x3: {  	_ = 	snop  }
0x4: {  	_ = 	snop  }
0x5: {  	_ = 	snop  }
0x6: {  	_ = 	snop  }
0x7: {  	_ = 	snop  }
__scs_overlays_trampoline_lowered:
0x8: {  	[smem:$0x3FAD] =	sst s0  }
0x9: {  	[smem:$0x3FAE] =	sst s1  }
0xa: {  	[smem:$0x3FAF] =	sst s2  }
0xb: {  	[smem:$0x3FB0] =	sst s3  }
0xc: {  	[smem:$0x3FB1] =	sst s4  }
0xd: {  	[smem:$0x3FB2] =	sst s5  }
0xe: {  	[smem:$0x3FB3] =	sst s6  }
0xf: {  	[smem:$0x3FB4] =	sst s7  }
0x10: {  	[smem:$0x3FB5] =	sst s8  }
0x11: {  	[smem:$0x3FB6] =	sst s9;
	s0 =	simm.s32 @!p0 $0x0  }
0x12: {  	s1 =	sld [smem:$0x3F9C];
	s0 =	simm.s32 @p0 $0x1  }
0x13: {  	[smem:$0x3FB7] =	sst s0;
	s0 =	simm.s32 @!p1 $0x0  }
0x14: {  	s2 =	sld [smem:$0x3F9B];
	s0 =	simm.s32 @p1 $0x1  }
0x15: {  	[smem:$0x3FB8] =	sst s0;
	s0 =	simm.s32 @!p2 $0x0  }
0x16: {  	s3 =	sld [smem:$0x3FDB];
	s0 =	simm.s32 @p2 $0x1  }
0x17: {  	s4 =	simm.s32 $0x1BF5;
	[smem:$0x3FBA] =	sst s0  }
0x18: {  	s0 =	sld [smem:$0x3F9D];
	_ =	swait.ge [sflag:s4], $0x0  }
0x19: {  	s7 =	sld [smem:$0x3F9E]  }
0x1a: {  	s8 =	sadd.s32 $0xFFFFE003, lr  }
0x1b: {  	s9 =	sadd.s32 $0xFFFFFEF7, lr;
	s5 =	simm.s32 $0xFFFFFFFF;
	p2 =	slt.u32 s8, $0xFFFFF086  }
0x1c: {  	p1 =	slt.u32 s9, $0xF7A;
	s5 =	simm.s32 @!p2 $0x0  }
0x1d: {  	s5 =	simm.s32 @p1 $0x1;
	p0 =	seq.s32 s7, s2  }
0x1e: {  	s7 =	smul.u32 @!p0 $0xF7A, s2;
	p2 =	seq.s32 @!p0 s5, $0x0  }
0x1f: {  	s9 =	smul.u32 $0xF7A, s1;
	s8 =	simm.s32 @!p0 $0x1BF5;
	p2 =	por !p2, p0  }
0x20: {  	[sflag:s8] =	ssyncset.s32 @!p0 $0xFFFFF086;
	s6 =	sadd.s32 @!p0 s3, s7;
	s7 =	simm.s32 @!p0 $0x108  }
0x21: {  	s3 =	sadd.s32 s3, s9;
	s6 =	sadd.s32 @!p0 $0x88, s6;
	s7 =	simm.s32 @p2 $0x1082  }
0x22: {  	[simem:s7], [sflag:s8] =	dma.local @!p0 [hbm:s6], $0xF7A  }
0x23: {  	s9 =	sor.u32 $0xD0000000, s2;
	s6 =	simm.s32 $0x108;
	_ =	swait.ge @!p0 [sflag:s8], $0x0  }
0x24: {  	s3 =	sadd.s32 $0x88, s3;
	s6 =	simm.s32 @!p1 $0x1082;
	[sflag:s4] =	ssyncset.s32 $0xFFFFF086  }
0x25: {  	[simem:s6], [sflag:s4] =	dma.local [hbm:s3], $0xF7A  }
0x26: {  	[smem:$0x3F9E] =	sst s1;
	(tag) =	ssettag s2;
	_ =	strace s9  }
0x27: {  	s1 =	sld [smem:$0x3FAE]  }
0x28: {  	s2 =	sld [smem:$0x3FAF]  }
0x29: {  	s4 =	sld [smem:$0x3FB1]  }
0x2a: {  	p0 =	seq.s32 s5, $0x0;
	s5 =	sld [smem:$0x3FB2]  }
0x2b: {  	s6 =	sld [smem:$0x3FB3]  }
0x2c: {  	s7 =	sld [smem:$0x3FB4]  }
0x2d: {  	s3 =	simm.s32 $0x108;
	s8 =	sld [smem:$0x3FB5]  }
0x2e: {  	s3 =	simm.s32 @!p0 $0x1082;
	s9 =	sld [smem:$0x3FB6]  }
0x2f: {  	lr =	sadd.s32 s0, s3;
	s0 =	sld [smem:$0x3FAD]  }
0x30: {  	s3 =	sld [smem:$0x3FB0]  }
0x31: {  	[smem:$0x3FB9] =	sst s10  }
0x32: {  	s10 =	sld [smem:$0x3FB7];
	_ =	sdelay $0x3  }
0x33: {  	p0 =	seq.s32 s10, $0x1;
	s10 =	sld [smem:$0x3FB9];
	_ =	sdelay $0x3  }
0x34: {  	[smem:$0x3FB9] =	sst s10  }
0x35: {  	s10 =	sld [smem:$0x3FB8];
	_ =	sdelay $0x3  }
0x36: {  	p1 =	seq.s32 s10, $0x1;
	s10 =	sld [smem:$0x3FB9];
	_ =	sdelay $0x3  }
0x37: {  	[smem:$0x3FB9] =	sst s10  }
0x38: {  	s10 =	sld [smem:$0x3FBA]  }
0x39: {  	_ = 	snop;
	(pc) =	sbr.ind lr, $3  }
0x3a: {  	_ = 	snop  }
0x3b: {  	_ = 	snop  }
0x3c: {  	p2 =	seq.s32 s10, $0x1;
	s10 =	sld [smem:$0x3FB9]  }
0x3d: {  	_ =	shalt  }
0x3e: {  	_ =	shalt  }
0x3f: {  	_ =	shalt  }
0x40: {  	_ =	shalt  }
0x41: {  	_ =	shalt  }
0x42: {  	_ =	shalt  }
0x43: {  	_ =	shalt  }
0x44: {  	_ =	shalt  }
0x45: {  	_ =	shalt  }
0x46: {  	_ =	shalt  }
0x47: {  	_ =	shalt  }
0x48: {  	_ =	shalt  }
0x49: {  	_ =	shalt  }
0x4a: {  	_ =	shalt  }
0x4b: {  	_ =	shalt  }
0x4c: {  	_ =	shalt  }
0x4d: {  	_ =	shalt  }
0x4e: {  	_ =	shalt  }
0x4f: {  	_ =	shalt  }
0x50: {  	_ =	shalt  }
0x51: {  	_ =	shalt  }
0x52: {  	_ =	shalt  }
0x53: {  	_ =	shalt  }
0x54: {  	_ =	shalt  }
0x55: {  	_ =	shalt  }
0x56: {  	_ =	shalt  }
0x57: {  	_ =	shalt  }
0x58: {  	_ =	shalt  }
0x59: {  	_ =	shalt  }
0x5a: {  	_ =	shalt  }
0x5b: {  	_ =	shalt  }
0x5c: {  	_ =	shalt  }
0x5d: {  	_ =	shalt  }
0x5e: {  	_ =	shalt  }
0x5f: {  	_ =	shalt  }
0x60: {  	_ =	shalt  }
0x61: {  	_ =	shalt  }
0x62: {  	_ =	shalt  }
0x63: {  	_ =	shalt  }
0x64: {  	_ =	shalt  }
0x65: {  	_ =	shalt  }
0x66: {  	_ =	shalt  }
0x67: {  	_ =	shalt  }
0x68: {  	_ =	shalt  }
0x69: {  	_ =	shalt  }
0x6a: {  	_ =	shalt  }
0x6b: {  	_ =	shalt  }
0x6c: {  	_ =	shalt  }
0x6d: {  	_ =	shalt  }
0x6e: {  	_ =	shalt  }
0x6f: {  	_ =	shalt  }
0x70: {  	_ =	shalt  }
0x71: {  	_ =	shalt  }
0x72: {  	_ =	shalt  }
0x73: {  	_ =	shalt  }
0x74: {  	_ =	shalt  }
0x75: {  	_ =	shalt  }
0x76: {  	_ =	shalt  }
0x77: {  	_ =	shalt  }
0x78: {  	_ =	shalt  }
0x79: {  	_ =	shalt  }
0x7a: {  	_ =	shalt  }
0x7b: {  	_ =	shalt  }
0x7c: {  	_ =	shalt  }
0x7d: {  	_ =	shalt  }
0x7e: {  	_ =	shalt  }
0x7f: {  	_ =	shalt  }
0x80: {  	_ =	shalt  }
0x81: {  	_ =	shalt  }
0x82: {  	_ =	shalt  }
0x83: {  	_ =	shalt  }
0x84: {  	_ =	shalt  }
0x85: {  	_ =	shalt  }
0x86: {  	_ =	shalt  }
0x87: {  	_ =	shalt  }
.Lfunc_end0:
.L_simem_size_0:
called_computation_lowered:
.L_overlay_start_0:
0x88: {  	s2 =	sld [smem:$0x3FD9]  }
0x89: {  	s3 =	sld [smem:$0x3FFE];
	_ =	sdelay $0x1  }
0x8a: {  	s1 =	srdreg.scid  }
0x8b: {  	s0 =	sand.u32 $0x1, s1  }
0x8c: {  	s14 =	sshll.u32 s0, $0xA;
	s2 =	sadd.s32 s3, s2  }
0x8d: {  	s2 =	sadd.s32 s2, s14  }
0x8e: {  	[smem:$0x3FC5] =	sst s2  }
0x8f: {  	_ = 	snop  }
0x90: {  	s2 =	sld [smem:$0x3FD0];
	_ =	sdelay $0x2  }
0x91: {  	s15 =	simm.s32 $0xA;
	s4 =	simm.s32 $0x10  }
0x92: {  	[smem:s4], [sflag:s15] =	dma.local [hbm:s2], $0x1  }
0x93: {  	_ =	swait.eq [sflag:s15], $0x1  }
0x94: {  	s16 =	sld [smem:$0x10];
	[sflag:s15] =	ssyncset.done $0x0  }
0x95: {  	s17 =	sld [smem:$0x11];
	[sflag:s15] =	ssyncadd.s32 $0xFFFFFFFF  }
0x96: {  	s18 =	sld [smem:$0x12];
	(tm) =	ssettm $0x1  }
0x97: {  	s5 =	sld [smem:$0x3FFB];
	_ =	sdelay $0x3  }
0x98: {  	_ =	strace s5  }
0x99: {  	s5 =	sld [smem:$0x3FFC];
	_ =	sdelay $0x3  }
0x9a: {  	_ =	strace s5  }
0x9b: {  	s5 =	sld [smem:$0x3FFD];
	_ =	sdelay $0x3  }
0x9c: {  	_ =	strace s5  }
0x9d: {  	_ =	strace $0x8FFFFFFF  }
0x9e: {  	s19 =	sld [smem:$0x3FDB];
	_ =	sdelay $0x1  }
0x9f: {  	s6 =	simm.s32 $_scs_section_size  }
0xa0: {  	s7 =	simm.s32 $_size__tile_overlayer_lowered;
	s8 =	simm.s32 $_tile_overlayer_lowered  }
0xa1: {  	s22 =	simm.s32 $0x1BFF;
	s21 =	sshll.u32 s8, $0x1;
	s5 =	sadd.s32 s6, s19  }
0xa2: {  	s9 =	simm.s32 $0x0;
	s20 =	sshll.u32 s7, $0x1;
	s7 =	sadd.s32 s21, s5  }
0xa3: {  	[timem:s9], [sflag:s22] =	dma.local [hbm:s7], s20  }
0xa4: {  	_ =	swait.ge [sflag:s22], s20  }
0xa5: {  	s6 =	ssub.s32 $0x0, s20;
	[sflag:s22] =	ssyncset.done $0x0  }
0xa6: {  	[sflag:s22] =	ssyncadd.s32 s6;
	_ =	sdelay $0x1  }
0xa7: {  	s23 =	simm.s32 $0x1B8B  }
0xa8: {  	_ =	swait.ge [sflag:s23], $0x1  }
0xa9: {  	[sflag:s23] =	ssyncset.done $0x0  }
0xaa: {  	s25 =	simm.s32 $0x1B8E;
	s24 =	sld [smem:$0x3FFE];
	[sflag:s23] =	ssyncadd.s32 $0xFFFFFFFF  }
0xab: {  	s26 =	simm.s32 $execute0_lowered;
	[smem:$0x3FD2] =	sst s25  }
0xac: {  	s7 =	sshll.u32 s26, $0x1;
	_ =	strace $0x80000046;
	[dreg:$0x1] =	wrdreg $0xFFFFFFFF  }
0xad: {  	s28 =	simm.s32 $_size_execute0_lowered;
	s5 =	sadd.s32 s5, s7;
	[dreg:$0x0] =	wrdreg $0x0  }
0xae: {  	s7 =	sshll.u32 s28, $0x1;
	[dreg:$0x2] =	wrdreg s5  }
0xaf: {  	[dreg:$0x3] =	wrdreg s7  }
0xb0: {  	[dreg:$0x4] =	wrdreg $0xC0  }
0xb1: {  	_ =	task [dreg:s9], $0x5FFFF  }
0xb2: {  	[dreg:$0x1] =	wrdreg $0xFFFFFFFF  }
0xb3: {  	[dreg:$0x0] =	wrdreg $0x60  }
0xb4: {  	[dreg:$0x2] =	wrdreg s17  }
0xb5: {  	[dreg:$0x3] =	wrdreg s18  }
0xb6: {  	[dreg:$0x4] =	wrdreg s24  }
0xb7: {  	[dreg:$0x5] =	wrdreg s16  }
0xb8: {  	[dreg:$0x6] =	wrdreg $0x9  }
0xb9: {  	_ =	task.clear_ibuf [dreg:s9], $0x7FFFF;
	_ =	strace $0x90000046  }
0xba: {  	s29 =	simm.s32 $0x9;
	_ =	strace $0x80000048  }
0xbb: {  	_ =	swait.ge [sflag:s29], $0x1  }
0xbc: {  	[sflag:s29] =	ssyncadd.s32 $0xFFFFFFFF  }
0xbd: {  	_ =	strace $0x90000048  }
0xbe: {  	_ =	sfence  }
0xbf: {  	s30 =	sld [smem:$0x0];
	_ =	sdelay $0x2  }
0xc0: {  	s31 =	sshll.u32 s1, $0xD;
	s1 =	sshrl.u32 s1, $0x2  }
0xc1: {  	s3 =	sand.u32 $0x4000, s31;
	s1 =	sadd.s32 s1, s30  }
0xc2: {  	s0 =	sor.u32 s3, s0;
	s1 =	sshll.u32 s1, $0x11  }
0xc3: {  	s0 =	sor.u32 s1, s0  }
0xc4: {  	s0 =	sadd.s32 $0x8F2B, s0  }
0xc5: {  	[sflag:s0] =	ssyncadd.remote.s32 $0x1  }
0xc6: {  	_ =	sfence.sel $0xFFFF  }
0xc7: {  	[dreg:$0x0] =	wrdreg $0xFFFFFFFF;
	(pc) =	sbr.abs _section_cstart, $3  }
0xc8: {  	[dreg:$0x1] =	wrdreg $0xFFFFFFFF  }
0xc9: {  	_ =	task.clear_ibuf [dreg:s9], $0x2FFFF;
	_ =	strace $0x9FFFFFFF  }
0xca: {  	(tm) =	ssettm $0x7FFFFFFF  }
0xcb: {  	_ =	shalt  }
tec
execute0_lowered:
.L_overlay_start_1:
0x0: {  	(tag) =	ssettag $0x1  }
0x1: {  	s2 =	srdreg.scid  }
0x2: {  	s2 =	sand.u32 $0x1, s2  }
0x3: {  	p0 =	seq.s32 s2, $0x1  }
.Ltmp0:
0x4: {  	s1 =	rddreg [dreg:$0x0];
	(pc) =	sbr.rel @p0 .LBB2_2-.Ltmp0, $4  }
0x5: {  	s0 =	rddreg [dreg:$0x1]  }
0x6: {  	s4 =	rddreg [dreg:$0x2];
	s23 =	simm.s32 $0x0  }
0x7: {  	[smem:$0x7FF] =	sst s23  }
0x8: {  	s3 =	rddreg [dreg:$0x4];
	_ =	strace $0x80000047;
	s2 =	stileid.u32  }
0x9: {  	s3 =	sshll.u32 s2, $0x4  }
0xa: {  	s13 =	simm.s32 $0x2;
	[dreg:$0x5] =	wrdreg s3;
	s1 =	sadd.s32 s1, s3  }
0xb: {  	[tilespmem:s23], [sflag:$0x2] =	stream.linear.gather [hbm4b:s1+s23], $0x80, $0x38;
	[tilespmem:$0xD00] =	vst v63  }
0xc: {  	_ =	swait.ge [sflag:s13], $0x80  }
0xd: {  	[sflag:s13] =	ssyncset.done $0x0  }
0xe: {  	s28 =	simm.s32 $0x80;
	s0 =	sadd.s32 s0, s3;
	[sflag:s13] =	ssyncadd.s32 $0xFFFFFF80  }
0xf: {  	[tilespmem:s28], [sflag:$0x2] =	stream.linear.gather [hbm4b:s0+s23], $0x80, $0x38;
	[tilespmem:$0xD00] =	vst v63  }
0x10: {  	_ =	swait.ge [sflag:s13], $0x80  }
0x11: {  	s29 =	sadd.s32 $0x1200, s4;
	[sflag:s13] =	ssyncset.done $0x0  }
0x12: {  	s30 =	simm.s32 $0x100;
	s0 =	sadd.s32 s29, s3;
	[sflag:s13] =	ssyncadd.s32 $0xFFFFFF80  }
0x13: {  	[tilespmem:s30], [sflag:$0x2] =	stream.linear.gather [hbm4b:s0+s23], $0x80, $0x38;
	[tilespmem:$0xD00] =	vst v63  }
0x14: {  	_ =	swait.ge [sflag:s13], $0x80  }
0x15: {  	[sflag:s13] =	ssyncset.done $0x0  }
0x16: {  	[sflag:s13] =	ssyncadd.s32 $0xFFFFFF80  }
0x17: {  	v0 =	vld [tilespmem:$0x100];
	_ =	sdelay $0x4  }
0x18: {  	(v2sf) =	vpush v0, $0x0;
	_ =	sdelay $0xe  }
0x19: {  	s31 =	spop (v2sf)  }
0x1a: {  	v30 =	vld [tilespmem:s31+$0x80];
	_ =	sdelay $0x4  }
0x1b: {  	(v2sf) =	vpush v30, $0x0;
	_ =	sdelay $0xd  }
0x1c: {  	s11 =	smul.u32 $0x4E20, s2  }
0x1d: {  	s2 =	spop (v2sf)  }
0x1e: {  	s1 =	sadd.s32 s11, s2  }
0x1f: {  	s1 =	sshll.u32 s1, $0x2  }
0x20: {  	s8 =	sand.u32 $0xFFFFFFF8, s1  }
0x21: {  	p0 =	slt.s32 s8, $0x138780  }
0x22: {  	s8 =	simm.s32 @!p0 $0x138780  }
0x23: {  	s12 =	sadd.s32 $0x4E3200, s4;
	s3 =	sshrl.u32 s8, $0x3  }
0x24: {  	s5 =	simm.s32 $0x200;
	s4 =	sadd.s32 s12, s3  }
0x25: {  	v31 =	vld [tilespmem:s31+$0x0];
	[tilespmem:s5], [sflag:$0x1] =	stream.linear.gather [hbm4b:s4+s23], $0x80, $0x38  }
0x26: {  	v1 =	vld [tilespmem:$0x100];
	_ =	sdelay $0x4  }
0x27: {  	(v2sf) =	vpush v1, $0x1;
	_ =	sdelay $0xe  }
0x28: {  	s6 =	spop (v2sf)  }
0x29: {  	v32 =	vld [tilespmem:s6+$0x80];
	_ =	sdelay $0x4  }
0x2a: {  	(v2sf) =	vpush v32, $0x0;
	_ =	sdelay $0xe  }
0x2b: {  	s7 =	spop (v2sf)  }
0x2c: {  	[dreg:$0x6] =	wrdreg s1;
	s1 =	sadd.s32 s11, s7  }
0x2d: {  	s1 =	sshll.u32 s1, $0x2  }
0x2e: {  	s10 =	sand.u32 $0xFFFFFFF8, s1  }
0x2f: {  	p0 =	slt.s32 s10, $0x138780  }
0x30: {  	s10 =	simm.s32 @!p0 $0x138780  }
0x31: {  	s9 =	sshrl.u32 s10, $0x3  }
0x32: {  	s14 =	simm.s32 $0x280;
	[dreg:$0x7] =	wrdreg s1;
	s1 =	sadd.s32 s12, s9  }
0x33: {  	v33 =	vld.msk [tilespmem:s6+$0x0 ss:$0x0], $0xffff;
	[tilespmem:s14], [sflag:$0x1] =	stream.linear.gather [hbm4b:s1+s23], $0x80, $0x38  }
0x34: {  	v2 =	vld [tilespmem:$0x100];
	_ =	sdelay $0x4  }
0x35: {  	(v2sf) =	vpush v2, $0x2;
	_ =	sdelay $0xe  }
0x36: {  	s15 =	spop (v2sf)  }
0x37: {  	v34 =	vld [tilespmem:s15+$0x80];
	_ =	sdelay $0x4  }
0x38: {  	(v2sf) =	vpush v34, $0x0;
	_ =	sdelay $0xe  }
0x39: {  	s16 =	spop (v2sf)  }
0x3a: {  	s1 =	sadd.s32 s11, s16  }
0x3b: {  	s1 =	sshll.u32 s1, $0x2  }
0x3c: {  	s14 =	sand.u32 $0xFFFFFFF8, s1  }
0x3d: {  	p0 =	slt.s32 s14, $0x138780  }
0x3e: {  	s14 =	simm.s32 @!p0 $0x138780  }
0x3f: {  	s17 =	sshrl.u32 s14, $0x3  }
0x40: {  	s18 =	simm.s32 $0x300;
	[dreg:$0x8] =	wrdreg s1;
	s1 =	sadd.s32 s12, s17  }
0x41: {  	v35 =	vld.msk [tilespmem:s15+$0x0 ss:$0x0], $0xffff;
	[tilespmem:s18], [sflag:$0x1] =	stream.linear.gather [hbm4b:s1+s23], $0x80, $0x38  }
0x42: {  	v3 =	vld [tilespmem:$0x100];
	_ =	sdelay $0x4  }
0x43: {  	(v2sf) =	vpush v3, $0x3;
	_ =	sdelay $0xe  }
0x44: {  	s19 =	spop (v2sf)  }
0x45: {  	v36 =	vld [tilespmem:s19+$0x80];
	_ =	sdelay $0x4  }
0x46: {  	(v2sf) =	vpush v36, $0x0;
	_ =	sdelay $0xe  }
0x47: {  	s20 =	spop (v2sf)  }
0x48: {  	s1 =	sadd.s32 s11, s20  }
0x49: {  	s1 =	sshll.u32 s1, $0x2  }
0x4a: {  	s16 =	sand.u32 $0xFFFFFFF8, s1  }
0x4b: {  	p0 =	slt.s32 s16, $0x138780  }
0x4c: {  	s16 =	simm.s32 @!p0 $0x138780  }
0x4d: {  	s21 =	sshrl.u32 s16, $0x3  }
0x4e: {  	s22 =	simm.s32 $0x380;
	[dreg:$0x9] =	wrdreg s1;
	s1 =	sadd.s32 s12, s21  }
0x4f: {  	v37 =	vld.msk [tilespmem:s19+$0x0 ss:$0x0], $0xffff;
	[tilespmem:s22], [sflag:$0x1] =	stream.linear.gather [hbm4b:s1+s23], $0x80, $0x38  }
0x50: {  	v4 =	vld [tilespmem:$0x100];
	_ =	sdelay $0x4  }
0x51: {  	(v2sf) =	vpush v4, $0x4;
	_ =	sdelay $0xe  }
0x52: {  	s24 =	spop (v2sf)  }
0x53: {  	v38 =	vld [tilespmem:s24+$0x80];
	_ =	sdelay $0x4  }
0x54: {  	(v2sf) =	vpush v38, $0x0;
	_ =	sdelay $0xe  }
0x55: {  	s25 =	spop (v2sf)  }
0x56: {  	s1 =	sadd.s32 s11, s25  }
0x57: {  	s1 =	sshll.u32 s1, $0x2  }
0x58: {  	s18 =	sand.u32 $0xFFFFFFF8, s1  }
0x59: {  	p0 =	slt.s32 s18, $0x138780  }
0x5a: {  	s18 =	simm.s32 @!p0 $0x138780  }
0x5b: {  	s26 =	sshrl.u32 s18, $0x3  }
0x5c: {  	s28 =	simm.s32 $0x400;
	[dreg:$0xa] =	wrdreg s1;
	s1 =	sadd.s32 s12, s26  }
0x5d: {  	v39 =	vld.msk [tilespmem:s24+$0x0 ss:$0x0], $0xffff;
	[tilespmem:s28], [sflag:$0x1] =	stream.linear.gather [hbm4b:s1+s23], $0x80, $0x38  }
0x5e: {  	v5 =	vld [tilespmem:$0x100];
	_ =	sdelay $0x4  }
0x5f: {  	(v2sf) =	vpush v5, $0x5;
	_ =	sdelay $0xe  }
0x60: {  	s29 =	spop (v2sf)  }
0x61: {  	v40 =	vld [tilespmem:s29+$0x80];
	_ =	sdelay $0x4  }
0x62: {  	(v2sf) =	vpush v40, $0x0;
	_ =	sdelay $0xe  }
0x63: {  	s30 =	spop (v2sf)  }
0x64: {  	s1 =	sadd.s32 s11, s30  }
0x65: {  	s1 =	sshll.u32 s1, $0x2  }
0x66: {  	s20 =	sand.u32 $0xFFFFFFF8, s1  }
0x67: {  	p0 =	slt.s32 s20, $0x138780  }
0x68: {  	s20 =	simm.s32 @!p0 $0x138780  }
0x69: {  	s31 =	sshrl.u32 s20, $0x3  }
0x6a: {  	s2 =	simm.s32 $0x480;
	[dreg:$0xb] =	wrdreg s1;
	s1 =	sadd.s32 s12, s31  }
0x6b: {  	v41 =	vld.msk [tilespmem:s29+$0x0 ss:$0x0], $0xffff;
	[tilespmem:s2], [sflag:$0x1] =	stream.linear.gather [hbm4b:s1+s23], $0x80, $0x38  }
0x6c: {  	v6 =	vld [tilespmem:$0x100];
	_ =	sdelay $0x4  }
0x6d: {  	(v2sf) =	vpush v6, $0x6;
	_ =	sdelay $0xe  }
0x6e: {  	s3 =	spop (v2sf)  }
0x6f: {  	v42 =	vld [tilespmem:s3+$0x80];
	_ =	sdelay $0x4  }
0x70: {  	(v2sf) =	vpush v42, $0x0;
	_ =	sdelay $0xe  }
0x71: {  	s4 =	spop (v2sf)  }
0x72: {  	s1 =	sadd.s32 s11, s4  }
0x73: {  	s1 =	sshll.u32 s1, $0x2  }
0x74: {  	s22 =	sand.u32 $0xFFFFFFF8, s1  }
0x75: {  	p0 =	slt.s32 s22, $0x138780  }
0x76: {  	s22 =	simm.s32 @!p0 $0x138780  }
0x77: {  	s5 =	sshrl.u32 s22, $0x3  }
0x78: {  	s6 =	simm.s32 $0x500;
	[dreg:$0xc] =	wrdreg s1;
	s1 =	sadd.s32 s12, s5  }
0x79: {  	v43 =	vld.msk [tilespmem:s3+$0x0 ss:$0x0], $0xffff;
	[tilespmem:s6], [sflag:$0x1] =	stream.linear.gather [hbm4b:s1+s23], $0x80, $0x38  }
0x7a: {  	v7 =	vld [tilespmem:$0x100];
	_ =	sdelay $0x4  }
0x7b: {  	(v2sf) =	vpush v7, $0x7;
	_ =	sdelay $0xe  }
0x7c: {  	s7 =	spop (v2sf)  }
0x7d: {  	v44 =	vld [tilespmem:s7+$0x80];
	_ =	sdelay $0x4  }
0x7e: {  	(v2sf) =	vpush v44, $0x0;
	_ =	sdelay $0xe  }
0x7f: {  	s9 =	spop (v2sf)  }
0x80: {  	s1 =	sadd.s32 s11, s9  }
0x81: {  	s1 =	sshll.u32 s1, $0x2  }
0x82: {  	s24 =	sand.u32 $0xFFFFFFF8, s1  }
0x83: {  	p0 =	slt.s32 s24, $0x138780  }
0x84: {  	s24 =	simm.s32 @!p0 $0x138780  }
0x85: {  	s15 =	sshrl.u32 s24, $0x3  }
0x86: {  	s17 =	simm.s32 $0x580;
	[dreg:$0xd] =	wrdreg s1;
	s1 =	sadd.s32 s12, s15  }
0x87: {  	v45 =	vld.msk [tilespmem:s7+$0x0 ss:$0x0], $0xffff;
	[tilespmem:s17], [sflag:$0x1] =	stream.linear.gather [hbm4b:s1+s23], $0x80, $0x38  }
0x88: {  	v8 =	vld [tilespmem:$0x100];
	_ =	sdelay $0x4  }
0x89: {  	(v2sf) =	vpush v8, $0x8;
	_ =	sdelay $0xe  }
0x8a: {  	s19 =	spop (v2sf)  }
0x8b: {  	v46 =	vld [tilespmem:s19+$0x80];
	_ =	sdelay $0x4  }
0x8c: {  	(v2sf) =	vpush v46, $0x0;
	_ =	sdelay $0xe  }
0x8d: {  	s21 =	spop (v2sf)  }
0x8e: {  	s1 =	sadd.s32 s11, s21  }
0x8f: {  	s1 =	sshll.u32 s1, $0x2  }
0x90: {  	s26 =	sand.u32 $0xFFFFFFF8, s1  }
0x91: {  	p0 =	slt.s32 s26, $0x138780  }
0x92: {  	s26 =	simm.s32 @!p0 $0x138780  }
0x93: {  	s25 =	sshrl.u32 s26, $0x3  }
0x94: {  	s29 =	simm.s32 $0x600;
	s28 =	sadd.s32 s12, s25  }
0x95: {  	v47 =	vld.msk [tilespmem:s19+$0x0 ss:$0x0], $0xffff;
	[tilespmem:s29], [sflag:$0x1] =	stream.linear.gather [hbm4b:s28+s23], $0x80, $0x38  }
0x96: {  	v9 =	vld [tilespmem:$0x100];
	_ =	sdelay $0x4  }
0x97: {  	(v2sf) =	vpush v9, $0x9;
	_ =	sdelay $0xe  }
0x98: {  	s30 =	spop (v2sf)  }
0x99: {  	v48 =	vld [tilespmem:s30+$0x80];
	_ =	sdelay $0x4  }
0x9a: {  	(v2sf) =	vpush v48, $0x0;
	_ =	sdelay $0xe  }
0x9b: {  	s31 =	spop (v2sf)  }
0x9c: {  	[dreg:$0xe] =	wrdreg s1;
	s1 =	sadd.s32 s11, s31  }
0x9d: {  	s1 =	sshll.u32 s1, $0x2  }
0x9e: {  	s29 =	sand.u32 $0xFFFFFFF8, s1  }
0x9f: {  	p0 =	slt.s32 s29, $0x138780  }
0xa0: {  	s29 =	simm.s32 @!p0 $0x138780  }
0xa1: {  	s2 =	sshrl.u32 s29, $0x3  }
0xa2: {  	s4 =	simm.s32 $0x680;
	s3 =	sadd.s32 s12, s2  }
0xa3: {  	v49 =	vld.msk [tilespmem:s30+$0x0 ss:$0x0], $0xffff;
	[tilespmem:s4], [sflag:$0x1] =	stream.linear.gather [hbm4b:s3+s23], $0x80, $0x38  }
0xa4: {  	v10 =	vld [tilespmem:$0x100];
	_ =	sdelay $0x4  }
0xa5: {  	(v2sf) =	vpush v10, $0xA;
	_ =	sdelay $0xe  }
0xa6: {  	s5 =	spop (v2sf)  }
0xa7: {  	v50 =	vld [tilespmem:s5+$0x80];
	_ =	sdelay $0x4  }
0xa8: {  	(v2sf) =	vpush v50, $0x0;
	_ =	sdelay $0xe  }
0xa9: {  	s6 =	spop (v2sf)  }
0xaa: {  	[dreg:$0xf] =	wrdreg s1;
	s1 =	sadd.s32 s11, s6  }
0xab: {  	s1 =	sshll.u32 s1, $0x2  }
0xac: {  	s31 =	sand.u32 $0xFFFFFFF8, s1  }
0xad: {  	p0 =	slt.s32 s31, $0x138780  }
0xae: {  	s31 =	simm.s32 @!p0 $0x138780  }
0xaf: {  	s7 =	sshrl.u32 s31, $0x3  }
0xb0: {  	s15 =	simm.s32 $0x700;
	s9 =	sadd.s32 s12, s7  }
0xb1: {  	v51 =	vld.msk [tilespmem:s5+$0x0 ss:$0x0], $0xffff;
	[tilespmem:s15], [sflag:$0x1] =	stream.linear.gather [hbm4b:s9+s23], $0x80, $0x38  }
0xb2: {  	v11 =	vld [tilespmem:$0x100];
	_ =	sdelay $0x4  }
0xb3: {  	(v2sf) =	vpush v11, $0xB;
	_ =	sdelay $0xe  }
0xb4: {  	s17 =	spop (v2sf)  }
0xb5: {  	v52 =	vld [tilespmem:s17+$0x80];
	_ =	sdelay $0x4  }
0xb6: {  	(v2sf) =	vpush v52, $0x0;
	_ =	sdelay $0xe  }
0xb7: {  	s19 =	spop (v2sf)  }
0xb8: {  	[dreg:$0x10] =	wrdreg s1;
	s1 =	sadd.s32 s11, s19  }
0xb9: {  	s1 =	sshll.u32 s1, $0x2  }
0xba: {  	s6 =	sand.u32 $0xFFFFFFF8, s1  }
0xbb: {  	p0 =	slt.s32 s6, $0x138780  }
0xbc: {  	s6 =	simm.s32 @!p0 $0x138780  }
0xbd: {  	s21 =	sshrl.u32 s6, $0x3  }
0xbe: {  	s28 =	simm.s32 $0x780;
	s25 =	sadd.s32 s12, s21  }
0xbf: {  	v53 =	vld.msk [tilespmem:s17+$0x0 ss:$0x0], $0xffff;
	[tilespmem:s28], [sflag:$0x1] =	stream.linear.gather [hbm4b:s25+s23], $0x80, $0x38  }
0xc0: {  	v12 =	vld [tilespmem:$0x100];
	_ =	sdelay $0x4  }
0xc1: {  	(v2sf) =	vpush v12, $0xC;
	_ =	sdelay $0xe  }
0xc2: {  	s30 =	spop (v2sf)  }
0xc3: {  	v54 =	vld [tilespmem:s30+$0x80];
	_ =	sdelay $0x4  }
0xc4: {  	(v2sf) =	vpush v54, $0x0;
	_ =	sdelay $0xe  }
0xc5: {  	s2 =	spop (v2sf)  }
0xc6: {  	[dreg:$0x11] =	wrdreg s1;
	s1 =	sadd.s32 s11, s2  }
0xc7: {  	s1 =	sshll.u32 s1, $0x2  }
0xc8: {  	s5 =	sand.u32 $0xFFFFFFF8, s1  }
0xc9: {  	p0 =	slt.s32 s5, $0x138780  }
0xca: {  	s5 =	simm.s32 @!p0 $0x138780  }
0xcb: {  	s3 =	sshrl.u32 s5, $0x3  }
0xcc: {  	s7 =	simm.s32 $0x800;
	s4 =	sadd.s32 s12, s3  }
0xcd: {  	v55 =	vld.msk [tilespmem:s30+$0x0 ss:$0x0], $0xffff;
	[tilespmem:s7], [sflag:$0x1] =	stream.linear.gather [hbm4b:s4+s23], $0x80, $0x38  }
0xce: {  	v13 =	vld [tilespmem:$0x100];
	_ =	sdelay $0x4  }
0xcf: {  	(v2sf) =	vpush v13, $0xD;
	_ =	sdelay $0xe  }
0xd0: {  	s9 =	spop (v2sf)  }
0xd1: {  	v56 =	vld [tilespmem:s9+$0x80];
	_ =	sdelay $0x4  }
0xd2: {  	(v2sf) =	vpush v56, $0x0;
	_ =	sdelay $0xe  }
0xd3: {  	s15 =	spop (v2sf)  }
0xd4: {  	[dreg:$0x12] =	wrdreg s1;
	s1 =	sadd.s32 s11, s15  }
0xd5: {  	s1 =	sshll.u32 s1, $0x2  }
0xd6: {  	s4 =	sand.u32 $0xFFFFFFF8, s1  }
0xd7: {  	p0 =	slt.s32 s4, $0x138780  }
0xd8: {  	s4 =	simm.s32 @!p0 $0x138780  }
0xd9: {  	s17 =	sshrl.u32 s4, $0x3  }
0xda: {  	s21 =	simm.s32 $0x880;
	s19 =	sadd.s32 s12, s17  }
0xdb: {  	v57 =	vld.msk [tilespmem:s9+$0x0 ss:$0x0], $0xffff;
	[tilespmem:s21], [sflag:$0x1] =	stream.linear.gather [hbm4b:s19+s23], $0x80, $0x38  }
0xdc: {  	v14 =	vld [tilespmem:$0x100];
	_ =	sdelay $0x4  }
0xdd: {  	(v2sf) =	vpush v14, $0xE;
	_ =	sdelay $0xe  }
0xde: {  	s25 =	spop (v2sf)  }
0xdf: {  	v58 =	vld [tilespmem:s25+$0x80];
	_ =	sdelay $0x4  }
0xe0: {  	(v2sf) =	vpush v58, $0x0;
	_ =	sdelay $0xe  }
0xe1: {  	s28 =	spop (v2sf)  }
0xe2: {  	[dreg:$0x13] =	wrdreg s1;
	s1 =	sadd.s32 s11, s28  }
0xe3: {  	s21 =	sshll.u32 s1, $0x2  }
0xe4: {  	s3 =	sand.u32 $0xFFFFFFF8, s21  }
0xe5: {  	p0 =	slt.s32 s3, $0x138780  }
0xe6: {  	s3 =	simm.s32 @!p0 $0x138780  }
0xe7: {  	s30 =	sshrl.u32 s3, $0x3  }
0xe8: {  	s7 =	simm.s32 $0x900;
	s2 =	sadd.s32 s12, s30  }
0xe9: {  	v59 =	vld.msk [tilespmem:s25+$0x0 ss:$0x0], $0xffff;
	[tilespmem:s7], [sflag:$0x1] =	stream.linear.gather [hbm4b:s2+s23], $0x80, $0x38  }
0xea: {  	v15 =	vld [tilespmem:$0x100];
	_ =	sdelay $0x4  }
0xeb: {  	(v2sf) =	vpush v15, $0xF;
	_ =	sdelay $0xe  }
0xec: {  	s9 =	spop (v2sf)  }
0xed: {  	v60 =	vld [tilespmem:s9+$0x80];
	_ =	sdelay $0x4  }
0xee: {  	(v2sf) =	vpush v60, $0x0;
	_ =	sdelay $0xe  }
0xef: {  	s15 =	spop (v2sf)  }
0xf0: {  	s1 =	sadd.s32 s11, s15  }
0xf1: {  	s19 =	sshll.u32 s1, $0x2  }
0xf2: {  	s1 =	sand.u32 $0xFFFFFFF8, s19  }
0xf3: {  	p0 =	slt.s32 s1, $0x138780  }
0xf4: {  	s1 =	simm.s32 @!p0 $0x138780  }
0xf5: {  	s17 =	sshrl.u32 s1, $0x3  }
0xf6: {  	s28 =	simm.s32 $0x980;
	s25 =	sadd.s32 s12, s17  }
0xf7: {  	v61 =	vld.msk [tilespmem:s9+$0x0 ss:$0x0], $0xffff;
	[tilespmem:s28], [sflag:$0x1] =	stream.linear.gather [hbm4b:s25+s23], $0x80, $0x38  }
0xf8: {  	v16 =	vld [tilespmem:$0x110];
	_ =	sdelay $0x4  }
0xf9: {  	(v2sf) =	vpush v16, $0x0;
	_ =	sdelay $0xe  }
0xfa: {  	s30 =	spop (v2sf)  }
0xfb: {  	v62 =	vld [tilespmem:s30+$0x80];
	_ =	sdelay $0x4  }
0xfc: {  	(v2sf) =	vpush v62, $0x0;
	_ =	sdelay $0xe  }
0xfd: {  	s7 =	spop (v2sf)  }
0xfe: {  	s0 =	sadd.s32 s11, s7  }
0xff: {  	s17 =	sshll.u32 s0, $0x2  }
0x100: {  	s0 =	sand.u32 $0xFFFFFFF8, s17  }
0x101: {  	p0 =	slt.s32 s0, $0x138780  }
0x102: {  	s0 =	simm.s32 @!p0 $0x138780  }
0x103: {  	s7 =	sshrl.u32 s0, $0x3  }
0x104: {  	s15 =	simm.s32 $0xA00;
	s9 =	sadd.s32 s12, s7  }
0x105: {  	v63 =	vld [tilespmem:s30+$0x0];
	[tilespmem:s15], [sflag:$0x1] =	stream.linear.gather [hbm4b:s9+s23], $0x80, $0x38  }
0x106: {  	v17 =	vld [tilespmem:$0x110];
	_ =	sdelay $0x4  }
0x107: {  	(v2sf) =	vpush v17, $0x1;
	_ =	sdelay $0xe  }
0x108: {  	s25 =	spop (v2sf)  }
0x109: {  	v21 =	vld [tilespmem:s25+$0x80];
	_ =	sdelay $0x4  }
0x10a: {  	(v2sf) =	vpush v21, $0x0;
	_ =	sdelay $0xe  }
0x10b: {  	s30 =	spop (v2sf)  }
0x10c: {  	s2 =	sadd.s32 s11, s30  }
0x10d: {  	s15 =	sshll.u32 s2, $0x2  }
0x10e: {  	s2 =	sand.u32 $0xFFFFFFF8, s15  }
0x10f: {  	p0 =	slt.s32 s2, $0x138780  }
0x110: {  	s2 =	simm.s32 @!p0 $0x138780  }
0x111: {  	s28 =	sshrl.u32 s2, $0x3  }
0x112: {  	v22 =	vld.msk [tilespmem:s25+$0x0 ss:$0x0], $0xffff;
	s25 =	simm.s32 $0xA80;
	s9 =	sadd.s32 s12, s28  }
0x113: {  	[tilespmem:s25], [sflag:$0x1] =	stream.linear.gather [hbm4b:s9+s23], $0x80, $0x38;
	[tilespmem:$0xD00] =	vst v63  }
0x114: {  	v18 =	vld [tilespmem:$0x110];
	_ =	sdelay $0x4  }
0x115: {  	(v2sf) =	vpush v18, $0x2;
	_ =	sdelay $0xe  }
0x116: {  	s30 =	spop (v2sf)  }
0x117: {  	v23 =	vld [tilespmem:s30+$0x80];
	_ =	sdelay $0x4  }
0x118: {  	(v2sf) =	vpush v23, $0x0;
	_ =	sdelay $0xe  }
0x119: {  	s28 =	spop (v2sf)  }
0x11a: {  	s7 =	sadd.s32 s11, s28  }
0x11b: {  	s9 =	sshll.u32 s7, $0x2  }
0x11c: {  	s28 =	sand.u32 $0xFFFFFFF8, s9  }
0x11d: {  	p0 =	slt.s32 s28, $0x138780  }
0x11e: {  	s28 =	simm.s32 @!p0 $0x138780  }
0x11f: {  	s25 =	sshrl.u32 s28, $0x3  }
0x120: {  	vm0 =	vcmask $0x704;
	s7 =	simm.s32 $0xB00;
	s25 =	sadd.s32 s12, s25  }
0x121: {  	vm14 =	vmmov $0x3;
	v0 =	vsel vm0, v33, v31;
	v24 =	vld.msk [tilespmem:s30+$0x0 ss:$0x0], $0xffff;
	[tilespmem:s7], [sflag:$0x1] =	stream.linear.gather [hbm4b:s25+s23], $0x80, $0x38  }
0x122: {  	vm15 =	vmmov $0x7;
	v0 =	vsel vm14, v0, v35;
	v25 =	vld [tilespmem:$0x110]  }
0x123: {  	vm0 =	vmmov $0xf;
	v0 =	vsel vm15, v0, v37  }
0x124: {  	vm1 =	vmmov $0x1f;
	v0 =	vsel vm0, v0, v39  }
0x125: {  	vm4 =	vmmov $0x3f;
	v0 =	vsel vm1, v0, v41  }
0x126: {  	vm5 =	vmmov $0x7f;
	v0 =	vsel vm4, v0, v43  }
0x127: {  	vm6 =	vmmov $0xff;
	v0 =	vsel vm5, v0, v45;
	(v2sf) =	vpush v25, $0x3  }
0x128: {  	vm2 =	vmmov $0x1ff;
	v0 =	vsel vm6, v0, v47  }
0x129: {  	vm7 =	vmmov $0x3ff;
	v0 =	vsel vm2, v0, v49  }
0x12a: {  	vm8 =	vmmov $0x7ff;
	v0 =	vsel vm7, v0, v51  }
0x12b: {  	vm9 =	vmmov $0xfff;
	v0 =	vsel vm8, v0, v53  }
0x12c: {  	vm3 =	vmmov $0x1fff;
	v0 =	vsel vm9, v0, v55  }
0x12d: {  	vm10 =	vmmov $0x3fff;
	v0 =	vsel vm3, v0, v57  }
0x12e: {  	vm11 =	vmmov $0x7fff;
	v0 =	vsel vm10, v0, v59  }
0x12f: {  	v0 =	vsel vm11, v0, v61  }
0x130: {  	v0 =	vsub.f32 $0.0e+00, v0;
	_ =	sdelay $0x1  }
0x131: {  	v0 =	vmul.f32 $1.442695020e+00, v0;
	_ =	sdelay $0x1  }
0x132: {  	(erf) = vpow2.f32 v0;
	_ =	sdelay $0x1  }
0x133: {  	s7 =	spop (v2sf)  }
0x134: {  	v26 =	vld.msk [tilespmem:s7+$0x0 ss:$0x0], $0xffff  }
0x135: {  	vm12 =	vmmov $0x1  }
0x136: {  	vm13 =	vcmask $0x310;
	v28 =	vnsel vm12, $0x0, v63;
	v27 =	vld [tilespmem:s7+$0x80]  }
0x137: {  	vm14 =	vcmask $0x710;
	v2 =	vsel vm13, v28, v22  }
0x138: {  	vm15 =	vcmask $0xB10;
	v2 =	vsel vm14, v2, v24  }
0x139: {  	v0 =	vsel vm15, v2, v26  }
0x13a: {  	v29 =	vpop (erf);
	v0 =	vsub.f32 $0.0e+00, v0  }
0x13b: {  	v30 =	vadd.f32 $1.000000000e+00, v29;
	(v2sf) =	vpush v27, $0x0  }
0x13c: {  	v0 =	vmul.f32 $1.442695020e+00, v0  }
0x13d: {  	(erf) = vrcp.f32 v30  }
0x13e: {  	(erf) = vpow2.f32 v0;
	_ =	sdelay $0x7  }
0x13f: {  	v31 =	vpop (erf)  }
0x140: {  	v32 =	vpop (erf)  }
0x141: {  	v1 =	vadd.f32 $1.000000000e+00, v32;
	_ =	sdelay $0x1  }
0x142: {  	s30 =	spop (v2sf);
	(erf) = vrcp.f32 v1  }
0x143: {  	s11 =	sadd.s32 s11, s30  }
0x144: {  	s11 =	sshll.u32 s11, $0x2  }
0x145: {  	s30 =	sand.u32 $0xFFFFFFF8, s11  }
0x146: {  	p0 =	slt.s32 s30, $0x138780  }
0x147: {  	s30 =	simm.s32 @!p0 $0x138780  }
0x148: {  	s7 =	sshrl.u32 s30, $0x3  }
0x149: {  	s25 =	rddreg [dreg:$0x3];
	s12 =	sadd.s32 s12, s7;
	s7 =	simm.s32 $0xB80  }
0x14a: {  	[tilespmem:s7], [sflag:$0x1] =	stream.linear.gather [hbm4b:s12+s23], $0x80, $0x38;
	[tilespmem:$0xD00] =	vst v63  }
0x14b: {  	s7 =	rddreg [dreg:$0x5];
	[tilespmem:$0x180] =	vst v31;
	v33 =	vpop (erf)  }
0x14c: {  	s12 =	sadd.s32 s25, s7;
	s25 =	simm.s32 $0x180;
	[tilespmem:$0x190] =	vst v33  }
0x14d: {  	[hbm4b:s12+s23] =	stream.linear.scatter [tilespmem:s25], [sflag:$0x2], $0x80, $0x38;
	[tilespmem:$0xD00] =	vst v63  }
0x14e: {  	_ =	swait.ge [sflag:s13], $0x80  }
0x14f: {  	[sflag:s13] =	ssyncset.done $0x0  }
0x150: {  	s12 =	simm.s32 $0x1;
	[sflag:s13] =	ssyncadd.s32 $0xFFFFFF80  }
0x151: {  	_ =	swait.ge [sflag:s12], $0x80  }
0x152: {  	[sflag:s12] =	ssyncset.done $0x0;
	s25 =	rddreg [dreg:$0x6]  }
0x153: {  	s8 =	ssub.s32 s25, s8;
	[sflag:s12] =	ssyncadd.s32 $0xFFFFFF80  }
0x154: {  	v34 =	vld [tilespmem:s8+$0x200];
	_ =	swait.ge [sflag:s12], $0x80  }
0x155: {  	[sflag:s12] =	ssyncset.done $0x0;
	s25 =	rddreg [dreg:$0x7]  }
0x156: {  	s8 =	ssub.s32 s25, s10;
	[sflag:s12] =	ssyncadd.s32 $0xFFFFFF80  }
0x157: {  	v35 =	vld [tilespmem:s8+$0x27C];
	_ =	swait.ge [sflag:s12], $0x80  }
0x158: {  	[sflag:s12] =	ssyncset.done $0x0;
	s10 =	rddreg [dreg:$0x8]  }
0x159: {  	s8 =	ssub.s32 s10, s14;
	[sflag:s12] =	ssyncadd.s32 $0xFFFFFF80  }
0x15a: {  	v36 =	vld [tilespmem:s8+$0x2F8];
	_ =	swait.ge [sflag:s12], $0x80  }
0x15b: {  	[sflag:s12] =	ssyncset.done $0x0;
	s14 =	rddreg [dreg:$0x9]  }
0x15c: {  	s8 =	ssub.s32 s14, s16;
	[sflag:s12] =	ssyncadd.s32 $0xFFFFFF80  }
0x15d: {  	v37 =	vld [tilespmem:s8+$0x374];
	_ =	swait.ge [sflag:s12], $0x80  }
0x15e: {  	[sflag:s12] =	ssyncset.done $0x0;
	s16 =	rddreg [dreg:$0xa]  }
0x15f: {  	s8 =	ssub.s32 s16, s18;
	[sflag:s12] =	ssyncadd.s32 $0xFFFFFF80  }
0x160: {  	v38 =	vld [tilespmem:s8+$0x400];
	_ =	swait.ge [sflag:s12], $0x80  }
0x161: {  	[sflag:s12] =	ssyncset.done $0x0;
	s25 =	rddreg [dreg:$0xb]  }
0x162: {  	s8 =	ssub.s32 s25, s20;
	[sflag:s12] =	ssyncadd.s32 $0xFFFFFF80  }
0x163: {  	v39 =	vld [tilespmem:s8+$0x47C];
	_ =	swait.ge [sflag:s12], $0x80  }
0x164: {  	[sflag:s12] =	ssyncset.done $0x0;
	s10 =	rddreg [dreg:$0xc]  }
0x165: {  	s8 =	ssub.s32 s10, s22;
	[sflag:s12] =	ssyncadd.s32 $0xFFFFFF80  }
0x166: {  	v40 =	vld [tilespmem:s8+$0x4F8];
	_ =	swait.ge [sflag:s12], $0x80  }
0x167: {  	[sflag:s12] =	ssyncset.done $0x0;
	s14 =	rddreg [dreg:$0xd]  }
0x168: {  	s8 =	ssub.s32 s14, s24;
	[sflag:s12] =	ssyncadd.s32 $0xFFFFFF80  }
0x169: {  	v41 =	vld [tilespmem:s8+$0x574];
	_ =	swait.ge [sflag:s12], $0x80  }
0x16a: {  	[sflag:s12] =	ssyncset.done $0x0;
	s16 =	rddreg [dreg:$0xe]  }
0x16b: {  	s8 =	ssub.s32 s16, s26;
	[sflag:s12] =	ssyncadd.s32 $0xFFFFFF80  }
0x16c: {  	v42 =	vld [tilespmem:s8+$0x600];
	_ =	swait.ge [sflag:s12], $0x80  }
0x16d: {  	[sflag:s12] =	ssyncset.done $0x0;
	s18 =	rddreg [dreg:$0xf]  }
0x16e: {  	s8 =	ssub.s32 s18, s29;
	[sflag:s12] =	ssyncadd.s32 $0xFFFFFF80  }
0x16f: {  	v43 =	vld [tilespmem:s8+$0x67C];
	_ =	swait.ge [sflag:s12], $0x80  }
0x170: {  	[sflag:s12] =	ssyncset.done $0x0;
	s20 =	rddreg [dreg:$0x10]  }
0x171: {  	s8 =	ssub.s32 s20, s31;
	[sflag:s12] =	ssyncadd.s32 $0xFFFFFF80  }
0x172: {  	v44 =	vld [tilespmem:s8+$0x6F8];
	_ =	swait.ge [sflag:s12], $0x80  }
0x173: {  	[sflag:s12] =	ssyncset.done $0x0;
	s22 =	rddreg [dreg:$0x11]  }
0x174: {  	s6 =	ssub.s32 s22, s6;
	[sflag:s12] =	ssyncadd.s32 $0xFFFFFF80  }
0x175: {  	v45 =	vld [tilespmem:s6+$0x774];
	_ =	swait.ge [sflag:s12], $0x80  }
0x176: {  	[sflag:s12] =	ssyncset.done $0x0;
	s24 =	rddreg [dreg:$0x12]  }
0x177: {  	s5 =	ssub.s32 s24, s5;
	[sflag:s12] =	ssyncadd.s32 $0xFFFFFF80  }
0x178: {  	v46 =	vld [tilespmem:s5+$0x800];
	_ =	swait.ge [sflag:s12], $0x80  }
0x179: {  	[sflag:s12] =	ssyncset.done $0x0;
	s25 =	rddreg [dreg:$0x13]  }
0x17a: {  	s4 =	ssub.s32 s25, s4;
	[sflag:s12] =	ssyncadd.s32 $0xFFFFFF80  }
0x17b: {  	v47 =	vld [tilespmem:s4+$0x87C];
	_ =	swait.ge [sflag:s12], $0x80  }
0x17c: {  	[sflag:s12] =	ssyncset.done $0x0  }
0x17d: {  	s3 =	ssub.s32 s21, s3;
	[sflag:s12] =	ssyncadd.s32 $0xFFFFFF80  }
0x17e: {  	v48 =	vld [tilespmem:s3+$0x8F8];
	s3 =	rddreg [dreg:$0x4];
	_ =	swait.ge [sflag:s12], $0x80  }
0x17f: {  	[sflag:s12] =	ssyncset.done $0x0  }
0x180: {  	s1 =	ssub.s32 s19, s1;
	[sflag:s12] =	ssyncadd.s32 $0xFFFFFF80  }
0x181: {  	v49 =	vld [tilespmem:s1+$0x974];
	_ =	swait.ge [sflag:s12], $0x80  }
0x182: {  	[sflag:s12] =	ssyncset.done $0x0  }
0x183: {  	s0 =	ssub.s32 s17, s0;
	[sflag:s12] =	ssyncadd.s32 $0xFFFFFF80  }
0x184: {  	v50 =	vld [tilespmem:s0+$0xA00];
	_ =	swait.ge [sflag:s12], $0x80  }
0x185: {  	[sflag:s12] =	ssyncset.done $0x0  }
0x186: {  	s26 =	ssub.s32 s15, s2;
	[sflag:s12] =	ssyncadd.s32 $0xFFFFFF80  }
0x187: {  	v51 =	vld [tilespmem:s26+$0xA7C];
	_ =	swait.ge [sflag:s12], $0x80  }
0x188: {  	[sflag:s12] =	ssyncset.done $0x0  }
0x189: {  	s28 =	ssub.s32 s9, s28;
	[sflag:s12] =	ssyncadd.s32 $0xFFFFFF80  }
0x18a: {  	v0 =	vsel vm0, v34, v35;
	v52 =	vld [tilespmem:s28+$0xAF8];
	_ =	swait.ge [sflag:s12], $0x80  }
0x18b: {  	v0 =	vsel vm6, v0, v36;
	v54 =	vsel vm0, v38, v39;
	[sflag:s12] =	ssyncset.done $0x0  }
0x18c: {  	v0 =	vsel vm9, v0, v37;
	v2 =	vsel vm6, v54, v40;
	s29 =	ssub.s32 s11, s30;
	v55 =	vsel vm0, v42, v43;
	[sflag:s12] =	ssyncadd.s32 $0xFFFFFF80  }
0x18d: {  	v2 =	vsel vm9, v2, v41;
	v3 =	vsel vm6, v55, v44;
	v56 =	vsel vm0, v46, v47;
	v53 =	vld [tilespmem:s29+$0xB74];
	[tilespmem:$0xC80] =	vst v0  }
0x18e: {  	v57 =	vsel vm9, v3, v45;
	v58 =	vsel vm6, v56, v48;
	[tilespmem:$0xC90] =	vst v2  }
0x18f: {  	v60 =	vsel vm9, v58, v49;
	[tilespmem:$0xCA0] =	vst v57  }
0x190: {  	v63 =	vimm.f32 $0.0e+00;
	[tilespmem:$0xCB0] =	vst v60  }
0x191: {  	v59 =	vsel vm0, v50, v51;
	[tilespmem:$0xCD0] =	vst v63  }
0x192: {  	s30 =	rddreg [dreg:$0x2];
	[tilespmem:$0xCE0] =	vst v63;
	v61 =	vsel vm6, v59, v52  }
0x193: {  	[tilespmem:$0xCF0] =	vst v63;
	s0 =	sadd.s32 $0x1400, s30;
	v62 =	vsel vm9, v61, v53  }
0x194: {  	s31 =	simm.s32 $0xC80;
	s0 =	sadd.s32 s0, s7;
	[tilespmem:$0xCC0] =	vst v62  }
0x195: {  	[hbm4b:s0+s23] =	stream.linear.scatter [tilespmem:s31], [sflag:$0x2], $0x80, $0x38;
	[tilespmem:$0xD00] =	vst v63  }
0x196: {  	_ =	swait.ge [sflag:s13], $0x80  }
0x197: {  	[sflag:s13] =	ssyncset.done $0x0  }
0x198: {  	s2 =	stileid.u32;
	[sflag:s13] =	ssyncadd.s32 $0xFFFFFF80  }
.LBB2_2:
0x199: {  	_ =	sfence.sel $0x180000  }
0x19a: {  	[bflag:$0x0] =	sbarrier.arrive $0xFFFF  }
0x19b: {  	p0 =	sne.s32 s2, $0x0;
	_ =	strace $0x90000047  }
0x19c: {  	s0 =	sadd.s32 @!p0 $0x100000, s3;
	[bflag:$0x2] =	sbarrier.arrive $0xFFFF  }
0x19d: {  	[sflag:s0] =	ssyncadd.tile.s32 @!p0 $0x1;
	_ =	shalt  }
.Lfunc_end2:
_tile_overlayer_lowered:
.L_overlay_start_2:
0x19e: {  	(tag) =	ssettag $0x2  }
0x19f: {  	s0 =	rddreg [dreg:$0x0];
	s2 =	stileid.u32  }
0x1a0: {  	s1 =	rddreg [dreg:$0x1];
	p0 =	sne.s32 s2, $0x0  }
0x1a1: {  	s3 =	rddreg [dreg:$0x2];
	[bflag:$0x3] =	sbarrier.arrive $0xFFFF;
	s2 =	simm.s32 @!p0 $0x1C02  }
0x1a2: {  	[timem:s3], [sflag:s2] =	dma.local @!p0 [hbm:s0], s1  }
0x1a3: {  	s0 =	simm.s32 @!p0 $0x2  }
0x1a4: {  	_ =	swait.ge @!p0 [sflag:s0], s1  }
0x1a5: {  	s1 =	ssub.s32 @!p0 $0x0, s1;
	[sflag:s0] =	ssyncset.done @!p0 $0x0  }
0x1a6: {  	[sflag:s0] =	ssyncadd.s32 @!p0 s1  }
0x1a7: {  	[bflag:$0x3] =	sbarrier.arrive $0xFFFF  }
0x1a8: {  	_ =	shalt  }

</sc_bundles>
